<compile_context>
chip_gen: v7x
topology: tpu7x:2x2x1
jax: 0.10.2.dev20260603
libtpu: 0.0.44.dev20260713+nightly
codegen_flags: <defaults>
</compile_context>

<pallas_src>
import functools

import jax
import jax.numpy as jnp
from jax import lax
from jax.experimental import pallas as pl
from jax.experimental.pallas import tpu as pltpu
from jax.experimental.pallas import tpu_sc as plsc

N = 10000
E = 160000
D = 256
HALF = 128

NC = 2
NS = 16
NP = 2
NH = N // NP
CHUNK = 128
EPAD = 163840
EPT = EPAD // NS
CPT = EPT // CHUNK
NRD = 16000
RPTD = NRD // NS
NROWH = NH + 24
RPTH = NROWH // NS
BN = 1000


def _deg_body(degidx_hbm, ones_hbm, zer_hbm, out_hbm, idx_v, ones_v, buf_v,
              acc):
    c = lax.axis_index("c")
    s = lax.axis_index("s")
    w = c * NS + s
    pltpu.sync_copy(degidx_hbm.at[w], idx_v)
    pltpu.sync_copy(ones_hbm, ones_v)
    pltpu.sync_copy(zer_hbm.at[pl.ds(s * RPTD, RPTD)], buf_v)
    pltpu.sync_copy(buf_v, acc.at[pl.ds(s * RPTD, RPTD)])
    plsc.subcore_barrier()

    def _scat(j, _):
        pltpu.sync_copy(ones_v, acc.at[idx_v.at[j]], add=True)
        return 0

    lax.fori_loop(0, CPT, _scat, 0)
    plsc.subcore_barrier()
    pltpu.sync_copy(acc.at[pl.ds(s * RPTD, RPTD)], buf_v)
    pltpu.sync_copy(buf_v, out_hbm.at[pl.ds(c * NRD + s * RPTD, RPTD)])


def _agg_body(y_hbm, srcw_hbm, dstp_hbm, zer_hbm, out_hbm, src_v, dst_v,
              rows_a, rows_b, rows_c, rows_d, acc, sem_a, sem_b):
    c = lax.axis_index("c")
    s = lax.axis_index("s")
    w = c * NS + s
    pltpu.sync_copy(srcw_hbm.at[w], src_v)
    bufs = ((rows_a, rows_b), (rows_c, rows_d))
    sems = (sem_a, sem_b)
    U = 2
    NG = CPT // U

    def _fire(g, par):
        for b in range(U):
            pltpu.async_copy(y_hbm.at[src_v.at[g * U + b]], bufs[par][b],
                             sems[par])

    def _drain_scatter(g, par):
        for b in range(U):
            pltpu.make_async_copy(y_hbm.at[src_v.at[g * U + b]],
                                  bufs[par][b], sems[par]).wait()
        for b in range(U):
            pltpu.sync_copy(bufs[par][b], acc.at[dst_v.at[g * U + b]],
                            add=True)

    for p in range(NP):
        pltpu.sync_copy(dstp_hbm.at[p * NS + s], dst_v)
        pltpu.sync_copy(zer_hbm.at[s], acc.at[pl.ds(s * RPTH, RPTH)])
        plsc.subcore_barrier()

        _fire(0, 0)

        def _grp2(h, _):
            g0 = 2 * h
            _fire(g0 + 1, 1)
            _drain_scatter(g0, 0)
            _fire(g0 + 2, 0)
            _drain_scatter(g0 + 1, 1)
            return 0

        lax.fori_loop(0, NG // 2 - 1, _grp2, 0)
        _fire(NG - 1, 1)
        _drain_scatter(NG - 2, 0)
        _drain_scatter(NG - 1, 1)
        plsc.subcore_barrier()
        pltpu.sync_copy(acc.at[pl.ds(s * RPTH, RPTH)],
                        out_hbm.at[(c * NP + p) * NS + s])
        plsc.subcore_barrier()


@functools.cache
def _sc_kernels():
    mesh = plsc.VectorSubcoreMesh(core_axis_name="c", subcore_axis_name="s",
                                  num_cores=NC, num_subcores=NS)
    deg = pl.kernel(
        _deg_body,
        out_type=jax.ShapeDtypeStruct((2 * NRD,), jnp.float32),
        mesh=mesh,
        scratch_types=[
            pltpu.VMEM((CPT, CHUNK), jnp.int32),
            pltpu.VMEM((CHUNK,), jnp.float32),
            pltpu.VMEM((RPTD,), jnp.float32),
            pltpu.VMEM_SHARED((NRD,), jnp.float32),
        ],
    )
    agg = pl.kernel(
        _agg_body,
        out_type=jax.ShapeDtypeStruct((NC * NP * NS, RPTH, HALF), jnp.float32),
        mesh=mesh,
        scratch_types=[
            pltpu.VMEM((CPT, CHUNK), jnp.int32),
            pltpu.VMEM((CPT, CHUNK), jnp.int32),
            pltpu.VMEM((CHUNK, HALF), jnp.float32),
            pltpu.VMEM((CHUNK, HALF), jnp.float32),
            pltpu.VMEM((CHUNK, HALF), jnp.float32),
            pltpu.VMEM((CHUNK, HALF), jnp.float32),
            pltpu.VMEM_SHARED((NROWH, HALF), jnp.float32),
            pltpu.SemaphoreType.DMA,
            pltpu.SemaphoreType.DMA,
        ],
    )
    return deg, agg


def _tcnorm_body(d_ref, ns_ref, nd_ref):
    a = lax.rsqrt(jnp.clip(d_ref[...], 1.0, None))
    ns_ref[...] = a[0:N].reshape(N, 1)
    nd_ref[...] = a[NRD:NRD + N].reshape(N, 1)


def _tcnorm(degs):
    return pl.pallas_call(
        _tcnorm_body,
        out_shape=[
            jax.ShapeDtypeStruct((N, 1), jnp.float32),
            jax.ShapeDtypeStruct((N, 1), jnp.float32),
        ],
    )(degs)


def _tc1_body(ns_ref, x_ref, w_ref, y_ref):
    h = x_ref[...] * ns_ref[...]
    y_ref[...] = jnp.dot(h, w_ref[...], precision=lax.Precision.HIGHEST,
                         preferred_element_type=jnp.float32)


def _tc1(ns, x, w1):
    nb = N // BN
    return pl.pallas_call(
        _tc1_body,
        grid=(NC, nb),
        in_specs=[
            pl.BlockSpec((BN, 1), lambda c, i: (i, 0)),
            pl.BlockSpec((BN, D), lambda c, i: (i, 0)),
            pl.BlockSpec((D, HALF), lambda c, i: (0, c)),
        ],
        out_specs=pl.BlockSpec((BN, HALF), lambda c, i: (c * nb + i, 0)),
        out_shape=jax.ShapeDtypeStruct((NC * N, HALF), jnp.float32),
    )(ns, x, w1)


def _tcmid_body(a0, a1, ns_ref, nd_ref, b_ref, w_ref, y_ref):
    h = jnp.concatenate([a0[0], a1[0]], axis=1)
    h = jax.nn.relu(h * nd_ref[...] + b_ref[...][None, :])
    y_ref[...] = jnp.dot(h * ns_ref[...], w_ref[...],
                         precision=lax.Precision.HIGHEST,
                         preferred_element_type=jnp.float32)


def _tcmid(agg, ns, nd, b, w):
    return pl.pallas_call(
        _tcmid_body,
        grid=(NC, N // BN),
        in_specs=[
            pl.BlockSpec((1, BN, HALF), lambda c, i: (0, i, 0)),
            pl.BlockSpec((1, BN, HALF), lambda c, i: (1, i, 0)),
            pl.BlockSpec((BN, 1), lambda c, i: (i, 0)),
            pl.BlockSpec((BN, 1), lambda c, i: (i, 0)),
            pl.BlockSpec((D,), lambda c, i: (0,)),
            pl.BlockSpec((D, HALF), lambda c, i: (0, c)),
        ],
        out_specs=pl.BlockSpec((BN, HALF), lambda c, i: (c * (N // BN) + i, 0)),
        out_shape=jax.ShapeDtypeStruct((NC * N, HALF), jnp.float32),
    )(agg, agg, ns, nd, b, w)


def _tcfin_body(a0, a1, nd_ref, b_ref, o_ref):
    h = jnp.concatenate([a0[0], a1[0]], axis=1)
    o_ref[...] = jax.nn.relu(h * nd_ref[...] + b_ref[...][None, :])


def _tcfin(agg, nd, b):
    return pl.pallas_call(
        _tcfin_body,
        grid=(N // BN,),
        in_specs=[
            pl.BlockSpec((1, BN, HALF), lambda i: (0, i, 0)),
            pl.BlockSpec((1, BN, HALF), lambda i: (1, i, 0)),
            pl.BlockSpec((BN, 1), lambda i: (i, 0)),
            pl.BlockSpec((D,), lambda i: (0,)),
        ],
        out_specs=pl.BlockSpec((BN, D), lambda i: (i, 0)),
        out_shape=jax.ShapeDtypeStruct((N, D), jnp.float32),
    )(agg, agg, nd, b)


def kernel(x, edge_index, W1, b1, W2, b2, W3, b3):
    src = edge_index[0].astype(jnp.int32)
    dst = edge_index[1].astype(jnp.int32)
    pad = EPAD - E
    padN = jnp.full((pad,), N, jnp.int32)
    src_g = jnp.concatenate([src, jnp.zeros((pad,), jnp.int32)])
    dst_p = jnp.concatenate([dst, padN])
    src_d = jnp.concatenate([src, padN])

    degidx = jnp.concatenate([src_d.reshape(NS, CPT, CHUNK),
                              dst_p.reshape(NS, CPT, CHUNK)])
    srcr = src_g.reshape(NS, CPT, CHUNK)
    srcw = jnp.concatenate([srcr, srcr + N])
    dstp = jnp.concatenate([
        jnp.where((dst_p >= p * NH) & (dst_p < (p + 1) * NH),
                  dst_p - p * NH, NH).reshape(NS, CPT, CHUNK)
        for p in range(NP)
    ])
    zer_agg = jnp.zeros((NS, RPTH, HALF), jnp.float32)

    deg_k, agg_k = _sc_kernels()

    def agg_kernel(y):
        flat = agg_k(y, srcw, dstp, zer_agg)
        a = flat.reshape(NC, NP, NS * RPTH, HALF)[:, :, :NH, :]
        return a.reshape(NC, N, HALF)

    degs = deg_k(degidx, jnp.ones((CHUNK,), jnp.float32),
                 jnp.zeros((NRD,), jnp.float32))
    ns, nd = _tcnorm(degs)
    y1 = _tc1(ns, x, W1)
    agg1 = agg_kernel(y1)
    y2 = _tcmid(agg1, ns, nd, b1, W2)
    agg2 = agg_kernel(y2)
    y3 = _tcmid(agg2, ns, nd, b2, W3)
    agg3 = agg_kernel(y3)
    return _tcfin(agg3, nd, b3)

# --- scband reference (transcript-rebuilt; emitter-appended) ---
"""Pipeline reference for scband-gcn-34394098106636 (READ-ONLY COPY).

The authoritative reference and input builder live on the scoring server;
editing this copy changes nothing except your own understanding.
"""

import jax, jax.numpy as jnp
import numpy as np

N_NODES = 10000
N_EDGES = 160000
D = 256

def setup_inputs(seed: int = 0) -> dict:
    key = jax.random.key(seed)
    ks = jax.random.split(key, 8)
    x = jax.random.normal(ks[0], (N_NODES, D), dtype=jnp.float32)
    edge_index = jax.random.randint(ks[1], (2, N_EDGES), 0, N_NODES, dtype=jnp.int64)
    # Glorot-uniform weights like DGL GraphConv, zero bias
    limit = np.sqrt(6.0 / (D + D)).astype(np.float32)
    W1 = jax.random.uniform(ks[2], (D, D), minval=-limit, maxval=limit, dtype=jnp.float32)
    W2 = jax.random.uniform(ks[3], (D, D), minval=-limit, maxval=limit, dtype=jnp.float32)
    W3 = jax.random.uniform(ks[4], (D, D), minval=-limit, maxval=limit, dtype=jnp.float32)
    b1 = jnp.zeros((D,), dtype=jnp.float32)
    b2 = jnp.zeros((D,), dtype=jnp.float32)
    b3 = jnp.zeros((D,), dtype=jnp.float32)
    return {"x": x, "edge_index": edge_index, "W1": W1, "b1": b1, "W2": W2, "b2": b2, "W3": W3, "b3": b3}

def _graph_conv(x, src, dst, norm_src, norm_dst, W, b):
    # DGL GraphConv with norm='both': D^{-1/2} A D^{-1/2} X W + b
    h = x * norm_src[:, None]
    m = jnp.take(h, src, axis=0)
    agg = jax.ops.segment_sum(m, dst, num_segments=N_NODES)
    agg = agg * norm_dst[:, None]
    return agg @ W + b

def reference(x, edge_index, W1, b1, W2, b2, W3, b3):
    src = edge_index[0]
    dst = edge_index[1]
    out_deg = jnp.bincount(src, length=N_NODES).astype(jnp.float32)
    in_deg = jnp.bincount(dst, length=N_NODES).astype(jnp.float32)
    norm_src = jax.lax.rsqrt(jnp.clip(out_deg, 1.0, None))
    norm_dst = jax.lax.rsqrt(jnp.clip(in_deg, 1.0, None))
    h1 = jax.nn.relu(_graph_conv(x, src, dst, norm_src, norm_dst, W1, b1))
    h2 = jax.nn.relu(_graph_conv(h1, src, dst, norm_src, norm_dst, W2, b2))
    h3 = jax.nn.relu(_graph_conv(h2, src, dst, norm_src, norm_dst, W3, b3))
    return h3

if __name__ == "__main__":
    import jax
    _d = setup_inputs()
    print(jax.jit(kernel)(*tuple(_d.values())))

</pallas_src>

<mosaic_0001>
#map = affine_map<(d0, d1) -> (0, 0)>
#map1 = affine_map<(d0, d1) -> (0, 0, 0)>
module attributes {stable_mosaic.version = 14 : i64} {
  func.func @_agg_body(%arg0: i32, %arg1: i32, %arg2: memref<20000x128xf32, #tpu.memory_space<hbm>>, %arg3: memref<32x80x128xi32, #tpu.memory_space<hbm>>, %arg4: memref<32x80x128xi32, #tpu.memory_space<hbm>>, %arg5: memref<16x314x128xf32, #tpu.memory_space<hbm>>, %arg6: memref<64x314x128xf32, #tpu.memory_space<hbm>>, %arg7: memref<80x128xi32, #tpu.memory_space<vmem>>, %arg8: memref<80x128xi32, #tpu.memory_space<vmem>>, %arg9: memref<128x128xf32, #tpu.memory_space<vmem>>, %arg10: memref<128x128xf32, #tpu.memory_space<vmem>>, %arg11: memref<128x128xf32, #tpu.memory_space<vmem>>, %arg12: memref<128x128xf32, #tpu.memory_space<vmem>>, %arg13: memref<5024x128xf32, #tpu.memory_space<vmem_shared>>, %arg14: memref<!tpu.dma_semaphore, #tpu.memory_space<semaphore_mem>>, %arg15: memref<!tpu.dma_semaphore, #tpu.memory_space<semaphore_mem>>) attributes {dimension_semantics = [#tpu.dimension_semantics<core_parallel>, #tpu.dimension_semantics<subcore_parallel>], iteration_bounds = array<i64: 2, 16>, scalar_prefetch = 0 : i64, scratch_operands = 9 : i64, tpu.core_type = #tpu.core_type<sc_vector_subcore>, window_params = [{transform_indices = #map}, {transform_indices = #map1}, {transform_indices = #map1}, {transform_indices = #map1}, {transform_indices = #map1}]} {
    %mul3A = arith.constant 16 : i32
    %mul3A_0 = arith.muli %arg0, %mul3A : i32
    %add3A = arith.addi %mul3A_0, %arg1 : i32
    "tpu.region"() ({
      %run_scoped3A_162 = tpu.sem_alloc : memref<!tpu.dma_semaphore, #tpu.memory_space<semaphore_mem>>
      %dma_start3A_163 = arith.constant 0 : i32
      %dma_start3A_164 = arith.constant 0 : i32
      %dma_start3A_165 = tpu.memref_slice %arg3[%add3A, %dma_start3A_163, %dma_start3A_164] : memref<32x80x128xi32, #tpu.memory_space<hbm>> -> memref<1x80x128xi32, #tpu.memory_space<hbm>>
      %dma_start3A_166 = tpu.memref_squeeze %dma_start3A_165 : memref<1x80x128xi32, #tpu.memory_space<hbm>> -> memref<80x128xi32, #tpu.memory_space<hbm>>
      %dma_start3A_167 = arith.constant 0 : i32
      %dma_start3A_168 = arith.constant 0 : i32
      %dma_start3A_169 = tpu.memref_slice %arg3[%add3A, %dma_start3A_167, %dma_start3A_168] : memref<32x80x128xi32, #tpu.memory_space<hbm>> -> memref<1x80x128xi32, #tpu.memory_space<hbm>>
      %dma_start3A_170 = tpu.memref_squeeze %dma_start3A_169 : memref<1x80x128xi32, #tpu.memory_space<hbm>> -> memref<80x128xi32, #tpu.memory_space<hbm>>
      tpu.enqueue_dma source(%dma_start3A_170 : memref<80x128xi32, #tpu.memory_space<hbm>>) target(%arg7 : memref<80x128xi32, #tpu.memory_space<vmem>>) target_semaphore(%run_scoped3A_162 : memref<!tpu.dma_semaphore, #tpu.memory_space<semaphore_mem>>)
      %dma_wait3A_171 = arith.constant 0 : i32
      %dma_wait3A_172 = arith.constant 0 : i32
      %dma_wait3A_173 = tpu.memref_slice %arg3[%add3A, %dma_wait3A_171, %dma_wait3A_172] : memref<32x80x128xi32, #tpu.memory_space<hbm>> -> memref<1x80x128xi32, #tpu.memory_space<hbm>>
      %dma_wait3A_174 = tpu.memref_squeeze %dma_wait3A_173 : memref<1x80x128xi32, #tpu.memory_space<hbm>> -> memref<80x128xi32, #tpu.memory_space<hbm>>
      %dma_wait3A_175 = arith.constant 0 : i32
      %dma_wait3A_176 = arith.constant 0 : i32
      %dma_wait3A_177 = tpu.memref_slice %arg3[%add3A, %dma_wait3A_175, %dma_wait3A_176] : memref<32x80x128xi32, #tpu.memory_space<hbm>> -> memref<1x80x128xi32, #tpu.memory_space<hbm>>
      %dma_wait3A_178 = tpu.memref_squeeze %dma_wait3A_177 : memref<1x80x128xi32, #tpu.memory_space<hbm>> -> memref<80x128xi32, #tpu.memory_space<hbm>>
      tpu.wait_dma2 semaphore(%run_scoped3A_162 : memref<!tpu.dma_semaphore, #tpu.memory_space<semaphore_mem>>) src(%dma_wait3A_178 : memref<80x128xi32, #tpu.memory_space<hbm>>) dst(%arg7 : memref<80x128xi32, #tpu.memory_space<vmem>>)
      tpu.yield
    }) : () -> ()
    %add3A_1 = arith.constant 0 : i32
    %add3A_2 = arith.addi %add3A_1, %arg1 : i32
    "tpu.region"() ({
      %run_scoped3A_162 = tpu.sem_alloc : memref<!tpu.dma_semaphore, #tpu.memory_space<semaphore_mem>>
      %dma_start3A_163 = arith.constant 0 : i32
      %dma_start3A_164 = arith.constant 0 : i32
      %dma_start3A_165 = tpu.memref_slice %arg4[%add3A_2, %dma_start3A_163, %dma_start3A_164] : memref<32x80x128xi32, #tpu.memory_space<hbm>> -> memref<1x80x128xi32, #tpu.memory_space<hbm>>
      %dma_start3A_166 = tpu.memref_squeeze %dma_start3A_165 : memref<1x80x128xi32, #tpu.memory_space<hbm>> -> memref<80x128xi32, #tpu.memory_space<hbm>>
      %dma_start3A_167 = arith.constant 0 : i32
      %dma_start3A_168 = arith.constant 0 : i32
      %dma_start3A_169 = tpu.memref_slice %arg4[%add3A_2, %dma_start3A_167, %dma_start3A_168] : memref<32x80x128xi32, #tpu.memory_space<hbm>> -> memref<1x80x128xi32, #tpu.memory_space<hbm>>
      %dma_start3A_170 = tpu.memref_squeeze %dma_start3A_169 : memref<1x80x128xi32, #tpu.memory_space<hbm>> -> memref<80x128xi32, #tpu.memory_space<hbm>>
      tpu.enqueue_dma source(%dma_start3A_170 : memref<80x128xi32, #tpu.memory_space<hbm>>) target(%arg8 : memref<80x128xi32, #tpu.memory_space<vmem>>) target_semaphore(%run_scoped3A_162 : memref<!tpu.dma_semaphore, #tpu.memory_space<semaphore_mem>>)
      %dma_wait3A_171 = arith.constant 0 : i32
      %dma_wait3A_172 = arith.constant 0 : i32
      %dma_wait3A_173 = tpu.memref_slice %arg4[%add3A_2, %dma_wait3A_171, %dma_wait3A_172] : memref<32x80x128xi32, #tpu.memory_space<hbm>> -> memref<1x80x128xi32, #tpu.memory_space<hbm>>
      %dma_wait3A_174 = tpu.memref_squeeze %dma_wait3A_173 : memref<1x80x128xi32, #tpu.memory_space<hbm>> -> memref<80x128xi32, #tpu.memory_space<hbm>>
      %dma_wait3A_175 = arith.constant 0 : i32
      %dma_wait3A_176 = arith.constant 0 : i32
      %dma_wait3A_177 = tpu.memref_slice %arg4[%add3A_2, %dma_wait3A_175, %dma_wait3A_176] : memref<32x80x128xi32, #tpu.memory_space<hbm>> -> memref<1x80x128xi32, #tpu.memory_space<hbm>>
      %dma_wait3A_178 = tpu.memref_squeeze %dma_wait3A_177 : memref<1x80x128xi32, #tpu.memory_space<hbm>> -> memref<80x128xi32, #tpu.memory_space<hbm>>
      tpu.wait_dma2 semaphore(%run_scoped3A_162 : memref<!tpu.dma_semaphore, #tpu.memory_space<semaphore_mem>>) src(%dma_wait3A_178 : memref<80x128xi32, #tpu.memory_space<hbm>>) dst(%arg8 : memref<80x128xi32, #tpu.memory_space<vmem>>)
      tpu.yield
    }) : () -> ()
    %mul3A_3 = arith.constant 314 : i32
    %mul3A_4 = arith.muli %arg1, %mul3A_3 : i32
    "tpu.region"() ({
      %run_scoped3A_162 = tpu.sem_alloc : memref<!tpu.dma_semaphore, #tpu.memory_space<semaphore_mem>>
      %dma_start3A_163 = arith.constant 0 : i32
      %dma_start3A_164 = tpu.memref_slice %arg13[%mul3A_4, %dma_start3A_163] : memref<5024x128xf32, #tpu.memory_space<vmem_shared>> -> memref<314x128xf32, #tpu.memory_space<vmem_shared>>
      %dma_start3A_165 = arith.constant 0 : i32
      %dma_start3A_166 = arith.constant 0 : i32
      %dma_start3A_167 = tpu.memref_slice %arg5[%arg1, %dma_start3A_165, %dma_start3A_166] : memref<16x314x128xf32, #tpu.memory_space<hbm>> -> memref<1x314x128xf32, #tpu.memory_space<hbm>>
      %dma_start3A_168 = tpu.memref_squeeze %dma_start3A_167 : memref<1x314x128xf32, #tpu.memory_space<hbm>> -> memref<314x128xf32, #tpu.memory_space<hbm>>
      tpu.enqueue_dma source(%dma_start3A_168 : memref<314x128xf32, #tpu.memory_space<hbm>>) target(%dma_start3A_164 : memref<314x128xf32, #tpu.memory_space<vmem_shared>>) target_semaphore(%run_scoped3A_162 : memref<!tpu.dma_semaphore, #tpu.memory_space<semaphore_mem>>)
      %dma_wait3A_169 = arith.constant 0 : i32
      %dma_wait3A_170 = tpu.memref_slice %arg13[%mul3A_4, %dma_wait3A_169] : memref<5024x128xf32, #tpu.memory_space<vmem_shared>> -> memref<314x128xf32, #tpu.memory_space<vmem_shared>>
      %dma_wait3A_171 = arith.constant 0 : i32
      %dma_wait3A_172 = arith.constant 0 : i32
      %dma_wait3A_173 = tpu.memref_slice %arg5[%arg1, %dma_wait3A_171, %dma_wait3A_172] : memref<16x314x128xf32, #tpu.memory_space<hbm>> -> memref<1x314x128xf32, #tpu.memory_space<hbm>>
      %dma_wait3A_174 = tpu.memref_squeeze %dma_wait3A_173 : memref<1x314x128xf32, #tpu.memory_space<hbm>> -> memref<314x128xf32, #tpu.memory_space<hbm>>
      tpu.wait_dma2 semaphore(%run_scoped3A_162 : memref<!tpu.dma_semaphore, #tpu.memory_space<semaphore_mem>>) src(%dma_wait3A_174 : memref<314x128xf32, #tpu.memory_space<hbm>>) dst(%dma_wait3A_170 : memref<314x128xf32, #tpu.memory_space<vmem_shared>>)
      tpu.yield
    }) : () -> ()
    %barrier3A = arith.constant 0 : index
    tpu.barrier barrier_id(%barrier3A)
    %dma_start3A = arith.constant 0 : i32
    %dma_start3A_5 = arith.constant 0 : i32
    %dma_start3A_6 = tpu.memref_slice %arg7[%dma_start3A, %dma_start3A_5] : memref<80x128xi32, #tpu.memory_space<vmem>> -> memref<1x128xi32, #tpu.memory_space<vmem>>
    %dma_start3A_7 = tpu.memref_squeeze %dma_start3A_6 : memref<1x128xi32, #tpu.memory_space<vmem>> -> memref<128xi32, #tpu.memory_space<vmem>>
    %dma_start3A_8 = arith.constant 0 : i32
    %dma_start3A_9 = arith.constant 0 : i32
    %dma_start3A_10 = tpu.memref_slice %arg2[%dma_start3A_8, %dma_start3A_9] : memref<20000x128xf32, #tpu.memory_space<hbm>> -> memref<20000x128xf32, #tpu.memory_space<hbm>>
    tpu.enqueue_indirect_dma source(%dma_start3A_10 : memref<20000x128xf32, #tpu.memory_space<hbm>>) target(%arg9 : memref<128x128xf32, #tpu.memory_space<vmem>>) offsets(%dma_start3A_7 : memref<128xi32, #tpu.memory_space<vmem>>) semaphore(%arg14 : memref<!tpu.dma_semaphore, #tpu.memory_space<semaphore_mem>>)
    %dma_start3A_11 = arith.constant 1 : i32
    %dma_start3A_12 = arith.constant 0 : i32
    %dma_start3A_13 = tpu.memref_slice %arg7[%dma_start3A_11, %dma_start3A_12] : memref<80x128xi32, #tpu.memory_space<vmem>> -> memref<1x128xi32, #tpu.memory_space<vmem>>
    %dma_start3A_14 = tpu.memref_squeeze %dma_start3A_13 : memref<1x128xi32, #tpu.memory_space<vmem>> -> memref<128xi32, #tpu.memory_space<vmem>>
    %dma_start3A_15 = arith.constant 0 : i32
    %dma_start3A_16 = arith.constant 0 : i32
    %dma_start3A_17 = tpu.memref_slice %arg2[%dma_start3A_15, %dma_start3A_16] : memref<20000x128xf32, #tpu.memory_space<hbm>> -> memref<20000x128xf32, #tpu.memory_space<hbm>>
    tpu.enqueue_indirect_dma source(%dma_start3A_17 : memref<20000x128xf32, #tpu.memory_space<hbm>>) target(%arg10 : memref<128x128xf32, #tpu.memory_space<vmem>>) offsets(%dma_start3A_14 : memref<128xi32, #tpu.memory_space<vmem>>) semaphore(%arg14 : memref<!tpu.dma_semaphore, #tpu.memory_space<semaphore_mem>>)
    %scan3A = arith.constant 0 : i32
    %scan3A_18 = arith.constant 0 : i32
    %scan3A_19 = arith.constant 19 : i32
    %scan3A_20 = arith.addi %scan3A_18, %scan3A_19 : i32
    %scan3A_21 = arith.constant 1 : i32
    %scan3A_22 = scf.for %scan3A_162 = %scan3A_18 to %scan3A_20 step %scan3A_21 iter_args(%scan3A_163 = %scan3A) -> (i32)  : i32 {
      %mul3A_164 = arith.constant 2 : i32
      %mul3A_165 = arith.muli %mul3A_164, %scan3A_162 : i32
      %add3A_166 = arith.constant 1 : i32
      %add3A_167 = arith.addi %mul3A_165, %add3A_166 : i32
      %mul3A_168 = arith.constant 2 : i32
      %mul3A_169 = arith.muli %add3A_167, %mul3A_168 : i32
      %add3A_170 = arith.constant 0 : i32
      %add3A_171 = arith.addi %mul3A_169, %add3A_170 : i32
      %dma_start3A_172 = arith.constant 0 : i32
      %dma_start3A_173 = tpu.memref_slice %arg7[%add3A_171, %dma_start3A_172] : memref<80x128xi32, #tpu.memory_space<vmem>> -> memref<1x128xi32, #tpu.memory_space<vmem>>
      %dma_start3A_174 = tpu.memref_squeeze %dma_start3A_173 : memref<1x128xi32, #tpu.memory_space<vmem>> -> memref<128xi32, #tpu.memory_space<vmem>>
      %dma_start3A_175 = arith.constant 0 : i32
      %dma_start3A_176 = arith.constant 0 : i32
      %dma_start3A_177 = tpu.memref_slice %arg2[%dma_start3A_175, %dma_start3A_176] : memref<20000x128xf32, #tpu.memory_space<hbm>> -> memref<20000x128xf32, #tpu.memory_space<hbm>>
      tpu.enqueue_indirect_dma source(%dma_start3A_177 : memref<20000x128xf32, #tpu.memory_space<hbm>>) target(%arg11 : memref<128x128xf32, #tpu.memory_space<vmem>>) offsets(%dma_start3A_174 : memref<128xi32, #tpu.memory_space<vmem>>) semaphore(%arg15 : memref<!tpu.dma_semaphore, #tpu.memory_space<semaphore_mem>>)
      %mul3A_178 = arith.constant 2 : i32
      %mul3A_179 = arith.muli %add3A_167, %mul3A_178 : i32
      %add3A_180 = arith.constant 1 : i32
      %add3A_181 = arith.addi %mul3A_179, %add3A_180 : i32
      %dma_start3A_182 = arith.constant 0 : i32
      %dma_start3A_183 = tpu.memref_slice %arg7[%add3A_181, %dma_start3A_182] : memref<80x128xi32, #tpu.memory_space<vmem>> -> memref<1x128xi32, #tpu.memory_space<vmem>>
      %dma_start3A_184 = tpu.memref_squeeze %dma_start3A_183 : memref<1x128xi32, #tpu.memory_space<vmem>> -> memref<128xi32, #tpu.memory_space<vmem>>
      %dma_start3A_185 = arith.constant 0 : i32
      %dma_start3A_186 = arith.constant 0 : i32
      %dma_start3A_187 = tpu.memref_slice %arg2[%dma_start3A_185, %dma_start3A_186] : memref<20000x128xf32, #tpu.memory_space<hbm>> -> memref<20000x128xf32, #tpu.memory_space<hbm>>
      tpu.enqueue_indirect_dma source(%dma_start3A_187 : memref<20000x128xf32, #tpu.memory_space<hbm>>) target(%arg12 : memref<128x128xf32, #tpu.memory_space<vmem>>) offsets(%dma_start3A_184 : memref<128xi32, #tpu.memory_space<vmem>>) semaphore(%arg15 : memref<!tpu.dma_semaphore, #tpu.memory_space<semaphore_mem>>)
      %mul3A_188 = arith.constant 2 : i32
      %mul3A_189 = arith.muli %mul3A_165, %mul3A_188 : i32
      %add3A_190 = arith.constant 0 : i32
      %add3A_191 = arith.addi %mul3A_189, %add3A_190 : i32
      %dma_wait3A_192 = arith.constant 0 : i32
      %dma_wait3A_193 = tpu.memref_slice %arg7[%add3A_191, %dma_wait3A_192] : memref<80x128xi32, #tpu.memory_space<vmem>> -> memref<1x128xi32, #tpu.memory_space<vmem>>
      %dma_wait3A_194 = tpu.memref_squeeze %dma_wait3A_193 : memref<1x128xi32, #tpu.memory_space<vmem>> -> memref<128xi32, #tpu.memory_space<vmem>>
      %dma_wait3A_195 = arith.constant 0 : i32
      %dma_wait3A_196 = arith.constant 0 : i32
      %dma_wait3A_197 = tpu.memref_slice %arg2[%dma_wait3A_195, %dma_wait3A_196] : memref<20000x128xf32, #tpu.memory_space<hbm>> -> memref<20000x128xf32, #tpu.memory_space<hbm>>
      tpu.wait_indirect_dma semaphore(%arg14 : memref<!tpu.dma_semaphore, #tpu.memory_space<semaphore_mem>>) src(%dma_wait3A_197 : memref<20000x128xf32, #tpu.memory_space<hbm>>) dst(%arg9 : memref<128x128xf32, #tpu.memory_space<vmem>>)
      %mul3A_198 = arith.constant 2 : i32
      %mul3A_199 = arith.muli %mul3A_165, %mul3A_198 : i32
      %add3A_200 = arith.constant 1 : i32
      %add3A_201 = arith.addi %mul3A_199, %add3A_200 : i32
      %dma_wait3A_202 = arith.constant 0 : i32
      %dma_wait3A_203 = tpu.memref_slice %arg7[%add3A_201, %dma_wait3A_202] : memref<80x128xi32, #tpu.memory_space<vmem>> -> memref<1x128xi32, #tpu.memory_space<vmem>>
      %dma_wait3A_204 = tpu.memref_squeeze %dma_wait3A_203 : memref<1x128xi32, #tpu.memory_space<vmem>> -> memref<128xi32, #tpu.memory_space<vmem>>
      %dma_wait3A_205 = arith.constant 0 : i32
      %dma_wait3A_206 = arith.constant 0 : i32
      %dma_wait3A_207 = tpu.memref_slice %arg2[%dma_wait3A_205, %dma_wait3A_206] : memref<20000x128xf32, #tpu.memory_space<hbm>> -> memref<20000x128xf32, #tpu.memory_space<hbm>>
      tpu.wait_indirect_dma semaphore(%arg14 : memref<!tpu.dma_semaphore, #tpu.memory_space<semaphore_mem>>) src(%dma_wait3A_207 : memref<20000x128xf32, #tpu.memory_space<hbm>>) dst(%arg10 : memref<128x128xf32, #tpu.memory_space<vmem>>)
      %mul3A_208 = arith.constant 2 : i32
      %mul3A_209 = arith.muli %mul3A_165, %mul3A_208 : i32
      %add3A_210 = arith.constant 0 : i32
      %add3A_211 = arith.addi %mul3A_209, %add3A_210 : i32
      "tpu.region"() ({
        %run_scoped3A_269 = tpu.sem_alloc : memref<!tpu.dma_semaphore, #tpu.memory_space<semaphore_mem>>
        %dma_start3A_270 = arith.constant 0 : i32
        %dma_start3A_271 = tpu.memref_slice %arg8[%add3A_211, %dma_start3A_270] : memref<80x128xi32, #tpu.memory_space<vmem>> -> memref<1x128xi32, #tpu.memory_space<vmem>>
        %dma_start3A_272 = tpu.memref_squeeze %dma_start3A_271 : memref<1x128xi32, #tpu.memory_space<vmem>> -> memref<128xi32, #tpu.memory_space<vmem>>
        %dma_start3A_273 = arith.constant 0 : i32
        %dma_start3A_274 = arith.constant 0 : i32
        %dma_start3A_275 = tpu.memref_slice %arg13[%dma_start3A_273, %dma_start3A_274] : memref<5024x128xf32, #tpu.memory_space<vmem_shared>> -> memref<5024x128xf32, #tpu.memory_space<vmem_shared>>
        tpu.enqueue_indirect_dma source(%arg9 : memref<128x128xf32, #tpu.memory_space<vmem>>) target(%dma_start3A_275 : memref<5024x128xf32, #tpu.memory_space<vmem_shared>>) offsets(%dma_start3A_272 : memref<128xi32, #tpu.memory_space<vmem>>) semaphore(%run_scoped3A_269 : memref<!tpu.dma_semaphore, #tpu.memory_space<semaphore_mem>>) {add = true}
        %dma_wait3A_276 = arith.constant 0 : i32
        %dma_wait3A_277 = tpu.memref_slice %arg8[%add3A_211, %dma_wait3A_276] : memref<80x128xi32, #tpu.memory_space<vmem>> -> memref<1x128xi32, #tpu.memory_space<vmem>>
        %dma_wait3A_278 = tpu.memref_squeeze %dma_wait3A_277 : memref<1x128xi32, #tpu.memory_space<vmem>> -> memref<128xi32, #tpu.memory_space<vmem>>
        %dma_wait3A_279 = arith.constant 0 : i32
        %dma_wait3A_280 = arith.constant 0 : i32
        %dma_wait3A_281 = tpu.memref_slice %arg13[%dma_wait3A_279, %dma_wait3A_280] : memref<5024x128xf32, #tpu.memory_space<vmem_shared>> -> memref<5024x128xf32, #tpu.memory_space<vmem_shared>>
        tpu.wait_indirect_dma semaphore(%run_scoped3A_269 : memref<!tpu.dma_semaphore, #tpu.memory_space<semaphore_mem>>) src(%arg9 : memref<128x128xf32, #tpu.memory_space<vmem>>) dst(%dma_wait3A_281 : memref<5024x128xf32, #tpu.memory_space<vmem_shared>>)
        tpu.yield
      }) : () -> ()
      %mul3A_212 = arith.constant 2 : i32
      %mul3A_213 = arith.muli %mul3A_165, %mul3A_212 : i32
      %add3A_214 = arith.constant 1 : i32
      %add3A_215 = arith.addi %mul3A_213, %add3A_214 : i32
      "tpu.region"() ({
        %run_scoped3A_269 = tpu.sem_alloc : memref<!tpu.dma_semaphore, #tpu.memory_space<semaphore_mem>>
        %dma_start3A_270 = arith.constant 0 : i32
        %dma_start3A_271 = tpu.memref_slice %arg8[%add3A_215, %dma_start3A_270] : memref<80x128xi32, #tpu.memory_space<vmem>> -> memref<1x128xi32, #tpu.memory_space<vmem>>
        %dma_start3A_272 = tpu.memref_squeeze %dma_start3A_271 : memref<1x128xi32, #tpu.memory_space<vmem>> -> memref<128xi32, #tpu.memory_space<vmem>>
        %dma_start3A_273 = arith.constant 0 : i32
        %dma_start3A_274 = arith.constant 0 : i32
        %dma_start3A_275 = tpu.memref_slice %arg13[%dma_start3A_273, %dma_start3A_274] : memref<5024x128xf32, #tpu.memory_space<vmem_shared>> -> memref<5024x128xf32, #tpu.memory_space<vmem_shared>>
        tpu.enqueue_indirect_dma source(%arg10 : memref<128x128xf32, #tpu.memory_space<vmem>>) target(%dma_start3A_275 : memref<5024x128xf32, #tpu.memory_space<vmem_shared>>) offsets(%dma_start3A_272 : memref<128xi32, #tpu.memory_space<vmem>>) semaphore(%run_scoped3A_269 : memref<!tpu.dma_semaphore, #tpu.memory_space<semaphore_mem>>) {add = true}
        %dma_wait3A_276 = arith.constant 0 : i32
        %dma_wait3A_277 = tpu.memref_slice %arg8[%add3A_215, %dma_wait3A_276] : memref<80x128xi32, #tpu.memory_space<vmem>> -> memref<1x128xi32, #tpu.memory_space<vmem>>
        %dma_wait3A_278 = tpu.memref_squeeze %dma_wait3A_277 : memref<1x128xi32, #tpu.memory_space<vmem>> -> memref<128xi32, #tpu.memory_space<vmem>>
        %dma_wait3A_279 = arith.constant 0 : i32
        %dma_wait3A_280 = arith.constant 0 : i32
        %dma_wait3A_281 = tpu.memref_slice %arg13[%dma_wait3A_279, %dma_wait3A_280] : memref<5024x128xf32, #tpu.memory_space<vmem_shared>> -> memref<5024x128xf32, #tpu.memory_space<vmem_shared>>
        tpu.wait_indirect_dma semaphore(%run_scoped3A_269 : memref<!tpu.dma_semaphore, #tpu.memory_space<semaphore_mem>>) src(%arg10 : memref<128x128xf32, #tpu.memory_space<vmem>>) dst(%dma_wait3A_281 : memref<5024x128xf32, #tpu.memory_space<vmem_shared>>)
        tpu.yield
      }) : () -> ()
      %add3A_216 = arith.constant 2 : i32
      %add3A_217 = arith.addi %mul3A_165, %add3A_216 : i32
      %mul3A_218 = arith.constant 2 : i32
      %mul3A_219 = arith.muli %add3A_217, %mul3A_218 : i32
      %add3A_220 = arith.constant 0 : i32
      %add3A_221 = arith.addi %mul3A_219, %add3A_220 : i32
      %dma_start3A_222 = arith.constant 0 : i32
      %dma_start3A_223 = tpu.memref_slice %arg7[%add3A_221, %dma_start3A_222] : memref<80x128xi32, #tpu.memory_space<vmem>> -> memref<1x128xi32, #tpu.memory_space<vmem>>
      %dma_start3A_224 = tpu.memref_squeeze %dma_start3A_223 : memref<1x128xi32, #tpu.memory_space<vmem>> -> memref<128xi32, #tpu.memory_space<vmem>>
      %dma_start3A_225 = arith.constant 0 : i32
      %dma_start3A_226 = arith.constant 0 : i32
      %dma_start3A_227 = tpu.memref_slice %arg2[%dma_start3A_225, %dma_start3A_226] : memref<20000x128xf32, #tpu.memory_space<hbm>> -> memref<20000x128xf32, #tpu.memory_space<hbm>>
      tpu.enqueue_indirect_dma source(%dma_start3A_227 : memref<20000x128xf32, #tpu.memory_space<hbm>>) target(%arg9 : memref<128x128xf32, #tpu.memory_space<vmem>>) offsets(%dma_start3A_224 : memref<128xi32, #tpu.memory_space<vmem>>) semaphore(%arg14 : memref<!tpu.dma_semaphore, #tpu.memory_space<semaphore_mem>>)
      %mul3A_228 = arith.constant 2 : i32
      %mul3A_229 = arith.muli %add3A_217, %mul3A_228 : i32
      %add3A_230 = arith.constant 1 : i32
      %add3A_231 = arith.addi %mul3A_229, %add3A_230 : i32
      %dma_start3A_232 = arith.constant 0 : i32
      %dma_start3A_233 = tpu.memref_slice %arg7[%add3A_231, %dma_start3A_232] : memref<80x128xi32, #tpu.memory_space<vmem>> -> memref<1x128xi32, #tpu.memory_space<vmem>>
      %dma_start3A_234 = tpu.memref_squeeze %dma_start3A_233 : memref<1x128xi32, #tpu.memory_space<vmem>> -> memref<128xi32, #tpu.memory_space<vmem>>
      %dma_start3A_235 = arith.constant 0 : i32
      %dma_start3A_236 = arith.constant 0 : i32
      %dma_start3A_237 = tpu.memref_slice %arg2[%dma_start3A_235, %dma_start3A_236] : memref<20000x128xf32, #tpu.memory_space<hbm>> -> memref<20000x128xf32, #tpu.memory_space<hbm>>
      tpu.enqueue_indirect_dma source(%dma_start3A_237 : memref<20000x128xf32, #tpu.memory_space<hbm>>) target(%arg10 : memref<128x128xf32, #tpu.memory_space<vmem>>) offsets(%dma_start3A_234 : memref<128xi32, #tpu.memory_space<vmem>>) semaphore(%arg14 : memref<!tpu.dma_semaphore, #tpu.memory_space<semaphore_mem>>)
      %add3A_238 = arith.constant 1 : i32
      %add3A_239 = arith.addi %mul3A_165, %add3A_238 : i32
      %mul3A_240 = arith.constant 2 : i32
      %mul3A_241 = arith.muli %add3A_239, %mul3A_240 : i32
      %add3A_242 = arith.constant 0 : i32
      %add3A_243 = arith.addi %mul3A_241, %add3A_242 : i32
      %dma_wait3A_244 = arith.constant 0 : i32
      %dma_wait3A_245 = tpu.memref_slice %arg7[%add3A_243, %dma_wait3A_244] : memref<80x128xi32, #tpu.memory_space<vmem>> -> memref<1x128xi32, #tpu.memory_space<vmem>>
      %dma_wait3A_246 = tpu.memref_squeeze %dma_wait3A_245 : memref<1x128xi32, #tpu.memory_space<vmem>> -> memref<128xi32, #tpu.memory_space<vmem>>
      %dma_wait3A_247 = arith.constant 0 : i32
      %dma_wait3A_248 = arith.constant 0 : i32
      %dma_wait3A_249 = tpu.memref_slice %arg2[%dma_wait3A_247, %dma_wait3A_248] : memref<20000x128xf32, #tpu.memory_space<hbm>> -> memref<20000x128xf32, #tpu.memory_space<hbm>>
      tpu.wait_indirect_dma semaphore(%arg15 : memref<!tpu.dma_semaphore, #tpu.memory_space<semaphore_mem>>) src(%dma_wait3A_249 : memref<20000x128xf32, #tpu.memory_space<hbm>>) dst(%arg11 : memref<128x128xf32, #tpu.memory_space<vmem>>)
      %mul3A_250 = arith.constant 2 : i32
      %mul3A_251 = arith.muli %add3A_239, %mul3A_250 : i32
      %add3A_252 = arith.constant 1 : i32
      %add3A_253 = arith.addi %mul3A_251, %add3A_252 : i32
      %dma_wait3A_254 = arith.constant 0 : i32
      %dma_wait3A_255 = tpu.memref_slice %arg7[%add3A_253, %dma_wait3A_254] : memref<80x128xi32, #tpu.memory_space<vmem>> -> memref<1x128xi32, #tpu.memory_space<vmem>>
      %dma_wait3A_256 = tpu.memref_squeeze %dma_wait3A_255 : memref<1x128xi32, #tpu.memory_space<vmem>> -> memref<128xi32, #tpu.memory_space<vmem>>
      %dma_wait3A_257 = arith.constant 0 : i32
      %dma_wait3A_258 = arith.constant 0 : i32
      %dma_wait3A_259 = tpu.memref_slice %arg2[%dma_wait3A_257, %dma_wait3A_258] : memref<20000x128xf32, #tpu.memory_space<hbm>> -> memref<20000x128xf32, #tpu.memory_space<hbm>>
      tpu.wait_indirect_dma semaphore(%arg15 : memref<!tpu.dma_semaphore, #tpu.memory_space<semaphore_mem>>) src(%dma_wait3A_259 : memref<20000x128xf32, #tpu.memory_space<hbm>>) dst(%arg12 : memref<128x128xf32, #tpu.memory_space<vmem>>)
      %mul3A_260 = arith.constant 2 : i32
      %mul3A_261 = arith.muli %add3A_239, %mul3A_260 : i32
      %add3A_262 = arith.constant 0 : i32
      %add3A_263 = arith.addi %mul3A_261, %add3A_262 : i32
      "tpu.region"() ({
        %run_scoped3A_269 = tpu.sem_alloc : memref<!tpu.dma_semaphore, #tpu.memory_space<semaphore_mem>>
        %dma_start3A_270 = arith.constant 0 : i32
        %dma_start3A_271 = tpu.memref_slice %arg8[%add3A_263, %dma_start3A_270] : memref<80x128xi32, #tpu.memory_space<vmem>> -> memref<1x128xi32, #tpu.memory_space<vmem>>
        %dma_start3A_272 = tpu.memref_squeeze %dma_start3A_271 : memref<1x128xi32, #tpu.memory_space<vmem>> -> memref<128xi32, #tpu.memory_space<vmem>>
        %dma_start3A_273 = arith.constant 0 : i32
        %dma_start3A_274 = arith.constant 0 : i32
        %dma_start3A_275 = tpu.memref_slice %arg13[%dma_start3A_273, %dma_start3A_274] : memref<5024x128xf32, #tpu.memory_space<vmem_shared>> -> memref<5024x128xf32, #tpu.memory_space<vmem_shared>>
        tpu.enqueue_indirect_dma source(%arg11 : memref<128x128xf32, #tpu.memory_space<vmem>>) target(%dma_start3A_275 : memref<5024x128xf32, #tpu.memory_space<vmem_shared>>) offsets(%dma_start3A_272 : memref<128xi32, #tpu.memory_space<vmem>>) semaphore(%run_scoped3A_269 : memref<!tpu.dma_semaphore, #tpu.memory_space<semaphore_mem>>) {add = true}
        %dma_wait3A_276 = arith.constant 0 : i32
        %dma_wait3A_277 = tpu.memref_slice %arg8[%add3A_263, %dma_wait3A_276] : memref<80x128xi32, #tpu.memory_space<vmem>> -> memref<1x128xi32, #tpu.memory_space<vmem>>
        %dma_wait3A_278 = tpu.memref_squeeze %dma_wait3A_277 : memref<1x128xi32, #tpu.memory_space<vmem>> -> memref<128xi32, #tpu.memory_space<vmem>>
        %dma_wait3A_279 = arith.constant 0 : i32
        %dma_wait3A_280 = arith.constant 0 : i32
        %dma_wait3A_281 = tpu.memref_slice %arg13[%dma_wait3A_279, %dma_wait3A_280] : memref<5024x128xf32, #tpu.memory_space<vmem_shared>> -> memref<5024x128xf32, #tpu.memory_space<vmem_shared>>
        tpu.wait_indirect_dma semaphore(%run_scoped3A_269 : memref<!tpu.dma_semaphore, #tpu.memory_space<semaphore_mem>>) src(%arg11 : memref<128x128xf32, #tpu.memory_space<vmem>>) dst(%dma_wait3A_281 : memref<5024x128xf32, #tpu.memory_space<vmem_shared>>)
        tpu.yield
      }) : () -> ()
      %mul3A_264 = arith.constant 2 : i32
      %mul3A_265 = arith.muli %add3A_239, %mul3A_264 : i32
      %add3A_266 = arith.constant 1 : i32
      %add3A_267 = arith.addi %mul3A_265, %add3A_266 : i32
      "tpu.region"() ({
        %run_scoped3A_269 = tpu.sem_alloc : memref<!tpu.dma_semaphore, #tpu.memory_space<semaphore_mem>>
        %dma_start3A_270 = arith.constant 0 : i32
        %dma_start3A_271 = tpu.memref_slice %arg8[%add3A_267, %dma_start3A_270] : memref<80x128xi32, #tpu.memory_space<vmem>> -> memref<1x128xi32, #tpu.memory_space<vmem>>
        %dma_start3A_272 = tpu.memref_squeeze %dma_start3A_271 : memref<1x128xi32, #tpu.memory_space<vmem>> -> memref<128xi32, #tpu.memory_space<vmem>>
        %dma_start3A_273 = arith.constant 0 : i32
        %dma_start3A_274 = arith.constant 0 : i32
        %dma_start3A_275 = tpu.memref_slice %arg13[%dma_start3A_273, %dma_start3A_274] : memref<5024x128xf32, #tpu.memory_space<vmem_shared>> -> memref<5024x128xf32, #tpu.memory_space<vmem_shared>>
        tpu.enqueue_indirect_dma source(%arg12 : memref<128x128xf32, #tpu.memory_space<vmem>>) target(%dma_start3A_275 : memref<5024x128xf32, #tpu.memory_space<vmem_shared>>) offsets(%dma_start3A_272 : memref<128xi32, #tpu.memory_space<vmem>>) semaphore(%run_scoped3A_269 : memref<!tpu.dma_semaphore, #tpu.memory_space<semaphore_mem>>) {add = true}
        %dma_wait3A_276 = arith.constant 0 : i32
        %dma_wait3A_277 = tpu.memref_slice %arg8[%add3A_267, %dma_wait3A_276] : memref<80x128xi32, #tpu.memory_space<vmem>> -> memref<1x128xi32, #tpu.memory_space<vmem>>
        %dma_wait3A_278 = tpu.memref_squeeze %dma_wait3A_277 : memref<1x128xi32, #tpu.memory_space<vmem>> -> memref<128xi32, #tpu.memory_space<vmem>>
        %dma_wait3A_279 = arith.constant 0 : i32
        %dma_wait3A_280 = arith.constant 0 : i32
        %dma_wait3A_281 = tpu.memref_slice %arg13[%dma_wait3A_279, %dma_wait3A_280] : memref<5024x128xf32, #tpu.memory_space<vmem_shared>> -> memref<5024x128xf32, #tpu.memory_space<vmem_shared>>
        tpu.wait_indirect_dma semaphore(%run_scoped3A_269 : memref<!tpu.dma_semaphore, #tpu.memory_space<semaphore_mem>>) src(%arg12 : memref<128x128xf32, #tpu.memory_space<vmem>>) dst(%dma_wait3A_281 : memref<5024x128xf32, #tpu.memory_space<vmem_shared>>)
        tpu.yield
      }) : () -> ()
      %scan3A_268 = arith.constant 0 : i32
      scf.yield %scan3A_268 : i32
    }
    %scan3A_23 = arith.constant 19 : i32
    %dma_start3A_24 = arith.constant 78 : i32
    %dma_start3A_25 = arith.constant 0 : i32
    %dma_start3A_26 = tpu.memref_slice %arg7[%dma_start3A_24, %dma_start3A_25] : memref<80x128xi32, #tpu.memory_space<vmem>> -> memref<1x128xi32, #tpu.memory_space<vmem>>
    %dma_start3A_27 = tpu.memref_squeeze %dma_start3A_26 : memref<1x128xi32, #tpu.memory_space<vmem>> -> memref<128xi32, #tpu.memory_space<vmem>>
    %dma_start3A_28 = arith.constant 0 : i32
    %dma_start3A_29 = arith.constant 0 : i32
    %dma_start3A_30 = tpu.memref_slice %arg2[%dma_start3A_28, %dma_start3A_29] : memref<20000x128xf32, #tpu.memory_space<hbm>> -> memref<20000x128xf32, #tpu.memory_space<hbm>>
    tpu.enqueue_indirect_dma source(%dma_start3A_30 : memref<20000x128xf32, #tpu.memory_space<hbm>>) target(%arg11 : memref<128x128xf32, #tpu.memory_space<vmem>>) offsets(%dma_start3A_27 : memref<128xi32, #tpu.memory_space<vmem>>) semaphore(%arg15 : memref<!tpu.dma_semaphore, #tpu.memory_space<semaphore_mem>>)
    %dma_start3A_31 = arith.constant 79 : i32
    %dma_start3A_32 = arith.constant 0 : i32
    %dma_start3A_33 = tpu.memref_slice %arg7[%dma_start3A_31, %dma_start3A_32] : memref<80x128xi32, #tpu.memory_space<vmem>> -> memref<1x128xi32, #tpu.memory_space<vmem>>
    %dma_start3A_34 = tpu.memref_squeeze %dma_start3A_33 : memref<1x128xi32, #tpu.memory_space<vmem>> -> memref<128xi32, #tpu.memory_space<vmem>>
    %dma_start3A_35 = arith.constant 0 : i32
    %dma_start3A_36 = arith.constant 0 : i32
    %dma_start3A_37 = tpu.memref_slice %arg2[%dma_start3A_35, %dma_start3A_36] : memref<20000x128xf32, #tpu.memory_space<hbm>> -> memref<20000x128xf32, #tpu.memory_space<hbm>>
    tpu.enqueue_indirect_dma source(%dma_start3A_37 : memref<20000x128xf32, #tpu.memory_space<hbm>>) target(%arg12 : memref<128x128xf32, #tpu.memory_space<vmem>>) offsets(%dma_start3A_34 : memref<128xi32, #tpu.memory_space<vmem>>) semaphore(%arg15 : memref<!tpu.dma_semaphore, #tpu.memory_space<semaphore_mem>>)
    %dma_wait3A = arith.constant 76 : i32
    %dma_wait3A_38 = arith.constant 0 : i32
    %dma_wait3A_39 = tpu.memref_slice %arg7[%dma_wait3A, %dma_wait3A_38] : memref<80x128xi32, #tpu.memory_space<vmem>> -> memref<1x128xi32, #tpu.memory_space<vmem>>
    %dma_wait3A_40 = tpu.memref_squeeze %dma_wait3A_39 : memref<1x128xi32, #tpu.memory_space<vmem>> -> memref<128xi32, #tpu.memory_space<vmem>>
    %dma_wait3A_41 = arith.constant 0 : i32
    %dma_wait3A_42 = arith.constant 0 : i32
    %dma_wait3A_43 = tpu.memref_slice %arg2[%dma_wait3A_41, %dma_wait3A_42] : memref<20000x128xf32, #tpu.memory_space<hbm>> -> memref<20000x128xf32, #tpu.memory_space<hbm>>
    tpu.wait_indirect_dma semaphore(%arg14 : memref<!tpu.dma_semaphore, #tpu.memory_space<semaphore_mem>>) src(%dma_wait3A_43 : memref<20000x128xf32, #tpu.memory_space<hbm>>) dst(%arg9 : memref<128x128xf32, #tpu.memory_space<vmem>>)
    %dma_wait3A_44 = arith.constant 77 : i32
    %dma_wait3A_45 = arith.constant 0 : i32
    %dma_wait3A_46 = tpu.memref_slice %arg7[%dma_wait3A_44, %dma_wait3A_45] : memref<80x128xi32, #tpu.memory_space<vmem>> -> memref<1x128xi32, #tpu.memory_space<vmem>>
    %dma_wait3A_47 = tpu.memref_squeeze %dma_wait3A_46 : memref<1x128xi32, #tpu.memory_space<vmem>> -> memref<128xi32, #tpu.memory_space<vmem>>
    %dma_wait3A_48 = arith.constant 0 : i32
    %dma_wait3A_49 = arith.constant 0 : i32
    %dma_wait3A_50 = tpu.memref_slice %arg2[%dma_wait3A_48, %dma_wait3A_49] : memref<20000x128xf32, #tpu.memory_space<hbm>> -> memref<20000x128xf32, #tpu.memory_space<hbm>>
    tpu.wait_indirect_dma semaphore(%arg14 : memref<!tpu.dma_semaphore, #tpu.memory_space<semaphore_mem>>) src(%dma_wait3A_50 : memref<20000x128xf32, #tpu.memory_space<hbm>>) dst(%arg10 : memref<128x128xf32, #tpu.memory_space<vmem>>)
    %run_scoped3A = arith.constant 76 : i32
    "tpu.region"() ({
      %run_scoped3A_162 = tpu.sem_alloc : memref<!tpu.dma_semaphore, #tpu.memory_space<semaphore_mem>>
      %dma_start3A_163 = arith.constant 0 : i32
      %dma_start3A_164 = tpu.memref_slice %arg8[%run_scoped3A, %dma_start3A_163] : memref<80x128xi32, #tpu.memory_space<vmem>> -> memref<1x128xi32, #tpu.memory_space<vmem>>
      %dma_start3A_165 = tpu.memref_squeeze %dma_start3A_164 : memref<1x128xi32, #tpu.memory_space<vmem>> -> memref<128xi32, #tpu.memory_space<vmem>>
      %dma_start3A_166 = arith.constant 0 : i32
      %dma_start3A_167 = arith.constant 0 : i32
      %dma_start3A_168 = tpu.memref_slice %arg13[%dma_start3A_166, %dma_start3A_167] : memref<5024x128xf32, #tpu.memory_space<vmem_shared>> -> memref<5024x128xf32, #tpu.memory_space<vmem_shared>>
      tpu.enqueue_indirect_dma source(%arg9 : memref<128x128xf32, #tpu.memory_space<vmem>>) target(%dma_start3A_168 : memref<5024x128xf32, #tpu.memory_space<vmem_shared>>) offsets(%dma_start3A_165 : memref<128xi32, #tpu.memory_space<vmem>>) semaphore(%run_scoped3A_162 : memref<!tpu.dma_semaphore, #tpu.memory_space<semaphore_mem>>) {add = true}
      %dma_wait3A_169 = arith.constant 0 : i32
      %dma_wait3A_170 = tpu.memref_slice %arg8[%run_scoped3A, %dma_wait3A_169] : memref<80x128xi32, #tpu.memory_space<vmem>> -> memref<1x128xi32, #tpu.memory_space<vmem>>
      %dma_wait3A_171 = tpu.memref_squeeze %dma_wait3A_170 : memref<1x128xi32, #tpu.memory_space<vmem>> -> memref<128xi32, #tpu.memory_space<vmem>>
      %dma_wait3A_172 = arith.constant 0 : i32
      %dma_wait3A_173 = arith.constant 0 : i32
      %dma_wait3A_174 = tpu.memref_slice %arg13[%dma_wait3A_172, %dma_wait3A_173] : memref<5024x128xf32, #tpu.memory_space<vmem_shared>> -> memref<5024x128xf32, #tpu.memory_space<vmem_shared>>
      tpu.wait_indirect_dma semaphore(%run_scoped3A_162 : memref<!tpu.dma_semaphore, #tpu.memory_space<semaphore_mem>>) src(%arg9 : memref<128x128xf32, #tpu.memory_space<vmem>>) dst(%dma_wait3A_174 : memref<5024x128xf32, #tpu.memory_space<vmem_shared>>)
      tpu.yield
    }) : () -> ()
    %run_scoped3A_51 = arith.constant 77 : i32
    "tpu.region"() ({
      %run_scoped3A_162 = tpu.sem_alloc : memref<!tpu.dma_semaphore, #tpu.memory_space<semaphore_mem>>
      %dma_start3A_163 = arith.constant 0 : i32
      %dma_start3A_164 = tpu.memref_slice %arg8[%run_scoped3A_51, %dma_start3A_163] : memref<80x128xi32, #tpu.memory_space<vmem>> -> memref<1x128xi32, #tpu.memory_space<vmem>>
      %dma_start3A_165 = tpu.memref_squeeze %dma_start3A_164 : memref<1x128xi32, #tpu.memory_space<vmem>> -> memref<128xi32, #tpu.memory_space<vmem>>
      %dma_start3A_166 = arith.constant 0 : i32
      %dma_start3A_167 = arith.constant 0 : i32
      %dma_start3A_168 = tpu.memref_slice %arg13[%dma_start3A_166, %dma_start3A_167] : memref<5024x128xf32, #tpu.memory_space<vmem_shared>> -> memref<5024x128xf32, #tpu.memory_space<vmem_shared>>
      tpu.enqueue_indirect_dma source(%arg10 : memref<128x128xf32, #tpu.memory_space<vmem>>) target(%dma_start3A_168 : memref<5024x128xf32, #tpu.memory_space<vmem_shared>>) offsets(%dma_start3A_165 : memref<128xi32, #tpu.memory_space<vmem>>) semaphore(%run_scoped3A_162 : memref<!tpu.dma_semaphore, #tpu.memory_space<semaphore_mem>>) {add = true}
      %dma_wait3A_169 = arith.constant 0 : i32
      %dma_wait3A_170 = tpu.memref_slice %arg8[%run_scoped3A_51, %dma_wait3A_169] : memref<80x128xi32, #tpu.memory_space<vmem>> -> memref<1x128xi32, #tpu.memory_space<vmem>>
      %dma_wait3A_171 = tpu.memref_squeeze %dma_wait3A_170 : memref<1x128xi32, #tpu.memory_space<vmem>> -> memref<128xi32, #tpu.memory_space<vmem>>
      %dma_wait3A_172 = arith.constant 0 : i32
      %dma_wait3A_173 = arith.constant 0 : i32
      %dma_wait3A_174 = tpu.memref_slice %arg13[%dma_wait3A_172, %dma_wait3A_173] : memref<5024x128xf32, #tpu.memory_space<vmem_shared>> -> memref<5024x128xf32, #tpu.memory_space<vmem_shared>>
      tpu.wait_indirect_dma semaphore(%run_scoped3A_162 : memref<!tpu.dma_semaphore, #tpu.memory_space<semaphore_mem>>) src(%arg10 : memref<128x128xf32, #tpu.memory_space<vmem>>) dst(%dma_wait3A_174 : memref<5024x128xf32, #tpu.memory_space<vmem_shared>>)
      tpu.yield
    }) : () -> ()
    %dma_wait3A_52 = arith.constant 78 : i32
    %dma_wait3A_53 = arith.constant 0 : i32
    %dma_wait3A_54 = tpu.memref_slice %arg7[%dma_wait3A_52, %dma_wait3A_53] : memref<80x128xi32, #tpu.memory_space<vmem>> -> memref<1x128xi32, #tpu.memory_space<vmem>>
    %dma_wait3A_55 = tpu.memref_squeeze %dma_wait3A_54 : memref<1x128xi32, #tpu.memory_space<vmem>> -> memref<128xi32, #tpu.memory_space<vmem>>
    %dma_wait3A_56 = arith.constant 0 : i32
    %dma_wait3A_57 = arith.constant 0 : i32
    %dma_wait3A_58 = tpu.memref_slice %arg2[%dma_wait3A_56, %dma_wait3A_57] : memref<20000x128xf32, #tpu.memory_space<hbm>> -> memref<20000x128xf32, #tpu.memory_space<hbm>>
    tpu.wait_indirect_dma semaphore(%arg15 : memref<!tpu.dma_semaphore, #tpu.memory_space<semaphore_mem>>) src(%dma_wait3A_58 : memref<20000x128xf32, #tpu.memory_space<hbm>>) dst(%arg11 : memref<128x128xf32, #tpu.memory_space<vmem>>)
    %dma_wait3A_59 = arith.constant 79 : i32
    %dma_wait3A_60 = arith.constant 0 : i32
    %dma_wait3A_61 = tpu.memref_slice %arg7[%dma_wait3A_59, %dma_wait3A_60] : memref<80x128xi32, #tpu.memory_space<vmem>> -> memref<1x128xi32, #tpu.memory_space<vmem>>
    %dma_wait3A_62 = tpu.memref_squeeze %dma_wait3A_61 : memref<1x128xi32, #tpu.memory_space<vmem>> -> memref<128xi32, #tpu.memory_space<vmem>>
    %dma_wait3A_63 = arith.constant 0 : i32
    %dma_wait3A_64 = arith.constant 0 : i32
    %dma_wait3A_65 = tpu.memref_slice %arg2[%dma_wait3A_63, %dma_wait3A_64] : memref<20000x128xf32, #tpu.memory_space<hbm>> -> memref<20000x128xf32, #tpu.memory_space<hbm>>
    tpu.wait_indirect_dma semaphore(%arg15 : memref<!tpu.dma_semaphore, #tpu.memory_space<semaphore_mem>>) src(%dma_wait3A_65 : memref<20000x128xf32, #tpu.memory_space<hbm>>) dst(%arg12 : memref<128x128xf32, #tpu.memory_space<vmem>>)
    %run_scoped3A_66 = arith.constant 78 : i32
    "tpu.region"() ({
      %run_scoped3A_162 = tpu.sem_alloc : memref<!tpu.dma_semaphore, #tpu.memory_space<semaphore_mem>>
      %dma_start3A_163 = arith.constant 0 : i32
      %dma_start3A_164 = tpu.memref_slice %arg8[%run_scoped3A_66, %dma_start3A_163] : memref<80x128xi32, #tpu.memory_space<vmem>> -> memref<1x128xi32, #tpu.memory_space<vmem>>
      %dma_start3A_165 = tpu.memref_squeeze %dma_start3A_164 : memref<1x128xi32, #tpu.memory_space<vmem>> -> memref<128xi32, #tpu.memory_space<vmem>>
      %dma_start3A_166 = arith.constant 0 : i32
      %dma_start3A_167 = arith.constant 0 : i32
      %dma_start3A_168 = tpu.memref_slice %arg13[%dma_start3A_166, %dma_start3A_167] : memref<5024x128xf32, #tpu.memory_space<vmem_shared>> -> memref<5024x128xf32, #tpu.memory_space<vmem_shared>>
      tpu.enqueue_indirect_dma source(%arg11 : memref<128x128xf32, #tpu.memory_space<vmem>>) target(%dma_start3A_168 : memref<5024x128xf32, #tpu.memory_space<vmem_shared>>) offsets(%dma_start3A_165 : memref<128xi32, #tpu.memory_space<vmem>>) semaphore(%run_scoped3A_162 : memref<!tpu.dma_semaphore, #tpu.memory_space<semaphore_mem>>) {add = true}
      %dma_wait3A_169 = arith.constant 0 : i32
      %dma_wait3A_170 = tpu.memref_slice %arg8[%run_scoped3A_66, %dma_wait3A_169] : memref<80x128xi32, #tpu.memory_space<vmem>> -> memref<1x128xi32, #tpu.memory_space<vmem>>
      %dma_wait3A_171 = tpu.memref_squeeze %dma_wait3A_170 : memref<1x128xi32, #tpu.memory_space<vmem>> -> memref<128xi32, #tpu.memory_space<vmem>>
      %dma_wait3A_172 = arith.constant 0 : i32
      %dma_wait3A_173 = arith.constant 0 : i32
      %dma_wait3A_174 = tpu.memref_slice %arg13[%dma_wait3A_172, %dma_wait3A_173] : memref<5024x128xf32, #tpu.memory_space<vmem_shared>> -> memref<5024x128xf32, #tpu.memory_space<vmem_shared>>
      tpu.wait_indirect_dma semaphore(%run_scoped3A_162 : memref<!tpu.dma_semaphore, #tpu.memory_space<semaphore_mem>>) src(%arg11 : memref<128x128xf32, #tpu.memory_space<vmem>>) dst(%dma_wait3A_174 : memref<5024x128xf32, #tpu.memory_space<vmem_shared>>)
      tpu.yield
    }) : () -> ()
    %run_scoped3A_67 = arith.constant 79 : i32
    "tpu.region"() ({
      %run_scoped3A_162 = tpu.sem_alloc : memref<!tpu.dma_semaphore, #tpu.memory_space<semaphore_mem>>
      %dma_start3A_163 = arith.constant 0 : i32
      %dma_start3A_164 = tpu.memref_slice %arg8[%run_scoped3A_67, %dma_start3A_163] : memref<80x128xi32, #tpu.memory_space<vmem>> -> memref<1x128xi32, #tpu.memory_space<vmem>>
      %dma_start3A_165 = tpu.memref_squeeze %dma_start3A_164 : memref<1x128xi32, #tpu.memory_space<vmem>> -> memref<128xi32, #tpu.memory_space<vmem>>
      %dma_start3A_166 = arith.constant 0 : i32
      %dma_start3A_167 = arith.constant 0 : i32
      %dma_start3A_168 = tpu.memref_slice %arg13[%dma_start3A_166, %dma_start3A_167] : memref<5024x128xf32, #tpu.memory_space<vmem_shared>> -> memref<5024x128xf32, #tpu.memory_space<vmem_shared>>
      tpu.enqueue_indirect_dma source(%arg12 : memref<128x128xf32, #tpu.memory_space<vmem>>) target(%dma_start3A_168 : memref<5024x128xf32, #tpu.memory_space<vmem_shared>>) offsets(%dma_start3A_165 : memref<128xi32, #tpu.memory_space<vmem>>) semaphore(%run_scoped3A_162 : memref<!tpu.dma_semaphore, #tpu.memory_space<semaphore_mem>>) {add = true}
      %dma_wait3A_169 = arith.constant 0 : i32
      %dma_wait3A_170 = tpu.memref_slice %arg8[%run_scoped3A_67, %dma_wait3A_169] : memref<80x128xi32, #tpu.memory_space<vmem>> -> memref<1x128xi32, #tpu.memory_space<vmem>>
      %dma_wait3A_171 = tpu.memref_squeeze %dma_wait3A_170 : memref<1x128xi32, #tpu.memory_space<vmem>> -> memref<128xi32, #tpu.memory_space<vmem>>
      %dma_wait3A_172 = arith.constant 0 : i32
      %dma_wait3A_173 = arith.constant 0 : i32
      %dma_wait3A_174 = tpu.memref_slice %arg13[%dma_wait3A_172, %dma_wait3A_173] : memref<5024x128xf32, #tpu.memory_space<vmem_shared>> -> memref<5024x128xf32, #tpu.memory_space<vmem_shared>>
      tpu.wait_indirect_dma semaphore(%run_scoped3A_162 : memref<!tpu.dma_semaphore, #tpu.memory_space<semaphore_mem>>) src(%arg12 : memref<128x128xf32, #tpu.memory_space<vmem>>) dst(%dma_wait3A_174 : memref<5024x128xf32, #tpu.memory_space<vmem_shared>>)
      tpu.yield
    }) : () -> ()
    %barrier3A_68 = arith.constant 0 : index
    tpu.barrier barrier_id(%barrier3A_68)
    %mul3A_69 = arith.constant 314 : i32
    %mul3A_70 = arith.muli %arg1, %mul3A_69 : i32
    %mul3A_71 = arith.constant 2 : i32
    %mul3A_72 = arith.muli %arg0, %mul3A_71 : i32
    %add3A_73 = arith.constant 0 : i32
    %add3A_74 = arith.addi %mul3A_72, %add3A_73 : i32
    %mul3A_75 = arith.constant 16 : i32
    %mul3A_76 = arith.muli %add3A_74, %mul3A_75 : i32
    %add3A_77 = arith.addi %mul3A_76, %arg1 : i32
    "tpu.region"() ({
      %run_scoped3A_162 = tpu.sem_alloc : memref<!tpu.dma_semaphore, #tpu.memory_space<semaphore_mem>>
      %dma_start3A_163 = arith.constant 0 : i32
      %dma_start3A_164 = arith.constant 0 : i32
      %dma_start3A_165 = tpu.memref_slice %arg6[%add3A_77, %dma_start3A_163, %dma_start3A_164] : memref<64x314x128xf32, #tpu.memory_space<hbm>> -> memref<1x314x128xf32, #tpu.memory_space<hbm>>
      %dma_start3A_166 = tpu.memref_squeeze %dma_start3A_165 : memref<1x314x128xf32, #tpu.memory_space<hbm>> -> memref<314x128xf32, #tpu.memory_space<hbm>>
      %dma_start3A_167 = arith.constant 0 : i32
      %dma_start3A_168 = tpu.memref_slice %arg13[%mul3A_70, %dma_start3A_167] : memref<5024x128xf32, #tpu.memory_space<vmem_shared>> -> memref<314x128xf32, #tpu.memory_space<vmem_shared>>
      tpu.enqueue_dma source(%dma_start3A_168 : memref<314x128xf32, #tpu.memory_space<vmem_shared>>) target(%dma_start3A_166 : memref<314x128xf32, #tpu.memory_space<hbm>>) target_semaphore(%run_scoped3A_162 : memref<!tpu.dma_semaphore, #tpu.memory_space<semaphore_mem>>)
      %dma_wait3A_169 = arith.constant 0 : i32
      %dma_wait3A_170 = arith.constant 0 : i32
      %dma_wait3A_171 = tpu.memref_slice %arg6[%add3A_77, %dma_wait3A_169, %dma_wait3A_170] : memref<64x314x128xf32, #tpu.memory_space<hbm>> -> memref<1x314x128xf32, #tpu.memory_space<hbm>>
      %dma_wait3A_172 = tpu.memref_squeeze %dma_wait3A_171 : memref<1x314x128xf32, #tpu.memory_space<hbm>> -> memref<314x128xf32, #tpu.memory_space<hbm>>
      %dma_wait3A_173 = arith.constant 0 : i32
      %dma_wait3A_174 = tpu.memref_slice %arg13[%mul3A_70, %dma_wait3A_173] : memref<5024x128xf32, #tpu.memory_space<vmem_shared>> -> memref<314x128xf32, #tpu.memory_space<vmem_shared>>
      tpu.wait_dma2 semaphore(%run_scoped3A_162 : memref<!tpu.dma_semaphore, #tpu.memory_space<semaphore_mem>>) src(%dma_wait3A_174 : memref<314x128xf32, #tpu.memory_space<vmem_shared>>) dst(%dma_wait3A_172 : memref<314x128xf32, #tpu.memory_space<hbm>>)
      tpu.yield
    }) : () -> ()
    %barrier3A_78 = arith.constant 0 : index
    tpu.barrier barrier_id(%barrier3A_78)
    %add3A_79 = arith.constant 16 : i32
    %add3A_80 = arith.addi %add3A_79, %arg1 : i32
    "tpu.region"() ({
      %run_scoped3A_162 = tpu.sem_alloc : memref<!tpu.dma_semaphore, #tpu.memory_space<semaphore_mem>>
      %dma_start3A_163 = arith.constant 0 : i32
      %dma_start3A_164 = arith.constant 0 : i32
      %dma_start3A_165 = tpu.memref_slice %arg4[%add3A_80, %dma_start3A_163, %dma_start3A_164] : memref<32x80x128xi32, #tpu.memory_space<hbm>> -> memref<1x80x128xi32, #tpu.memory_space<hbm>>
      %dma_start3A_166 = tpu.memref_squeeze %dma_start3A_165 : memref<1x80x128xi32, #tpu.memory_space<hbm>> -> memref<80x128xi32, #tpu.memory_space<hbm>>
      %dma_start3A_167 = arith.constant 0 : i32
      %dma_start3A_168 = arith.constant 0 : i32
      %dma_start3A_169 = tpu.memref_slice %arg4[%add3A_80, %dma_start3A_167, %dma_start3A_168] : memref<32x80x128xi32, #tpu.memory_space<hbm>> -> memref<1x80x128xi32, #tpu.memory_space<hbm>>
      %dma_start3A_170 = tpu.memref_squeeze %dma_start3A_169 : memref<1x80x128xi32, #tpu.memory_space<hbm>> -> memref<80x128xi32, #tpu.memory_space<hbm>>
      tpu.enqueue_dma source(%dma_start3A_170 : memref<80x128xi32, #tpu.memory_space<hbm>>) target(%arg8 : memref<80x128xi32, #tpu.memory_space<vmem>>) target_semaphore(%run_scoped3A_162 : memref<!tpu.dma_semaphore, #tpu.memory_space<semaphore_mem>>)
      %dma_wait3A_171 = arith.constant 0 : i32
      %dma_wait3A_172 = arith.constant 0 : i32
      %dma_wait3A_173 = tpu.memref_slice %arg4[%add3A_80, %dma_wait3A_171, %dma_wait3A_172] : memref<32x80x128xi32, #tpu.memory_space<hbm>> -> memref<1x80x128xi32, #tpu.memory_space<hbm>>
      %dma_wait3A_174 = tpu.memref_squeeze %dma_wait3A_173 : memref<1x80x128xi32, #tpu.memory_space<hbm>> -> memref<80x128xi32, #tpu.memory_space<hbm>>
      %dma_wait3A_175 = arith.constant 0 : i32
      %dma_wait3A_176 = arith.constant 0 : i32
      %dma_wait3A_177 = tpu.memref_slice %arg4[%add3A_80, %dma_wait3A_175, %dma_wait3A_176] : memref<32x80x128xi32, #tpu.memory_space<hbm>> -> memref<1x80x128xi32, #tpu.memory_space<hbm>>
      %dma_wait3A_178 = tpu.memref_squeeze %dma_wait3A_177 : memref<1x80x128xi32, #tpu.memory_space<hbm>> -> memref<80x128xi32, #tpu.memory_space<hbm>>
      tpu.wait_dma2 semaphore(%run_scoped3A_162 : memref<!tpu.dma_semaphore, #tpu.memory_space<semaphore_mem>>) src(%dma_wait3A_178 : memref<80x128xi32, #tpu.memory_space<hbm>>) dst(%arg8 : memref<80x128xi32, #tpu.memory_space<vmem>>)
      tpu.yield
    }) : () -> ()
    %mul3A_81 = arith.constant 314 : i32
    %mul3A_82 = arith.muli %arg1, %mul3A_81 : i32
    "tpu.region"() ({
      %run_scoped3A_162 = tpu.sem_alloc : memref<!tpu.dma_semaphore, #tpu.memory_space<semaphore_mem>>
      %dma_start3A_163 = arith.constant 0 : i32
      %dma_start3A_164 = tpu.memref_slice %arg13[%mul3A_82, %dma_start3A_163] : memref<5024x128xf32, #tpu.memory_space<vmem_shared>> -> memref<314x128xf32, #tpu.memory_space<vmem_shared>>
      %dma_start3A_165 = arith.constant 0 : i32
      %dma_start3A_166 = arith.constant 0 : i32
      %dma_start3A_167 = tpu.memref_slice %arg5[%arg1, %dma_start3A_165, %dma_start3A_166] : memref<16x314x128xf32, #tpu.memory_space<hbm>> -> memref<1x314x128xf32, #tpu.memory_space<hbm>>
      %dma_start3A_168 = tpu.memref_squeeze %dma_start3A_167 : memref<1x314x128xf32, #tpu.memory_space<hbm>> -> memref<314x128xf32, #tpu.memory_space<hbm>>
      tpu.enqueue_dma source(%dma_start3A_168 : memref<314x128xf32, #tpu.memory_space<hbm>>) target(%dma_start3A_164 : memref<314x128xf32, #tpu.memory_space<vmem_shared>>) target_semaphore(%run_scoped3A_162 : memref<!tpu.dma_semaphore, #tpu.memory_space<semaphore_mem>>)
      %dma_wait3A_169 = arith.constant 0 : i32
      %dma_wait3A_170 = tpu.memref_slice %arg13[%mul3A_82, %dma_wait3A_169] : memref<5024x128xf32, #tpu.memory_space<vmem_shared>> -> memref<314x128xf32, #tpu.memory_space<vmem_shared>>
      %dma_wait3A_171 = arith.constant 0 : i32
      %dma_wait3A_172 = arith.constant 0 : i32
      %dma_wait3A_173 = tpu.memref_slice %arg5[%arg1, %dma_wait3A_171, %dma_wait3A_172] : memref<16x314x128xf32, #tpu.memory_space<hbm>> -> memref<1x314x128xf32, #tpu.memory_space<hbm>>
      %dma_wait3A_174 = tpu.memref_squeeze %dma_wait3A_173 : memref<1x314x128xf32, #tpu.memory_space<hbm>> -> memref<314x128xf32, #tpu.memory_space<hbm>>
      tpu.wait_dma2 semaphore(%run_scoped3A_162 : memref<!tpu.dma_semaphore, #tpu.memory_space<semaphore_mem>>) src(%dma_wait3A_174 : memref<314x128xf32, #tpu.memory_space<hbm>>) dst(%dma_wait3A_170 : memref<314x128xf32, #tpu.memory_space<vmem_shared>>)
      tpu.yield
    }) : () -> ()
    %barrier3A_83 = arith.constant 0 : index
    tpu.barrier barrier_id(%barrier3A_83)
    %dma_start3A_84 = arith.constant 0 : i32
    %dma_start3A_85 = arith.constant 0 : i32
    %dma_start3A_86 = tpu.memref_slice %arg7[%dma_start3A_84, %dma_start3A_85] : memref<80x128xi32, #tpu.memory_space<vmem>> -> memref<1x128xi32, #tpu.memory_space<vmem>>
    %dma_start3A_87 = tpu.memref_squeeze %dma_start3A_86 : memref<1x128xi32, #tpu.memory_space<vmem>> -> memref<128xi32, #tpu.memory_space<vmem>>
    %dma_start3A_88 = arith.constant 0 : i32
    %dma_start3A_89 = arith.constant 0 : i32
    %dma_start3A_90 = tpu.memref_slice %arg2[%dma_start3A_88, %dma_start3A_89] : memref<20000x128xf32, #tpu.memory_space<hbm>> -> memref<20000x128xf32, #tpu.memory_space<hbm>>
    tpu.enqueue_indirect_dma source(%dma_start3A_90 : memref<20000x128xf32, #tpu.memory_space<hbm>>) target(%arg9 : memref<128x128xf32, #tpu.memory_space<vmem>>) offsets(%dma_start3A_87 : memref<128xi32, #tpu.memory_space<vmem>>) semaphore(%arg14 : memref<!tpu.dma_semaphore, #tpu.memory_space<semaphore_mem>>)
    %dma_start3A_91 = arith.constant 1 : i32
    %dma_start3A_92 = arith.constant 0 : i32
    %dma_start3A_93 = tpu.memref_slice %arg7[%dma_start3A_91, %dma_start3A_92] : memref<80x128xi32, #tpu.memory_space<vmem>> -> memref<1x128xi32, #tpu.memory_space<vmem>>
    %dma_start3A_94 = tpu.memref_squeeze %dma_start3A_93 : memref<1x128xi32, #tpu.memory_space<vmem>> -> memref<128xi32, #tpu.memory_space<vmem>>
    %dma_start3A_95 = arith.constant 0 : i32
    %dma_start3A_96 = arith.constant 0 : i32
    %dma_start3A_97 = tpu.memref_slice %arg2[%dma_start3A_95, %dma_start3A_96] : memref<20000x128xf32, #tpu.memory_space<hbm>> -> memref<20000x128xf32, #tpu.memory_space<hbm>>
    tpu.enqueue_indirect_dma source(%dma_start3A_97 : memref<20000x128xf32, #tpu.memory_space<hbm>>) target(%arg10 : memref<128x128xf32, #tpu.memory_space<vmem>>) offsets(%dma_start3A_94 : memref<128xi32, #tpu.memory_space<vmem>>) semaphore(%arg14 : memref<!tpu.dma_semaphore, #tpu.memory_space<semaphore_mem>>)
    %scan3A_98 = arith.constant 0 : i32
    %scan3A_99 = arith.constant 0 : i32
    %scan3A_100 = arith.constant 19 : i32
    %scan3A_101 = arith.addi %scan3A_99, %scan3A_100 : i32
    %scan3A_102 = arith.constant 1 : i32
    %scan3A_103 = scf.for %scan3A_162 = %scan3A_99 to %scan3A_101 step %scan3A_102 iter_args(%scan3A_163 = %scan3A_98) -> (i32)  : i32 {
      %mul3A_164 = arith.constant 2 : i32
      %mul3A_165 = arith.muli %mul3A_164, %scan3A_162 : i32
      %add3A_166 = arith.constant 1 : i32
      %add3A_167 = arith.addi %mul3A_165, %add3A_166 : i32
      %mul3A_168 = arith.constant 2 : i32
      %mul3A_169 = arith.muli %add3A_167, %mul3A_168 : i32
      %add3A_170 = arith.constant 0 : i32
      %add3A_171 = arith.addi %mul3A_169, %add3A_170 : i32
      %dma_start3A_172 = arith.constant 0 : i32
      %dma_start3A_173 = tpu.memref_slice %arg7[%add3A_171, %dma_start3A_172] : memref<80x128xi32, #tpu.memory_space<vmem>> -> memref<1x128xi32, #tpu.memory_space<vmem>>
      %dma_start3A_174 = tpu.memref_squeeze %dma_start3A_173 : memref<1x128xi32, #tpu.memory_space<vmem>> -> memref<128xi32, #tpu.memory_space<vmem>>
      %dma_start3A_175 = arith.constant 0 : i32
      %dma_start3A_176 = arith.constant 0 : i32
      %dma_start3A_177 = tpu.memref_slice %arg2[%dma_start3A_175, %dma_start3A_176] : memref<20000x128xf32, #tpu.memory_space<hbm>> -> memref<20000x128xf32, #tpu.memory_space<hbm>>
      tpu.enqueue_indirect_dma source(%dma_start3A_177 : memref<20000x128xf32, #tpu.memory_space<hbm>>) target(%arg11 : memref<128x128xf32, #tpu.memory_space<vmem>>) offsets(%dma_start3A_174 : memref<128xi32, #tpu.memory_space<vmem>>) semaphore(%arg15 : memref<!tpu.dma_semaphore, #tpu.memory_space<semaphore_mem>>)
      %mul3A_178 = arith.constant 2 : i32
      %mul3A_179 = arith.muli %add3A_167, %mul3A_178 : i32
      %add3A_180 = arith.constant 1 : i32
      %add3A_181 = arith.addi %mul3A_179, %add3A_180 : i32
      %dma_start3A_182 = arith.constant 0 : i32
      %dma_start3A_183 = tpu.memref_slice %arg7[%add3A_181, %dma_start3A_182] : memref<80x128xi32, #tpu.memory_space<vmem>> -> memref<1x128xi32, #tpu.memory_space<vmem>>
      %dma_start3A_184 = tpu.memref_squeeze %dma_start3A_183 : memref<1x128xi32, #tpu.memory_space<vmem>> -> memref<128xi32, #tpu.memory_space<vmem>>
      %dma_start3A_185 = arith.constant 0 : i32
      %dma_start3A_186 = arith.constant 0 : i32
      %dma_start3A_187 = tpu.memref_slice %arg2[%dma_start3A_185, %dma_start3A_186] : memref<20000x128xf32, #tpu.memory_space<hbm>> -> memref<20000x128xf32, #tpu.memory_space<hbm>>
      tpu.enqueue_indirect_dma source(%dma_start3A_187 : memref<20000x128xf32, #tpu.memory_space<hbm>>) target(%arg12 : memref<128x128xf32, #tpu.memory_space<vmem>>) offsets(%dma_start3A_184 : memref<128xi32, #tpu.memory_space<vmem>>) semaphore(%arg15 : memref<!tpu.dma_semaphore, #tpu.memory_space<semaphore_mem>>)
      %mul3A_188 = arith.constant 2 : i32
      %mul3A_189 = arith.muli %mul3A_165, %mul3A_188 : i32
      %add3A_190 = arith.constant 0 : i32
      %add3A_191 = arith.addi %mul3A_189, %add3A_190 : i32
      %dma_wait3A_192 = arith.constant 0 : i32
      %dma_wait3A_193 = tpu.memref_slice %arg7[%add3A_191, %dma_wait3A_192] : memref<80x128xi32, #tpu.memory_space<vmem>> -> memref<1x128xi32, #tpu.memory_space<vmem>>
      %dma_wait3A_194 = tpu.memref_squeeze %dma_wait3A_193 : memref<1x128xi32, #tpu.memory_space<vmem>> -> memref<128xi32, #tpu.memory_space<vmem>>
      %dma_wait3A_195 = arith.constant 0 : i32
      %dma_wait3A_196 = arith.constant 0 : i32
      %dma_wait3A_197 = tpu.memref_slice %arg2[%dma_wait3A_195, %dma_wait3A_196] : memref<20000x128xf32, #tpu.memory_space<hbm>> -> memref<20000x128xf32, #tpu.memory_space<hbm>>
      tpu.wait_indirect_dma semaphore(%arg14 : memref<!tpu.dma_semaphore, #tpu.memory_space<semaphore_mem>>) src(%dma_wait3A_197 : memref<20000x128xf32, #tpu.memory_space<hbm>>) dst(%arg9 : memref<128x128xf32, #tpu.memory_space<vmem>>)
      %mul3A_198 = arith.constant 2 : i32
      %mul3A_199 = arith.muli %mul3A_165, %mul3A_198 : i32
      %add3A_200 = arith.constant 1 : i32
      %add3A_201 = arith.addi %mul3A_199, %add3A_200 : i32
      %dma_wait3A_202 = arith.constant 0 : i32
      %dma_wait3A_203 = tpu.memref_slice %arg7[%add3A_201, %dma_wait3A_202] : memref<80x128xi32, #tpu.memory_space<vmem>> -> memref<1x128xi32, #tpu.memory_space<vmem>>
      %dma_wait3A_204 = tpu.memref_squeeze %dma_wait3A_203 : memref<1x128xi32, #tpu.memory_space<vmem>> -> memref<128xi32, #tpu.memory_space<vmem>>
      %dma_wait3A_205 = arith.constant 0 : i32
      %dma_wait3A_206 = arith.constant 0 : i32
      %dma_wait3A_207 = tpu.memref_slice %arg2[%dma_wait3A_205, %dma_wait3A_206] : memref<20000x128xf32, #tpu.memory_space<hbm>> -> memref<20000x128xf32, #tpu.memory_space<hbm>>
      tpu.wait_indirect_dma semaphore(%arg14 : memref<!tpu.dma_semaphore, #tpu.memory_space<semaphore_mem>>) src(%dma_wait3A_207 : memref<20000x128xf32, #tpu.memory_space<hbm>>) dst(%arg10 : memref<128x128xf32, #tpu.memory_space<vmem>>)
      %mul3A_208 = arith.constant 2 : i32
      %mul3A_209 = arith.muli %mul3A_165, %mul3A_208 : i32
      %add3A_210 = arith.constant 0 : i32
      %add3A_211 = arith.addi %mul3A_209, %add3A_210 : i32
      "tpu.region"() ({
        %run_scoped3A_269 = tpu.sem_alloc : memref<!tpu.dma_semaphore, #tpu.memory_space<semaphore_mem>>
        %dma_start3A_270 = arith.constant 0 : i32
        %dma_start3A_271 = tpu.memref_slice %arg8[%add3A_211, %dma_start3A_270] : memref<80x128xi32, #tpu.memory_space<vmem>> -> memref<1x128xi32, #tpu.memory_space<vmem>>
        %dma_start3A_272 = tpu.memref_squeeze %dma_start3A_271 : memref<1x128xi32, #tpu.memory_space<vmem>> -> memref<128xi32, #tpu.memory_space<vmem>>
        %dma_start3A_273 = arith.constant 0 : i32
        %dma_start3A_274 = arith.constant 0 : i32
        %dma_start3A_275 = tpu.memref_slice %arg13[%dma_start3A_273, %dma_start3A_274] : memref<5024x128xf32, #tpu.memory_space<vmem_shared>> -> memref<5024x128xf32, #tpu.memory_space<vmem_shared>>
        tpu.enqueue_indirect_dma source(%arg9 : memref<128x128xf32, #tpu.memory_space<vmem>>) target(%dma_start3A_275 : memref<5024x128xf32, #tpu.memory_space<vmem_shared>>) offsets(%dma_start3A_272 : memref<128xi32, #tpu.memory_space<vmem>>) semaphore(%run_scoped3A_269 : memref<!tpu.dma_semaphore, #tpu.memory_space<semaphore_mem>>) {add = true}
        %dma_wait3A_276 = arith.constant 0 : i32
        %dma_wait3A_277 = tpu.memref_slice %arg8[%add3A_211, %dma_wait3A_276] : memref<80x128xi32, #tpu.memory_space<vmem>> -> memref<1x128xi32, #tpu.memory_space<vmem>>
        %dma_wait3A_278 = tpu.memref_squeeze %dma_wait3A_277 : memref<1x128xi32, #tpu.memory_space<vmem>> -> memref<128xi32, #tpu.memory_space<vmem>>
        %dma_wait3A_279 = arith.constant 0 : i32
        %dma_wait3A_280 = arith.constant 0 : i32
        %dma_wait3A_281 = tpu.memref_slice %arg13[%dma_wait3A_279, %dma_wait3A_280] : memref<5024x128xf32, #tpu.memory_space<vmem_shared>> -> memref<5024x128xf32, #tpu.memory_space<vmem_shared>>
        tpu.wait_indirect_dma semaphore(%run_scoped3A_269 : memref<!tpu.dma_semaphore, #tpu.memory_space<semaphore_mem>>) src(%arg9 : memref<128x128xf32, #tpu.memory_space<vmem>>) dst(%dma_wait3A_281 : memref<5024x128xf32, #tpu.memory_space<vmem_shared>>)
        tpu.yield
      }) : () -> ()
      %mul3A_212 = arith.constant 2 : i32
      %mul3A_213 = arith.muli %mul3A_165, %mul3A_212 : i32
      %add3A_214 = arith.constant 1 : i32
      %add3A_215 = arith.addi %mul3A_213, %add3A_214 : i32
      "tpu.region"() ({
        %run_scoped3A_269 = tpu.sem_alloc : memref<!tpu.dma_semaphore, #tpu.memory_space<semaphore_mem>>
        %dma_start3A_270 = arith.constant 0 : i32
        %dma_start3A_271 = tpu.memref_slice %arg8[%add3A_215, %dma_start3A_270] : memref<80x128xi32, #tpu.memory_space<vmem>> -> memref<1x128xi32, #tpu.memory_space<vmem>>
        %dma_start3A_272 = tpu.memref_squeeze %dma_start3A_271 : memref<1x128xi32, #tpu.memory_space<vmem>> -> memref<128xi32, #tpu.memory_space<vmem>>
        %dma_start3A_273 = arith.constant 0 : i32
        %dma_start3A_274 = arith.constant 0 : i32
        %dma_start3A_275 = tpu.memref_slice %arg13[%dma_start3A_273, %dma_start3A_274] : memref<5024x128xf32, #tpu.memory_space<vmem_shared>> -> memref<5024x128xf32, #tpu.memory_space<vmem_shared>>
        tpu.enqueue_indirect_dma source(%arg10 : memref<128x128xf32, #tpu.memory_space<vmem>>) target(%dma_start3A_275 : memref<5024x128xf32, #tpu.memory_space<vmem_shared>>) offsets(%dma_start3A_272 : memref<128xi32, #tpu.memory_space<vmem>>) semaphore(%run_scoped3A_269 : memref<!tpu.dma_semaphore, #tpu.memory_space<semaphore_mem>>) {add = true}
        %dma_wait3A_276 = arith.constant 0 : i32
        %dma_wait3A_277 = tpu.memref_slice %arg8[%add3A_215, %dma_wait3A_276] : memref<80x128xi32, #tpu.memory_space<vmem>> -> memref<1x128xi32, #tpu.memory_space<vmem>>
        %dma_wait3A_278 = tpu.memref_squeeze %dma_wait3A_277 : memref<1x128xi32, #tpu.memory_space<vmem>> -> memref<128xi32, #tpu.memory_space<vmem>>
        %dma_wait3A_279 = arith.constant 0 : i32
        %dma_wait3A_280 = arith.constant 0 : i32
        %dma_wait3A_281 = tpu.memref_slice %arg13[%dma_wait3A_279, %dma_wait3A_280] : memref<5024x128xf32, #tpu.memory_space<vmem_shared>> -> memref<5024x128xf32, #tpu.memory_space<vmem_shared>>
        tpu.wait_indirect_dma semaphore(%run_scoped3A_269 : memref<!tpu.dma_semaphore, #tpu.memory_space<semaphore_mem>>) src(%arg10 : memref<128x128xf32, #tpu.memory_space<vmem>>) dst(%dma_wait3A_281 : memref<5024x128xf32, #tpu.memory_space<vmem_shared>>)
        tpu.yield
      }) : () -> ()
      %add3A_216 = arith.constant 2 : i32
      %add3A_217 = arith.addi %mul3A_165, %add3A_216 : i32
      %mul3A_218 = arith.constant 2 : i32
      %mul3A_219 = arith.muli %add3A_217, %mul3A_218 : i32
      %add3A_220 = arith.constant 0 : i32
      %add3A_221 = arith.addi %mul3A_219, %add3A_220 : i32
      %dma_start3A_222 = arith.constant 0 : i32
      %dma_start3A_223 = tpu.memref_slice %arg7[%add3A_221, %dma_start3A_222] : memref<80x128xi32, #tpu.memory_space<vmem>> -> memref<1x128xi32, #tpu.memory_space<vmem>>
      %dma_start3A_224 = tpu.memref_squeeze %dma_start3A_223 : memref<1x128xi32, #tpu.memory_space<vmem>> -> memref<128xi32, #tpu.memory_space<vmem>>
      %dma_start3A_225 = arith.constant 0 : i32
      %dma_start3A_226 = arith.constant 0 : i32
      %dma_start3A_227 = tpu.memref_slice %arg2[%dma_start3A_225, %dma_start3A_226] : memref<20000x128xf32, #tpu.memory_space<hbm>> -> memref<20000x128xf32, #tpu.memory_space<hbm>>
      tpu.enqueue_indirect_dma source(%dma_start3A_227 : memref<20000x128xf32, #tpu.memory_space<hbm>>) target(%arg9 : memref<128x128xf32, #tpu.memory_space<vmem>>) offsets(%dma_start3A_224 : memref<128xi32, #tpu.memory_space<vmem>>) semaphore(%arg14 : memref<!tpu.dma_semaphore, #tpu.memory_space<semaphore_mem>>)
      %mul3A_228 = arith.constant 2 : i32
      %mul3A_229 = arith.muli %add3A_217, %mul3A_228 : i32
      %add3A_230 = arith.constant 1 : i32
      %add3A_231 = arith.addi %mul3A_229, %add3A_230 : i32
      %dma_start3A_232 = arith.constant 0 : i32
      %dma_start3A_233 = tpu.memref_slice %arg7[%add3A_231, %dma_start3A_232] : memref<80x128xi32, #tpu.memory_space<vmem>> -> memref<1x128xi32, #tpu.memory_space<vmem>>
      %dma_start3A_234 = tpu.memref_squeeze %dma_start3A_233 : memref<1x128xi32, #tpu.memory_space<vmem>> -> memref<128xi32, #tpu.memory_space<vmem>>
      %dma_start3A_235 = arith.constant 0 : i32
      %dma_start3A_236 = arith.constant 0 : i32
      %dma_start3A_237 = tpu.memref_slice %arg2[%dma_start3A_235, %dma_start3A_236] : memref<20000x128xf32, #tpu.memory_space<hbm>> -> memref<20000x128xf32, #tpu.memory_space<hbm>>
      tpu.enqueue_indirect_dma source(%dma_start3A_237 : memref<20000x128xf32, #tpu.memory_space<hbm>>) target(%arg10 : memref<128x128xf32, #tpu.memory_space<vmem>>) offsets(%dma_start3A_234 : memref<128xi32, #tpu.memory_space<vmem>>) semaphore(%arg14 : memref<!tpu.dma_semaphore, #tpu.memory_space<semaphore_mem>>)
      %add3A_238 = arith.constant 1 : i32
      %add3A_239 = arith.addi %mul3A_165, %add3A_238 : i32
      %mul3A_240 = arith.constant 2 : i32
      %mul3A_241 = arith.muli %add3A_239, %mul3A_240 : i32
      %add3A_242 = arith.constant 0 : i32
      %add3A_243 = arith.addi %mul3A_241, %add3A_242 : i32
      %dma_wait3A_244 = arith.constant 0 : i32
      %dma_wait3A_245 = tpu.memref_slice %arg7[%add3A_243, %dma_wait3A_244] : memref<80x128xi32, #tpu.memory_space<vmem>> -> memref<1x128xi32, #tpu.memory_space<vmem>>
      %dma_wait3A_246 = tpu.memref_squeeze %dma_wait3A_245 : memref<1x128xi32, #tpu.memory_space<vmem>> -> memref<128xi32, #tpu.memory_space<vmem>>
      %dma_wait3A_247 = arith.constant 0 : i32
      %dma_wait3A_248 = arith.constant 0 : i32
      %dma_wait3A_249 = tpu.memref_slice %arg2[%dma_wait3A_247, %dma_wait3A_248] : memref<20000x128xf32, #tpu.memory_space<hbm>> -> memref<20000x128xf32, #tpu.memory_space<hbm>>
      tpu.wait_indirect_dma semaphore(%arg15 : memref<!tpu.dma_semaphore, #tpu.memory_space<semaphore_mem>>) src(%dma_wait3A_249 : memref<20000x128xf32, #tpu.memory_space<hbm>>) dst(%arg11 : memref<128x128xf32, #tpu.memory_space<vmem>>)
      %mul3A_250 = arith.constant 2 : i32
      %mul3A_251 = arith.muli %add3A_239, %mul3A_250 : i32
      %add3A_252 = arith.constant 1 : i32
      %add3A_253 = arith.addi %mul3A_251, %add3A_252 : i32
      %dma_wait3A_254 = arith.constant 0 : i32
      %dma_wait3A_255 = tpu.memref_slice %arg7[%add3A_253, %dma_wait3A_254] : memref<80x128xi32, #tpu.memory_space<vmem>> -> memref<1x128xi32, #tpu.memory_space<vmem>>
      %dma_wait3A_256 = tpu.memref_squeeze %dma_wait3A_255 : memref<1x128xi32, #tpu.memory_space<vmem>> -> memref<128xi32, #tpu.memory_space<vmem>>
      %dma_wait3A_257 = arith.constant 0 : i32
      %dma_wait3A_258 = arith.constant 0 : i32
      %dma_wait3A_259 = tpu.memref_slice %arg2[%dma_wait3A_257, %dma_wait3A_258] : memref<20000x128xf32, #tpu.memory_space<hbm>> -> memref<20000x128xf32, #tpu.memory_space<hbm>>
      tpu.wait_indirect_dma semaphore(%arg15 : memref<!tpu.dma_semaphore, #tpu.memory_space<semaphore_mem>>) src(%dma_wait3A_259 : memref<20000x128xf32, #tpu.memory_space<hbm>>) dst(%arg12 : memref<128x128xf32, #tpu.memory_space<vmem>>)
      %mul3A_260 = arith.constant 2 : i32
      %mul3A_261 = arith.muli %add3A_239, %mul3A_260 : i32
      %add3A_262 = arith.constant 0 : i32
      %add3A_263 = arith.addi %mul3A_261, %add3A_262 : i32
      "tpu.region"() ({
        %run_scoped3A_269 = tpu.sem_alloc : memref<!tpu.dma_semaphore, #tpu.memory_space<semaphore_mem>>
        %dma_start3A_270 = arith.constant 0 : i32
        %dma_start3A_271 = tpu.memref_slice %arg8[%add3A_263, %dma_start3A_270] : memref<80x128xi32, #tpu.memory_space<vmem>> -> memref<1x128xi32, #tpu.memory_space<vmem>>
        %dma_start3A_272 = tpu.memref_squeeze %dma_start3A_271 : memref<1x128xi32, #tpu.memory_space<vmem>> -> memref<128xi32, #tpu.memory_space<vmem>>
        %dma_start3A_273 = arith.constant 0 : i32
        %dma_start3A_274 = arith.constant 0 : i32
        %dma_start3A_275 = tpu.memref_slice %arg13[%dma_start3A_273, %dma_start3A_274] : memref<5024x128xf32, #tpu.memory_space<vmem_shared>> -> memref<5024x128xf32, #tpu.memory_space<vmem_shared>>
        tpu.enqueue_indirect_dma source(%arg11 : memref<128x128xf32, #tpu.memory_space<vmem>>) target(%dma_start3A_275 : memref<5024x128xf32, #tpu.memory_space<vmem_shared>>) offsets(%dma_start3A_272 : memref<128xi32, #tpu.memory_space<vmem>>) semaphore(%run_scoped3A_269 : memref<!tpu.dma_semaphore, #tpu.memory_space<semaphore_mem>>) {add = true}
        %dma_wait3A_276 = arith.constant 0 : i32
        %dma_wait3A_277 = tpu.memref_slice %arg8[%add3A_263, %dma_wait3A_276] : memref<80x128xi32, #tpu.memory_space<vmem>> -> memref<1x128xi32, #tpu.memory_space<vmem>>
        %dma_wait3A_278 = tpu.memref_squeeze %dma_wait3A_277 : memref<1x128xi32, #tpu.memory_space<vmem>> -> memref<128xi32, #tpu.memory_space<vmem>>
        %dma_wait3A_279 = arith.constant 0 : i32
        %dma_wait3A_280 = arith.constant 0 : i32
        %dma_wait3A_281 = tpu.memref_slice %arg13[%dma_wait3A_279, %dma_wait3A_280] : memref<5024x128xf32, #tpu.memory_space<vmem_shared>> -> memref<5024x128xf32, #tpu.memory_space<vmem_shared>>
        tpu.wait_indirect_dma semaphore(%run_scoped3A_269 : memref<!tpu.dma_semaphore, #tpu.memory_space<semaphore_mem>>) src(%arg11 : memref<128x128xf32, #tpu.memory_space<vmem>>) dst(%dma_wait3A_281 : memref<5024x128xf32, #tpu.memory_space<vmem_shared>>)
        tpu.yield
      }) : () -> ()
      %mul3A_264 = arith.constant 2 : i32
      %mul3A_265 = arith.muli %add3A_239, %mul3A_264 : i32
      %add3A_266 = arith.constant 1 : i32
      %add3A_267 = arith.addi %mul3A_265, %add3A_266 : i32
      "tpu.region"() ({
        %run_scoped3A_269 = tpu.sem_alloc : memref<!tpu.dma_semaphore, #tpu.memory_space<semaphore_mem>>
        %dma_start3A_270 = arith.constant 0 : i32
        %dma_start3A_271 = tpu.memref_slice %arg8[%add3A_267, %dma_start3A_270] : memref<80x128xi32, #tpu.memory_space<vmem>> -> memref<1x128xi32, #tpu.memory_space<vmem>>
        %dma_start3A_272 = tpu.memref_squeeze %dma_start3A_271 : memref<1x128xi32, #tpu.memory_space<vmem>> -> memref<128xi32, #tpu.memory_space<vmem>>
        %dma_start3A_273 = arith.constant 0 : i32
        %dma_start3A_274 = arith.constant 0 : i32
        %dma_start3A_275 = tpu.memref_slice %arg13[%dma_start3A_273, %dma_start3A_274] : memref<5024x128xf32, #tpu.memory_space<vmem_shared>> -> memref<5024x128xf32, #tpu.memory_space<vmem_shared>>
        tpu.enqueue_indirect_dma source(%arg12 : memref<128x128xf32, #tpu.memory_space<vmem>>) target(%dma_start3A_275 : memref<5024x128xf32, #tpu.memory_space<vmem_shared>>) offsets(%dma_start3A_272 : memref<128xi32, #tpu.memory_space<vmem>>) semaphore(%run_scoped3A_269 : memref<!tpu.dma_semaphore, #tpu.memory_space<semaphore_mem>>) {add = true}
        %dma_wait3A_276 = arith.constant 0 : i32
        %dma_wait3A_277 = tpu.memref_slice %arg8[%add3A_267, %dma_wait3A_276] : memref<80x128xi32, #tpu.memory_space<vmem>> -> memref<1x128xi32, #tpu.memory_space<vmem>>
        %dma_wait3A_278 = tpu.memref_squeeze %dma_wait3A_277 : memref<1x128xi32, #tpu.memory_space<vmem>> -> memref<128xi32, #tpu.memory_space<vmem>>
        %dma_wait3A_279 = arith.constant 0 : i32
        %dma_wait3A_280 = arith.constant 0 : i32
        %dma_wait3A_281 = tpu.memref_slice %arg13[%dma_wait3A_279, %dma_wait3A_280] : memref<5024x128xf32, #tpu.memory_space<vmem_shared>> -> memref<5024x128xf32, #tpu.memory_space<vmem_shared>>
        tpu.wait_indirect_dma semaphore(%run_scoped3A_269 : memref<!tpu.dma_semaphore, #tpu.memory_space<semaphore_mem>>) src(%arg12 : memref<128x128xf32, #tpu.memory_space<vmem>>) dst(%dma_wait3A_281 : memref<5024x128xf32, #tpu.memory_space<vmem_shared>>)
        tpu.yield
      }) : () -> ()
      %scan3A_268 = arith.constant 0 : i32
      scf.yield %scan3A_268 : i32
    }
    %scan3A_104 = arith.constant 19 : i32
    %dma_start3A_105 = arith.constant 78 : i32
    %dma_start3A_106 = arith.constant 0 : i32
    %dma_start3A_107 = tpu.memref_slice %arg7[%dma_start3A_105, %dma_start3A_106] : memref<80x128xi32, #tpu.memory_space<vmem>> -> memref<1x128xi32, #tpu.memory_space<vmem>>
    %dma_start3A_108 = tpu.memref_squeeze %dma_start3A_107 : memref<1x128xi32, #tpu.memory_space<vmem>> -> memref<128xi32, #tpu.memory_space<vmem>>
    %dma_start3A_109 = arith.constant 0 : i32
    %dma_start3A_110 = arith.constant 0 : i32
    %dma_start3A_111 = tpu.memref_slice %arg2[%dma_start3A_109, %dma_start3A_110] : memref<20000x128xf32, #tpu.memory_space<hbm>> -> memref<20000x128xf32, #tpu.memory_space<hbm>>
    tpu.enqueue_indirect_dma source(%dma_start3A_111 : memref<20000x128xf32, #tpu.memory_space<hbm>>) target(%arg11 : memref<128x128xf32, #tpu.memory_space<vmem>>) offsets(%dma_start3A_108 : memref<128xi32, #tpu.memory_space<vmem>>) semaphore(%arg15 : memref<!tpu.dma_semaphore, #tpu.memory_space<semaphore_mem>>)
    %dma_start3A_112 = arith.constant 79 : i32
    %dma_start3A_113 = arith.constant 0 : i32
    %dma_start3A_114 = tpu.memref_slice %arg7[%dma_start3A_112, %dma_start3A_113] : memref<80x128xi32, #tpu.memory_space<vmem>> -> memref<1x128xi32, #tpu.memory_space<vmem>>
    %dma_start3A_115 = tpu.memref_squeeze %dma_start3A_114 : memref<1x128xi32, #tpu.memory_space<vmem>> -> memref<128xi32, #tpu.memory_space<vmem>>
    %dma_start3A_116 = arith.constant 0 : i32
    %dma_start3A_117 = arith.constant 0 : i32
    %dma_start3A_118 = tpu.memref_slice %arg2[%dma_start3A_116, %dma_start3A_117] : memref<20000x128xf32, #tpu.memory_space<hbm>> -> memref<20000x128xf32, #tpu.memory_space<hbm>>
    tpu.enqueue_indirect_dma source(%dma_start3A_118 : memref<20000x128xf32, #tpu.memory_space<hbm>>) target(%arg12 : memref<128x128xf32, #tpu.memory_space<vmem>>) offsets(%dma_start3A_115 : memref<128xi32, #tpu.memory_space<vmem>>) semaphore(%arg15 : memref<!tpu.dma_semaphore, #tpu.memory_space<semaphore_mem>>)
    %dma_wait3A_119 = arith.constant 76 : i32
    %dma_wait3A_120 = arith.constant 0 : i32
    %dma_wait3A_121 = tpu.memref_slice %arg7[%dma_wait3A_119, %dma_wait3A_120] : memref<80x128xi32, #tpu.memory_space<vmem>> -> memref<1x128xi32, #tpu.memory_space<vmem>>
    %dma_wait3A_122 = tpu.memref_squeeze %dma_wait3A_121 : memref<1x128xi32, #tpu.memory_space<vmem>> -> memref<128xi32, #tpu.memory_space<vmem>>
    %dma_wait3A_123 = arith.constant 0 : i32
    %dma_wait3A_124 = arith.constant 0 : i32
    %dma_wait3A_125 = tpu.memref_slice %arg2[%dma_wait3A_123, %dma_wait3A_124] : memref<20000x128xf32, #tpu.memory_space<hbm>> -> memref<20000x128xf32, #tpu.memory_space<hbm>>
    tpu.wait_indirect_dma semaphore(%arg14 : memref<!tpu.dma_semaphore, #tpu.memory_space<semaphore_mem>>) src(%dma_wait3A_125 : memref<20000x128xf32, #tpu.memory_space<hbm>>) dst(%arg9 : memref<128x128xf32, #tpu.memory_space<vmem>>)
    %dma_wait3A_126 = arith.constant 77 : i32
    %dma_wait3A_127 = arith.constant 0 : i32
    %dma_wait3A_128 = tpu.memref_slice %arg7[%dma_wait3A_126, %dma_wait3A_127] : memref<80x128xi32, #tpu.memory_space<vmem>> -> memref<1x128xi32, #tpu.memory_space<vmem>>
    %dma_wait3A_129 = tpu.memref_squeeze %dma_wait3A_128 : memref<1x128xi32, #tpu.memory_space<vmem>> -> memref<128xi32, #tpu.memory_space<vmem>>
    %dma_wait3A_130 = arith.constant 0 : i32
    %dma_wait3A_131 = arith.constant 0 : i32
    %dma_wait3A_132 = tpu.memref_slice %arg2[%dma_wait3A_130, %dma_wait3A_131] : memref<20000x128xf32, #tpu.memory_space<hbm>> -> memref<20000x128xf32, #tpu.memory_space<hbm>>
    tpu.wait_indirect_dma semaphore(%arg14 : memref<!tpu.dma_semaphore, #tpu.memory_space<semaphore_mem>>) src(%dma_wait3A_132 : memref<20000x128xf32, #tpu.memory_space<hbm>>) dst(%arg10 : memref<128x128xf32, #tpu.memory_space<vmem>>)
    %run_scoped3A_133 = arith.constant 76 : i32
    "tpu.region"() ({
      %run_scoped3A_162 = tpu.sem_alloc : memref<!tpu.dma_semaphore, #tpu.memory_space<semaphore_mem>>
      %dma_start3A_163 = arith.constant 0 : i32
      %dma_start3A_164 = tpu.memref_slice %arg8[%run_scoped3A_133, %dma_start3A_163] : memref<80x128xi32, #tpu.memory_space<vmem>> -> memref<1x128xi32, #tpu.memory_space<vmem>>
      %dma_start3A_165 = tpu.memref_squeeze %dma_start3A_164 : memref<1x128xi32, #tpu.memory_space<vmem>> -> memref<128xi32, #tpu.memory_space<vmem>>
      %dma_start3A_166 = arith.constant 0 : i32
      %dma_start3A_167 = arith.constant 0 : i32
      %dma_start3A_168 = tpu.memref_slice %arg13[%dma_start3A_166, %dma_start3A_167] : memref<5024x128xf32, #tpu.memory_space<vmem_shared>> -> memref<5024x128xf32, #tpu.memory_space<vmem_shared>>
      tpu.enqueue_indirect_dma source(%arg9 : memref<128x128xf32, #tpu.memory_space<vmem>>) target(%dma_start3A_168 : memref<5024x128xf32, #tpu.memory_space<vmem_shared>>) offsets(%dma_start3A_165 : memref<128xi32, #tpu.memory_space<vmem>>) semaphore(%run_scoped3A_162 : memref<!tpu.dma_semaphore, #tpu.memory_space<semaphore_mem>>) {add = true}
      %dma_wait3A_169 = arith.constant 0 : i32
      %dma_wait3A_170 = tpu.memref_slice %arg8[%run_scoped3A_133, %dma_wait3A_169] : memref<80x128xi32, #tpu.memory_space<vmem>> -> memref<1x128xi32, #tpu.memory_space<vmem>>
      %dma_wait3A_171 = tpu.memref_squeeze %dma_wait3A_170 : memref<1x128xi32, #tpu.memory_space<vmem>> -> memref<128xi32, #tpu.memory_space<vmem>>
      %dma_wait3A_172 = arith.constant 0 : i32
      %dma_wait3A_173 = arith.constant 0 : i32
      %dma_wait3A_174 = tpu.memref_slice %arg13[%dma_wait3A_172, %dma_wait3A_173] : memref<5024x128xf32, #tpu.memory_space<vmem_shared>> -> memref<5024x128xf32, #tpu.memory_space<vmem_shared>>
      tpu.wait_indirect_dma semaphore(%run_scoped3A_162 : memref<!tpu.dma_semaphore, #tpu.memory_space<semaphore_mem>>) src(%arg9 : memref<128x128xf32, #tpu.memory_space<vmem>>) dst(%dma_wait3A_174 : memref<5024x128xf32, #tpu.memory_space<vmem_shared>>)
      tpu.yield
    }) : () -> ()
    %run_scoped3A_134 = arith.constant 77 : i32
    "tpu.region"() ({
      %run_scoped3A_162 = tpu.sem_alloc : memref<!tpu.dma_semaphore, #tpu.memory_space<semaphore_mem>>
      %dma_start3A_163 = arith.constant 0 : i32
      %dma_start3A_164 = tpu.memref_slice %arg8[%run_scoped3A_134, %dma_start3A_163] : memref<80x128xi32, #tpu.memory_space<vmem>> -> memref<1x128xi32, #tpu.memory_space<vmem>>
      %dma_start3A_165 = tpu.memref_squeeze %dma_start3A_164 : memref<1x128xi32, #tpu.memory_space<vmem>> -> memref<128xi32, #tpu.memory_space<vmem>>
      %dma_start3A_166 = arith.constant 0 : i32
      %dma_start3A_167 = arith.constant 0 : i32
      %dma_start3A_168 = tpu.memref_slice %arg13[%dma_start3A_166, %dma_start3A_167] : memref<5024x128xf32, #tpu.memory_space<vmem_shared>> -> memref<5024x128xf32, #tpu.memory_space<vmem_shared>>
      tpu.enqueue_indirect_dma source(%arg10 : memref<128x128xf32, #tpu.memory_space<vmem>>) target(%dma_start3A_168 : memref<5024x128xf32, #tpu.memory_space<vmem_shared>>) offsets(%dma_start3A_165 : memref<128xi32, #tpu.memory_space<vmem>>) semaphore(%run_scoped3A_162 : memref<!tpu.dma_semaphore, #tpu.memory_space<semaphore_mem>>) {add = true}
      %dma_wait3A_169 = arith.constant 0 : i32
      %dma_wait3A_170 = tpu.memref_slice %arg8[%run_scoped3A_134, %dma_wait3A_169] : memref<80x128xi32, #tpu.memory_space<vmem>> -> memref<1x128xi32, #tpu.memory_space<vmem>>
      %dma_wait3A_171 = tpu.memref_squeeze %dma_wait3A_170 : memref<1x128xi32, #tpu.memory_space<vmem>> -> memref<128xi32, #tpu.memory_space<vmem>>
      %dma_wait3A_172 = arith.constant 0 : i32
      %dma_wait3A_173 = arith.constant 0 : i32
      %dma_wait3A_174 = tpu.memref_slice %arg13[%dma_wait3A_172, %dma_wait3A_173] : memref<5024x128xf32, #tpu.memory_space<vmem_shared>> -> memref<5024x128xf32, #tpu.memory_space<vmem_shared>>
      tpu.wait_indirect_dma semaphore(%run_scoped3A_162 : memref<!tpu.dma_semaphore, #tpu.memory_space<semaphore_mem>>) src(%arg10 : memref<128x128xf32, #tpu.memory_space<vmem>>) dst(%dma_wait3A_174 : memref<5024x128xf32, #tpu.memory_space<vmem_shared>>)
      tpu.yield
    }) : () -> ()
    %dma_wait3A_135 = arith.constant 78 : i32
    %dma_wait3A_136 = arith.constant 0 : i32
    %dma_wait3A_137 = tpu.memref_slice %arg7[%dma_wait3A_135, %dma_wait3A_136] : memref<80x128xi32, #tpu.memory_space<vmem>> -> memref<1x128xi32, #tpu.memory_space<vmem>>
    %dma_wait3A_138 = tpu.memref_squeeze %dma_wait3A_137 : memref<1x128xi32, #tpu.memory_space<vmem>> -> memref<128xi32, #tpu.memory_space<vmem>>
    %dma_wait3A_139 = arith.constant 0 : i32
    %dma_wait3A_140 = arith.constant 0 : i32
    %dma_wait3A_141 = tpu.memref_slice %arg2[%dma_wait3A_139, %dma_wait3A_140] : memref<20000x128xf32, #tpu.memory_space<hbm>> -> memref<20000x128xf32, #tpu.memory_space<hbm>>
    tpu.wait_indirect_dma semaphore(%arg15 : memref<!tpu.dma_semaphore, #tpu.memory_space<semaphore_mem>>) src(%dma_wait3A_141 : memref<20000x128xf32, #tpu.memory_space<hbm>>) dst(%arg11 : memref<128x128xf32, #tpu.memory_space<vmem>>)
    %dma_wait3A_142 = arith.constant 79 : i32
    %dma_wait3A_143 = arith.constant 0 : i32
    %dma_wait3A_144 = tpu.memref_slice %arg7[%dma_wait3A_142, %dma_wait3A_143] : memref<80x128xi32, #tpu.memory_space<vmem>> -> memref<1x128xi32, #tpu.memory_space<vmem>>
    %dma_wait3A_145 = tpu.memref_squeeze %dma_wait3A_144 : memref<1x128xi32, #tpu.memory_space<vmem>> -> memref<128xi32, #tpu.memory_space<vmem>>
    %dma_wait3A_146 = arith.constant 0 : i32
    %dma_wait3A_147 = arith.constant 0 : i32
    %dma_wait3A_148 = tpu.memref_slice %arg2[%dma_wait3A_146, %dma_wait3A_147] : memref<20000x128xf32, #tpu.memory_space<hbm>> -> memref<20000x128xf32, #tpu.memory_space<hbm>>
    tpu.wait_indirect_dma semaphore(%arg15 : memref<!tpu.dma_semaphore, #tpu.memory_space<semaphore_mem>>) src(%dma_wait3A_148 : memref<20000x128xf32, #tpu.memory_space<hbm>>) dst(%arg12 : memref<128x128xf32, #tpu.memory_space<vmem>>)
    %run_scoped3A_149 = arith.constant 78 : i32
    "tpu.region"() ({
      %run_scoped3A_162 = tpu.sem_alloc : memref<!tpu.dma_semaphore, #tpu.memory_space<semaphore_mem>>
      %dma_start3A_163 = arith.constant 0 : i32
      %dma_start3A_164 = tpu.memref_slice %arg8[%run_scoped3A_149, %dma_start3A_163] : memref<80x128xi32, #tpu.memory_space<vmem>> -> memref<1x128xi32, #tpu.memory_space<vmem>>
      %dma_start3A_165 = tpu.memref_squeeze %dma_start3A_164 : memref<1x128xi32, #tpu.memory_space<vmem>> -> memref<128xi32, #tpu.memory_space<vmem>>
      %dma_start3A_166 = arith.constant 0 : i32
      %dma_start3A_167 = arith.constant 0 : i32
      %dma_start3A_168 = tpu.memref_slice %arg13[%dma_start3A_166, %dma_start3A_167] : memref<5024x128xf32, #tpu.memory_space<vmem_shared>> -> memref<5024x128xf32, #tpu.memory_space<vmem_shared>>
      tpu.enqueue_indirect_dma source(%arg11 : memref<128x128xf32, #tpu.memory_space<vmem>>) target(%dma_start3A_168 : memref<5024x128xf32, #tpu.memory_space<vmem_shared>>) offsets(%dma_start3A_165 : memref<128xi32, #tpu.memory_space<vmem>>) semaphore(%run_scoped3A_162 : memref<!tpu.dma_semaphore, #tpu.memory_space<semaphore_mem>>) {add = true}
      %dma_wait3A_169 = arith.constant 0 : i32
      %dma_wait3A_170 = tpu.memref_slice %arg8[%run_scoped3A_149, %dma_wait3A_169] : memref<80x128xi32, #tpu.memory_space<vmem>> -> memref<1x128xi32, #tpu.memory_space<vmem>>
      %dma_wait3A_171 = tpu.memref_squeeze %dma_wait3A_170 : memref<1x128xi32, #tpu.memory_space<vmem>> -> memref<128xi32, #tpu.memory_space<vmem>>
      %dma_wait3A_172 = arith.constant 0 : i32
      %dma_wait3A_173 = arith.constant 0 : i32
      %dma_wait3A_174 = tpu.memref_slice %arg13[%dma_wait3A_172, %dma_wait3A_173] : memref<5024x128xf32, #tpu.memory_space<vmem_shared>> -> memref<5024x128xf32, #tpu.memory_space<vmem_shared>>
      tpu.wait_indirect_dma semaphore(%run_scoped3A_162 : memref<!tpu.dma_semaphore, #tpu.memory_space<semaphore_mem>>) src(%arg11 : memref<128x128xf32, #tpu.memory_space<vmem>>) dst(%dma_wait3A_174 : memref<5024x128xf32, #tpu.memory_space<vmem_shared>>)
      tpu.yield
    }) : () -> ()
    %run_scoped3A_150 = arith.constant 79 : i32
    "tpu.region"() ({
      %run_scoped3A_162 = tpu.sem_alloc : memref<!tpu.dma_semaphore, #tpu.memory_space<semaphore_mem>>
      %dma_start3A_163 = arith.constant 0 : i32
      %dma_start3A_164 = tpu.memref_slice %arg8[%run_scoped3A_150, %dma_start3A_163] : memref<80x128xi32, #tpu.memory_space<vmem>> -> memref<1x128xi32, #tpu.memory_space<vmem>>
      %dma_start3A_165 = tpu.memref_squeeze %dma_start3A_164 : memref<1x128xi32, #tpu.memory_space<vmem>> -> memref<128xi32, #tpu.memory_space<vmem>>
      %dma_start3A_166 = arith.constant 0 : i32
      %dma_start3A_167 = arith.constant 0 : i32
      %dma_start3A_168 = tpu.memref_slice %arg13[%dma_start3A_166, %dma_start3A_167] : memref<5024x128xf32, #tpu.memory_space<vmem_shared>> -> memref<5024x128xf32, #tpu.memory_space<vmem_shared>>
      tpu.enqueue_indirect_dma source(%arg12 : memref<128x128xf32, #tpu.memory_space<vmem>>) target(%dma_start3A_168 : memref<5024x128xf32, #tpu.memory_space<vmem_shared>>) offsets(%dma_start3A_165 : memref<128xi32, #tpu.memory_space<vmem>>) semaphore(%run_scoped3A_162 : memref<!tpu.dma_semaphore, #tpu.memory_space<semaphore_mem>>) {add = true}
      %dma_wait3A_169 = arith.constant 0 : i32
      %dma_wait3A_170 = tpu.memref_slice %arg8[%run_scoped3A_150, %dma_wait3A_169] : memref<80x128xi32, #tpu.memory_space<vmem>> -> memref<1x128xi32, #tpu.memory_space<vmem>>
      %dma_wait3A_171 = tpu.memref_squeeze %dma_wait3A_170 : memref<1x128xi32, #tpu.memory_space<vmem>> -> memref<128xi32, #tpu.memory_space<vmem>>
      %dma_wait3A_172 = arith.constant 0 : i32
      %dma_wait3A_173 = arith.constant 0 : i32
      %dma_wait3A_174 = tpu.memref_slice %arg13[%dma_wait3A_172, %dma_wait3A_173] : memref<5024x128xf32, #tpu.memory_space<vmem_shared>> -> memref<5024x128xf32, #tpu.memory_space<vmem_shared>>
      tpu.wait_indirect_dma semaphore(%run_scoped3A_162 : memref<!tpu.dma_semaphore, #tpu.memory_space<semaphore_mem>>) src(%arg12 : memref<128x128xf32, #tpu.memory_space<vmem>>) dst(%dma_wait3A_174 : memref<5024x128xf32, #tpu.memory_space<vmem_shared>>)
      tpu.yield
    }) : () -> ()
    %barrier3A_151 = arith.constant 0 : index
    tpu.barrier barrier_id(%barrier3A_151)
    %mul3A_152 = arith.constant 314 : i32
    %mul3A_153 = arith.muli %arg1, %mul3A_152 : i32
    %mul3A_154 = arith.constant 2 : i32
    %mul3A_155 = arith.muli %arg0, %mul3A_154 : i32
    %add3A_156 = arith.constant 1 : i32
    %add3A_157 = arith.addi %mul3A_155, %add3A_156 : i32
    %mul3A_158 = arith.constant 16 : i32
    %mul3A_159 = arith.muli %add3A_157, %mul3A_158 : i32
    %add3A_160 = arith.addi %mul3A_159, %arg1 : i32
    "tpu.region"() ({
      %run_scoped3A_162 = tpu.sem_alloc : memref<!tpu.dma_semaphore, #tpu.memory_space<semaphore_mem>>
      %dma_start3A_163 = arith.constant 0 : i32
      %dma_start3A_164 = arith.constant 0 : i32
      %dma_start3A_165 = tpu.memref_slice %arg6[%add3A_160, %dma_start3A_163, %dma_start3A_164] : memref<64x314x128xf32, #tpu.memory_space<hbm>> -> memref<1x314x128xf32, #tpu.memory_space<hbm>>
      %dma_start3A_166 = tpu.memref_squeeze %dma_start3A_165 : memref<1x314x128xf32, #tpu.memory_space<hbm>> -> memref<314x128xf32, #tpu.memory_space<hbm>>
      %dma_start3A_167 = arith.constant 0 : i32
      %dma_start3A_168 = tpu.memref_slice %arg13[%mul3A_153, %dma_start3A_167] : memref<5024x128xf32, #tpu.memory_space<vmem_shared>> -> memref<314x128xf32, #tpu.memory_space<vmem_shared>>
      tpu.enqueue_dma source(%dma_start3A_168 : memref<314x128xf32, #tpu.memory_space<vmem_shared>>) target(%dma_start3A_166 : memref<314x128xf32, #tpu.memory_space<hbm>>) target_semaphore(%run_scoped3A_162 : memref<!tpu.dma_semaphore, #tpu.memory_space<semaphore_mem>>)
      %dma_wait3A_169 = arith.constant 0 : i32
      %dma_wait3A_170 = arith.constant 0 : i32
      %dma_wait3A_171 = tpu.memref_slice %arg6[%add3A_160, %dma_wait3A_169, %dma_wait3A_170] : memref<64x314x128xf32, #tpu.memory_space<hbm>> -> memref<1x314x128xf32, #tpu.memory_space<hbm>>
      %dma_wait3A_172 = tpu.memref_squeeze %dma_wait3A_171 : memref<1x314x128xf32, #tpu.memory_space<hbm>> -> memref<314x128xf32, #tpu.memory_space<hbm>>
      %dma_wait3A_173 = arith.constant 0 : i32
      %dma_wait3A_174 = tpu.memref_slice %arg13[%mul3A_153, %dma_wait3A_173] : memref<5024x128xf32, #tpu.memory_space<vmem_shared>> -> memref<314x128xf32, #tpu.memory_space<vmem_shared>>
      tpu.wait_dma2 semaphore(%run_scoped3A_162 : memref<!tpu.dma_semaphore, #tpu.memory_space<semaphore_mem>>) src(%dma_wait3A_174 : memref<314x128xf32, #tpu.memory_space<vmem_shared>>) dst(%dma_wait3A_172 : memref<314x128xf32, #tpu.memory_space<hbm>>)
      tpu.yield
    }) : () -> ()
    %barrier3A_161 = arith.constant 0 : index
    tpu.barrier barrier_id(%barrier3A_161)
    return
  }
}

#map = affine_map<(d0, d1) -> (0, 0, 0)>
#map1 = affine_map<(d0, d1) -> (0)>
module attributes {stable_mosaic.version = 14 : i64} {
  func.func @_deg_body(%arg0: i32, %arg1: i32, %arg2: memref<32x80x128xi32, #tpu.memory_space<hbm>>, %arg3: memref<128xf32, #tpu.memory_space<hbm>>, %arg4: memref<16000xf32, #tpu.memory_space<hbm>>, %arg5: memref<32000xf32, #tpu.memory_space<hbm>>, %arg6: memref<80x128xi32, #tpu.memory_space<vmem>>, %arg7: memref<128xf32, #tpu.memory_space<vmem>>, %arg8: memref<1000xf32, #tpu.memory_space<vmem>>, %arg9: memref<16000xf32, #tpu.memory_space<vmem_shared>>) attributes {dimension_semantics = [#tpu.dimension_semantics<core_parallel>, #tpu.dimension_semantics<subcore_parallel>], iteration_bounds = array<i64: 2, 16>, scalar_prefetch = 0 : i64, scratch_operands = 4 : i64, tpu.core_type = #tpu.core_type<sc_vector_subcore>, window_params = [{transform_indices = #map}, {transform_indices = #map1}, {transform_indices = #map1}, {transform_indices = #map1}]} {
    %mul3A = arith.constant 16 : i32
    %mul3A_0 = arith.muli %arg0, %mul3A : i32
    %add3A = arith.addi %mul3A_0, %arg1 : i32
    "tpu.region"() ({
      %run_scoped3A = tpu.sem_alloc : memref<!tpu.dma_semaphore, #tpu.memory_space<semaphore_mem>>
      %dma_start3A = arith.constant 0 : i32
      %dma_start3A_19 = arith.constant 0 : i32
      %dma_start3A_20 = tpu.memref_slice %arg2[%add3A, %dma_start3A, %dma_start3A_19] : memref<32x80x128xi32, #tpu.memory_space<hbm>> -> memref<1x80x128xi32, #tpu.memory_space<hbm>>
      %dma_start3A_21 = tpu.memref_squeeze %dma_start3A_20 : memref<1x80x128xi32, #tpu.memory_space<hbm>> -> memref<80x128xi32, #tpu.memory_space<hbm>>
      %dma_start3A_22 = arith.constant 0 : i32
      %dma_start3A_23 = arith.constant 0 : i32
      %dma_start3A_24 = tpu.memref_slice %arg2[%add3A, %dma_start3A_22, %dma_start3A_23] : memref<32x80x128xi32, #tpu.memory_space<hbm>> -> memref<1x80x128xi32, #tpu.memory_space<hbm>>
      %dma_start3A_25 = tpu.memref_squeeze %dma_start3A_24 : memref<1x80x128xi32, #tpu.memory_space<hbm>> -> memref<80x128xi32, #tpu.memory_space<hbm>>
      tpu.enqueue_dma source(%dma_start3A_25 : memref<80x128xi32, #tpu.memory_space<hbm>>) target(%arg6 : memref<80x128xi32, #tpu.memory_space<vmem>>) target_semaphore(%run_scoped3A : memref<!tpu.dma_semaphore, #tpu.memory_space<semaphore_mem>>)
      %dma_wait3A = arith.constant 0 : i32
      %dma_wait3A_26 = arith.constant 0 : i32
      %dma_wait3A_27 = tpu.memref_slice %arg2[%add3A, %dma_wait3A, %dma_wait3A_26] : memref<32x80x128xi32, #tpu.memory_space<hbm>> -> memref<1x80x128xi32, #tpu.memory_space<hbm>>
      %dma_wait3A_28 = tpu.memref_squeeze %dma_wait3A_27 : memref<1x80x128xi32, #tpu.memory_space<hbm>> -> memref<80x128xi32, #tpu.memory_space<hbm>>
      %dma_wait3A_29 = arith.constant 0 : i32
      %dma_wait3A_30 = arith.constant 0 : i32
      %dma_wait3A_31 = tpu.memref_slice %arg2[%add3A, %dma_wait3A_29, %dma_wait3A_30] : memref<32x80x128xi32, #tpu.memory_space<hbm>> -> memref<1x80x128xi32, #tpu.memory_space<hbm>>
      %dma_wait3A_32 = tpu.memref_squeeze %dma_wait3A_31 : memref<1x80x128xi32, #tpu.memory_space<hbm>> -> memref<80x128xi32, #tpu.memory_space<hbm>>
      tpu.wait_dma2 semaphore(%run_scoped3A : memref<!tpu.dma_semaphore, #tpu.memory_space<semaphore_mem>>) src(%dma_wait3A_32 : memref<80x128xi32, #tpu.memory_space<hbm>>) dst(%arg6 : memref<80x128xi32, #tpu.memory_space<vmem>>)
      tpu.yield
    }) : () -> ()
    "tpu.region"() ({
      %run_scoped3A = tpu.sem_alloc : memref<!tpu.dma_semaphore, #tpu.memory_space<semaphore_mem>>
      tpu.enqueue_dma source(%arg3 : memref<128xf32, #tpu.memory_space<hbm>>) target(%arg7 : memref<128xf32, #tpu.memory_space<vmem>>) target_semaphore(%run_scoped3A : memref<!tpu.dma_semaphore, #tpu.memory_space<semaphore_mem>>)
      tpu.wait_dma2 semaphore(%run_scoped3A : memref<!tpu.dma_semaphore, #tpu.memory_space<semaphore_mem>>) src(%arg3 : memref<128xf32, #tpu.memory_space<hbm>>) dst(%arg7 : memref<128xf32, #tpu.memory_space<vmem>>)
      tpu.yield
    }) : () -> ()
    %mul3A_1 = arith.constant 1000 : i32
    %mul3A_2 = arith.muli %arg1, %mul3A_1 : i32
    "tpu.region"() ({
      %run_scoped3A = tpu.sem_alloc : memref<!tpu.dma_semaphore, #tpu.memory_space<semaphore_mem>>
      %dma_start3A = tpu.memref_slice %arg4[%mul3A_2] : memref<16000xf32, #tpu.memory_space<hbm>> -> memref<1000xf32, #tpu.memory_space<hbm>>
      %dma_start3A_19 = tpu.memref_slice %arg4[%mul3A_2] : memref<16000xf32, #tpu.memory_space<hbm>> -> memref<1000xf32, #tpu.memory_space<hbm>>
      tpu.enqueue_dma source(%dma_start3A_19 : memref<1000xf32, #tpu.memory_space<hbm>>) target(%arg8 : memref<1000xf32, #tpu.memory_space<vmem>>) target_semaphore(%run_scoped3A : memref<!tpu.dma_semaphore, #tpu.memory_space<semaphore_mem>>)
      %dma_wait3A = tpu.memref_slice %arg4[%mul3A_2] : memref<16000xf32, #tpu.memory_space<hbm>> -> memref<1000xf32, #tpu.memory_space<hbm>>
      %dma_wait3A_20 = tpu.memref_slice %arg4[%mul3A_2] : memref<16000xf32, #tpu.memory_space<hbm>> -> memref<1000xf32, #tpu.memory_space<hbm>>
      tpu.wait_dma2 semaphore(%run_scoped3A : memref<!tpu.dma_semaphore, #tpu.memory_space<semaphore_mem>>) src(%dma_wait3A_20 : memref<1000xf32, #tpu.memory_space<hbm>>) dst(%arg8 : memref<1000xf32, #tpu.memory_space<vmem>>)
      tpu.yield
    }) : () -> ()
    %mul3A_3 = arith.constant 1000 : i32
    %mul3A_4 = arith.muli %arg1, %mul3A_3 : i32
    "tpu.region"() ({
      %run_scoped3A = tpu.sem_alloc : memref<!tpu.dma_semaphore, #tpu.memory_space<semaphore_mem>>
      %dma_start3A = tpu.memref_slice %arg9[%mul3A_4] : memref<16000xf32, #tpu.memory_space<vmem_shared>> -> memref<1000xf32, #tpu.memory_space<vmem_shared>>
      %dma_start3A_19 = tpu.memref_slice %arg9[%mul3A_4] : memref<16000xf32, #tpu.memory_space<vmem_shared>> -> memref<1000xf32, #tpu.memory_space<vmem_shared>>
      tpu.enqueue_dma source(%arg8 : memref<1000xf32, #tpu.memory_space<vmem>>) target(%dma_start3A_19 : memref<1000xf32, #tpu.memory_space<vmem_shared>>) target_semaphore(%run_scoped3A : memref<!tpu.dma_semaphore, #tpu.memory_space<semaphore_mem>>)
      %dma_wait3A = tpu.memref_slice %arg9[%mul3A_4] : memref<16000xf32, #tpu.memory_space<vmem_shared>> -> memref<1000xf32, #tpu.memory_space<vmem_shared>>
      %dma_wait3A_20 = tpu.memref_slice %arg9[%mul3A_4] : memref<16000xf32, #tpu.memory_space<vmem_shared>> -> memref<1000xf32, #tpu.memory_space<vmem_shared>>
      tpu.wait_dma2 semaphore(%run_scoped3A : memref<!tpu.dma_semaphore, #tpu.memory_space<semaphore_mem>>) src(%arg8 : memref<1000xf32, #tpu.memory_space<vmem>>) dst(%dma_wait3A_20 : memref<1000xf32, #tpu.memory_space<vmem_shared>>)
      tpu.yield
    }) : () -> ()
    %barrier3A = arith.constant 0 : index
    tpu.barrier barrier_id(%barrier3A)
    %scan3A = arith.constant 0 : i32
    %scan3A_5 = arith.constant 0 : i32
    %scan3A_6 = arith.constant 80 : i32
    %scan3A_7 = arith.addi %scan3A_5, %scan3A_6 : i32
    %scan3A_8 = arith.constant 1 : i32
    %scan3A_9 = scf.for %scan3A_19 = %scan3A_5 to %scan3A_7 step %scan3A_8 iter_args(%scan3A_20 = %scan3A) -> (i32)  : i32 {
      "tpu.region"() ({
        %run_scoped3A = tpu.sem_alloc : memref<!tpu.dma_semaphore, #tpu.memory_space<semaphore_mem>>
        %dma_start3A = arith.constant 0 : i32
        %dma_start3A_22 = tpu.memref_slice %arg6[%scan3A_19, %dma_start3A] : memref<80x128xi32, #tpu.memory_space<vmem>> -> memref<1x128xi32, #tpu.memory_space<vmem>>
        %dma_start3A_23 = tpu.memref_squeeze %dma_start3A_22 : memref<1x128xi32, #tpu.memory_space<vmem>> -> memref<128xi32, #tpu.memory_space<vmem>>
        %dma_start3A_24 = arith.constant 0 : i32
        %dma_start3A_25 = tpu.memref_slice %arg9[%dma_start3A_24] : memref<16000xf32, #tpu.memory_space<vmem_shared>> -> memref<16000xf32, #tpu.memory_space<vmem_shared>>
        tpu.enqueue_indirect_dma source(%arg7 : memref<128xf32, #tpu.memory_space<vmem>>) target(%dma_start3A_25 : memref<16000xf32, #tpu.memory_space<vmem_shared>>) offsets(%dma_start3A_23 : memref<128xi32, #tpu.memory_space<vmem>>) semaphore(%run_scoped3A : memref<!tpu.dma_semaphore, #tpu.memory_space<semaphore_mem>>) {add = true}
        %dma_wait3A = arith.constant 0 : i32
        %dma_wait3A_26 = tpu.memref_slice %arg6[%scan3A_19, %dma_wait3A] : memref<80x128xi32, #tpu.memory_space<vmem>> -> memref<1x128xi32, #tpu.memory_space<vmem>>
        %dma_wait3A_27 = tpu.memref_squeeze %dma_wait3A_26 : memref<1x128xi32, #tpu.memory_space<vmem>> -> memref<128xi32, #tpu.memory_space<vmem>>
        %dma_wait3A_28 = arith.constant 0 : i32
        %dma_wait3A_29 = tpu.memref_slice %arg9[%dma_wait3A_28] : memref<16000xf32, #tpu.memory_space<vmem_shared>> -> memref<16000xf32, #tpu.memory_space<vmem_shared>>
        tpu.wait_indirect_dma semaphore(%run_scoped3A : memref<!tpu.dma_semaphore, #tpu.memory_space<semaphore_mem>>) src(%arg7 : memref<128xf32, #tpu.memory_space<vmem>>) dst(%dma_wait3A_29 : memref<16000xf32, #tpu.memory_space<vmem_shared>>)
        tpu.yield
      }) : () -> ()
      %scan3A_21 = arith.constant 0 : i32
      scf.yield %scan3A_21 : i32
    }
    %scan3A_10 = arith.constant 80 : i32
    %barrier3A_11 = arith.constant 0 : index
    tpu.barrier barrier_id(%barrier3A_11)
    %mul3A_12 = arith.constant 1000 : i32
    %mul3A_13 = arith.muli %arg1, %mul3A_12 : i32
    "tpu.region"() ({
      %run_scoped3A = tpu.sem_alloc : memref<!tpu.dma_semaphore, #tpu.memory_space<semaphore_mem>>
      %dma_start3A = tpu.memref_slice %arg9[%mul3A_13] : memref<16000xf32, #tpu.memory_space<vmem_shared>> -> memref<1000xf32, #tpu.memory_space<vmem_shared>>
      %dma_start3A_19 = tpu.memref_slice %arg9[%mul3A_13] : memref<16000xf32, #tpu.memory_space<vmem_shared>> -> memref<1000xf32, #tpu.memory_space<vmem_shared>>
      tpu.enqueue_dma source(%dma_start3A_19 : memref<1000xf32, #tpu.memory_space<vmem_shared>>) target(%arg8 : memref<1000xf32, #tpu.memory_space<vmem>>) target_semaphore(%run_scoped3A : memref<!tpu.dma_semaphore, #tpu.memory_space<semaphore_mem>>)
      %dma_wait3A = tpu.memref_slice %arg9[%mul3A_13] : memref<16000xf32, #tpu.memory_space<vmem_shared>> -> memref<1000xf32, #tpu.memory_space<vmem_shared>>
      %dma_wait3A_20 = tpu.memref_slice %arg9[%mul3A_13] : memref<16000xf32, #tpu.memory_space<vmem_shared>> -> memref<1000xf32, #tpu.memory_space<vmem_shared>>
      tpu.wait_dma2 semaphore(%run_scoped3A : memref<!tpu.dma_semaphore, #tpu.memory_space<semaphore_mem>>) src(%dma_wait3A_20 : memref<1000xf32, #tpu.memory_space<vmem_shared>>) dst(%arg8 : memref<1000xf32, #tpu.memory_space<vmem>>)
      tpu.yield
    }) : () -> ()
    %mul3A_14 = arith.constant 16000 : i32
    %mul3A_15 = arith.muli %arg0, %mul3A_14 : i32
    %mul3A_16 = arith.constant 1000 : i32
    %mul3A_17 = arith.muli %arg1, %mul3A_16 : i32
    %add3A_18 = arith.addi %mul3A_15, %mul3A_17 : i32
    "tpu.region"() ({
      %run_scoped3A = tpu.sem_alloc : memref<!tpu.dma_semaphore, #tpu.memory_space<semaphore_mem>>
      %dma_start3A = tpu.memref_slice %arg5[%add3A_18] : memref<32000xf32, #tpu.memory_space<hbm>> -> memref<1000xf32, #tpu.memory_space<hbm>>
      %dma_start3A_19 = tpu.memref_slice %arg5[%add3A_18] : memref<32000xf32, #tpu.memory_space<hbm>> -> memref<1000xf32, #tpu.memory_space<hbm>>
      tpu.enqueue_dma source(%arg8 : memref<1000xf32, #tpu.memory_space<vmem>>) target(%dma_start3A_19 : memref<1000xf32, #tpu.memory_space<hbm>>) target_semaphore(%run_scoped3A : memref<!tpu.dma_semaphore, #tpu.memory_space<semaphore_mem>>)
      %dma_wait3A = tpu.memref_slice %arg5[%add3A_18] : memref<32000xf32, #tpu.memory_space<hbm>> -> memref<1000xf32, #tpu.memory_space<hbm>>
      %dma_wait3A_20 = tpu.memref_slice %arg5[%add3A_18] : memref<32000xf32, #tpu.memory_space<hbm>> -> memref<1000xf32, #tpu.memory_space<hbm>>
      tpu.wait_dma2 semaphore(%run_scoped3A : memref<!tpu.dma_semaphore, #tpu.memory_space<semaphore_mem>>) src(%arg8 : memref<1000xf32, #tpu.memory_space<vmem>>) dst(%dma_wait3A_20 : memref<1000xf32, #tpu.memory_space<hbm>>)
      tpu.yield
    }) : () -> ()
    return
  }
}

#map = affine_map<(d0, d1) -> (0, 0)>
#map1 = affine_map<(d0, d1) -> (0, 0, 0)>
module attributes {stable_mosaic.version = 14 : i64} {
  func.func @_agg_body(%arg0: i32, %arg1: i32, %arg2: memref<20000x128xf32, #tpu.memory_space<hbm>>, %arg3: memref<32x80x128xi32, #tpu.memory_space<hbm>>, %arg4: memref<32x80x128xi32, #tpu.memory_space<hbm>>, %arg5: memref<16x314x128xf32, #tpu.memory_space<hbm>>, %arg6: memref<64x314x128xf32, #tpu.memory_space<hbm>>, %arg7: memref<80x128xi32, #tpu.memory_space<vmem>>, %arg8: memref<80x128xi32, #tpu.memory_space<vmem>>, %arg9: memref<128x128xf32, #tpu.memory_space<vmem>>, %arg10: memref<128x128xf32, #tpu.memory_space<vmem>>, %arg11: memref<128x128xf32, #tpu.memory_space<vmem>>, %arg12: memref<128x128xf32, #tpu.memory_space<vmem>>, %arg13: memref<5024x128xf32, #tpu.memory_space<vmem_shared>>, %arg14: memref<!tpu.dma_semaphore, #tpu.memory_space<semaphore_mem>>, %arg15: memref<!tpu.dma_semaphore, #tpu.memory_space<semaphore_mem>>) attributes {dimension_semantics = [#tpu.dimension_semantics<core_parallel>, #tpu.dimension_semantics<subcore_parallel>], iteration_bounds = array<i64: 2, 16>, scalar_prefetch = 0 : i64, scratch_operands = 9 : i64, tpu.core_type = #tpu.core_type<sc_vector_subcore>, window_params = [{transform_indices = #map}, {transform_indices = #map1}, {transform_indices = #map1}, {transform_indices = #map1}, {transform_indices = #map1}]} {
    %mul3A = arith.constant 16 : i32
    %mul3A_0 = arith.muli %arg0, %mul3A : i32
    %add3A = arith.addi %mul3A_0, %arg1 : i32
    "tpu.region"() ({
      %run_scoped3A_162 = tpu.sem_alloc : memref<!tpu.dma_semaphore, #tpu.memory_space<semaphore_mem>>
      %dma_start3A_163 = arith.constant 0 : i32
      %dma_start3A_164 = arith.constant 0 : i32
      %dma_start3A_165 = tpu.memref_slice %arg3[%add3A, %dma_start3A_163, %dma_start3A_164] : memref<32x80x128xi32, #tpu.memory_space<hbm>> -> memref<1x80x128xi32, #tpu.memory_space<hbm>>
      %dma_start3A_166 = tpu.memref_squeeze %dma_start3A_165 : memref<1x80x128xi32, #tpu.memory_space<hbm>> -> memref<80x128xi32, #tpu.memory_space<hbm>>
      %dma_start3A_167 = arith.constant 0 : i32
      %dma_start3A_168 = arith.constant 0 : i32
      %dma_start3A_169 = tpu.memref_slice %arg3[%add3A, %dma_start3A_167, %dma_start3A_168] : memref<32x80x128xi32, #tpu.memory_space<hbm>> -> memref<1x80x128xi32, #tpu.memory_space<hbm>>
      %dma_start3A_170 = tpu.memref_squeeze %dma_start3A_169 : memref<1x80x128xi32, #tpu.memory_space<hbm>> -> memref<80x128xi32, #tpu.memory_space<hbm>>
      tpu.enqueue_dma source(%dma_start3A_170 : memref<80x128xi32, #tpu.memory_space<hbm>>) target(%arg7 : memref<80x128xi32, #tpu.memory_space<vmem>>) target_semaphore(%run_scoped3A_162 : memref<!tpu.dma_semaphore, #tpu.memory_space<semaphore_mem>>)
      %dma_wait3A_171 = arith.constant 0 : i32
      %dma_wait3A_172 = arith.constant 0 : i32
      %dma_wait3A_173 = tpu.memref_slice %arg3[%add3A, %dma_wait3A_171, %dma_wait3A_172] : memref<32x80x128xi32, #tpu.memory_space<hbm>> -> memref<1x80x128xi32, #tpu.memory_space<hbm>>
      %dma_wait3A_174 = tpu.memref_squeeze %dma_wait3A_173 : memref<1x80x128xi32, #tpu.memory_space<hbm>> -> memref<80x128xi32, #tpu.memory_space<hbm>>
      %dma_wait3A_175 = arith.constant 0 : i32
      %dma_wait3A_176 = arith.constant 0 : i32
      %dma_wait3A_177 = tpu.memref_slice %arg3[%add3A, %dma_wait3A_175, %dma_wait3A_176] : memref<32x80x128xi32, #tpu.memory_space<hbm>> -> memref<1x80x128xi32, #tpu.memory_space<hbm>>
      %dma_wait3A_178 = tpu.memref_squeeze %dma_wait3A_177 : memref<1x80x128xi32, #tpu.memory_space<hbm>> -> memref<80x128xi32, #tpu.memory_space<hbm>>
      tpu.wait_dma2 semaphore(%run_scoped3A_162 : memref<!tpu.dma_semaphore, #tpu.memory_space<semaphore_mem>>) src(%dma_wait3A_178 : memref<80x128xi32, #tpu.memory_space<hbm>>) dst(%arg7 : memref<80x128xi32, #tpu.memory_space<vmem>>)
      tpu.yield
    }) : () -> ()
    %add3A_1 = arith.constant 0 : i32
    %add3A_2 = arith.addi %add3A_1, %arg1 : i32
    "tpu.region"() ({
      %run_scoped3A_162 = tpu.sem_alloc : memref<!tpu.dma_semaphore, #tpu.memory_space<semaphore_mem>>
      %dma_start3A_163 = arith.constant 0 : i32
      %dma_start3A_164 = arith.constant 0 : i32
      %dma_start3A_165 = tpu.memref_slice %arg4[%add3A_2, %dma_start3A_163, %dma_start3A_164] : memref<32x80x128xi32, #tpu.memory_space<hbm>> -> memref<1x80x128xi32, #tpu.memory_space<hbm>>
      %dma_start3A_166 = tpu.memref_squeeze %dma_start3A_165 : memref<1x80x128xi32, #tpu.memory_space<hbm>> -> memref<80x128xi32, #tpu.memory_space<hbm>>
      %dma_start3A_167 = arith.constant 0 : i32
      %dma_start3A_168 = arith.constant 0 : i32
      %dma_start3A_169 = tpu.memref_slice %arg4[%add3A_2, %dma_start3A_167, %dma_start3A_168] : memref<32x80x128xi32, #tpu.memory_space<hbm>> -> memref<1x80x128xi32, #tpu.memory_space<hbm>>
      %dma_start3A_170 = tpu.memref_squeeze %dma_start3A_169 : memref<1x80x128xi32, #tpu.memory_space<hbm>> -> memref<80x128xi32, #tpu.memory_space<hbm>>
      tpu.enqueue_dma source(%dma_start3A_170 : memref<80x128xi32, #tpu.memory_space<hbm>>) target(%arg8 : memref<80x128xi32, #tpu.memory_space<vmem>>) target_semaphore(%run_scoped3A_162 : memref<!tpu.dma_semaphore, #tpu.memory_space<semaphore_mem>>)
      %dma_wait3A_171 = arith.constant 0 : i32
      %dma_wait3A_172 = arith.constant 0 : i32
      %dma_wait3A_173 = tpu.memref_slice %arg4[%add3A_2, %dma_wait3A_171, %dma_wait3A_172] : memref<32x80x128xi32, #tpu.memory_space<hbm>> -> memref<1x80x128xi32, #tpu.memory_space<hbm>>
      %dma_wait3A_174 = tpu.memref_squeeze %dma_wait3A_173 : memref<1x80x128xi32, #tpu.memory_space<hbm>> -> memref<80x128xi32, #tpu.memory_space<hbm>>
      %dma_wait3A_175 = arith.constant 0 : i32
      %dma_wait3A_176 = arith.constant 0 : i32
      %dma_wait3A_177 = tpu.memref_slice %arg4[%add3A_2, %dma_wait3A_175, %dma_wait3A_176] : memref<32x80x128xi32, #tpu.memory_space<hbm>> -> memref<1x80x128xi32, #tpu.memory_space<hbm>>
      %dma_wait3A_178 = tpu.memref_squeeze %dma_wait3A_177 : memref<1x80x128xi32, #tpu.memory_space<hbm>> -> memref<80x128xi32, #tpu.memory_space<hbm>>
      tpu.wait_dma2 semaphore(%run_scoped3A_162 : memref<!tpu.dma_semaphore, #tpu.memory_space<semaphore_mem>>) src(%dma_wait3A_178 : memref<80x128xi32, #tpu.memory_space<hbm>>) dst(%arg8 : memref<80x128xi32, #tpu.memory_space<vmem>>)
      tpu.yield
    }) : () -> ()
    %mul3A_3 = arith.constant 314 : i32
    %mul3A_4 = arith.muli %arg1, %mul3A_3 : i32
    "tpu.region"() ({
      %run_scoped3A_162 = tpu.sem_alloc : memref<!tpu.dma_semaphore, #tpu.memory_space<semaphore_mem>>
      %dma_start3A_163 = arith.constant 0 : i32
      %dma_start3A_164 = tpu.memref_slice %arg13[%mul3A_4, %dma_start3A_163] : memref<5024x128xf32, #tpu.memory_space<vmem_shared>> -> memref<314x128xf32, #tpu.memory_space<vmem_shared>>
      %dma_start3A_165 = arith.constant 0 : i32
      %dma_start3A_166 = arith.constant 0 : i32
      %dma_start3A_167 = tpu.memref_slice %arg5[%arg1, %dma_start3A_165, %dma_start3A_166] : memref<16x314x128xf32, #tpu.memory_space<hbm>> -> memref<1x314x128xf32, #tpu.memory_space<hbm>>
      %dma_start3A_168 = tpu.memref_squeeze %dma_start3A_167 : memref<1x314x128xf32, #tpu.memory_space<hbm>> -> memref<314x128xf32, #tpu.memory_space<hbm>>
      tpu.enqueue_dma source(%dma_start3A_168 : memref<314x128xf32, #tpu.memory_space<hbm>>) target(%dma_start3A_164 : memref<314x128xf32, #tpu.memory_space<vmem_shared>>) target_semaphore(%run_scoped3A_162 : memref<!tpu.dma_semaphore, #tpu.memory_space<semaphore_mem>>)
      %dma_wait3A_169 = arith.constant 0 : i32
      %dma_wait3A_170 = tpu.memref_slice %arg13[%mul3A_4, %dma_wait3A_169] : memref<5024x128xf32, #tpu.memory_space<vmem_shared>> -> memref<314x128xf32, #tpu.memory_space<vmem_shared>>
      %dma_wait3A_171 = arith.constant 0 : i32
      %dma_wait3A_172 = arith.constant 0 : i32
      %dma_wait3A_173 = tpu.memref_slice %arg5[%arg1, %dma_wait3A_171, %dma_wait3A_172] : memref<16x314x128xf32, #tpu.memory_space<hbm>> -> memref<1x314x128xf32, #tpu.memory_space<hbm>>
      %dma_wait3A_174 = tpu.memref_squeeze %dma_wait3A_173 : memref<1x314x128xf32, #tpu.memory_space<hbm>> -> memref<314x128xf32, #tpu.memory_space<hbm>>
      tpu.wait_dma2 semaphore(%run_scoped3A_162 : memref<!tpu.dma_semaphore, #tpu.memory_space<semaphore_mem>>) src(%dma_wait3A_174 : memref<314x128xf32, #tpu.memory_space<hbm>>) dst(%dma_wait3A_170 : memref<314x128xf32, #tpu.memory_space<vmem_shared>>)
      tpu.yield
    }) : () -> ()
    %barrier3A = arith.constant 0 : index
    tpu.barrier barrier_id(%barrier3A)
    %dma_start3A = arith.constant 0 : i32
    %dma_start3A_5 = arith.constant 0 : i32
    %dma_start3A_6 = tpu.memref_slice %arg7[%dma_start3A, %dma_start3A_5] : memref<80x128xi32, #tpu.memory_space<vmem>> -> memref<1x128xi32, #tpu.memory_space<vmem>>
    %dma_start3A_7 = tpu.memref_squeeze %dma_start3A_6 : memref<1x128xi32, #tpu.memory_space<vmem>> -> memref<128xi32, #tpu.memory_space<vmem>>
    %dma_start3A_8 = arith.constant 0 : i32
    %dma_start3A_9 = arith.constant 0 : i32
    %dma_start3A_10 = tpu.memref_slice %arg2[%dma_start3A_8, %dma_start3A_9] : memref<20000x128xf32, #tpu.memory_space<hbm>> -> memref<20000x128xf32, #tpu.memory_space<hbm>>
    tpu.enqueue_indirect_dma source(%dma_start3A_10 : memref<20000x128xf32, #tpu.memory_space<hbm>>) target(%arg9 : memref<128x128xf32, #tpu.memory_space<vmem>>) offsets(%dma_start3A_7 : memref<128xi32, #tpu.memory_space<vmem>>) semaphore(%arg14 : memref<!tpu.dma_semaphore, #tpu.memory_space<semaphore_mem>>)
    %dma_start3A_11 = arith.constant 1 : i32
    %dma_start3A_12 = arith.constant 0 : i32
    %dma_start3A_13 = tpu.memref_slice %arg7[%dma_start3A_11, %dma_start3A_12] : memref<80x128xi32, #tpu.memory_space<vmem>> -> memref<1x128xi32, #tpu.memory_space<vmem>>
    %dma_start3A_14 = tpu.memref_squeeze %dma_start3A_13 : memref<1x128xi32, #tpu.memory_space<vmem>> -> memref<128xi32, #tpu.memory_space<vmem>>
    %dma_start3A_15 = arith.constant 0 : i32
    %dma_start3A_16 = arith.constant 0 : i32
    %dma_start3A_17 = tpu.memref_slice %arg2[%dma_start3A_15, %dma_start3A_16] : memref<20000x128xf32, #tpu.memory_space<hbm>> -> memref<20000x128xf32, #tpu.memory_space<hbm>>
    tpu.enqueue_indirect_dma source(%dma_start3A_17 : memref<20000x128xf32, #tpu.memory_space<hbm>>) target(%arg10 : memref<128x128xf32, #tpu.memory_space<vmem>>) offsets(%dma_start3A_14 : memref<128xi32, #tpu.memory_space<vmem>>) semaphore(%arg14 : memref<!tpu.dma_semaphore, #tpu.memory_space<semaphore_mem>>)
    %scan3A = arith.constant 0 : i32
    %scan3A_18 = arith.constant 0 : i32
    %scan3A_19 = arith.constant 19 : i32
    %scan3A_20 = arith.addi %scan3A_18, %scan3A_19 : i32
    %scan3A_21 = arith.constant 1 : i32
    %scan3A_22 = scf.for %scan3A_162 = %scan3A_18 to %scan3A_20 step %scan3A_21 iter_args(%scan3A_163 = %scan3A) -> (i32)  : i32 {
      %mul3A_164 = arith.constant 2 : i32
      %mul3A_165 = arith.muli %mul3A_164, %scan3A_162 : i32
      %add3A_166 = arith.constant 1 : i32
      %add3A_167 = arith.addi %mul3A_165, %add3A_166 : i32
      %mul3A_168 = arith.constant 2 : i32
      %mul3A_169 = arith.muli %add3A_167, %mul3A_168 : i32
      %add3A_170 = arith.constant 0 : i32
      %add3A_171 = arith.addi %mul3A_169, %add3A_170 : i32
      %dma_start3A_172 = arith.constant 0 : i32
      %dma_start3A_173 = tpu.memref_slice %arg7[%add3A_171, %dma_start3A_172] : memref<80x128xi32, #tpu.memory_space<vmem>> -> memref<1x128xi32, #tpu.memory_space<vmem>>
      %dma_start3A_174 = tpu.memref_squeeze %dma_start3A_173 : memref<1x128xi32, #tpu.memory_space<vmem>> -> memref<128xi32, #tpu.memory_space<vmem>>
      %dma_start3A_175 = arith.constant 0 : i32
      %dma_start3A_176 = arith.constant 0 : i32
      %dma_start3A_177 = tpu.memref_slice %arg2[%dma_start3A_175, %dma_start3A_176] : memref<20000x128xf32, #tpu.memory_space<hbm>> -> memref<20000x128xf32, #tpu.memory_space<hbm>>
      tpu.enqueue_indirect_dma source(%dma_start3A_177 : memref<20000x128xf32, #tpu.memory_space<hbm>>) target(%arg11 : memref<128x128xf32, #tpu.memory_space<vmem>>) offsets(%dma_start3A_174 : memref<128xi32, #tpu.memory_space<vmem>>) semaphore(%arg15 : memref<!tpu.dma_semaphore, #tpu.memory_space<semaphore_mem>>)
      %mul3A_178 = arith.constant 2 : i32
      %mul3A_179 = arith.muli %add3A_167, %mul3A_178 : i32
      %add3A_180 = arith.constant 1 : i32
      %add3A_181 = arith.addi %mul3A_179, %add3A_180 : i32
      %dma_start3A_182 = arith.constant 0 : i32
      %dma_start3A_183 = tpu.memref_slice %arg7[%add3A_181, %dma_start3A_182] : memref<80x128xi32, #tpu.memory_space<vmem>> -> memref<1x128xi32, #tpu.memory_space<vmem>>
      %dma_start3A_184 = tpu.memref_squeeze %dma_start3A_183 : memref<1x128xi32, #tpu.memory_space<vmem>> -> memref<128xi32, #tpu.memory_space<vmem>>
      %dma_start3A_185 = arith.constant 0 : i32
      %dma_start3A_186 = arith.constant 0 : i32
      %dma_start3A_187 = tpu.memref_slice %arg2[%dma_start3A_185, %dma_start3A_186] : memref<20000x128xf32, #tpu.memory_space<hbm>> -> memref<20000x128xf32, #tpu.memory_space<hbm>>
      tpu.enqueue_indirect_dma source(%dma_start3A_187 : memref<20000x128xf32, #tpu.memory_space<hbm>>) target(%arg12 : memref<128x128xf32, #tpu.memory_space<vmem>>) offsets(%dma_start3A_184 : memref<128xi32, #tpu.memory_space<vmem>>) semaphore(%arg15 : memref<!tpu.dma_semaphore, #tpu.memory_space<semaphore_mem>>)
      %mul3A_188 = arith.constant 2 : i32
      %mul3A_189 = arith.muli %mul3A_165, %mul3A_188 : i32
      %add3A_190 = arith.constant 0 : i32
      %add3A_191 = arith.addi %mul3A_189, %add3A_190 : i32
      %dma_wait3A_192 = arith.constant 0 : i32
      %dma_wait3A_193 = tpu.memref_slice %arg7[%add3A_191, %dma_wait3A_192] : memref<80x128xi32, #tpu.memory_space<vmem>> -> memref<1x128xi32, #tpu.memory_space<vmem>>
      %dma_wait3A_194 = tpu.memref_squeeze %dma_wait3A_193 : memref<1x128xi32, #tpu.memory_space<vmem>> -> memref<128xi32, #tpu.memory_space<vmem>>
      %dma_wait3A_195 = arith.constant 0 : i32
      %dma_wait3A_196 = arith.constant 0 : i32
      %dma_wait3A_197 = tpu.memref_slice %arg2[%dma_wait3A_195, %dma_wait3A_196] : memref<20000x128xf32, #tpu.memory_space<hbm>> -> memref<20000x128xf32, #tpu.memory_space<hbm>>
      tpu.wait_indirect_dma semaphore(%arg14 : memref<!tpu.dma_semaphore, #tpu.memory_space<semaphore_mem>>) src(%dma_wait3A_197 : memref<20000x128xf32, #tpu.memory_space<hbm>>) dst(%arg9 : memref<128x128xf32, #tpu.memory_space<vmem>>)
      %mul3A_198 = arith.constant 2 : i32
      %mul3A_199 = arith.muli %mul3A_165, %mul3A_198 : i32
      %add3A_200 = arith.constant 1 : i32
      %add3A_201 = arith.addi %mul3A_199, %add3A_200 : i32
      %dma_wait3A_202 = arith.constant 0 : i32
      %dma_wait3A_203 = tpu.memref_slice %arg7[%add3A_201, %dma_wait3A_202] : memref<80x128xi32, #tpu.memory_space<vmem>> -> memref<1x128xi32, #tpu.memory_space<vmem>>
      %dma_wait3A_204 = tpu.memref_squeeze %dma_wait3A_203 : memref<1x128xi32, #tpu.memory_space<vmem>> -> memref<128xi32, #tpu.memory_space<vmem>>
      %dma_wait3A_205 = arith.constant 0 : i32
      %dma_wait3A_206 = arith.constant 0 : i32
      %dma_wait3A_207 = tpu.memref_slice %arg2[%dma_wait3A_205, %dma_wait3A_206] : memref<20000x128xf32, #tpu.memory_space<hbm>> -> memref<20000x128xf32, #tpu.memory_space<hbm>>
      tpu.wait_indirect_dma semaphore(%arg14 : memref<!tpu.dma_semaphore, #tpu.memory_space<semaphore_mem>>) src(%dma_wait3A_207 : memref<20000x128xf32, #tpu.memory_space<hbm>>) dst(%arg10 : memref<128x128xf32, #tpu.memory_space<vmem>>)
      %mul3A_208 = arith.constant 2 : i32
      %mul3A_209 = arith.muli %mul3A_165, %mul3A_208 : i32
      %add3A_210 = arith.constant 0 : i32
      %add3A_211 = arith.addi %mul3A_209, %add3A_210 : i32
      "tpu.region"() ({
        %run_scoped3A_269 = tpu.sem_alloc : memref<!tpu.dma_semaphore, #tpu.memory_space<semaphore_mem>>
        %dma_start3A_270 = arith.constant 0 : i32
        %dma_start3A_271 = tpu.memref_slice %arg8[%add3A_211, %dma_start3A_270] : memref<80x128xi32, #tpu.memory_space<vmem>> -> memref<1x128xi32, #tpu.memory_space<vmem>>
        %dma_start3A_272 = tpu.memref_squeeze %dma_start3A_271 : memref<1x128xi32, #tpu.memory_space<vmem>> -> memref<128xi32, #tpu.memory_space<vmem>>
        %dma_start3A_273 = arith.constant 0 : i32
        %dma_start3A_274 = arith.constant 0 : i32
        %dma_start3A_275 = tpu.memref_slice %arg13[%dma_start3A_273, %dma_start3A_274] : memref<5024x128xf32, #tpu.memory_space<vmem_shared>> -> memref<5024x128xf32, #tpu.memory_space<vmem_shared>>
        tpu.enqueue_indirect_dma source(%arg9 : memref<128x128xf32, #tpu.memory_space<vmem>>) target(%dma_start3A_275 : memref<5024x128xf32, #tpu.memory_space<vmem_shared>>) offsets(%dma_start3A_272 : memref<128xi32, #tpu.memory_space<vmem>>) semaphore(%run_scoped3A_269 : memref<!tpu.dma_semaphore, #tpu.memory_space<semaphore_mem>>) {add = true}
        %dma_wait3A_276 = arith.constant 0 : i32
        %dma_wait3A_277 = tpu.memref_slice %arg8[%add3A_211, %dma_wait3A_276] : memref<80x128xi32, #tpu.memory_space<vmem>> -> memref<1x128xi32, #tpu.memory_space<vmem>>
        %dma_wait3A_278 = tpu.memref_squeeze %dma_wait3A_277 : memref<1x128xi32, #tpu.memory_space<vmem>> -> memref<128xi32, #tpu.memory_space<vmem>>
        %dma_wait3A_279 = arith.constant 0 : i32
        %dma_wait3A_280 = arith.constant 0 : i32
        %dma_wait3A_281 = tpu.memref_slice %arg13[%dma_wait3A_279, %dma_wait3A_280] : memref<5024x128xf32, #tpu.memory_space<vmem_shared>> -> memref<5024x128xf32, #tpu.memory_space<vmem_shared>>
        tpu.wait_indirect_dma semaphore(%run_scoped3A_269 : memref<!tpu.dma_semaphore, #tpu.memory_space<semaphore_mem>>) src(%arg9 : memref<128x128xf32, #tpu.memory_space<vmem>>) dst(%dma_wait3A_281 : memref<5024x128xf32, #tpu.memory_space<vmem_shared>>)
        tpu.yield
      }) : () -> ()
      %mul3A_212 = arith.constant 2 : i32
      %mul3A_213 = arith.muli %mul3A_165, %mul3A_212 : i32
      %add3A_214 = arith.constant 1 : i32
      %add3A_215 = arith.addi %mul3A_213, %add3A_214 : i32
      "tpu.region"() ({
        %run_scoped3A_269 = tpu.sem_alloc : memref<!tpu.dma_semaphore, #tpu.memory_space<semaphore_mem>>
        %dma_start3A_270 = arith.constant 0 : i32
        %dma_start3A_271 = tpu.memref_slice %arg8[%add3A_215, %dma_start3A_270] : memref<80x128xi32, #tpu.memory_space<vmem>> -> memref<1x128xi32, #tpu.memory_space<vmem>>
        %dma_start3A_272 = tpu.memref_squeeze %dma_start3A_271 : memref<1x128xi32, #tpu.memory_space<vmem>> -> memref<128xi32, #tpu.memory_space<vmem>>
        %dma_start3A_273 = arith.constant 0 : i32
        %dma_start3A_274 = arith.constant 0 : i32
        %dma_start3A_275 = tpu.memref_slice %arg13[%dma_start3A_273, %dma_start3A_274] : memref<5024x128xf32, #tpu.memory_space<vmem_shared>> -> memref<5024x128xf32, #tpu.memory_space<vmem_shared>>
        tpu.enqueue_indirect_dma source(%arg10 : memref<128x128xf32, #tpu.memory_space<vmem>>) target(%dma_start3A_275 : memref<5024x128xf32, #tpu.memory_space<vmem_shared>>) offsets(%dma_start3A_272 : memref<128xi32, #tpu.memory_space<vmem>>) semaphore(%run_scoped3A_269 : memref<!tpu.dma_semaphore, #tpu.memory_space<semaphore_mem>>) {add = true}
        %dma_wait3A_276 = arith.constant 0 : i32
        %dma_wait3A_277 = tpu.memref_slice %arg8[%add3A_215, %dma_wait3A_276] : memref<80x128xi32, #tpu.memory_space<vmem>> -> memref<1x128xi32, #tpu.memory_space<vmem>>
        %dma_wait3A_278 = tpu.memref_squeeze %dma_wait3A_277 : memref<1x128xi32, #tpu.memory_space<vmem>> -> memref<128xi32, #tpu.memory_space<vmem>>
        %dma_wait3A_279 = arith.constant 0 : i32
        %dma_wait3A_280 = arith.constant 0 : i32
        %dma_wait3A_281 = tpu.memref_slice %arg13[%dma_wait3A_279, %dma_wait3A_280] : memref<5024x128xf32, #tpu.memory_space<vmem_shared>> -> memref<5024x128xf32, #tpu.memory_space<vmem_shared>>
        tpu.wait_indirect_dma semaphore(%run_scoped3A_269 : memref<!tpu.dma_semaphore, #tpu.memory_space<semaphore_mem>>) src(%arg10 : memref<128x128xf32, #tpu.memory_space<vmem>>) dst(%dma_wait3A_281 : memref<5024x128xf32, #tpu.memory_space<vmem_shared>>)
        tpu.yield
      }) : () -> ()
      %add3A_216 = arith.constant 2 : i32
      %add3A_217 = arith.addi %mul3A_165, %add3A_216 : i32
      %mul3A_218 = arith.constant 2 : i32
      %mul3A_219 = arith.muli %add3A_217, %mul3A_218 : i32
      %add3A_220 = arith.constant 0 : i32
      %add3A_221 = arith.addi %mul3A_219, %add3A_220 : i32
      %dma_start3A_222 = arith.constant 0 : i32
      %dma_start3A_223 = tpu.memref_slice %arg7[%add3A_221, %dma_start3A_222] : memref<80x128xi32, #tpu.memory_space<vmem>> -> memref<1x128xi32, #tpu.memory_space<vmem>>
      %dma_start3A_224 = tpu.memref_squeeze %dma_start3A_223 : memref<1x128xi32, #tpu.memory_space<vmem>> -> memref<128xi32, #tpu.memory_space<vmem>>
      %dma_start3A_225 = arith.constant 0 : i32
      %dma_start3A_226 = arith.constant 0 : i32
      %dma_start3A_227 = tpu.memref_slice %arg2[%dma_start3A_225, %dma_start3A_226] : memref<20000x128xf32, #tpu.memory_space<hbm>> -> memref<20000x128xf32, #tpu.memory_space<hbm>>
      tpu.enqueue_indirect_dma source(%dma_start3A_227 : memref<20000x128xf32, #tpu.memory_space<hbm>>) target(%arg9 : memref<128x128xf32, #tpu.memory_space<vmem>>) offsets(%dma_start3A_224 : memref<128xi32, #tpu.memory_space<vmem>>) semaphore(%arg14 : memref<!tpu.dma_semaphore, #tpu.memory_space<semaphore_mem>>)
      %mul3A_228 = arith.constant 2 : i32
      %mul3A_229 = arith.muli %add3A_217, %mul3A_228 : i32
      %add3A_230 = arith.constant 1 : i32
      %add3A_231 = arith.addi %mul3A_229, %add3A_230 : i32
      %dma_start3A_232 = arith.constant 0 : i32
      %dma_start3A_233 = tpu.memref_slice %arg7[%add3A_231, %dma_start3A_232] : memref<80x128xi32, #tpu.memory_space<vmem>> -> memref<1x128xi32, #tpu.memory_space<vmem>>
      %dma_start3A_234 = tpu.memref_squeeze %dma_start3A_233 : memref<1x128xi32, #tpu.memory_space<vmem>> -> memref<128xi32, #tpu.memory_space<vmem>>
      %dma_start3A_235 = arith.constant 0 : i32
      %dma_start3A_236 = arith.constant 0 : i32
      %dma_start3A_237 = tpu.memref_slice %arg2[%dma_start3A_235, %dma_start3A_236] : memref<20000x128xf32, #tpu.memory_space<hbm>> -> memref<20000x128xf32, #tpu.memory_space<hbm>>
      tpu.enqueue_indirect_dma source(%dma_start3A_237 : memref<20000x128xf32, #tpu.memory_space<hbm>>) target(%arg10 : memref<128x128xf32, #tpu.memory_space<vmem>>) offsets(%dma_start3A_234 : memref<128xi32, #tpu.memory_space<vmem>>) semaphore(%arg14 : memref<!tpu.dma_semaphore, #tpu.memory_space<semaphore_mem>>)
      %add3A_238 = arith.constant 1 : i32
      %add3A_239 = arith.addi %mul3A_165, %add3A_238 : i32
      %mul3A_240 = arith.constant 2 : i32
      %mul3A_241 = arith.muli %add3A_239, %mul3A_240 : i32
      %add3A_242 = arith.constant 0 : i32
      %add3A_243 = arith.addi %mul3A_241, %add3A_242 : i32
      %dma_wait3A_244 = arith.constant 0 : i32
      %dma_wait3A_245 = tpu.memref_slice %arg7[%add3A_243, %dma_wait3A_244] : memref<80x128xi32, #tpu.memory_space<vmem>> -> memref<1x128xi32, #tpu.memory_space<vmem>>
      %dma_wait3A_246 = tpu.memref_squeeze %dma_wait3A_245 : memref<1x128xi32, #tpu.memory_space<vmem>> -> memref<128xi32, #tpu.memory_space<vmem>>
      %dma_wait3A_247 = arith.constant 0 : i32
      %dma_wait3A_248 = arith.constant 0 : i32
      %dma_wait3A_249 = tpu.memref_slice %arg2[%dma_wait3A_247, %dma_wait3A_248] : memref<20000x128xf32, #tpu.memory_space<hbm>> -> memref<20000x128xf32, #tpu.memory_space<hbm>>
      tpu.wait_indirect_dma semaphore(%arg15 : memref<!tpu.dma_semaphore, #tpu.memory_space<semaphore_mem>>) src(%dma_wait3A_249 : memref<20000x128xf32, #tpu.memory_space<hbm>>) dst(%arg11 : memref<128x128xf32, #tpu.memory_space<vmem>>)
      %mul3A_250 = arith.constant 2 : i32
      %mul3A_251 = arith.muli %add3A_239, %mul3A_250 : i32
      %add3A_252 = arith.constant 1 : i32
      %add3A_253 = arith.addi %mul3A_251, %add3A_252 : i32
      %dma_wait3A_254 = arith.constant 0 : i32
      %dma_wait3A_255 = tpu.memref_slice %arg7[%add3A_253, %dma_wait3A_254] : memref<80x128xi32, #tpu.memory_space<vmem>> -> memref<1x128xi32, #tpu.memory_space<vmem>>
      %dma_wait3A_256 = tpu.memref_squeeze %dma_wait3A_255 : memref<1x128xi32, #tpu.memory_space<vmem>> -> memref<128xi32, #tpu.memory_space<vmem>>
      %dma_wait3A_257 = arith.constant 0 : i32
      %dma_wait3A_258 = arith.constant 0 : i32
      %dma_wait3A_259 = tpu.memref_slice %arg2[%dma_wait3A_257, %dma_wait3A_258] : memref<20000x128xf32, #tpu.memory_space<hbm>> -> memref<20000x128xf32, #tpu.memory_space<hbm>>
      tpu.wait_indirect_dma semaphore(%arg15 : memref<!tpu.dma_semaphore, #tpu.memory_space<semaphore_mem>>) src(%dma_wait3A_259 : memref<20000x128xf32, #tpu.memory_space<hbm>>) dst(%arg12 : memref<128x128xf32, #tpu.memory_space<vmem>>)
      %mul3A_260 = arith.constant 2 : i32
      %mul3A_261 = arith.muli %add3A_239, %mul3A_260 : i32
      %add3A_262 = arith.constant 0 : i32
      %add3A_263 = arith.addi %mul3A_261, %add3A_262 : i32
      "tpu.region"() ({
        %run_scoped3A_269 = tpu.sem_alloc : memref<!tpu.dma_semaphore, #tpu.memory_space<semaphore_mem>>
        %dma_start3A_270 = arith.constant 0 : i32
        %dma_start3A_271 = tpu.memref_slice %arg8[%add3A_263, %dma_start3A_270] : memref<80x128xi32, #tpu.memory_space<vmem>> -> memref<1x128xi32, #tpu.memory_space<vmem>>
        %dma_start3A_272 = tpu.memref_squeeze %dma_start3A_271 : memref<1x128xi32, #tpu.memory_space<vmem>> -> memref<128xi32, #tpu.memory_space<vmem>>
        %dma_start3A_273 = arith.constant 0 : i32
        %dma_start3A_274 = arith.constant 0 : i32
        %dma_start3A_275 = tpu.memref_slice %arg13[%dma_start3A_273, %dma_start3A_274] : memref<5024x128xf32, #tpu.memory_space<vmem_shared>> -> memref<5024x128xf32, #tpu.memory_space<vmem_shared>>
        tpu.enqueue_indirect_dma source(%arg11 : memref<128x128xf32, #tpu.memory_space<vmem>>) target(%dma_start3A_275 : memref<5024x128xf32, #tpu.memory_space<vmem_shared>>) offsets(%dma_start3A_272 : memref<128xi32, #tpu.memory_space<vmem>>) semaphore(%run_scoped3A_269 : memref<!tpu.dma_semaphore, #tpu.memory_space<semaphore_mem>>) {add = true}
        %dma_wait3A_276 = arith.constant 0 : i32
        %dma_wait3A_277 = tpu.memref_slice %arg8[%add3A_263, %dma_wait3A_276] : memref<80x128xi32, #tpu.memory_space<vmem>> -> memref<1x128xi32, #tpu.memory_space<vmem>>
        %dma_wait3A_278 = tpu.memref_squeeze %dma_wait3A_277 : memref<1x128xi32, #tpu.memory_space<vmem>> -> memref<128xi32, #tpu.memory_space<vmem>>
        %dma_wait3A_279 = arith.constant 0 : i32
        %dma_wait3A_280 = arith.constant 0 : i32
        %dma_wait3A_281 = tpu.memref_slice %arg13[%dma_wait3A_279, %dma_wait3A_280] : memref<5024x128xf32, #tpu.memory_space<vmem_shared>> -> memref<5024x128xf32, #tpu.memory_space<vmem_shared>>
        tpu.wait_indirect_dma semaphore(%run_scoped3A_269 : memref<!tpu.dma_semaphore, #tpu.memory_space<semaphore_mem>>) src(%arg11 : memref<128x128xf32, #tpu.memory_space<vmem>>) dst(%dma_wait3A_281 : memref<5024x128xf32, #tpu.memory_space<vmem_shared>>)
        tpu.yield
      }) : () -> ()
      %mul3A_264 = arith.constant 2 : i32
      %mul3A_265 = arith.muli %add3A_239, %mul3A_264 : i32
      %add3A_266 = arith.constant 1 : i32
      %add3A_267 = arith.addi %mul3A_265, %add3A_266 : i32
      "tpu.region"() ({
        %run_scoped3A_269 = tpu.sem_alloc : memref<!tpu.dma_semaphore, #tpu.memory_space<semaphore_mem>>
        %dma_start3A_270 = arith.constant 0 : i32
        %dma_start3A_271 = tpu.memref_slice %arg8[%add3A_267, %dma_start3A_270] : memref<80x128xi32, #tpu.memory_space<vmem>> -> memref<1x128xi32, #tpu.memory_space<vmem>>
        %dma_start3A_272 = tpu.memref_squeeze %dma_start3A_271 : memref<1x128xi32, #tpu.memory_space<vmem>> -> memref<128xi32, #tpu.memory_space<vmem>>
        %dma_start3A_273 = arith.constant 0 : i32
        %dma_start3A_274 = arith.constant 0 : i32
        %dma_start3A_275 = tpu.memref_slice %arg13[%dma_start3A_273, %dma_start3A_274] : memref<5024x128xf32, #tpu.memory_space<vmem_shared>> -> memref<5024x128xf32, #tpu.memory_space<vmem_shared>>
        tpu.enqueue_indirect_dma source(%arg12 : memref<128x128xf32, #tpu.memory_space<vmem>>) target(%dma_start3A_275 : memref<5024x128xf32, #tpu.memory_space<vmem_shared>>) offsets(%dma_start3A_272 : memref<128xi32, #tpu.memory_space<vmem>>) semaphore(%run_scoped3A_269 : memref<!tpu.dma_semaphore, #tpu.memory_space<semaphore_mem>>) {add = true}
        %dma_wait3A_276 = arith.constant 0 : i32
        %dma_wait3A_277 = tpu.memref_slice %arg8[%add3A_267, %dma_wait3A_276] : memref<80x128xi32, #tpu.memory_space<vmem>> -> memref<1x128xi32, #tpu.memory_space<vmem>>
        %dma_wait3A_278 = tpu.memref_squeeze %dma_wait3A_277 : memref<1x128xi32, #tpu.memory_space<vmem>> -> memref<128xi32, #tpu.memory_space<vmem>>
        %dma_wait3A_279 = arith.constant 0 : i32
        %dma_wait3A_280 = arith.constant 0 : i32
        %dma_wait3A_281 = tpu.memref_slice %arg13[%dma_wait3A_279, %dma_wait3A_280] : memref<5024x128xf32, #tpu.memory_space<vmem_shared>> -> memref<5024x128xf32, #tpu.memory_space<vmem_shared>>
        tpu.wait_indirect_dma semaphore(%run_scoped3A_269 : memref<!tpu.dma_semaphore, #tpu.memory_space<semaphore_mem>>) src(%arg12 : memref<128x128xf32, #tpu.memory_space<vmem>>) dst(%dma_wait3A_281 : memref<5024x128xf32, #tpu.memory_space<vmem_shared>>)
        tpu.yield
      }) : () -> ()
      %scan3A_268 = arith.constant 0 : i32
      scf.yield %scan3A_268 : i32
    }
    %scan3A_23 = arith.constant 19 : i32
    %dma_start3A_24 = arith.constant 78 : i32
    %dma_start3A_25 = arith.constant 0 : i32
    %dma_start3A_26 = tpu.memref_slice %arg7[%dma_start3A_24, %dma_start3A_25] : memref<80x128xi32, #tpu.memory_space<vmem>> -> memref<1x128xi32, #tpu.memory_space<vmem>>
    %dma_start3A_27 = tpu.memref_squeeze %dma_start3A_26 : memref<1x128xi32, #tpu.memory_space<vmem>> -> memref<128xi32, #tpu.memory_space<vmem>>
    %dma_start3A_28 = arith.constant 0 : i32
    %dma_start3A_29 = arith.constant 0 : i32
    %dma_start3A_30 = tpu.memref_slice %arg2[%dma_start3A_28, %dma_start3A_29] : memref<20000x128xf32, #tpu.memory_space<hbm>> -> memref<20000x128xf32, #tpu.memory_space<hbm>>
    tpu.enqueue_indirect_dma source(%dma_start3A_30 : memref<20000x128xf32, #tpu.memory_space<hbm>>) target(%arg11 : memref<128x128xf32, #tpu.memory_space<vmem>>) offsets(%dma_start3A_27 : memref<128xi32, #tpu.memory_space<vmem>>) semaphore(%arg15 : memref<!tpu.dma_semaphore, #tpu.memory_space<semaphore_mem>>)
    %dma_start3A_31 = arith.constant 79 : i32
    %dma_start3A_32 = arith.constant 0 : i32
    %dma_start3A_33 = tpu.memref_slice %arg7[%dma_start3A_31, %dma_start3A_32] : memref<80x128xi32, #tpu.memory_space<vmem>> -> memref<1x128xi32, #tpu.memory_space<vmem>>
    %dma_start3A_34 = tpu.memref_squeeze %dma_start3A_33 : memref<1x128xi32, #tpu.memory_space<vmem>> -> memref<128xi32, #tpu.memory_space<vmem>>
    %dma_start3A_35 = arith.constant 0 : i32
    %dma_start3A_36 = arith.constant 0 : i32
    %dma_start3A_37 = tpu.memref_slice %arg2[%dma_start3A_35, %dma_start3A_36] : memref<20000x128xf32, #tpu.memory_space<hbm>> -> memref<20000x128xf32, #tpu.memory_space<hbm>>
    tpu.enqueue_indirect_dma source(%dma_start3A_37 : memref<20000x128xf32, #tpu.memory_space<hbm>>) target(%arg12 : memref<128x128xf32, #tpu.memory_space<vmem>>) offsets(%dma_start3A_34 : memref<128xi32, #tpu.memory_space<vmem>>) semaphore(%arg15 : memref<!tpu.dma_semaphore, #tpu.memory_space<semaphore_mem>>)
    %dma_wait3A = arith.constant 76 : i32
    %dma_wait3A_38 = arith.constant 0 : i32
    %dma_wait3A_39 = tpu.memref_slice %arg7[%dma_wait3A, %dma_wait3A_38] : memref<80x128xi32, #tpu.memory_space<vmem>> -> memref<1x128xi32, #tpu.memory_space<vmem>>
    %dma_wait3A_40 = tpu.memref_squeeze %dma_wait3A_39 : memref<1x128xi32, #tpu.memory_space<vmem>> -> memref<128xi32, #tpu.memory_space<vmem>>
    %dma_wait3A_41 = arith.constant 0 : i32
    %dma_wait3A_42 = arith.constant 0 : i32
    %dma_wait3A_43 = tpu.memref_slice %arg2[%dma_wait3A_41, %dma_wait3A_42] : memref<20000x128xf32, #tpu.memory_space<hbm>> -> memref<20000x128xf32, #tpu.memory_space<hbm>>
    tpu.wait_indirect_dma semaphore(%arg14 : memref<!tpu.dma_semaphore, #tpu.memory_space<semaphore_mem>>) src(%dma_wait3A_43 : memref<20000x128xf32, #tpu.memory_space<hbm>>) dst(%arg9 : memref<128x128xf32, #tpu.memory_space<vmem>>)
    %dma_wait3A_44 = arith.constant 77 : i32
    %dma_wait3A_45 = arith.constant 0 : i32
    %dma_wait3A_46 = tpu.memref_slice %arg7[%dma_wait3A_44, %dma_wait3A_45] : memref<80x128xi32, #tpu.memory_space<vmem>> -> memref<1x128xi32, #tpu.memory_space<vmem>>
    %dma_wait3A_47 = tpu.memref_squeeze %dma_wait3A_46 : memref<1x128xi32, #tpu.memory_space<vmem>> -> memref<128xi32, #tpu.memory_space<vmem>>
    %dma_wait3A_48 = arith.constant 0 : i32
    %dma_wait3A_49 = arith.constant 0 : i32
    %dma_wait3A_50 = tpu.memref_slice %arg2[%dma_wait3A_48, %dma_wait3A_49] : memref<20000x128xf32, #tpu.memory_space<hbm>> -> memref<20000x128xf32, #tpu.memory_space<hbm>>
    tpu.wait_indirect_dma semaphore(%arg14 : memref<!tpu.dma_semaphore, #tpu.memory_space<semaphore_mem>>) src(%dma_wait3A_50 : memref<20000x128xf32, #tpu.memory_space<hbm>>) dst(%arg10 : memref<128x128xf32, #tpu.memory_space<vmem>>)
    %run_scoped3A = arith.constant 76 : i32
    "tpu.region"() ({
      %run_scoped3A_162 = tpu.sem_alloc : memref<!tpu.dma_semaphore, #tpu.memory_space<semaphore_mem>>
      %dma_start3A_163 = arith.constant 0 : i32
      %dma_start3A_164 = tpu.memref_slice %arg8[%run_scoped3A, %dma_start3A_163] : memref<80x128xi32, #tpu.memory_space<vmem>> -> memref<1x128xi32, #tpu.memory_space<vmem>>
      %dma_start3A_165 = tpu.memref_squeeze %dma_start3A_164 : memref<1x128xi32, #tpu.memory_space<vmem>> -> memref<128xi32, #tpu.memory_space<vmem>>
      %dma_start3A_166 = arith.constant 0 : i32
      %dma_start3A_167 = arith.constant 0 : i32
      %dma_start3A_168 = tpu.memref_slice %arg13[%dma_start3A_166, %dma_start3A_167] : memref<5024x128xf32, #tpu.memory_space<vmem_shared>> -> memref<5024x128xf32, #tpu.memory_space<vmem_shared>>
      tpu.enqueue_indirect_dma source(%arg9 : memref<128x128xf32, #tpu.memory_space<vmem>>) target(%dma_start3A_168 : memref<5024x128xf32, #tpu.memory_space<vmem_shared>>) offsets(%dma_start3A_165 : memref<128xi32, #tpu.memory_space<vmem>>) semaphore(%run_scoped3A_162 : memref<!tpu.dma_semaphore, #tpu.memory_space<semaphore_mem>>) {add = true}
      %dma_wait3A_169 = arith.constant 0 : i32
      %dma_wait3A_170 = tpu.memref_slice %arg8[%run_scoped3A, %dma_wait3A_169] : memref<80x128xi32, #tpu.memory_space<vmem>> -> memref<1x128xi32, #tpu.memory_space<vmem>>
      %dma_wait3A_171 = tpu.memref_squeeze %dma_wait3A_170 : memref<1x128xi32, #tpu.memory_space<vmem>> -> memref<128xi32, #tpu.memory_space<vmem>>
      %dma_wait3A_172 = arith.constant 0 : i32
      %dma_wait3A_173 = arith.constant 0 : i32
      %dma_wait3A_174 = tpu.memref_slice %arg13[%dma_wait3A_172, %dma_wait3A_173] : memref<5024x128xf32, #tpu.memory_space<vmem_shared>> -> memref<5024x128xf32, #tpu.memory_space<vmem_shared>>
      tpu.wait_indirect_dma semaphore(%run_scoped3A_162 : memref<!tpu.dma_semaphore, #tpu.memory_space<semaphore_mem>>) src(%arg9 : memref<128x128xf32, #tpu.memory_space<vmem>>) dst(%dma_wait3A_174 : memref<5024x128xf32, #tpu.memory_space<vmem_shared>>)
      tpu.yield
    }) : () -> ()
    %run_scoped3A_51 = arith.constant 77 : i32
    "tpu.region"() ({
      %run_scoped3A_162 = tpu.sem_alloc : memref<!tpu.dma_semaphore, #tpu.memory_space<semaphore_mem>>
      %dma_start3A_163 = arith.constant 0 : i32
      %dma_start3A_164 = tpu.memref_slice %arg8[%run_scoped3A_51, %dma_start3A_163] : memref<80x128xi32, #tpu.memory_space<vmem>> -> memref<1x128xi32, #tpu.memory_space<vmem>>
      %dma_start3A_165 = tpu.memref_squeeze %dma_start3A_164 : memref<1x128xi32, #tpu.memory_space<vmem>> -> memref<128xi32, #tpu.memory_space<vmem>>
      %dma_start3A_166 = arith.constant 0 : i32
      %dma_start3A_167 = arith.constant 0 : i32
      %dma_start3A_168 = tpu.memref_slice %arg13[%dma_start3A_166, %dma_start3A_167] : memref<5024x128xf32, #tpu.memory_space<vmem_shared>> -> memref<5024x128xf32, #tpu.memory_space<vmem_shared>>
      tpu.enqueue_indirect_dma source(%arg10 : memref<128x128xf32, #tpu.memory_space<vmem>>) target(%dma_start3A_168 : memref<5024x128xf32, #tpu.memory_space<vmem_shared>>) offsets(%dma_start3A_165 : memref<128xi32, #tpu.memory_space<vmem>>) semaphore(%run_scoped3A_162 : memref<!tpu.dma_semaphore, #tpu.memory_space<semaphore_mem>>) {add = true}
      %dma_wait3A_169 = arith.constant 0 : i32
      %dma_wait3A_170 = tpu.memref_slice %arg8[%run_scoped3A_51, %dma_wait3A_169] : memref<80x128xi32, #tpu.memory_space<vmem>> -> memref<1x128xi32, #tpu.memory_space<vmem>>
      %dma_wait3A_171 = tpu.memref_squeeze %dma_wait3A_170 : memref<1x128xi32, #tpu.memory_space<vmem>> -> memref<128xi32, #tpu.memory_space<vmem>>
      %dma_wait3A_172 = arith.constant 0 : i32
      %dma_wait3A_173 = arith.constant 0 : i32
      %dma_wait3A_174 = tpu.memref_slice %arg13[%dma_wait3A_172, %dma_wait3A_173] : memref<5024x128xf32, #tpu.memory_space<vmem_shared>> -> memref<5024x128xf32, #tpu.memory_space<vmem_shared>>
      tpu.wait_indirect_dma semaphore(%run_scoped3A_162 : memref<!tpu.dma_semaphore, #tpu.memory_space<semaphore_mem>>) src(%arg10 : memref<128x128xf32, #tpu.memory_space<vmem>>) dst(%dma_wait3A_174 : memref<5024x128xf32, #tpu.memory_space<vmem_shared>>)
      tpu.yield
    }) : () -> ()
    %dma_wait3A_52 = arith.constant 78 : i32
    %dma_wait3A_53 = arith.constant 0 : i32
    %dma_wait3A_54 = tpu.memref_slice %arg7[%dma_wait3A_52, %dma_wait3A_53] : memref<80x128xi32, #tpu.memory_space<vmem>> -> memref<1x128xi32, #tpu.memory_space<vmem>>
    %dma_wait3A_55 = tpu.memref_squeeze %dma_wait3A_54 : memref<1x128xi32, #tpu.memory_space<vmem>> -> memref<128xi32, #tpu.memory_space<vmem>>
    %dma_wait3A_56 = arith.constant 0 : i32
    %dma_wait3A_57 = arith.constant 0 : i32
    %dma_wait3A_58 = tpu.memref_slice %arg2[%dma_wait3A_56, %dma_wait3A_57] : memref<20000x128xf32, #tpu.memory_space<hbm>> -> memref<20000x128xf32, #tpu.memory_space<hbm>>
    tpu.wait_indirect_dma semaphore(%arg15 : memref<!tpu.dma_semaphore, #tpu.memory_space<semaphore_mem>>) src(%dma_wait3A_58 : memref<20000x128xf32, #tpu.memory_space<hbm>>) dst(%arg11 : memref<128x128xf32, #tpu.memory_space<vmem>>)
    %dma_wait3A_59 = arith.constant 79 : i32
    %dma_wait3A_60 = arith.constant 0 : i32
    %dma_wait3A_61 = tpu.memref_slice %arg7[%dma_wait3A_59, %dma_wait3A_60] : memref<80x128xi32, #tpu.memory_space<vmem>> -> memref<1x128xi32, #tpu.memory_space<vmem>>
    %dma_wait3A_62 = tpu.memref_squeeze %dma_wait3A_61 : memref<1x128xi32, #tpu.memory_space<vmem>> -> memref<128xi32, #tpu.memory_space<vmem>>
    %dma_wait3A_63 = arith.constant 0 : i32
    %dma_wait3A_64 = arith.constant 0 : i32
    %dma_wait3A_65 = tpu.memref_slice %arg2[%dma_wait3A_63, %dma_wait3A_64] : memref<20000x128xf32, #tpu.memory_space<hbm>> -> memref<20000x128xf32, #tpu.memory_space<hbm>>
    tpu.wait_indirect_dma semaphore(%arg15 : memref<!tpu.dma_semaphore, #tpu.memory_space<semaphore_mem>>) src(%dma_wait3A_65 : memref<20000x128xf32, #tpu.memory_space<hbm>>) dst(%arg12 : memref<128x128xf32, #tpu.memory_space<vmem>>)
    %run_scoped3A_66 = arith.constant 78 : i32
    "tpu.region"() ({
      %run_scoped3A_162 = tpu.sem_alloc : memref<!tpu.dma_semaphore, #tpu.memory_space<semaphore_mem>>
      %dma_start3A_163 = arith.constant 0 : i32
      %dma_start3A_164 = tpu.memref_slice %arg8[%run_scoped3A_66, %dma_start3A_163] : memref<80x128xi32, #tpu.memory_space<vmem>> -> memref<1x128xi32, #tpu.memory_space<vmem>>
      %dma_start3A_165 = tpu.memref_squeeze %dma_start3A_164 : memref<1x128xi32, #tpu.memory_space<vmem>> -> memref<128xi32, #tpu.memory_space<vmem>>
      %dma_start3A_166 = arith.constant 0 : i32
      %dma_start3A_167 = arith.constant 0 : i32
      %dma_start3A_168 = tpu.memref_slice %arg13[%dma_start3A_166, %dma_start3A_167] : memref<5024x128xf32, #tpu.memory_space<vmem_shared>> -> memref<5024x128xf32, #tpu.memory_space<vmem_shared>>
      tpu.enqueue_indirect_dma source(%arg11 : memref<128x128xf32, #tpu.memory_space<vmem>>) target(%dma_start3A_168 : memref<5024x128xf32, #tpu.memory_space<vmem_shared>>) offsets(%dma_start3A_165 : memref<128xi32, #tpu.memory_space<vmem>>) semaphore(%run_scoped3A_162 : memref<!tpu.dma_semaphore, #tpu.memory_space<semaphore_mem>>) {add = true}
      %dma_wait3A_169 = arith.constant 0 : i32
      %dma_wait3A_170 = tpu.memref_slice %arg8[%run_scoped3A_66, %dma_wait3A_169] : memref<80x128xi32, #tpu.memory_space<vmem>> -> memref<1x128xi32, #tpu.memory_space<vmem>>
      %dma_wait3A_171 = tpu.memref_squeeze %dma_wait3A_170 : memref<1x128xi32, #tpu.memory_space<vmem>> -> memref<128xi32, #tpu.memory_space<vmem>>
      %dma_wait3A_172 = arith.constant 0 : i32
      %dma_wait3A_173 = arith.constant 0 : i32
      %dma_wait3A_174 = tpu.memref_slice %arg13[%dma_wait3A_172, %dma_wait3A_173] : memref<5024x128xf32, #tpu.memory_space<vmem_shared>> -> memref<5024x128xf32, #tpu.memory_space<vmem_shared>>
      tpu.wait_indirect_dma semaphore(%run_scoped3A_162 : memref<!tpu.dma_semaphore, #tpu.memory_space<semaphore_mem>>) src(%arg11 : memref<128x128xf32, #tpu.memory_space<vmem>>) dst(%dma_wait3A_174 : memref<5024x128xf32, #tpu.memory_space<vmem_shared>>)
      tpu.yield
    }) : () -> ()
    %run_scoped3A_67 = arith.constant 79 : i32
    "tpu.region"() ({
      %run_scoped3A_162 = tpu.sem_alloc : memref<!tpu.dma_semaphore, #tpu.memory_space<semaphore_mem>>
      %dma_start3A_163 = arith.constant 0 : i32
      %dma_start3A_164 = tpu.memref_slice %arg8[%run_scoped3A_67, %dma_start3A_163] : memref<80x128xi32, #tpu.memory_space<vmem>> -> memref<1x128xi32, #tpu.memory_space<vmem>>
      %dma_start3A_165 = tpu.memref_squeeze %dma_start3A_164 : memref<1x128xi32, #tpu.memory_space<vmem>> -> memref<128xi32, #tpu.memory_space<vmem>>
      %dma_start3A_166 = arith.constant 0 : i32
      %dma_start3A_167 = arith.constant 0 : i32
      %dma_start3A_168 = tpu.memref_slice %arg13[%dma_start3A_166, %dma_start3A_167] : memref<5024x128xf32, #tpu.memory_space<vmem_shared>> -> memref<5024x128xf32, #tpu.memory_space<vmem_shared>>
      tpu.enqueue_indirect_dma source(%arg12 : memref<128x128xf32, #tpu.memory_space<vmem>>) target(%dma_start3A_168 : memref<5024x128xf32, #tpu.memory_space<vmem_shared>>) offsets(%dma_start3A_165 : memref<128xi32, #tpu.memory_space<vmem>>) semaphore(%run_scoped3A_162 : memref<!tpu.dma_semaphore, #tpu.memory_space<semaphore_mem>>) {add = true}
      %dma_wait3A_169 = arith.constant 0 : i32
      %dma_wait3A_170 = tpu.memref_slice %arg8[%run_scoped3A_67, %dma_wait3A_169] : memref<80x128xi32, #tpu.memory_space<vmem>> -> memref<1x128xi32, #tpu.memory_space<vmem>>
      %dma_wait3A_171 = tpu.memref_squeeze %dma_wait3A_170 : memref<1x128xi32, #tpu.memory_space<vmem>> -> memref<128xi32, #tpu.memory_space<vmem>>
      %dma_wait3A_172 = arith.constant 0 : i32
      %dma_wait3A_173 = arith.constant 0 : i32
      %dma_wait3A_174 = tpu.memref_slice %arg13[%dma_wait3A_172, %dma_wait3A_173] : memref<5024x128xf32, #tpu.memory_space<vmem_shared>> -> memref<5024x128xf32, #tpu.memory_space<vmem_shared>>
      tpu.wait_indirect_dma semaphore(%run_scoped3A_162 : memref<!tpu.dma_semaphore, #tpu.memory_space<semaphore_mem>>) src(%arg12 : memref<128x128xf32, #tpu.memory_space<vmem>>) dst(%dma_wait3A_174 : memref<5024x128xf32, #tpu.memory_space<vmem_shared>>)
      tpu.yield
    }) : () -> ()
    %barrier3A_68 = arith.constant 0 : index
    tpu.barrier barrier_id(%barrier3A_68)
    %mul3A_69 = arith.constant 314 : i32
    %mul3A_70 = arith.muli %arg1, %mul3A_69 : i32
    %mul3A_71 = arith.constant 2 : i32
    %mul3A_72 = arith.muli %arg0, %mul3A_71 : i32
    %add3A_73 = arith.constant 0 : i32
    %add3A_74 = arith.addi %mul3A_72, %add3A_73 : i32
    %mul3A_75 = arith.constant 16 : i32
    %mul3A_76 = arith.muli %add3A_74, %mul3A_75 : i32
    %add3A_77 = arith.addi %mul3A_76, %arg1 : i32
    "tpu.region"() ({
      %run_scoped3A_162 = tpu.sem_alloc : memref<!tpu.dma_semaphore, #tpu.memory_space<semaphore_mem>>
      %dma_start3A_163 = arith.constant 0 : i32
      %dma_start3A_164 = arith.constant 0 : i32
      %dma_start3A_165 = tpu.memref_slice %arg6[%add3A_77, %dma_start3A_163, %dma_start3A_164] : memref<64x314x128xf32, #tpu.memory_space<hbm>> -> memref<1x314x128xf32, #tpu.memory_space<hbm>>
      %dma_start3A_166 = tpu.memref_squeeze %dma_start3A_165 : memref<1x314x128xf32, #tpu.memory_space<hbm>> -> memref<314x128xf32, #tpu.memory_space<hbm>>
      %dma_start3A_167 = arith.constant 0 : i32
      %dma_start3A_168 = tpu.memref_slice %arg13[%mul3A_70, %dma_start3A_167] : memref<5024x128xf32, #tpu.memory_space<vmem_shared>> -> memref<314x128xf32, #tpu.memory_space<vmem_shared>>
      tpu.enqueue_dma source(%dma_start3A_168 : memref<314x128xf32, #tpu.memory_space<vmem_shared>>) target(%dma_start3A_166 : memref<314x128xf32, #tpu.memory_space<hbm>>) target_semaphore(%run_scoped3A_162 : memref<!tpu.dma_semaphore, #tpu.memory_space<semaphore_mem>>)
      %dma_wait3A_169 = arith.constant 0 : i32
      %dma_wait3A_170 = arith.constant 0 : i32
      %dma_wait3A_171 = tpu.memref_slice %arg6[%add3A_77, %dma_wait3A_169, %dma_wait3A_170] : memref<64x314x128xf32, #tpu.memory_space<hbm>> -> memref<1x314x128xf32, #tpu.memory_space<hbm>>
      %dma_wait3A_172 = tpu.memref_squeeze %dma_wait3A_171 : memref<1x314x128xf32, #tpu.memory_space<hbm>> -> memref<314x128xf32, #tpu.memory_space<hbm>>
      %dma_wait3A_173 = arith.constant 0 : i32
      %dma_wait3A_174 = tpu.memref_slice %arg13[%mul3A_70, %dma_wait3A_173] : memref<5024x128xf32, #tpu.memory_space<vmem_shared>> -> memref<314x128xf32, #tpu.memory_space<vmem_shared>>
      tpu.wait_dma2 semaphore(%run_scoped3A_162 : memref<!tpu.dma_semaphore, #tpu.memory_space<semaphore_mem>>) src(%dma_wait3A_174 : memref<314x128xf32, #tpu.memory_space<vmem_shared>>) dst(%dma_wait3A_172 : memref<314x128xf32, #tpu.memory_space<hbm>>)
      tpu.yield
    }) : () -> ()
    %barrier3A_78 = arith.constant 0 : index
    tpu.barrier barrier_id(%barrier3A_78)
    %add3A_79 = arith.constant 16 : i32
    %add3A_80 = arith.addi %add3A_79, %arg1 : i32
    "tpu.region"() ({
      %run_scoped3A_162 = tpu.sem_alloc : memref<!tpu.dma_semaphore, #tpu.memory_space<semaphore_mem>>
      %dma_start3A_163 = arith.constant 0 : i32
      %dma_start3A_164 = arith.constant 0 : i32
      %dma_start3A_165 = tpu.memref_slice %arg4[%add3A_80, %dma_start3A_163, %dma_start3A_164] : memref<32x80x128xi32, #tpu.memory_space<hbm>> -> memref<1x80x128xi32, #tpu.memory_space<hbm>>
      %dma_start3A_166 = tpu.memref_squeeze %dma_start3A_165 : memref<1x80x128xi32, #tpu.memory_space<hbm>> -> memref<80x128xi32, #tpu.memory_space<hbm>>
      %dma_start3A_167 = arith.constant 0 : i32
      %dma_start3A_168 = arith.constant 0 : i32
      %dma_start3A_169 = tpu.memref_slice %arg4[%add3A_80, %dma_start3A_167, %dma_start3A_168] : memref<32x80x128xi32, #tpu.memory_space<hbm>> -> memref<1x80x128xi32, #tpu.memory_space<hbm>>
      %dma_start3A_170 = tpu.memref_squeeze %dma_start3A_169 : memref<1x80x128xi32, #tpu.memory_space<hbm>> -> memref<80x128xi32, #tpu.memory_space<hbm>>
      tpu.enqueue_dma source(%dma_start3A_170 : memref<80x128xi32, #tpu.memory_space<hbm>>) target(%arg8 : memref<80x128xi32, #tpu.memory_space<vmem>>) target_semaphore(%run_scoped3A_162 : memref<!tpu.dma_semaphore, #tpu.memory_space<semaphore_mem>>)
      %dma_wait3A_171 = arith.constant 0 : i32
      %dma_wait3A_172 = arith.constant 0 : i32
      %dma_wait3A_173 = tpu.memref_slice %arg4[%add3A_80, %dma_wait3A_171, %dma_wait3A_172] : memref<32x80x128xi32, #tpu.memory_space<hbm>> -> memref<1x80x128xi32, #tpu.memory_space<hbm>>
      %dma_wait3A_174 = tpu.memref_squeeze %dma_wait3A_173 : memref<1x80x128xi32, #tpu.memory_space<hbm>> -> memref<80x128xi32, #tpu.memory_space<hbm>>
      %dma_wait3A_175 = arith.constant 0 : i32
      %dma_wait3A_176 = arith.constant 0 : i32
      %dma_wait3A_177 = tpu.memref_slice %arg4[%add3A_80, %dma_wait3A_175, %dma_wait3A_176] : memref<32x80x128xi32, #tpu.memory_space<hbm>> -> memref<1x80x128xi32, #tpu.memory_space<hbm>>
      %dma_wait3A_178 = tpu.memref_squeeze %dma_wait3A_177 : memref<1x80x128xi32, #tpu.memory_space<hbm>> -> memref<80x128xi32, #tpu.memory_space<hbm>>
      tpu.wait_dma2 semaphore(%run_scoped3A_162 : memref<!tpu.dma_semaphore, #tpu.memory_space<semaphore_mem>>) src(%dma_wait3A_178 : memref<80x128xi32, #tpu.memory_space<hbm>>) dst(%arg8 : memref<80x128xi32, #tpu.memory_space<vmem>>)
      tpu.yield
    }) : () -> ()
    %mul3A_81 = arith.constant 314 : i32
    %mul3A_82 = arith.muli %arg1, %mul3A_81 : i32
    "tpu.region"() ({
      %run_scoped3A_162 = tpu.sem_alloc : memref<!tpu.dma_semaphore, #tpu.memory_space<semaphore_mem>>
      %dma_start3A_163 = arith.constant 0 : i32
      %dma_start3A_164 = tpu.memref_slice %arg13[%mul3A_82, %dma_start3A_163] : memref<5024x128xf32, #tpu.memory_space<vmem_shared>> -> memref<314x128xf32, #tpu.memory_space<vmem_shared>>
      %dma_start3A_165 = arith.constant 0 : i32
      %dma_start3A_166 = arith.constant 0 : i32
      %dma_start3A_167 = tpu.memref_slice %arg5[%arg1, %dma_start3A_165, %dma_start3A_166] : memref<16x314x128xf32, #tpu.memory_space<hbm>> -> memref<1x314x128xf32, #tpu.memory_space<hbm>>
      %dma_start3A_168 = tpu.memref_squeeze %dma_start3A_167 : memref<1x314x128xf32, #tpu.memory_space<hbm>> -> memref<314x128xf32, #tpu.memory_space<hbm>>
      tpu.enqueue_dma source(%dma_start3A_168 : memref<314x128xf32, #tpu.memory_space<hbm>>) target(%dma_start3A_164 : memref<314x128xf32, #tpu.memory_space<vmem_shared>>) target_semaphore(%run_scoped3A_162 : memref<!tpu.dma_semaphore, #tpu.memory_space<semaphore_mem>>)
      %dma_wait3A_169 = arith.constant 0 : i32
      %dma_wait3A_170 = tpu.memref_slice %arg13[%mul3A_82, %dma_wait3A_169] : memref<5024x128xf32, #tpu.memory_space<vmem_shared>> -> memref<314x128xf32, #tpu.memory_space<vmem_shared>>
      %dma_wait3A_171 = arith.constant 0 : i32
      %dma_wait3A_172 = arith.constant 0 : i32
      %dma_wait3A_173 = tpu.memref_slice %arg5[%arg1, %dma_wait3A_171, %dma_wait3A_172] : memref<16x314x128xf32, #tpu.memory_space<hbm>> -> memref<1x314x128xf32, #tpu.memory_space<hbm>>
      %dma_wait3A_174 = tpu.memref_squeeze %dma_wait3A_173 : memref<1x314x128xf32, #tpu.memory_space<hbm>> -> memref<314x128xf32, #tpu.memory_space<hbm>>
      tpu.wait_dma2 semaphore(%run_scoped3A_162 : memref<!tpu.dma_semaphore, #tpu.memory_space<semaphore_mem>>) src(%dma_wait3A_174 : memref<314x128xf32, #tpu.memory_space<hbm>>) dst(%dma_wait3A_170 : memref<314x128xf32, #tpu.memory_space<vmem_shared>>)
      tpu.yield
    }) : () -> ()
    %barrier3A_83 = arith.constant 0 : index
    tpu.barrier barrier_id(%barrier3A_83)
    %dma_start3A_84 = arith.constant 0 : i32
    %dma_start3A_85 = arith.constant 0 : i32
    %dma_start3A_86 = tpu.memref_slice %arg7[%dma_start3A_84, %dma_start3A_85] : memref<80x128xi32, #tpu.memory_space<vmem>> -> memref<1x128xi32, #tpu.memory_space<vmem>>
    %dma_start3A_87 = tpu.memref_squeeze %dma_start3A_86 : memref<1x128xi32, #tpu.memory_space<vmem>> -> memref<128xi32, #tpu.memory_space<vmem>>
    %dma_start3A_88 = arith.constant 0 : i32
    %dma_start3A_89 = arith.constant 0 : i32
    %dma_start3A_90 = tpu.memref_slice %arg2[%dma_start3A_88, %dma_start3A_89] : memref<20000x128xf32, #tpu.memory_space<hbm>> -> memref<20000x128xf32, #tpu.memory_space<hbm>>
    tpu.enqueue_indirect_dma source(%dma_start3A_90 : memref<20000x128xf32, #tpu.memory_space<hbm>>) target(%arg9 : memref<128x128xf32, #tpu.memory_space<vmem>>) offsets(%dma_start3A_87 : memref<128xi32, #tpu.memory_space<vmem>>) semaphore(%arg14 : memref<!tpu.dma_semaphore, #tpu.memory_space<semaphore_mem>>)
    %dma_start3A_91 = arith.constant 1 : i32
    %dma_start3A_92 = arith.constant 0 : i32
    %dma_start3A_93 = tpu.memref_slice %arg7[%dma_start3A_91, %dma_start3A_92] : memref<80x128xi32, #tpu.memory_space<vmem>> -> memref<1x128xi32, #tpu.memory_space<vmem>>
    %dma_start3A_94 = tpu.memref_squeeze %dma_start3A_93 : memref<1x128xi32, #tpu.memory_space<vmem>> -> memref<128xi32, #tpu.memory_space<vmem>>
    %dma_start3A_95 = arith.constant 0 : i32
    %dma_start3A_96 = arith.constant 0 : i32
    %dma_start3A_97 = tpu.memref_slice %arg2[%dma_start3A_95, %dma_start3A_96] : memref<20000x128xf32, #tpu.memory_space<hbm>> -> memref<20000x128xf32, #tpu.memory_space<hbm>>
    tpu.enqueue_indirect_dma source(%dma_start3A_97 : memref<20000x128xf32, #tpu.memory_space<hbm>>) target(%arg10 : memref<128x128xf32, #tpu.memory_space<vmem>>) offsets(%dma_start3A_94 : memref<128xi32, #tpu.memory_space<vmem>>) semaphore(%arg14 : memref<!tpu.dma_semaphore, #tpu.memory_space<semaphore_mem>>)
    %scan3A_98 = arith.constant 0 : i32
    %scan3A_99 = arith.constant 0 : i32
    %scan3A_100 = arith.constant 19 : i32
    %scan3A_101 = arith.addi %scan3A_99, %scan3A_100 : i32
    %scan3A_102 = arith.constant 1 : i32
    %scan3A_103 = scf.for %scan3A_162 = %scan3A_99 to %scan3A_101 step %scan3A_102 iter_args(%scan3A_163 = %scan3A_98) -> (i32)  : i32 {
      %mul3A_164 = arith.constant 2 : i32
      %mul3A_165 = arith.muli %mul3A_164, %scan3A_162 : i32
      %add3A_166 = arith.constant 1 : i32
      %add3A_167 = arith.addi %mul3A_165, %add3A_166 : i32
      %mul3A_168 = arith.constant 2 : i32
      %mul3A_169 = arith.muli %add3A_167, %mul3A_168 : i32
      %add3A_170 = arith.constant 0 : i32
      %add3A_171 = arith.addi %mul3A_169, %add3A_170 : i32
      %dma_start3A_172 = arith.constant 0 : i32
      %dma_start3A_173 = tpu.memref_slice %arg7[%add3A_171, %dma_start3A_172] : memref<80x128xi32, #tpu.memory_space<vmem>> -> memref<1x128xi32, #tpu.memory_space<vmem>>
      %dma_start3A_174 = tpu.memref_squeeze %dma_start3A_173 : memref<1x128xi32, #tpu.memory_space<vmem>> -> memref<128xi32, #tpu.memory_space<vmem>>
      %dma_start3A_175 = arith.constant 0 : i32
      %dma_start3A_176 = arith.constant 0 : i32
      %dma_start3A_177 = tpu.memref_slice %arg2[%dma_start3A_175, %dma_start3A_176] : memref<20000x128xf32, #tpu.memory_space<hbm>> -> memref<20000x128xf32, #tpu.memory_space<hbm>>
      tpu.enqueue_indirect_dma source(%dma_start3A_177 : memref<20000x128xf32, #tpu.memory_space<hbm>>) target(%arg11 : memref<128x128xf32, #tpu.memory_space<vmem>>) offsets(%dma_start3A_174 : memref<128xi32, #tpu.memory_space<vmem>>) semaphore(%arg15 : memref<!tpu.dma_semaphore, #tpu.memory_space<semaphore_mem>>)
      %mul3A_178 = arith.constant 2 : i32
      %mul3A_179 = arith.muli %add3A_167, %mul3A_178 : i32
      %add3A_180 = arith.constant 1 : i32
      %add3A_181 = arith.addi %mul3A_179, %add3A_180 : i32
      %dma_start3A_182 = arith.constant 0 : i32
      %dma_start3A_183 = tpu.memref_slice %arg7[%add3A_181, %dma_start3A_182] : memref<80x128xi32, #tpu.memory_space<vmem>> -> memref<1x128xi32, #tpu.memory_space<vmem>>
      %dma_start3A_184 = tpu.memref_squeeze %dma_start3A_183 : memref<1x128xi32, #tpu.memory_space<vmem>> -> memref<128xi32, #tpu.memory_space<vmem>>
      %dma_start3A_185 = arith.constant 0 : i32
      %dma_start3A_186 = arith.constant 0 : i32
      %dma_start3A_187 = tpu.memref_slice %arg2[%dma_start3A_185, %dma_start3A_186] : memref<20000x128xf32, #tpu.memory_space<hbm>> -> memref<20000x128xf32, #tpu.memory_space<hbm>>
      tpu.enqueue_indirect_dma source(%dma_start3A_187 : memref<20000x128xf32, #tpu.memory_space<hbm>>) target(%arg12 : memref<128x128xf32, #tpu.memory_space<vmem>>) offsets(%dma_start3A_184 : memref<128xi32, #tpu.memory_space<vmem>>) semaphore(%arg15 : memref<!tpu.dma_semaphore, #tpu.memory_space<semaphore_mem>>)
      %mul3A_188 = arith.constant 2 : i32
      %mul3A_189 = arith.muli %mul3A_165, %mul3A_188 : i32
      %add3A_190 = arith.constant 0 : i32
      %add3A_191 = arith.addi %mul3A_189, %add3A_190 : i32
      %dma_wait3A_192 = arith.constant 0 : i32
      %dma_wait3A_193 = tpu.memref_slice %arg7[%add3A_191, %dma_wait3A_192] : memref<80x128xi32, #tpu.memory_space<vmem>> -> memref<1x128xi32, #tpu.memory_space<vmem>>
      %dma_wait3A_194 = tpu.memref_squeeze %dma_wait3A_193 : memref<1x128xi32, #tpu.memory_space<vmem>> -> memref<128xi32, #tpu.memory_space<vmem>>
      %dma_wait3A_195 = arith.constant 0 : i32
      %dma_wait3A_196 = arith.constant 0 : i32
      %dma_wait3A_197 = tpu.memref_slice %arg2[%dma_wait3A_195, %dma_wait3A_196] : memref<20000x128xf32, #tpu.memory_space<hbm>> -> memref<20000x128xf32, #tpu.memory_space<hbm>>
      tpu.wait_indirect_dma semaphore(%arg14 : memref<!tpu.dma_semaphore, #tpu.memory_space<semaphore_mem>>) src(%dma_wait3A_197 : memref<20000x128xf32, #tpu.memory_space<hbm>>) dst(%arg9 : memref<128x128xf32, #tpu.memory_space<vmem>>)
      %mul3A_198 = arith.constant 2 : i32
      %mul3A_199 = arith.muli %mul3A_165, %mul3A_198 : i32
      %add3A_200 = arith.constant 1 : i32
      %add3A_201 = arith.addi %mul3A_199, %add3A_200 : i32
      %dma_wait3A_202 = arith.constant 0 : i32
      %dma_wait3A_203 = tpu.memref_slice %arg7[%add3A_201, %dma_wait3A_202] : memref<80x128xi32, #tpu.memory_space<vmem>> -> memref<1x128xi32, #tpu.memory_space<vmem>>
      %dma_wait3A_204 = tpu.memref_squeeze %dma_wait3A_203 : memref<1x128xi32, #tpu.memory_space<vmem>> -> memref<128xi32, #tpu.memory_space<vmem>>
      %dma_wait3A_205 = arith.constant 0 : i32
      %dma_wait3A_206 = arith.constant 0 : i32
      %dma_wait3A_207 = tpu.memref_slice %arg2[%dma_wait3A_205, %dma_wait3A_206] : memref<20000x128xf32, #tpu.memory_space<hbm>> -> memref<20000x128xf32, #tpu.memory_space<hbm>>
      tpu.wait_indirect_dma semaphore(%arg14 : memref<!tpu.dma_semaphore, #tpu.memory_space<semaphore_mem>>) src(%dma_wait3A_207 : memref<20000x128xf32, #tpu.memory_space<hbm>>) dst(%arg10 : memref<128x128xf32, #tpu.memory_space<vmem>>)
      %mul3A_208 = arith.constant 2 : i32
      %mul3A_209 = arith.muli %mul3A_165, %mul3A_208 : i32
      %add3A_210 = arith.constant 0 : i32
      %add3A_211 = arith.addi %mul3A_209, %add3A_210 : i32
      "tpu.region"() ({
        %run_scoped3A_269 = tpu.sem_alloc : memref<!tpu.dma_semaphore, #tpu.memory_space<semaphore_mem>>
        %dma_start3A_270 = arith.constant 0 : i32
        %dma_start3A_271 = tpu.memref_slice %arg8[%add3A_211, %dma_start3A_270] : memref<80x128xi32, #tpu.memory_space<vmem>> -> memref<1x128xi32, #tpu.memory_space<vmem>>
        %dma_start3A_272 = tpu.memref_squeeze %dma_start3A_271 : memref<1x128xi32, #tpu.memory_space<vmem>> -> memref<128xi32, #tpu.memory_space<vmem>>
        %dma_start3A_273 = arith.constant 0 : i32
        %dma_start3A_274 = arith.constant 0 : i32
        %dma_start3A_275 = tpu.memref_slice %arg13[%dma_start3A_273, %dma_start3A_274] : memref<5024x128xf32, #tpu.memory_space<vmem_shared>> -> memref<5024x128xf32, #tpu.memory_space<vmem_shared>>
        tpu.enqueue_indirect_dma source(%arg9 : memref<128x128xf32, #tpu.memory_space<vmem>>) target(%dma_start3A_275 : memref<5024x128xf32, #tpu.memory_space<vmem_shared>>) offsets(%dma_start3A_272 : memref<128xi32, #tpu.memory_space<vmem>>) semaphore(%run_scoped3A_269 : memref<!tpu.dma_semaphore, #tpu.memory_space<semaphore_mem>>) {add = true}
        %dma_wait3A_276 = arith.constant 0 : i32
        %dma_wait3A_277 = tpu.memref_slice %arg8[%add3A_211, %dma_wait3A_276] : memref<80x128xi32, #tpu.memory_space<vmem>> -> memref<1x128xi32, #tpu.memory_space<vmem>>
        %dma_wait3A_278 = tpu.memref_squeeze %dma_wait3A_277 : memref<1x128xi32, #tpu.memory_space<vmem>> -> memref<128xi32, #tpu.memory_space<vmem>>
        %dma_wait3A_279 = arith.constant 0 : i32
        %dma_wait3A_280 = arith.constant 0 : i32
        %dma_wait3A_281 = tpu.memref_slice %arg13[%dma_wait3A_279, %dma_wait3A_280] : memref<5024x128xf32, #tpu.memory_space<vmem_shared>> -> memref<5024x128xf32, #tpu.memory_space<vmem_shared>>
        tpu.wait_indirect_dma semaphore(%run_scoped3A_269 : memref<!tpu.dma_semaphore, #tpu.memory_space<semaphore_mem>>) src(%arg9 : memref<128x128xf32, #tpu.memory_space<vmem>>) dst(%dma_wait3A_281 : memref<5024x128xf32, #tpu.memory_space<vmem_shared>>)
        tpu.yield
      }) : () -> ()
      %mul3A_212 = arith.constant 2 : i32
      %mul3A_213 = arith.muli %mul3A_165, %mul3A_212 : i32
      %add3A_214 = arith.constant 1 : i32
      %add3A_215 = arith.addi %mul3A_213, %add3A_214 : i32
      "tpu.region"() ({
        %run_scoped3A_269 = tpu.sem_alloc : memref<!tpu.dma_semaphore, #tpu.memory_space<semaphore_mem>>
        %dma_start3A_270 = arith.constant 0 : i32
        %dma_start3A_271 = tpu.memref_slice %arg8[%add3A_215, %dma_start3A_270] : memref<80x128xi32, #tpu.memory_space<vmem>> -> memref<1x128xi32, #tpu.memory_space<vmem>>
        %dma_start3A_272 = tpu.memref_squeeze %dma_start3A_271 : memref<1x128xi32, #tpu.memory_space<vmem>> -> memref<128xi32, #tpu.memory_space<vmem>>
        %dma_start3A_273 = arith.constant 0 : i32
        %dma_start3A_274 = arith.constant 0 : i32
        %dma_start3A_275 = tpu.memref_slice %arg13[%dma_start3A_273, %dma_start3A_274] : memref<5024x128xf32, #tpu.memory_space<vmem_shared>> -> memref<5024x128xf32, #tpu.memory_space<vmem_shared>>
        tpu.enqueue_indirect_dma source(%arg10 : memref<128x128xf32, #tpu.memory_space<vmem>>) target(%dma_start3A_275 : memref<5024x128xf32, #tpu.memory_space<vmem_shared>>) offsets(%dma_start3A_272 : memref<128xi32, #tpu.memory_space<vmem>>) semaphore(%run_scoped3A_269 : memref<!tpu.dma_semaphore, #tpu.memory_space<semaphore_mem>>) {add = true}
        %dma_wait3A_276 = arith.constant 0 : i32
        %dma_wait3A_277 = tpu.memref_slice %arg8[%add3A_215, %dma_wait3A_276] : memref<80x128xi32, #tpu.memory_space<vmem>> -> memref<1x128xi32, #tpu.memory_space<vmem>>
        %dma_wait3A_278 = tpu.memref_squeeze %dma_wait3A_277 : memref<1x128xi32, #tpu.memory_space<vmem>> -> memref<128xi32, #tpu.memory_space<vmem>>
        %dma_wait3A_279 = arith.constant 0 : i32
        %dma_wait3A_280 = arith.constant 0 : i32
        %dma_wait3A_281 = tpu.memref_slice %arg13[%dma_wait3A_279, %dma_wait3A_280] : memref<5024x128xf32, #tpu.memory_space<vmem_shared>> -> memref<5024x128xf32, #tpu.memory_space<vmem_shared>>
        tpu.wait_indirect_dma semaphore(%run_scoped3A_269 : memref<!tpu.dma_semaphore, #tpu.memory_space<semaphore_mem>>) src(%arg10 : memref<128x128xf32, #tpu.memory_space<vmem>>) dst(%dma_wait3A_281 : memref<5024x128xf32, #tpu.memory_space<vmem_shared>>)
        tpu.yield
      }) : () -> ()
      %add3A_216 = arith.constant 2 : i32
      %add3A_217 = arith.addi %mul3A_165, %add3A_216 : i32
      %mul3A_218 = arith.constant 2 : i32
      %mul3A_219 = arith.muli %add3A_217, %mul3A_218 : i32
      %add3A_220 = arith.constant 0 : i32
      %add3A_221 = arith.addi %mul3A_219, %add3A_220 : i32
      %dma_start3A_222 = arith.constant 0 : i32
      %dma_start3A_223 = tpu.memref_slice %arg7[%add3A_221, %dma_start3A_222] : memref<80x128xi32, #tpu.memory_space<vmem>> -> memref<1x128xi32, #tpu.memory_space<vmem>>
      %dma_start3A_224 = tpu.memref_squeeze %dma_start3A_223 : memref<1x128xi32, #tpu.memory_space<vmem>> -> memref<128xi32, #tpu.memory_space<vmem>>
      %dma_start3A_225 = arith.constant 0 : i32
      %dma_start3A_226 = arith.constant 0 : i32
      %dma_start3A_227 = tpu.memref_slice %arg2[%dma_start3A_225, %dma_start3A_226] : memref<20000x128xf32, #tpu.memory_space<hbm>> -> memref<20000x128xf32, #tpu.memory_space<hbm>>
      tpu.enqueue_indirect_dma source(%dma_start3A_227 : memref<20000x128xf32, #tpu.memory_space<hbm>>) target(%arg9 : memref<128x128xf32, #tpu.memory_space<vmem>>) offsets(%dma_start3A_224 : memref<128xi32, #tpu.memory_space<vmem>>) semaphore(%arg14 : memref<!tpu.dma_semaphore, #tpu.memory_space<semaphore_mem>>)
      %mul3A_228 = arith.constant 2 : i32
      %mul3A_229 = arith.muli %add3A_217, %mul3A_228 : i32
      %add3A_230 = arith.constant 1 : i32
      %add3A_231 = arith.addi %mul3A_229, %add3A_230 : i32
      %dma_start3A_232 = arith.constant 0 : i32
      %dma_start3A_233 = tpu.memref_slice %arg7[%add3A_231, %dma_start3A_232] : memref<80x128xi32, #tpu.memory_space<vmem>> -> memref<1x128xi32, #tpu.memory_space<vmem>>
      %dma_start3A_234 = tpu.memref_squeeze %dma_start3A_233 : memref<1x128xi32, #tpu.memory_space<vmem>> -> memref<128xi32, #tpu.memory_space<vmem>>
      %dma_start3A_235 = arith.constant 0 : i32
      %dma_start3A_236 = arith.constant 0 : i32
      %dma_start3A_237 = tpu.memref_slice %arg2[%dma_start3A_235, %dma_start3A_236] : memref<20000x128xf32, #tpu.memory_space<hbm>> -> memref<20000x128xf32, #tpu.memory_space<hbm>>
      tpu.enqueue_indirect_dma source(%dma_start3A_237 : memref<20000x128xf32, #tpu.memory_space<hbm>>) target(%arg10 : memref<128x128xf32, #tpu.memory_space<vmem>>) offsets(%dma_start3A_234 : memref<128xi32, #tpu.memory_space<vmem>>) semaphore(%arg14 : memref<!tpu.dma_semaphore, #tpu.memory_space<semaphore_mem>>)
      %add3A_238 = arith.constant 1 : i32
      %add3A_239 = arith.addi %mul3A_165, %add3A_238 : i32
      %mul3A_240 = arith.constant 2 : i32
      %mul3A_241 = arith.muli %add3A_239, %mul3A_240 : i32
      %add3A_242 = arith.constant 0 : i32
      %add3A_243 = arith.addi %mul3A_241, %add3A_242 : i32
      %dma_wait3A_244 = arith.constant 0 : i32
      %dma_wait3A_245 = tpu.memref_slice %arg7[%add3A_243, %dma_wait3A_244] : memref<80x128xi32, #tpu.memory_space<vmem>> -> memref<1x128xi32, #tpu.memory_space<vmem>>
      %dma_wait3A_246 = tpu.memref_squeeze %dma_wait3A_245 : memref<1x128xi32, #tpu.memory_space<vmem>> -> memref<128xi32, #tpu.memory_space<vmem>>
      %dma_wait3A_247 = arith.constant 0 : i32
      %dma_wait3A_248 = arith.constant 0 : i32
      %dma_wait3A_249 = tpu.memref_slice %arg2[%dma_wait3A_247, %dma_wait3A_248] : memref<20000x128xf32, #tpu.memory_space<hbm>> -> memref<20000x128xf32, #tpu.memory_space<hbm>>
      tpu.wait_indirect_dma semaphore(%arg15 : memref<!tpu.dma_semaphore, #tpu.memory_space<semaphore_mem>>) src(%dma_wait3A_249 : memref<20000x128xf32, #tpu.memory_space<hbm>>) dst(%arg11 : memref<128x128xf32, #tpu.memory_space<vmem>>)
      %mul3A_250 = arith.constant 2 : i32
      %mul3A_251 = arith.muli %add3A_239, %mul3A_250 : i32
      %add3A_252 = arith.constant 1 : i32
      %add3A_253 = arith.addi %mul3A_251, %add3A_252 : i32
      %dma_wait3A_254 = arith.constant 0 : i32
      %dma_wait3A_255 = tpu.memref_slice %arg7[%add3A_253, %dma_wait3A_254] : memref<80x128xi32, #tpu.memory_space<vmem>> -> memref<1x128xi32, #tpu.memory_space<vmem>>
      %dma_wait3A_256 = tpu.memref_squeeze %dma_wait3A_255 : memref<1x128xi32, #tpu.memory_space<vmem>> -> memref<128xi32, #tpu.memory_space<vmem>>
      %dma_wait3A_257 = arith.constant 0 : i32
      %dma_wait3A_258 = arith.constant 0 : i32
      %dma_wait3A_259 = tpu.memref_slice %arg2[%dma_wait3A_257, %dma_wait3A_258] : memref<20000x128xf32, #tpu.memory_space<hbm>> -> memref<20000x128xf32, #tpu.memory_space<hbm>>
      tpu.wait_indirect_dma semaphore(%arg15 : memref<!tpu.dma_semaphore, #tpu.memory_space<semaphore_mem>>) src(%dma_wait3A_259 : memref<20000x128xf32, #tpu.memory_space<hbm>>) dst(%arg12 : memref<128x128xf32, #tpu.memory_space<vmem>>)
      %mul3A_260 = arith.constant 2 : i32
      %mul3A_261 = arith.muli %add3A_239, %mul3A_260 : i32
      %add3A_262 = arith.constant 0 : i32
      %add3A_263 = arith.addi %mul3A_261, %add3A_262 : i32
      "tpu.region"() ({
        %run_scoped3A_269 = tpu.sem_alloc : memref<!tpu.dma_semaphore, #tpu.memory_space<semaphore_mem>>
        %dma_start3A_270 = arith.constant 0 : i32
        %dma_start3A_271 = tpu.memref_slice %arg8[%add3A_263, %dma_start3A_270] : memref<80x128xi32, #tpu.memory_space<vmem>> -> memref<1x128xi32, #tpu.memory_space<vmem>>
        %dma_start3A_272 = tpu.memref_squeeze %dma_start3A_271 : memref<1x128xi32, #tpu.memory_space<vmem>> -> memref<128xi32, #tpu.memory_space<vmem>>
        %dma_start3A_273 = arith.constant 0 : i32
        %dma_start3A_274 = arith.constant 0 : i32
        %dma_start3A_275 = tpu.memref_slice %arg13[%dma_start3A_273, %dma_start3A_274] : memref<5024x128xf32, #tpu.memory_space<vmem_shared>> -> memref<5024x128xf32, #tpu.memory_space<vmem_shared>>
        tpu.enqueue_indirect_dma source(%arg11 : memref<128x128xf32, #tpu.memory_space<vmem>>) target(%dma_start3A_275 : memref<5024x128xf32, #tpu.memory_space<vmem_shared>>) offsets(%dma_start3A_272 : memref<128xi32, #tpu.memory_space<vmem>>) semaphore(%run_scoped3A_269 : memref<!tpu.dma_semaphore, #tpu.memory_space<semaphore_mem>>) {add = true}
        %dma_wait3A_276 = arith.constant 0 : i32
        %dma_wait3A_277 = tpu.memref_slice %arg8[%add3A_263, %dma_wait3A_276] : memref<80x128xi32, #tpu.memory_space<vmem>> -> memref<1x128xi32, #tpu.memory_space<vmem>>
        %dma_wait3A_278 = tpu.memref_squeeze %dma_wait3A_277 : memref<1x128xi32, #tpu.memory_space<vmem>> -> memref<128xi32, #tpu.memory_space<vmem>>
        %dma_wait3A_279 = arith.constant 0 : i32
        %dma_wait3A_280 = arith.constant 0 : i32
        %dma_wait3A_281 = tpu.memref_slice %arg13[%dma_wait3A_279, %dma_wait3A_280] : memref<5024x128xf32, #tpu.memory_space<vmem_shared>> -> memref<5024x128xf32, #tpu.memory_space<vmem_shared>>
        tpu.wait_indirect_dma semaphore(%run_scoped3A_269 : memref<!tpu.dma_semaphore, #tpu.memory_space<semaphore_mem>>) src(%arg11 : memref<128x128xf32, #tpu.memory_space<vmem>>) dst(%dma_wait3A_281 : memref<5024x128xf32, #tpu.memory_space<vmem_shared>>)
        tpu.yield
      }) : () -> ()
      %mul3A_264 = arith.constant 2 : i32
      %mul3A_265 = arith.muli %add3A_239, %mul3A_264 : i32
      %add3A_266 = arith.constant 1 : i32
      %add3A_267 = arith.addi %mul3A_265, %add3A_266 : i32
      "tpu.region"() ({
        %run_scoped3A_269 = tpu.sem_alloc : memref<!tpu.dma_semaphore, #tpu.memory_space<semaphore_mem>>
        %dma_start3A_270 = arith.constant 0 : i32
        %dma_start3A_271 = tpu.memref_slice %arg8[%add3A_267, %dma_start3A_270] : memref<80x128xi32, #tpu.memory_space<vmem>> -> memref<1x128xi32, #tpu.memory_space<vmem>>
        %dma_start3A_272 = tpu.memref_squeeze %dma_start3A_271 : memref<1x128xi32, #tpu.memory_space<vmem>> -> memref<128xi32, #tpu.memory_space<vmem>>
        %dma_start3A_273 = arith.constant 0 : i32
        %dma_start3A_274 = arith.constant 0 : i32
        %dma_start3A_275 = tpu.memref_slice %arg13[%dma_start3A_273, %dma_start3A_274] : memref<5024x128xf32, #tpu.memory_space<vmem_shared>> -> memref<5024x128xf32, #tpu.memory_space<vmem_shared>>
        tpu.enqueue_indirect_dma source(%arg12 : memref<128x128xf32, #tpu.memory_space<vmem>>) target(%dma_start3A_275 : memref<5024x128xf32, #tpu.memory_space<vmem_shared>>) offsets(%dma_start3A_272 : memref<128xi32, #tpu.memory_space<vmem>>) semaphore(%run_scoped3A_269 : memref<!tpu.dma_semaphore, #tpu.memory_space<semaphore_mem>>) {add = true}
        %dma_wait3A_276 = arith.constant 0 : i32
        %dma_wait3A_277 = tpu.memref_slice %arg8[%add3A_267, %dma_wait3A_276] : memref<80x128xi32, #tpu.memory_space<vmem>> -> memref<1x128xi32, #tpu.memory_space<vmem>>
        %dma_wait3A_278 = tpu.memref_squeeze %dma_wait3A_277 : memref<1x128xi32, #tpu.memory_space<vmem>> -> memref<128xi32, #tpu.memory_space<vmem>>
        %dma_wait3A_279 = arith.constant 0 : i32
        %dma_wait3A_280 = arith.constant 0 : i32
        %dma_wait3A_281 = tpu.memref_slice %arg13[%dma_wait3A_279, %dma_wait3A_280] : memref<5024x128xf32, #tpu.memory_space<vmem_shared>> -> memref<5024x128xf32, #tpu.memory_space<vmem_shared>>
        tpu.wait_indirect_dma semaphore(%run_scoped3A_269 : memref<!tpu.dma_semaphore, #tpu.memory_space<semaphore_mem>>) src(%arg12 : memref<128x128xf32, #tpu.memory_space<vmem>>) dst(%dma_wait3A_281 : memref<5024x128xf32, #tpu.memory_space<vmem_shared>>)
        tpu.yield
      }) : () -> ()
      %scan3A_268 = arith.constant 0 : i32
      scf.yield %scan3A_268 : i32
    }
    %scan3A_104 = arith.constant 19 : i32
    %dma_start3A_105 = arith.constant 78 : i32
    %dma_start3A_106 = arith.constant 0 : i32
    %dma_start3A_107 = tpu.memref_slice %arg7[%dma_start3A_105, %dma_start3A_106] : memref<80x128xi32, #tpu.memory_space<vmem>> -> memref<1x128xi32, #tpu.memory_space<vmem>>
    %dma_start3A_108 = tpu.memref_squeeze %dma_start3A_107 : memref<1x128xi32, #tpu.memory_space<vmem>> -> memref<128xi32, #tpu.memory_space<vmem>>
    %dma_start3A_109 = arith.constant 0 : i32
    %dma_start3A_110 = arith.constant 0 : i32
    %dma_start3A_111 = tpu.memref_slice %arg2[%dma_start3A_109, %dma_start3A_110] : memref<20000x128xf32, #tpu.memory_space<hbm>> -> memref<20000x128xf32, #tpu.memory_space<hbm>>
    tpu.enqueue_indirect_dma source(%dma_start3A_111 : memref<20000x128xf32, #tpu.memory_space<hbm>>) target(%arg11 : memref<128x128xf32, #tpu.memory_space<vmem>>) offsets(%dma_start3A_108 : memref<128xi32, #tpu.memory_space<vmem>>) semaphore(%arg15 : memref<!tpu.dma_semaphore, #tpu.memory_space<semaphore_mem>>)
    %dma_start3A_112 = arith.constant 79 : i32
    %dma_start3A_113 = arith.constant 0 : i32
    %dma_start3A_114 = tpu.memref_slice %arg7[%dma_start3A_112, %dma_start3A_113] : memref<80x128xi32, #tpu.memory_space<vmem>> -> memref<1x128xi32, #tpu.memory_space<vmem>>
    %dma_start3A_115 = tpu.memref_squeeze %dma_start3A_114 : memref<1x128xi32, #tpu.memory_space<vmem>> -> memref<128xi32, #tpu.memory_space<vmem>>
    %dma_start3A_116 = arith.constant 0 : i32
    %dma_start3A_117 = arith.constant 0 : i32
    %dma_start3A_118 = tpu.memref_slice %arg2[%dma_start3A_116, %dma_start3A_117] : memref<20000x128xf32, #tpu.memory_space<hbm>> -> memref<20000x128xf32, #tpu.memory_space<hbm>>
    tpu.enqueue_indirect_dma source(%dma_start3A_118 : memref<20000x128xf32, #tpu.memory_space<hbm>>) target(%arg12 : memref<128x128xf32, #tpu.memory_space<vmem>>) offsets(%dma_start3A_115 : memref<128xi32, #tpu.memory_space<vmem>>) semaphore(%arg15 : memref<!tpu.dma_semaphore, #tpu.memory_space<semaphore_mem>>)
    %dma_wait3A_119 = arith.constant 76 : i32
    %dma_wait3A_120 = arith.constant 0 : i32
    %dma_wait3A_121 = tpu.memref_slice %arg7[%dma_wait3A_119, %dma_wait3A_120] : memref<80x128xi32, #tpu.memory_space<vmem>> -> memref<1x128xi32, #tpu.memory_space<vmem>>
    %dma_wait3A_122 = tpu.memref_squeeze %dma_wait3A_121 : memref<1x128xi32, #tpu.memory_space<vmem>> -> memref<128xi32, #tpu.memory_space<vmem>>
    %dma_wait3A_123 = arith.constant 0 : i32
    %dma_wait3A_124 = arith.constant 0 : i32
    %dma_wait3A_125 = tpu.memref_slice %arg2[%dma_wait3A_123, %dma_wait3A_124] : memref<20000x128xf32, #tpu.memory_space<hbm>> -> memref<20000x128xf32, #tpu.memory_space<hbm>>
    tpu.wait_indirect_dma semaphore(%arg14 : memref<!tpu.dma_semaphore, #tpu.memory_space<semaphore_mem>>) src(%dma_wait3A_125 : memref<20000x128xf32, #tpu.memory_space<hbm>>) dst(%arg9 : memref<128x128xf32, #tpu.memory_space<vmem>>)
    %dma_wait3A_126 = arith.constant 77 : i32
    %dma_wait3A_127 = arith.constant 0 : i32
    %dma_wait3A_128 = tpu.memref_slice %arg7[%dma_wait3A_126, %dma_wait3A_127] : memref<80x128xi32, #tpu.memory_space<vmem>> -> memref<1x128xi32, #tpu.memory_space<vmem>>
    %dma_wait3A_129 = tpu.memref_squeeze %dma_wait3A_128 : memref<1x128xi32, #tpu.memory_space<vmem>> -> memref<128xi32, #tpu.memory_space<vmem>>
    %dma_wait3A_130 = arith.constant 0 : i32
    %dma_wait3A_131 = arith.constant 0 : i32
    %dma_wait3A_132 = tpu.memref_slice %arg2[%dma_wait3A_130, %dma_wait3A_131] : memref<20000x128xf32, #tpu.memory_space<hbm>> -> memref<20000x128xf32, #tpu.memory_space<hbm>>
    tpu.wait_indirect_dma semaphore(%arg14 : memref<!tpu.dma_semaphore, #tpu.memory_space<semaphore_mem>>) src(%dma_wait3A_132 : memref<20000x128xf32, #tpu.memory_space<hbm>>) dst(%arg10 : memref<128x128xf32, #tpu.memory_space<vmem>>)
    %run_scoped3A_133 = arith.constant 76 : i32
    "tpu.region"() ({
      %run_scoped3A_162 = tpu.sem_alloc : memref<!tpu.dma_semaphore, #tpu.memory_space<semaphore_mem>>
      %dma_start3A_163 = arith.constant 0 : i32
      %dma_start3A_164 = tpu.memref_slice %arg8[%run_scoped3A_133, %dma_start3A_163] : memref<80x128xi32, #tpu.memory_space<vmem>> -> memref<1x128xi32, #tpu.memory_space<vmem>>
      %dma_start3A_165 = tpu.memref_squeeze %dma_start3A_164 : memref<1x128xi32, #tpu.memory_space<vmem>> -> memref<128xi32, #tpu.memory_space<vmem>>
      %dma_start3A_166 = arith.constant 0 : i32
      %dma_start3A_167 = arith.constant 0 : i32
      %dma_start3A_168 = tpu.memref_slice %arg13[%dma_start3A_166, %dma_start3A_167] : memref<5024x128xf32, #tpu.memory_space<vmem_shared>> -> memref<5024x128xf32, #tpu.memory_space<vmem_shared>>
      tpu.enqueue_indirect_dma source(%arg9 : memref<128x128xf32, #tpu.memory_space<vmem>>) target(%dma_start3A_168 : memref<5024x128xf32, #tpu.memory_space<vmem_shared>>) offsets(%dma_start3A_165 : memref<128xi32, #tpu.memory_space<vmem>>) semaphore(%run_scoped3A_162 : memref<!tpu.dma_semaphore, #tpu.memory_space<semaphore_mem>>) {add = true}
      %dma_wait3A_169 = arith.constant 0 : i32
      %dma_wait3A_170 = tpu.memref_slice %arg8[%run_scoped3A_133, %dma_wait3A_169] : memref<80x128xi32, #tpu.memory_space<vmem>> -> memref<1x128xi32, #tpu.memory_space<vmem>>
      %dma_wait3A_171 = tpu.memref_squeeze %dma_wait3A_170 : memref<1x128xi32, #tpu.memory_space<vmem>> -> memref<128xi32, #tpu.memory_space<vmem>>
      %dma_wait3A_172 = arith.constant 0 : i32
      %dma_wait3A_173 = arith.constant 0 : i32
      %dma_wait3A_174 = tpu.memref_slice %arg13[%dma_wait3A_172, %dma_wait3A_173] : memref<5024x128xf32, #tpu.memory_space<vmem_shared>> -> memref<5024x128xf32, #tpu.memory_space<vmem_shared>>
      tpu.wait_indirect_dma semaphore(%run_scoped3A_162 : memref<!tpu.dma_semaphore, #tpu.memory_space<semaphore_mem>>) src(%arg9 : memref<128x128xf32, #tpu.memory_space<vmem>>) dst(%dma_wait3A_174 : memref<5024x128xf32, #tpu.memory_space<vmem_shared>>)
      tpu.yield
    }) : () -> ()
    %run_scoped3A_134 = arith.constant 77 : i32
    "tpu.region"() ({
      %run_scoped3A_162 = tpu.sem_alloc : memref<!tpu.dma_semaphore, #tpu.memory_space<semaphore_mem>>
      %dma_start3A_163 = arith.constant 0 : i32
      %dma_start3A_164 = tpu.memref_slice %arg8[%run_scoped3A_134, %dma_start3A_163] : memref<80x128xi32, #tpu.memory_space<vmem>> -> memref<1x128xi32, #tpu.memory_space<vmem>>
      %dma_start3A_165 = tpu.memref_squeeze %dma_start3A_164 : memref<1x128xi32, #tpu.memory_space<vmem>> -> memref<128xi32, #tpu.memory_space<vmem>>
      %dma_start3A_166 = arith.constant 0 : i32
      %dma_start3A_167 = arith.constant 0 : i32
      %dma_start3A_168 = tpu.memref_slice %arg13[%dma_start3A_166, %dma_start3A_167] : memref<5024x128xf32, #tpu.memory_space<vmem_shared>> -> memref<5024x128xf32, #tpu.memory_space<vmem_shared>>
      tpu.enqueue_indirect_dma source(%arg10 : memref<128x128xf32, #tpu.memory_space<vmem>>) target(%dma_start3A_168 : memref<5024x128xf32, #tpu.memory_space<vmem_shared>>) offsets(%dma_start3A_165 : memref<128xi32, #tpu.memory_space<vmem>>) semaphore(%run_scoped3A_162 : memref<!tpu.dma_semaphore, #tpu.memory_space<semaphore_mem>>) {add = true}
      %dma_wait3A_169 = arith.constant 0 : i32
      %dma_wait3A_170 = tpu.memref_slice %arg8[%run_scoped3A_134, %dma_wait3A_169] : memref<80x128xi32, #tpu.memory_space<vmem>> -> memref<1x128xi32, #tpu.memory_space<vmem>>
      %dma_wait3A_171 = tpu.memref_squeeze %dma_wait3A_170 : memref<1x128xi32, #tpu.memory_space<vmem>> -> memref<128xi32, #tpu.memory_space<vmem>>
      %dma_wait3A_172 = arith.constant 0 : i32
      %dma_wait3A_173 = arith.constant 0 : i32
      %dma_wait3A_174 = tpu.memref_slice %arg13[%dma_wait3A_172, %dma_wait3A_173] : memref<5024x128xf32, #tpu.memory_space<vmem_shared>> -> memref<5024x128xf32, #tpu.memory_space<vmem_shared>>
      tpu.wait_indirect_dma semaphore(%run_scoped3A_162 : memref<!tpu.dma_semaphore, #tpu.memory_space<semaphore_mem>>) src(%arg10 : memref<128x128xf32, #tpu.memory_space<vmem>>) dst(%dma_wait3A_174 : memref<5024x128xf32, #tpu.memory_space<vmem_shared>>)
      tpu.yield
    }) : () -> ()
    %dma_wait3A_135 = arith.constant 78 : i32
    %dma_wait3A_136 = arith.constant 0 : i32
    %dma_wait3A_137 = tpu.memref_slice %arg7[%dma_wait3A_135, %dma_wait3A_136] : memref<80x128xi32, #tpu.memory_space<vmem>> -> memref<1x128xi32, #tpu.memory_space<vmem>>
    %dma_wait3A_138 = tpu.memref_squeeze %dma_wait3A_137 : memref<1x128xi32, #tpu.memory_space<vmem>> -> memref<128xi32, #tpu.memory_space<vmem>>
    %dma_wait3A_139 = arith.constant 0 : i32
    %dma_wait3A_140 = arith.constant 0 : i32
    %dma_wait3A_141 = tpu.memref_slice %arg2[%dma_wait3A_139, %dma_wait3A_140] : memref<20000x128xf32, #tpu.memory_space<hbm>> -> memref<20000x128xf32, #tpu.memory_space<hbm>>
    tpu.wait_indirect_dma semaphore(%arg15 : memref<!tpu.dma_semaphore, #tpu.memory_space<semaphore_mem>>) src(%dma_wait3A_141 : memref<20000x128xf32, #tpu.memory_space<hbm>>) dst(%arg11 : memref<128x128xf32, #tpu.memory_space<vmem>>)
    %dma_wait3A_142 = arith.constant 79 : i32
    %dma_wait3A_143 = arith.constant 0 : i32
    %dma_wait3A_144 = tpu.memref_slice %arg7[%dma_wait3A_142, %dma_wait3A_143] : memref<80x128xi32, #tpu.memory_space<vmem>> -> memref<1x128xi32, #tpu.memory_space<vmem>>
    %dma_wait3A_145 = tpu.memref_squeeze %dma_wait3A_144 : memref<1x128xi32, #tpu.memory_space<vmem>> -> memref<128xi32, #tpu.memory_space<vmem>>
    %dma_wait3A_146 = arith.constant 0 : i32
    %dma_wait3A_147 = arith.constant 0 : i32
    %dma_wait3A_148 = tpu.memref_slice %arg2[%dma_wait3A_146, %dma_wait3A_147] : memref<20000x128xf32, #tpu.memory_space<hbm>> -> memref<20000x128xf32, #tpu.memory_space<hbm>>
    tpu.wait_indirect_dma semaphore(%arg15 : memref<!tpu.dma_semaphore, #tpu.memory_space<semaphore_mem>>) src(%dma_wait3A_148 : memref<20000x128xf32, #tpu.memory_space<hbm>>) dst(%arg12 : memref<128x128xf32, #tpu.memory_space<vmem>>)
    %run_scoped3A_149 = arith.constant 78 : i32
    "tpu.region"() ({
      %run_scoped3A_162 = tpu.sem_alloc : memref<!tpu.dma_semaphore, #tpu.memory_space<semaphore_mem>>
      %dma_start3A_163 = arith.constant 0 : i32
      %dma_start3A_164 = tpu.memref_slice %arg8[%run_scoped3A_149, %dma_start3A_163] : memref<80x128xi32, #tpu.memory_space<vmem>> -> memref<1x128xi32, #tpu.memory_space<vmem>>
      %dma_start3A_165 = tpu.memref_squeeze %dma_start3A_164 : memref<1x128xi32, #tpu.memory_space<vmem>> -> memref<128xi32, #tpu.memory_space<vmem>>
      %dma_start3A_166 = arith.constant 0 : i32
      %dma_start3A_167 = arith.constant 0 : i32
      %dma_start3A_168 = tpu.memref_slice %arg13[%dma_start3A_166, %dma_start3A_167] : memref<5024x128xf32, #tpu.memory_space<vmem_shared>> -> memref<5024x128xf32, #tpu.memory_space<vmem_shared>>
      tpu.enqueue_indirect_dma source(%arg11 : memref<128x128xf32, #tpu.memory_space<vmem>>) target(%dma_start3A_168 : memref<5024x128xf32, #tpu.memory_space<vmem_shared>>) offsets(%dma_start3A_165 : memref<128xi32, #tpu.memory_space<vmem>>) semaphore(%run_scoped3A_162 : memref<!tpu.dma_semaphore, #tpu.memory_space<semaphore_mem>>) {add = true}
      %dma_wait3A_169 = arith.constant 0 : i32
      %dma_wait3A_170 = tpu.memref_slice %arg8[%run_scoped3A_149, %dma_wait3A_169] : memref<80x128xi32, #tpu.memory_space<vmem>> -> memref<1x128xi32, #tpu.memory_space<vmem>>
      %dma_wait3A_171 = tpu.memref_squeeze %dma_wait3A_170 : memref<1x128xi32, #tpu.memory_space<vmem>> -> memref<128xi32, #tpu.memory_space<vmem>>
      %dma_wait3A_172 = arith.constant 0 : i32
      %dma_wait3A_173 = arith.constant 0 : i32
      %dma_wait3A_174 = tpu.memref_slice %arg13[%dma_wait3A_172, %dma_wait3A_173] : memref<5024x128xf32, #tpu.memory_space<vmem_shared>> -> memref<5024x128xf32, #tpu.memory_space<vmem_shared>>
      tpu.wait_indirect_dma semaphore(%run_scoped3A_162 : memref<!tpu.dma_semaphore, #tpu.memory_space<semaphore_mem>>) src(%arg11 : memref<128x128xf32, #tpu.memory_space<vmem>>) dst(%dma_wait3A_174 : memref<5024x128xf32, #tpu.memory_space<vmem_shared>>)
      tpu.yield
    }) : () -> ()
    %run_scoped3A_150 = arith.constant 79 : i32
    "tpu.region"() ({
      %run_scoped3A_162 = tpu.sem_alloc : memref<!tpu.dma_semaphore, #tpu.memory_space<semaphore_mem>>
      %dma_start3A_163 = arith.constant 0 : i32
      %dma_start3A_164 = tpu.memref_slice %arg8[%run_scoped3A_150, %dma_start3A_163] : memref<80x128xi32, #tpu.memory_space<vmem>> -> memref<1x128xi32, #tpu.memory_space<vmem>>
      %dma_start3A_165 = tpu.memref_squeeze %dma_start3A_164 : memref<1x128xi32, #tpu.memory_space<vmem>> -> memref<128xi32, #tpu.memory_space<vmem>>
      %dma_start3A_166 = arith.constant 0 : i32
      %dma_start3A_167 = arith.constant 0 : i32
      %dma_start3A_168 = tpu.memref_slice %arg13[%dma_start3A_166, %dma_start3A_167] : memref<5024x128xf32, #tpu.memory_space<vmem_shared>> -> memref<5024x128xf32, #tpu.memory_space<vmem_shared>>
      tpu.enqueue_indirect_dma source(%arg12 : memref<128x128xf32, #tpu.memory_space<vmem>>) target(%dma_start3A_168 : memref<5024x128xf32, #tpu.memory_space<vmem_shared>>) offsets(%dma_start3A_165 : memref<128xi32, #tpu.memory_space<vmem>>) semaphore(%run_scoped3A_162 : memref<!tpu.dma_semaphore, #tpu.memory_space<semaphore_mem>>) {add = true}
      %dma_wait3A_169 = arith.constant 0 : i32
      %dma_wait3A_170 = tpu.memref_slice %arg8[%run_scoped3A_150, %dma_wait3A_169] : memref<80x128xi32, #tpu.memory_space<vmem>> -> memref<1x128xi32, #tpu.memory_space<vmem>>
      %dma_wait3A_171 = tpu.memref_squeeze %dma_wait3A_170 : memref<1x128xi32, #tpu.memory_space<vmem>> -> memref<128xi32, #tpu.memory_space<vmem>>
      %dma_wait3A_172 = arith.constant 0 : i32
      %dma_wait3A_173 = arith.constant 0 : i32
      %dma_wait3A_174 = tpu.memref_slice %arg13[%dma_wait3A_172, %dma_wait3A_173] : memref<5024x128xf32, #tpu.memory_space<vmem_shared>> -> memref<5024x128xf32, #tpu.memory_space<vmem_shared>>
      tpu.wait_indirect_dma semaphore(%run_scoped3A_162 : memref<!tpu.dma_semaphore, #tpu.memory_space<semaphore_mem>>) src(%arg12 : memref<128x128xf32, #tpu.memory_space<vmem>>) dst(%dma_wait3A_174 : memref<5024x128xf32, #tpu.memory_space<vmem_shared>>)
      tpu.yield
    }) : () -> ()
    %barrier3A_151 = arith.constant 0 : index
    tpu.barrier barrier_id(%barrier3A_151)
    %mul3A_152 = arith.constant 314 : i32
    %mul3A_153 = arith.muli %arg1, %mul3A_152 : i32
    %mul3A_154 = arith.constant 2 : i32
    %mul3A_155 = arith.muli %arg0, %mul3A_154 : i32
    %add3A_156 = arith.constant 1 : i32
    %add3A_157 = arith.addi %mul3A_155, %add3A_156 : i32
    %mul3A_158 = arith.constant 16 : i32
    %mul3A_159 = arith.muli %add3A_157, %mul3A_158 : i32
    %add3A_160 = arith.addi %mul3A_159, %arg1 : i32
    "tpu.region"() ({
      %run_scoped3A_162 = tpu.sem_alloc : memref<!tpu.dma_semaphore, #tpu.memory_space<semaphore_mem>>
      %dma_start3A_163 = arith.constant 0 : i32
      %dma_start3A_164 = arith.constant 0 : i32
      %dma_start3A_165 = tpu.memref_slice %arg6[%add3A_160, %dma_start3A_163, %dma_start3A_164] : memref<64x314x128xf32, #tpu.memory_space<hbm>> -> memref<1x314x128xf32, #tpu.memory_space<hbm>>
      %dma_start3A_166 = tpu.memref_squeeze %dma_start3A_165 : memref<1x314x128xf32, #tpu.memory_space<hbm>> -> memref<314x128xf32, #tpu.memory_space<hbm>>
      %dma_start3A_167 = arith.constant 0 : i32
      %dma_start3A_168 = tpu.memref_slice %arg13[%mul3A_153, %dma_start3A_167] : memref<5024x128xf32, #tpu.memory_space<vmem_shared>> -> memref<314x128xf32, #tpu.memory_space<vmem_shared>>
      tpu.enqueue_dma source(%dma_start3A_168 : memref<314x128xf32, #tpu.memory_space<vmem_shared>>) target(%dma_start3A_166 : memref<314x128xf32, #tpu.memory_space<hbm>>) target_semaphore(%run_scoped3A_162 : memref<!tpu.dma_semaphore, #tpu.memory_space<semaphore_mem>>)
      %dma_wait3A_169 = arith.constant 0 : i32
      %dma_wait3A_170 = arith.constant 0 : i32
      %dma_wait3A_171 = tpu.memref_slice %arg6[%add3A_160, %dma_wait3A_169, %dma_wait3A_170] : memref<64x314x128xf32, #tpu.memory_space<hbm>> -> memref<1x314x128xf32, #tpu.memory_space<hbm>>
      %dma_wait3A_172 = tpu.memref_squeeze %dma_wait3A_171 : memref<1x314x128xf32, #tpu.memory_space<hbm>> -> memref<314x128xf32, #tpu.memory_space<hbm>>
      %dma_wait3A_173 = arith.constant 0 : i32
      %dma_wait3A_174 = tpu.memref_slice %arg13[%mul3A_153, %dma_wait3A_173] : memref<5024x128xf32, #tpu.memory_space<vmem_shared>> -> memref<314x128xf32, #tpu.memory_space<vmem_shared>>
      tpu.wait_dma2 semaphore(%run_scoped3A_162 : memref<!tpu.dma_semaphore, #tpu.memory_space<semaphore_mem>>) src(%dma_wait3A_174 : memref<314x128xf32, #tpu.memory_space<vmem_shared>>) dst(%dma_wait3A_172 : memref<314x128xf32, #tpu.memory_space<hbm>>)
      tpu.yield
    }) : () -> ()
    %barrier3A_161 = arith.constant 0 : index
    tpu.barrier barrier_id(%barrier3A_161)
    return
  }
}

#map = affine_map<(d0, d1) -> (0, 0)>
#map1 = affine_map<(d0, d1) -> (0, 0, 0)>
module attributes {stable_mosaic.version = 14 : i64} {
  func.func @_agg_body(%arg0: i32, %arg1: i32, %arg2: memref<20000x128xf32, #tpu.memory_space<hbm>>, %arg3: memref<32x80x128xi32, #tpu.memory_space<hbm>>, %arg4: memref<32x80x128xi32, #tpu.memory_space<hbm>>, %arg5: memref<16x314x128xf32, #tpu.memory_space<hbm>>, %arg6: memref<64x314x128xf32, #tpu.memory_space<hbm>>, %arg7: memref<80x128xi32, #tpu.memory_space<vmem>>, %arg8: memref<80x128xi32, #tpu.memory_space<vmem>>, %arg9: memref<128x128xf32, #tpu.memory_space<vmem>>, %arg10: memref<128x128xf32, #tpu.memory_space<vmem>>, %arg11: memref<128x128xf32, #tpu.memory_space<vmem>>, %arg12: memref<128x128xf32, #tpu.memory_space<vmem>>, %arg13: memref<5024x128xf32, #tpu.memory_space<vmem_shared>>, %arg14: memref<!tpu.dma_semaphore, #tpu.memory_space<semaphore_mem>>, %arg15: memref<!tpu.dma_semaphore, #tpu.memory_space<semaphore_mem>>) attributes {dimension_semantics = [#tpu.dimension_semantics<core_parallel>, #tpu.dimension_semantics<subcore_parallel>], iteration_bounds = array<i64: 2, 16>, scalar_prefetch = 0 : i64, scratch_operands = 9 : i64, tpu.core_type = #tpu.core_type<sc_vector_subcore>, window_params = [{transform_indices = #map}, {transform_indices = #map1}, {transform_indices = #map1}, {transform_indices = #map1}, {transform_indices = #map1}]} {
    %mul3A = arith.constant 16 : i32
    %mul3A_0 = arith.muli %arg0, %mul3A : i32
    %add3A = arith.addi %mul3A_0, %arg1 : i32
    "tpu.region"() ({
      %run_scoped3A_162 = tpu.sem_alloc : memref<!tpu.dma_semaphore, #tpu.memory_space<semaphore_mem>>
      %dma_start3A_163 = arith.constant 0 : i32
      %dma_start3A_164 = arith.constant 0 : i32
      %dma_start3A_165 = tpu.memref_slice %arg3[%add3A, %dma_start3A_163, %dma_start3A_164] : memref<32x80x128xi32, #tpu.memory_space<hbm>> -> memref<1x80x128xi32, #tpu.memory_space<hbm>>
      %dma_start3A_166 = tpu.memref_squeeze %dma_start3A_165 : memref<1x80x128xi32, #tpu.memory_space<hbm>> -> memref<80x128xi32, #tpu.memory_space<hbm>>
      %dma_start3A_167 = arith.constant 0 : i32
      %dma_start3A_168 = arith.constant 0 : i32
      %dma_start3A_169 = tpu.memref_slice %arg3[%add3A, %dma_start3A_167, %dma_start3A_168] : memref<32x80x128xi32, #tpu.memory_space<hbm>> -> memref<1x80x128xi32, #tpu.memory_space<hbm>>
      %dma_start3A_170 = tpu.memref_squeeze %dma_start3A_169 : memref<1x80x128xi32, #tpu.memory_space<hbm>> -> memref<80x128xi32, #tpu.memory_space<hbm>>
      tpu.enqueue_dma source(%dma_start3A_170 : memref<80x128xi32, #tpu.memory_space<hbm>>) target(%arg7 : memref<80x128xi32, #tpu.memory_space<vmem>>) target_semaphore(%run_scoped3A_162 : memref<!tpu.dma_semaphore, #tpu.memory_space<semaphore_mem>>)
      %dma_wait3A_171 = arith.constant 0 : i32
      %dma_wait3A_172 = arith.constant 0 : i32
      %dma_wait3A_173 = tpu.memref_slice %arg3[%add3A, %dma_wait3A_171, %dma_wait3A_172] : memref<32x80x128xi32, #tpu.memory_space<hbm>> -> memref<1x80x128xi32, #tpu.memory_space<hbm>>
      %dma_wait3A_174 = tpu.memref_squeeze %dma_wait3A_173 : memref<1x80x128xi32, #tpu.memory_space<hbm>> -> memref<80x128xi32, #tpu.memory_space<hbm>>
      %dma_wait3A_175 = arith.constant 0 : i32
      %dma_wait3A_176 = arith.constant 0 : i32
      %dma_wait3A_177 = tpu.memref_slice %arg3[%add3A, %dma_wait3A_175, %dma_wait3A_176] : memref<32x80x128xi32, #tpu.memory_space<hbm>> -> memref<1x80x128xi32, #tpu.memory_space<hbm>>
      %dma_wait3A_178 = tpu.memref_squeeze %dma_wait3A_177 : memref<1x80x128xi32, #tpu.memory_space<hbm>> -> memref<80x128xi32, #tpu.memory_space<hbm>>
      tpu.wait_dma2 semaphore(%run_scoped3A_162 : memref<!tpu.dma_semaphore, #tpu.memory_space<semaphore_mem>>) src(%dma_wait3A_178 : memref<80x128xi32, #tpu.memory_space<hbm>>) dst(%arg7 : memref<80x128xi32, #tpu.memory_space<vmem>>)
      tpu.yield
    }) : () -> ()
    %add3A_1 = arith.constant 0 : i32
    %add3A_2 = arith.addi %add3A_1, %arg1 : i32
    "tpu.region"() ({
      %run_scoped3A_162 = tpu.sem_alloc : memref<!tpu.dma_semaphore, #tpu.memory_space<semaphore_mem>>
      %dma_start3A_163 = arith.constant 0 : i32
      %dma_start3A_164 = arith.constant 0 : i32
      %dma_start3A_165 = tpu.memref_slice %arg4[%add3A_2, %dma_start3A_163, %dma_start3A_164] : memref<32x80x128xi32, #tpu.memory_space<hbm>> -> memref<1x80x128xi32, #tpu.memory_space<hbm>>
      %dma_start3A_166 = tpu.memref_squeeze %dma_start3A_165 : memref<1x80x128xi32, #tpu.memory_space<hbm>> -> memref<80x128xi32, #tpu.memory_space<hbm>>
      %dma_start3A_167 = arith.constant 0 : i32
      %dma_start3A_168 = arith.constant 0 : i32
      %dma_start3A_169 = tpu.memref_slice %arg4[%add3A_2, %dma_start3A_167, %dma_start3A_168] : memref<32x80x128xi32, #tpu.memory_space<hbm>> -> memref<1x80x128xi32, #tpu.memory_space<hbm>>
      %dma_start3A_170 = tpu.memref_squeeze %dma_start3A_169 : memref<1x80x128xi32, #tpu.memory_space<hbm>> -> memref<80x128xi32, #tpu.memory_space<hbm>>
      tpu.enqueue_dma source(%dma_start3A_170 : memref<80x128xi32, #tpu.memory_space<hbm>>) target(%arg8 : memref<80x128xi32, #tpu.memory_space<vmem>>) target_semaphore(%run_scoped3A_162 : memref<!tpu.dma_semaphore, #tpu.memory_space<semaphore_mem>>)
      %dma_wait3A_171 = arith.constant 0 : i32
      %dma_wait3A_172 = arith.constant 0 : i32
      %dma_wait3A_173 = tpu.memref_slice %arg4[%add3A_2, %dma_wait3A_171, %dma_wait3A_172] : memref<32x80x128xi32, #tpu.memory_space<hbm>> -> memref<1x80x128xi32, #tpu.memory_space<hbm>>
      %dma_wait3A_174 = tpu.memref_squeeze %dma_wait3A_173 : memref<1x80x128xi32, #tpu.memory_space<hbm>> -> memref<80x128xi32, #tpu.memory_space<hbm>>
      %dma_wait3A_175 = arith.constant 0 : i32
      %dma_wait3A_176 = arith.constant 0 : i32
      %dma_wait3A_177 = tpu.memref_slice %arg4[%add3A_2, %dma_wait3A_175, %dma_wait3A_176] : memref<32x80x128xi32, #tpu.memory_space<hbm>> -> memref<1x80x128xi32, #tpu.memory_space<hbm>>
      %dma_wait3A_178 = tpu.memref_squeeze %dma_wait3A_177 : memref<1x80x128xi32, #tpu.memory_space<hbm>> -> memref<80x128xi32, #tpu.memory_space<hbm>>
      tpu.wait_dma2 semaphore(%run_scoped3A_162 : memref<!tpu.dma_semaphore, #tpu.memory_space<semaphore_mem>>) src(%dma_wait3A_178 : memref<80x128xi32, #tpu.memory_space<hbm>>) dst(%arg8 : memref<80x128xi32, #tpu.memory_space<vmem>>)
      tpu.yield
    }) : () -> ()
    %mul3A_3 = arith.constant 314 : i32
    %mul3A_4 = arith.muli %arg1, %mul3A_3 : i32
    "tpu.region"() ({
      %run_scoped3A_162 = tpu.sem_alloc : memref<!tpu.dma_semaphore, #tpu.memory_space<semaphore_mem>>
      %dma_start3A_163 = arith.constant 0 : i32
      %dma_start3A_164 = tpu.memref_slice %arg13[%mul3A_4, %dma_start3A_163] : memref<5024x128xf32, #tpu.memory_space<vmem_shared>> -> memref<314x128xf32, #tpu.memory_space<vmem_shared>>
      %dma_start3A_165 = arith.constant 0 : i32
      %dma_start3A_166 = arith.constant 0 : i32
      %dma_start3A_167 = tpu.memref_slice %arg5[%arg1, %dma_start3A_165, %dma_start3A_166] : memref<16x314x128xf32, #tpu.memory_space<hbm>> -> memref<1x314x128xf32, #tpu.memory_space<hbm>>
      %dma_start3A_168 = tpu.memref_squeeze %dma_start3A_167 : memref<1x314x128xf32, #tpu.memory_space<hbm>> -> memref<314x128xf32, #tpu.memory_space<hbm>>
      tpu.enqueue_dma source(%dma_start3A_168 : memref<314x128xf32, #tpu.memory_space<hbm>>) target(%dma_start3A_164 : memref<314x128xf32, #tpu.memory_space<vmem_shared>>) target_semaphore(%run_scoped3A_162 : memref<!tpu.dma_semaphore, #tpu.memory_space<semaphore_mem>>)
      %dma_wait3A_169 = arith.constant 0 : i32
      %dma_wait3A_170 = tpu.memref_slice %arg13[%mul3A_4, %dma_wait3A_169] : memref<5024x128xf32, #tpu.memory_space<vmem_shared>> -> memref<314x128xf32, #tpu.memory_space<vmem_shared>>
      %dma_wait3A_171 = arith.constant 0 : i32
      %dma_wait3A_172 = arith.constant 0 : i32
      %dma_wait3A_173 = tpu.memref_slice %arg5[%arg1, %dma_wait3A_171, %dma_wait3A_172] : memref<16x314x128xf32, #tpu.memory_space<hbm>> -> memref<1x314x128xf32, #tpu.memory_space<hbm>>
      %dma_wait3A_174 = tpu.memref_squeeze %dma_wait3A_173 : memref<1x314x128xf32, #tpu.memory_space<hbm>> -> memref<314x128xf32, #tpu.memory_space<hbm>>
      tpu.wait_dma2 semaphore(%run_scoped3A_162 : memref<!tpu.dma_semaphore, #tpu.memory_space<semaphore_mem>>) src(%dma_wait3A_174 : memref<314x128xf32, #tpu.memory_space<hbm>>) dst(%dma_wait3A_170 : memref<314x128xf32, #tpu.memory_space<vmem_shared>>)
      tpu.yield
    }) : () -> ()
    %barrier3A = arith.constant 0 : index
    tpu.barrier barrier_id(%barrier3A)
    %dma_start3A = arith.constant 0 : i32
    %dma_start3A_5 = arith.constant 0 : i32
    %dma_start3A_6 = tpu.memref_slice %arg7[%dma_start3A, %dma_start3A_5] : memref<80x128xi32, #tpu.memory_space<vmem>> -> memref<1x128xi32, #tpu.memory_space<vmem>>
    %dma_start3A_7 = tpu.memref_squeeze %dma_start3A_6 : memref<1x128xi32, #tpu.memory_space<vmem>> -> memref<128xi32, #tpu.memory_space<vmem>>
    %dma_start3A_8 = arith.constant 0 : i32
    %dma_start3A_9 = arith.constant 0 : i32
    %dma_start3A_10 = tpu.memref_slice %arg2[%dma_start3A_8, %dma_start3A_9] : memref<20000x128xf32, #tpu.memory_space<hbm>> -> memref<20000x128xf32, #tpu.memory_space<hbm>>
    tpu.enqueue_indirect_dma source(%dma_start3A_10 : memref<20000x128xf32, #tpu.memory_space<hbm>>) target(%arg9 : memref<128x128xf32, #tpu.memory_space<vmem>>) offsets(%dma_start3A_7 : memref<128xi32, #tpu.memory_space<vmem>>) semaphore(%arg14 : memref<!tpu.dma_semaphore, #tpu.memory_space<semaphore_mem>>)
    %dma_start3A_11 = arith.constant 1 : i32
    %dma_start3A_12 = arith.constant 0 : i32
    %dma_start3A_13 = tpu.memref_slice %arg7[%dma_start3A_11, %dma_start3A_12] : memref<80x128xi32, #tpu.memory_space<vmem>> -> memref<1x128xi32, #tpu.memory_space<vmem>>
    %dma_start3A_14 = tpu.memref_squeeze %dma_start3A_13 : memref<1x128xi32, #tpu.memory_space<vmem>> -> memref<128xi32, #tpu.memory_space<vmem>>
    %dma_start3A_15 = arith.constant 0 : i32
    %dma_start3A_16 = arith.constant 0 : i32
    %dma_start3A_17 = tpu.memref_slice %arg2[%dma_start3A_15, %dma_start3A_16] : memref<20000x128xf32, #tpu.memory_space<hbm>> -> memref<20000x128xf32, #tpu.memory_space<hbm>>
    tpu.enqueue_indirect_dma source(%dma_start3A_17 : memref<20000x128xf32, #tpu.memory_space<hbm>>) target(%arg10 : memref<128x128xf32, #tpu.memory_space<vmem>>) offsets(%dma_start3A_14 : memref<128xi32, #tpu.memory_space<vmem>>) semaphore(%arg14 : memref<!tpu.dma_semaphore, #tpu.memory_space<semaphore_mem>>)
    %scan3A = arith.constant 0 : i32
    %scan3A_18 = arith.constant 0 : i32
    %scan3A_19 = arith.constant 19 : i32
    %scan3A_20 = arith.addi %scan3A_18, %scan3A_19 : i32
    %scan3A_21 = arith.constant 1 : i32
    %scan3A_22 = scf.for %scan3A_162 = %scan3A_18 to %scan3A_20 step %scan3A_21 iter_args(%scan3A_163 = %scan3A) -> (i32)  : i32 {
      %mul3A_164 = arith.constant 2 : i32
      %mul3A_165 = arith.muli %mul3A_164, %scan3A_162 : i32
      %add3A_166 = arith.constant 1 : i32
      %add3A_167 = arith.addi %mul3A_165, %add3A_166 : i32
      %mul3A_168 = arith.constant 2 : i32
      %mul3A_169 = arith.muli %add3A_167, %mul3A_168 : i32
      %add3A_170 = arith.constant 0 : i32
      %add3A_171 = arith.addi %mul3A_169, %add3A_170 : i32
      %dma_start3A_172 = arith.constant 0 : i32
      %dma_start3A_173 = tpu.memref_slice %arg7[%add3A_171, %dma_start3A_172] : memref<80x128xi32, #tpu.memory_space<vmem>> -> memref<1x128xi32, #tpu.memory_space<vmem>>
      %dma_start3A_174 = tpu.memref_squeeze %dma_start3A_173 : memref<1x128xi32, #tpu.memory_space<vmem>> -> memref<128xi32, #tpu.memory_space<vmem>>
      %dma_start3A_175 = arith.constant 0 : i32
      %dma_start3A_176 = arith.constant 0 : i32
      %dma_start3A_177 = tpu.memref_slice %arg2[%dma_start3A_175, %dma_start3A_176] : memref<20000x128xf32, #tpu.memory_space<hbm>> -> memref<20000x128xf32, #tpu.memory_space<hbm>>
      tpu.enqueue_indirect_dma source(%dma_start3A_177 : memref<20000x128xf32, #tpu.memory_space<hbm>>) target(%arg11 : memref<128x128xf32, #tpu.memory_space<vmem>>) offsets(%dma_start3A_174 : memref<128xi32, #tpu.memory_space<vmem>>) semaphore(%arg15 : memref<!tpu.dma_semaphore, #tpu.memory_space<semaphore_mem>>)
      %mul3A_178 = arith.constant 2 : i32
      %mul3A_179 = arith.muli %add3A_167, %mul3A_178 : i32
      %add3A_180 = arith.constant 1 : i32
      %add3A_181 = arith.addi %mul3A_179, %add3A_180 : i32
      %dma_start3A_182 = arith.constant 0 : i32
      %dma_start3A_183 = tpu.memref_slice %arg7[%add3A_181, %dma_start3A_182] : memref<80x128xi32, #tpu.memory_space<vmem>> -> memref<1x128xi32, #tpu.memory_space<vmem>>
      %dma_start3A_184 = tpu.memref_squeeze %dma_start3A_183 : memref<1x128xi32, #tpu.memory_space<vmem>> -> memref<128xi32, #tpu.memory_space<vmem>>
      %dma_start3A_185 = arith.constant 0 : i32
      %dma_start3A_186 = arith.constant 0 : i32
      %dma_start3A_187 = tpu.memref_slice %arg2[%dma_start3A_185, %dma_start3A_186] : memref<20000x128xf32, #tpu.memory_space<hbm>> -> memref<20000x128xf32, #tpu.memory_space<hbm>>
      tpu.enqueue_indirect_dma source(%dma_start3A_187 : memref<20000x128xf32, #tpu.memory_space<hbm>>) target(%arg12 : memref<128x128xf32, #tpu.memory_space<vmem>>) offsets(%dma_start3A_184 : memref<128xi32, #tpu.memory_space<vmem>>) semaphore(%arg15 : memref<!tpu.dma_semaphore, #tpu.memory_space<semaphore_mem>>)
      %mul3A_188 = arith.constant 2 : i32
      %mul3A_189 = arith.muli %mul3A_165, %mul3A_188 : i32
      %add3A_190 = arith.constant 0 : i32
      %add3A_191 = arith.addi %mul3A_189, %add3A_190 : i32
      %dma_wait3A_192 = arith.constant 0 : i32
      %dma_wait3A_193 = tpu.memref_slice %arg7[%add3A_191, %dma_wait3A_192] : memref<80x128xi32, #tpu.memory_space<vmem>> -> memref<1x128xi32, #tpu.memory_space<vmem>>
      %dma_wait3A_194 = tpu.memref_squeeze %dma_wait3A_193 : memref<1x128xi32, #tpu.memory_space<vmem>> -> memref<128xi32, #tpu.memory_space<vmem>>
      %dma_wait3A_195 = arith.constant 0 : i32
      %dma_wait3A_196 = arith.constant 0 : i32
      %dma_wait3A_197 = tpu.memref_slice %arg2[%dma_wait3A_195, %dma_wait3A_196] : memref<20000x128xf32, #tpu.memory_space<hbm>> -> memref<20000x128xf32, #tpu.memory_space<hbm>>
      tpu.wait_indirect_dma semaphore(%arg14 : memref<!tpu.dma_semaphore, #tpu.memory_space<semaphore_mem>>) src(%dma_wait3A_197 : memref<20000x128xf32, #tpu.memory_space<hbm>>) dst(%arg9 : memref<128x128xf32, #tpu.memory_space<vmem>>)
      %mul3A_198 = arith.constant 2 : i32
      %mul3A_199 = arith.muli %mul3A_165, %mul3A_198 : i32
      %add3A_200 = arith.constant 1 : i32
      %add3A_201 = arith.addi %mul3A_199, %add3A_200 : i32
      %dma_wait3A_202 = arith.constant 0 : i32
      %dma_wait3A_203 = tpu.memref_slice %arg7[%add3A_201, %dma_wait3A_202] : memref<80x128xi32, #tpu.memory_space<vmem>> -> memref<1x128xi32, #tpu.memory_space<vmem>>
      %dma_wait3A_204 = tpu.memref_squeeze %dma_wait3A_203 : memref<1x128xi32, #tpu.memory_space<vmem>> -> memref<128xi32, #tpu.memory_space<vmem>>
      %dma_wait3A_205 = arith.constant 0 : i32
      %dma_wait3A_206 = arith.constant 0 : i32
      %dma_wait3A_207 = tpu.memref_slice %arg2[%dma_wait3A_205, %dma_wait3A_206] : memref<20000x128xf32, #tpu.memory_space<hbm>> -> memref<20000x128xf32, #tpu.memory_space<hbm>>
      tpu.wait_indirect_dma semaphore(%arg14 : memref<!tpu.dma_semaphore, #tpu.memory_space<semaphore_mem>>) src(%dma_wait3A_207 : memref<20000x128xf32, #tpu.memory_space<hbm>>) dst(%arg10 : memref<128x128xf32, #tpu.memory_space<vmem>>)
      %mul3A_208 = arith.constant 2 : i32
      %mul3A_209 = arith.muli %mul3A_165, %mul3A_208 : i32
      %add3A_210 = arith.constant 0 : i32
      %add3A_211 = arith.addi %mul3A_209, %add3A_210 : i32
      "tpu.region"() ({
        %run_scoped3A_269 = tpu.sem_alloc : memref<!tpu.dma_semaphore, #tpu.memory_space<semaphore_mem>>
        %dma_start3A_270 = arith.constant 0 : i32
        %dma_start3A_271 = tpu.memref_slice %arg8[%add3A_211, %dma_start3A_270] : memref<80x128xi32, #tpu.memory_space<vmem>> -> memref<1x128xi32, #tpu.memory_space<vmem>>
        %dma_start3A_272 = tpu.memref_squeeze %dma_start3A_271 : memref<1x128xi32, #tpu.memory_space<vmem>> -> memref<128xi32, #tpu.memory_space<vmem>>
        %dma_start3A_273 = arith.constant 0 : i32
        %dma_start3A_274 = arith.constant 0 : i32
        %dma_start3A_275 = tpu.memref_slice %arg13[%dma_start3A_273, %dma_start3A_274] : memref<5024x128xf32, #tpu.memory_space<vmem_shared>> -> memref<5024x128xf32, #tpu.memory_space<vmem_shared>>
        tpu.enqueue_indirect_dma source(%arg9 : memref<128x128xf32, #tpu.memory_space<vmem>>) target(%dma_start3A_275 : memref<5024x128xf32, #tpu.memory_space<vmem_shared>>) offsets(%dma_start3A_272 : memref<128xi32, #tpu.memory_space<vmem>>) semaphore(%run_scoped3A_269 : memref<!tpu.dma_semaphore, #tpu.memory_space<semaphore_mem>>) {add = true}
        %dma_wait3A_276 = arith.constant 0 : i32
        %dma_wait3A_277 = tpu.memref_slice %arg8[%add3A_211, %dma_wait3A_276] : memref<80x128xi32, #tpu.memory_space<vmem>> -> memref<1x128xi32, #tpu.memory_space<vmem>>
        %dma_wait3A_278 = tpu.memref_squeeze %dma_wait3A_277 : memref<1x128xi32, #tpu.memory_space<vmem>> -> memref<128xi32, #tpu.memory_space<vmem>>
        %dma_wait3A_279 = arith.constant 0 : i32
        %dma_wait3A_280 = arith.constant 0 : i32
        %dma_wait3A_281 = tpu.memref_slice %arg13[%dma_wait3A_279, %dma_wait3A_280] : memref<5024x128xf32, #tpu.memory_space<vmem_shared>> -> memref<5024x128xf32, #tpu.memory_space<vmem_shared>>
        tpu.wait_indirect_dma semaphore(%run_scoped3A_269 : memref<!tpu.dma_semaphore, #tpu.memory_space<semaphore_mem>>) src(%arg9 : memref<128x128xf32, #tpu.memory_space<vmem>>) dst(%dma_wait3A_281 : memref<5024x128xf32, #tpu.memory_space<vmem_shared>>)
        tpu.yield
      }) : () -> ()
      %mul3A_212 = arith.constant 2 : i32
      %mul3A_213 = arith.muli %mul3A_165, %mul3A_212 : i32
      %add3A_214 = arith.constant 1 : i32
      %add3A_215 = arith.addi %mul3A_213, %add3A_214 : i32
      "tpu.region"() ({
        %run_scoped3A_269 = tpu.sem_alloc : memref<!tpu.dma_semaphore, #tpu.memory_space<semaphore_mem>>
        %dma_start3A_270 = arith.constant 0 : i32
        %dma_start3A_271 = tpu.memref_slice %arg8[%add3A_215, %dma_start3A_270] : memref<80x128xi32, #tpu.memory_space<vmem>> -> memref<1x128xi32, #tpu.memory_space<vmem>>
        %dma_start3A_272 = tpu.memref_squeeze %dma_start3A_271 : memref<1x128xi32, #tpu.memory_space<vmem>> -> memref<128xi32, #tpu.memory_space<vmem>>
        %dma_start3A_273 = arith.constant 0 : i32
        %dma_start3A_274 = arith.constant 0 : i32
        %dma_start3A_275 = tpu.memref_slice %arg13[%dma_start3A_273, %dma_start3A_274] : memref<5024x128xf32, #tpu.memory_space<vmem_shared>> -> memref<5024x128xf32, #tpu.memory_space<vmem_shared>>
        tpu.enqueue_indirect_dma source(%arg10 : memref<128x128xf32, #tpu.memory_space<vmem>>) target(%dma_start3A_275 : memref<5024x128xf32, #tpu.memory_space<vmem_shared>>) offsets(%dma_start3A_272 : memref<128xi32, #tpu.memory_space<vmem>>) semaphore(%run_scoped3A_269 : memref<!tpu.dma_semaphore, #tpu.memory_space<semaphore_mem>>) {add = true}
        %dma_wait3A_276 = arith.constant 0 : i32
        %dma_wait3A_277 = tpu.memref_slice %arg8[%add3A_215, %dma_wait3A_276] : memref<80x128xi32, #tpu.memory_space<vmem>> -> memref<1x128xi32, #tpu.memory_space<vmem>>
        %dma_wait3A_278 = tpu.memref_squeeze %dma_wait3A_277 : memref<1x128xi32, #tpu.memory_space<vmem>> -> memref<128xi32, #tpu.memory_space<vmem>>
        %dma_wait3A_279 = arith.constant 0 : i32
        %dma_wait3A_280 = arith.constant 0 : i32
        %dma_wait3A_281 = tpu.memref_slice %arg13[%dma_wait3A_279, %dma_wait3A_280] : memref<5024x128xf32, #tpu.memory_space<vmem_shared>> -> memref<5024x128xf32, #tpu.memory_space<vmem_shared>>
        tpu.wait_indirect_dma semaphore(%run_scoped3A_269 : memref<!tpu.dma_semaphore, #tpu.memory_space<semaphore_mem>>) src(%arg10 : memref<128x128xf32, #tpu.memory_space<vmem>>) dst(%dma_wait3A_281 : memref<5024x128xf32, #tpu.memory_space<vmem_shared>>)
        tpu.yield
      }) : () -> ()
      %add3A_216 = arith.constant 2 : i32
      %add3A_217 = arith.addi %mul3A_165, %add3A_216 : i32
      %mul3A_218 = arith.constant 2 : i32
      %mul3A_219 = arith.muli %add3A_217, %mul3A_218 : i32
      %add3A_220 = arith.constant 0 : i32
      %add3A_221 = arith.addi %mul3A_219, %add3A_220 : i32
      %dma_start3A_222 = arith.constant 0 : i32
      %dma_start3A_223 = tpu.memref_slice %arg7[%add3A_221, %dma_start3A_222] : memref<80x128xi32, #tpu.memory_space<vmem>> -> memref<1x128xi32, #tpu.memory_space<vmem>>
      %dma_start3A_224 = tpu.memref_squeeze %dma_start3A_223 : memref<1x128xi32, #tpu.memory_space<vmem>> -> memref<128xi32, #tpu.memory_space<vmem>>
      %dma_start3A_225 = arith.constant 0 : i32
      %dma_start3A_226 = arith.constant 0 : i32
      %dma_start3A_227 = tpu.memref_slice %arg2[%dma_start3A_225, %dma_start3A_226] : memref<20000x128xf32, #tpu.memory_space<hbm>> -> memref<20000x128xf32, #tpu.memory_space<hbm>>
      tpu.enqueue_indirect_dma source(%dma_start3A_227 : memref<20000x128xf32, #tpu.memory_space<hbm>>) target(%arg9 : memref<128x128xf32, #tpu.memory_space<vmem>>) offsets(%dma_start3A_224 : memref<128xi32, #tpu.memory_space<vmem>>) semaphore(%arg14 : memref<!tpu.dma_semaphore, #tpu.memory_space<semaphore_mem>>)
      %mul3A_228 = arith.constant 2 : i32
      %mul3A_229 = arith.muli %add3A_217, %mul3A_228 : i32
      %add3A_230 = arith.constant 1 : i32
      %add3A_231 = arith.addi %mul3A_229, %add3A_230 : i32
      %dma_start3A_232 = arith.constant 0 : i32
      %dma_start3A_233 = tpu.memref_slice %arg7[%add3A_231, %dma_start3A_232] : memref<80x128xi32, #tpu.memory_space<vmem>> -> memref<1x128xi32, #tpu.memory_space<vmem>>
      %dma_start3A_234 = tpu.memref_squeeze %dma_start3A_233 : memref<1x128xi32, #tpu.memory_space<vmem>> -> memref<128xi32, #tpu.memory_space<vmem>>
      %dma_start3A_235 = arith.constant 0 : i32
      %dma_start3A_236 = arith.constant 0 : i32
      %dma_start3A_237 = tpu.memref_slice %arg2[%dma_start3A_235, %dma_start3A_236] : memref<20000x128xf32, #tpu.memory_space<hbm>> -> memref<20000x128xf32, #tpu.memory_space<hbm>>
      tpu.enqueue_indirect_dma source(%dma_start3A_237 : memref<20000x128xf32, #tpu.memory_space<hbm>>) target(%arg10 : memref<128x128xf32, #tpu.memory_space<vmem>>) offsets(%dma_start3A_234 : memref<128xi32, #tpu.memory_space<vmem>>) semaphore(%arg14 : memref<!tpu.dma_semaphore, #tpu.memory_space<semaphore_mem>>)
      %add3A_238 = arith.constant 1 : i32
      %add3A_239 = arith.addi %mul3A_165, %add3A_238 : i32
      %mul3A_240 = arith.constant 2 : i32
      %mul3A_241 = arith.muli %add3A_239, %mul3A_240 : i32
      %add3A_242 = arith.constant 0 : i32
      %add3A_243 = arith.addi %mul3A_241, %add3A_242 : i32
      %dma_wait3A_244 = arith.constant 0 : i32
      %dma_wait3A_245 = tpu.memref_slice %arg7[%add3A_243, %dma_wait3A_244] : memref<80x128xi32, #tpu.memory_space<vmem>> -> memref<1x128xi32, #tpu.memory_space<vmem>>
      %dma_wait3A_246 = tpu.memref_squeeze %dma_wait3A_245 : memref<1x128xi32, #tpu.memory_space<vmem>> -> memref<128xi32, #tpu.memory_space<vmem>>
      %dma_wait3A_247 = arith.constant 0 : i32
      %dma_wait3A_248 = arith.constant 0 : i32
      %dma_wait3A_249 = tpu.memref_slice %arg2[%dma_wait3A_247, %dma_wait3A_248] : memref<20000x128xf32, #tpu.memory_space<hbm>> -> memref<20000x128xf32, #tpu.memory_space<hbm>>
      tpu.wait_indirect_dma semaphore(%arg15 : memref<!tpu.dma_semaphore, #tpu.memory_space<semaphore_mem>>) src(%dma_wait3A_249 : memref<20000x128xf32, #tpu.memory_space<hbm>>) dst(%arg11 : memref<128x128xf32, #tpu.memory_space<vmem>>)
      %mul3A_250 = arith.constant 2 : i32
      %mul3A_251 = arith.muli %add3A_239, %mul3A_250 : i32
      %add3A_252 = arith.constant 1 : i32
      %add3A_253 = arith.addi %mul3A_251, %add3A_252 : i32
      %dma_wait3A_254 = arith.constant 0 : i32
      %dma_wait3A_255 = tpu.memref_slice %arg7[%add3A_253, %dma_wait3A_254] : memref<80x128xi32, #tpu.memory_space<vmem>> -> memref<1x128xi32, #tpu.memory_space<vmem>>
      %dma_wait3A_256 = tpu.memref_squeeze %dma_wait3A_255 : memref<1x128xi32, #tpu.memory_space<vmem>> -> memref<128xi32, #tpu.memory_space<vmem>>
      %dma_wait3A_257 = arith.constant 0 : i32
      %dma_wait3A_258 = arith.constant 0 : i32
      %dma_wait3A_259 = tpu.memref_slice %arg2[%dma_wait3A_257, %dma_wait3A_258] : memref<20000x128xf32, #tpu.memory_space<hbm>> -> memref<20000x128xf32, #tpu.memory_space<hbm>>
      tpu.wait_indirect_dma semaphore(%arg15 : memref<!tpu.dma_semaphore, #tpu.memory_space<semaphore_mem>>) src(%dma_wait3A_259 : memref<20000x128xf32, #tpu.memory_space<hbm>>) dst(%arg12 : memref<128x128xf32, #tpu.memory_space<vmem>>)
      %mul3A_260 = arith.constant 2 : i32
      %mul3A_261 = arith.muli %add3A_239, %mul3A_260 : i32
      %add3A_262 = arith.constant 0 : i32
      %add3A_263 = arith.addi %mul3A_261, %add3A_262 : i32
      "tpu.region"() ({
        %run_scoped3A_269 = tpu.sem_alloc : memref<!tpu.dma_semaphore, #tpu.memory_space<semaphore_mem>>
        %dma_start3A_270 = arith.constant 0 : i32
        %dma_start3A_271 = tpu.memref_slice %arg8[%add3A_263, %dma_start3A_270] : memref<80x128xi32, #tpu.memory_space<vmem>> -> memref<1x128xi32, #tpu.memory_space<vmem>>
        %dma_start3A_272 = tpu.memref_squeeze %dma_start3A_271 : memref<1x128xi32, #tpu.memory_space<vmem>> -> memref<128xi32, #tpu.memory_space<vmem>>
        %dma_start3A_273 = arith.constant 0 : i32
        %dma_start3A_274 = arith.constant 0 : i32
        %dma_start3A_275 = tpu.memref_slice %arg13[%dma_start3A_273, %dma_start3A_274] : memref<5024x128xf32, #tpu.memory_space<vmem_shared>> -> memref<5024x128xf32, #tpu.memory_space<vmem_shared>>
        tpu.enqueue_indirect_dma source(%arg11 : memref<128x128xf32, #tpu.memory_space<vmem>>) target(%dma_start3A_275 : memref<5024x128xf32, #tpu.memory_space<vmem_shared>>) offsets(%dma_start3A_272 : memref<128xi32, #tpu.memory_space<vmem>>) semaphore(%run_scoped3A_269 : memref<!tpu.dma_semaphore, #tpu.memory_space<semaphore_mem>>) {add = true}
        %dma_wait3A_276 = arith.constant 0 : i32
        %dma_wait3A_277 = tpu.memref_slice %arg8[%add3A_263, %dma_wait3A_276] : memref<80x128xi32, #tpu.memory_space<vmem>> -> memref<1x128xi32, #tpu.memory_space<vmem>>
        %dma_wait3A_278 = tpu.memref_squeeze %dma_wait3A_277 : memref<1x128xi32, #tpu.memory_space<vmem>> -> memref<128xi32, #tpu.memory_space<vmem>>
        %dma_wait3A_279 = arith.constant 0 : i32
        %dma_wait3A_280 = arith.constant 0 : i32
        %dma_wait3A_281 = tpu.memref_slice %arg13[%dma_wait3A_279, %dma_wait3A_280] : memref<5024x128xf32, #tpu.memory_space<vmem_shared>> -> memref<5024x128xf32, #tpu.memory_space<vmem_shared>>
        tpu.wait_indirect_dma semaphore(%run_scoped3A_269 : memref<!tpu.dma_semaphore, #tpu.memory_space<semaphore_mem>>) src(%arg11 : memref<128x128xf32, #tpu.memory_space<vmem>>) dst(%dma_wait3A_281 : memref<5024x128xf32, #tpu.memory_space<vmem_shared>>)
        tpu.yield
      }) : () -> ()
      %mul3A_264 = arith.constant 2 : i32
      %mul3A_265 = arith.muli %add3A_239, %mul3A_264 : i32
      %add3A_266 = arith.constant 1 : i32
      %add3A_267 = arith.addi %mul3A_265, %add3A_266 : i32
      "tpu.region"() ({
        %run_scoped3A_269 = tpu.sem_alloc : memref<!tpu.dma_semaphore, #tpu.memory_space<semaphore_mem>>
        %dma_start3A_270 = arith.constant 0 : i32
        %dma_start3A_271 = tpu.memref_slice %arg8[%add3A_267, %dma_start3A_270] : memref<80x128xi32, #tpu.memory_space<vmem>> -> memref<1x128xi32, #tpu.memory_space<vmem>>
        %dma_start3A_272 = tpu.memref_squeeze %dma_start3A_271 : memref<1x128xi32, #tpu.memory_space<vmem>> -> memref<128xi32, #tpu.memory_space<vmem>>
        %dma_start3A_273 = arith.constant 0 : i32
        %dma_start3A_274 = arith.constant 0 : i32
        %dma_start3A_275 = tpu.memref_slice %arg13[%dma_start3A_273, %dma_start3A_274] : memref<5024x128xf32, #tpu.memory_space<vmem_shared>> -> memref<5024x128xf32, #tpu.memory_space<vmem_shared>>
        tpu.enqueue_indirect_dma source(%arg12 : memref<128x128xf32, #tpu.memory_space<vmem>>) target(%dma_start3A_275 : memref<5024x128xf32, #tpu.memory_space<vmem_shared>>) offsets(%dma_start3A_272 : memref<128xi32, #tpu.memory_space<vmem>>) semaphore(%run_scoped3A_269 : memref<!tpu.dma_semaphore, #tpu.memory_space<semaphore_mem>>) {add = true}
        %dma_wait3A_276 = arith.constant 0 : i32
        %dma_wait3A_277 = tpu.memref_slice %arg8[%add3A_267, %dma_wait3A_276] : memref<80x128xi32, #tpu.memory_space<vmem>> -> memref<1x128xi32, #tpu.memory_space<vmem>>
        %dma_wait3A_278 = tpu.memref_squeeze %dma_wait3A_277 : memref<1x128xi32, #tpu.memory_space<vmem>> -> memref<128xi32, #tpu.memory_space<vmem>>
        %dma_wait3A_279 = arith.constant 0 : i32
        %dma_wait3A_280 = arith.constant 0 : i32
        %dma_wait3A_281 = tpu.memref_slice %arg13[%dma_wait3A_279, %dma_wait3A_280] : memref<5024x128xf32, #tpu.memory_space<vmem_shared>> -> memref<5024x128xf32, #tpu.memory_space<vmem_shared>>
        tpu.wait_indirect_dma semaphore(%run_scoped3A_269 : memref<!tpu.dma_semaphore, #tpu.memory_space<semaphore_mem>>) src(%arg12 : memref<128x128xf32, #tpu.memory_space<vmem>>) dst(%dma_wait3A_281 : memref<5024x128xf32, #tpu.memory_space<vmem_shared>>)
        tpu.yield
      }) : () -> ()
      %scan3A_268 = arith.constant 0 : i32
      scf.yield %scan3A_268 : i32
    }
    %scan3A_23 = arith.constant 19 : i32
    %dma_start3A_24 = arith.constant 78 : i32
    %dma_start3A_25 = arith.constant 0 : i32
    %dma_start3A_26 = tpu.memref_slice %arg7[%dma_start3A_24, %dma_start3A_25] : memref<80x128xi32, #tpu.memory_space<vmem>> -> memref<1x128xi32, #tpu.memory_space<vmem>>
    %dma_start3A_27 = tpu.memref_squeeze %dma_start3A_26 : memref<1x128xi32, #tpu.memory_space<vmem>> -> memref<128xi32, #tpu.memory_space<vmem>>
    %dma_start3A_28 = arith.constant 0 : i32
    %dma_start3A_29 = arith.constant 0 : i32
    %dma_start3A_30 = tpu.memref_slice %arg2[%dma_start3A_28, %dma_start3A_29] : memref<20000x128xf32, #tpu.memory_space<hbm>> -> memref<20000x128xf32, #tpu.memory_space<hbm>>
    tpu.enqueue_indirect_dma source(%dma_start3A_30 : memref<20000x128xf32, #tpu.memory_space<hbm>>) target(%arg11 : memref<128x128xf32, #tpu.memory_space<vmem>>) offsets(%dma_start3A_27 : memref<128xi32, #tpu.memory_space<vmem>>) semaphore(%arg15 : memref<!tpu.dma_semaphore, #tpu.memory_space<semaphore_mem>>)
    %dma_start3A_31 = arith.constant 79 : i32
    %dma_start3A_32 = arith.constant 0 : i32
    %dma_start3A_33 = tpu.memref_slice %arg7[%dma_start3A_31, %dma_start3A_32] : memref<80x128xi32, #tpu.memory_space<vmem>> -> memref<1x128xi32, #tpu.memory_space<vmem>>
    %dma_start3A_34 = tpu.memref_squeeze %dma_start3A_33 : memref<1x128xi32, #tpu.memory_space<vmem>> -> memref<128xi32, #tpu.memory_space<vmem>>
    %dma_start3A_35 = arith.constant 0 : i32
    %dma_start3A_36 = arith.constant 0 : i32
    %dma_start3A_37 = tpu.memref_slice %arg2[%dma_start3A_35, %dma_start3A_36] : memref<20000x128xf32, #tpu.memory_space<hbm>> -> memref<20000x128xf32, #tpu.memory_space<hbm>>
    tpu.enqueue_indirect_dma source(%dma_start3A_37 : memref<20000x128xf32, #tpu.memory_space<hbm>>) target(%arg12 : memref<128x128xf32, #tpu.memory_space<vmem>>) offsets(%dma_start3A_34 : memref<128xi32, #tpu.memory_space<vmem>>) semaphore(%arg15 : memref<!tpu.dma_semaphore, #tpu.memory_space<semaphore_mem>>)
    %dma_wait3A = arith.constant 76 : i32
    %dma_wait3A_38 = arith.constant 0 : i32
    %dma_wait3A_39 = tpu.memref_slice %arg7[%dma_wait3A, %dma_wait3A_38] : memref<80x128xi32, #tpu.memory_space<vmem>> -> memref<1x128xi32, #tpu.memory_space<vmem>>
    %dma_wait3A_40 = tpu.memref_squeeze %dma_wait3A_39 : memref<1x128xi32, #tpu.memory_space<vmem>> -> memref<128xi32, #tpu.memory_space<vmem>>
    %dma_wait3A_41 = arith.constant 0 : i32
    %dma_wait3A_42 = arith.constant 0 : i32
    %dma_wait3A_43 = tpu.memref_slice %arg2[%dma_wait3A_41, %dma_wait3A_42] : memref<20000x128xf32, #tpu.memory_space<hbm>> -> memref<20000x128xf32, #tpu.memory_space<hbm>>
    tpu.wait_indirect_dma semaphore(%arg14 : memref<!tpu.dma_semaphore, #tpu.memory_space<semaphore_mem>>) src(%dma_wait3A_43 : memref<20000x128xf32, #tpu.memory_space<hbm>>) dst(%arg9 : memref<128x128xf32, #tpu.memory_space<vmem>>)
    %dma_wait3A_44 = arith.constant 77 : i32
    %dma_wait3A_45 = arith.constant 0 : i32
    %dma_wait3A_46 = tpu.memref_slice %arg7[%dma_wait3A_44, %dma_wait3A_45] : memref<80x128xi32, #tpu.memory_space<vmem>> -> memref<1x128xi32, #tpu.memory_space<vmem>>
    %dma_wait3A_47 = tpu.memref_squeeze %dma_wait3A_46 : memref<1x128xi32, #tpu.memory_space<vmem>> -> memref<128xi32, #tpu.memory_space<vmem>>
    %dma_wait3A_48 = arith.constant 0 : i32
    %dma_wait3A_49 = arith.constant 0 : i32
    %dma_wait3A_50 = tpu.memref_slice %arg2[%dma_wait3A_48, %dma_wait3A_49] : memref<20000x128xf32, #tpu.memory_space<hbm>> -> memref<20000x128xf32, #tpu.memory_space<hbm>>
    tpu.wait_indirect_dma semaphore(%arg14 : memref<!tpu.dma_semaphore, #tpu.memory_space<semaphore_mem>>) src(%dma_wait3A_50 : memref<20000x128xf32, #tpu.memory_space<hbm>>) dst(%arg10 : memref<128x128xf32, #tpu.memory_space<vmem>>)
    %run_scoped3A = arith.constant 76 : i32
    "tpu.region"() ({
      %run_scoped3A_162 = tpu.sem_alloc : memref<!tpu.dma_semaphore, #tpu.memory_space<semaphore_mem>>
      %dma_start3A_163 = arith.constant 0 : i32
      %dma_start3A_164 = tpu.memref_slice %arg8[%run_scoped3A, %dma_start3A_163] : memref<80x128xi32, #tpu.memory_space<vmem>> -> memref<1x128xi32, #tpu.memory_space<vmem>>
      %dma_start3A_165 = tpu.memref_squeeze %dma_start3A_164 : memref<1x128xi32, #tpu.memory_space<vmem>> -> memref<128xi32, #tpu.memory_space<vmem>>
      %dma_start3A_166 = arith.constant 0 : i32
      %dma_start3A_167 = arith.constant 0 : i32
      %dma_start3A_168 = tpu.memref_slice %arg13[%dma_start3A_166, %dma_start3A_167] : memref<5024x128xf32, #tpu.memory_space<vmem_shared>> -> memref<5024x128xf32, #tpu.memory_space<vmem_shared>>
      tpu.enqueue_indirect_dma source(%arg9 : memref<128x128xf32, #tpu.memory_space<vmem>>) target(%dma_start3A_168 : memref<5024x128xf32, #tpu.memory_space<vmem_shared>>) offsets(%dma_start3A_165 : memref<128xi32, #tpu.memory_space<vmem>>) semaphore(%run_scoped3A_162 : memref<!tpu.dma_semaphore, #tpu.memory_space<semaphore_mem>>) {add = true}
      %dma_wait3A_169 = arith.constant 0 : i32
      %dma_wait3A_170 = tpu.memref_slice %arg8[%run_scoped3A, %dma_wait3A_169] : memref<80x128xi32, #tpu.memory_space<vmem>> -> memref<1x128xi32, #tpu.memory_space<vmem>>
      %dma_wait3A_171 = tpu.memref_squeeze %dma_wait3A_170 : memref<1x128xi32, #tpu.memory_space<vmem>> -> memref<128xi32, #tpu.memory_space<vmem>>
      %dma_wait3A_172 = arith.constant 0 : i32
      %dma_wait3A_173 = arith.constant 0 : i32
      %dma_wait3A_174 = tpu.memref_slice %arg13[%dma_wait3A_172, %dma_wait3A_173] : memref<5024x128xf32, #tpu.memory_space<vmem_shared>> -> memref<5024x128xf32, #tpu.memory_space<vmem_shared>>
      tpu.wait_indirect_dma semaphore(%run_scoped3A_162 : memref<!tpu.dma_semaphore, #tpu.memory_space<semaphore_mem>>) src(%arg9 : memref<128x128xf32, #tpu.memory_space<vmem>>) dst(%dma_wait3A_174 : memref<5024x128xf32, #tpu.memory_space<vmem_shared>>)
      tpu.yield
    }) : () -> ()
    %run_scoped3A_51 = arith.constant 77 : i32
    "tpu.region"() ({
      %run_scoped3A_162 = tpu.sem_alloc : memref<!tpu.dma_semaphore, #tpu.memory_space<semaphore_mem>>
      %dma_start3A_163 = arith.constant 0 : i32
      %dma_start3A_164 = tpu.memref_slice %arg8[%run_scoped3A_51, %dma_start3A_163] : memref<80x128xi32, #tpu.memory_space<vmem>> -> memref<1x128xi32, #tpu.memory_space<vmem>>
      %dma_start3A_165 = tpu.memref_squeeze %dma_start3A_164 : memref<1x128xi32, #tpu.memory_space<vmem>> -> memref<128xi32, #tpu.memory_space<vmem>>
      %dma_start3A_166 = arith.constant 0 : i32
      %dma_start3A_167 = arith.constant 0 : i32
      %dma_start3A_168 = tpu.memref_slice %arg13[%dma_start3A_166, %dma_start3A_167] : memref<5024x128xf32, #tpu.memory_space<vmem_shared>> -> memref<5024x128xf32, #tpu.memory_space<vmem_shared>>
      tpu.enqueue_indirect_dma source(%arg10 : memref<128x128xf32, #tpu.memory_space<vmem>>) target(%dma_start3A_168 : memref<5024x128xf32, #tpu.memory_space<vmem_shared>>) offsets(%dma_start3A_165 : memref<128xi32, #tpu.memory_space<vmem>>) semaphore(%run_scoped3A_162 : memref<!tpu.dma_semaphore, #tpu.memory_space<semaphore_mem>>) {add = true}
      %dma_wait3A_169 = arith.constant 0 : i32
      %dma_wait3A_170 = tpu.memref_slice %arg8[%run_scoped3A_51, %dma_wait3A_169] : memref<80x128xi32, #tpu.memory_space<vmem>> -> memref<1x128xi32, #tpu.memory_space<vmem>>
      %dma_wait3A_171 = tpu.memref_squeeze %dma_wait3A_170 : memref<1x128xi32, #tpu.memory_space<vmem>> -> memref<128xi32, #tpu.memory_space<vmem>>
      %dma_wait3A_172 = arith.constant 0 : i32
      %dma_wait3A_173 = arith.constant 0 : i32
      %dma_wait3A_174 = tpu.memref_slice %arg13[%dma_wait3A_172, %dma_wait3A_173] : memref<5024x128xf32, #tpu.memory_space<vmem_shared>> -> memref<5024x128xf32, #tpu.memory_space<vmem_shared>>
      tpu.wait_indirect_dma semaphore(%run_scoped3A_162 : memref<!tpu.dma_semaphore, #tpu.memory_space<semaphore_mem>>) src(%arg10 : memref<128x128xf32, #tpu.memory_space<vmem>>) dst(%dma_wait3A_174 : memref<5024x128xf32, #tpu.memory_space<vmem_shared>>)
      tpu.yield
    }) : () -> ()
    %dma_wait3A_52 = arith.constant 78 : i32
    %dma_wait3A_53 = arith.constant 0 : i32
    %dma_wait3A_54 = tpu.memref_slice %arg7[%dma_wait3A_52, %dma_wait3A_53] : memref<80x128xi32, #tpu.memory_space<vmem>> -> memref<1x128xi32, #tpu.memory_space<vmem>>
    %dma_wait3A_55 = tpu.memref_squeeze %dma_wait3A_54 : memref<1x128xi32, #tpu.memory_space<vmem>> -> memref<128xi32, #tpu.memory_space<vmem>>
    %dma_wait3A_56 = arith.constant 0 : i32
    %dma_wait3A_57 = arith.constant 0 : i32
    %dma_wait3A_58 = tpu.memref_slice %arg2[%dma_wait3A_56, %dma_wait3A_57] : memref<20000x128xf32, #tpu.memory_space<hbm>> -> memref<20000x128xf32, #tpu.memory_space<hbm>>
    tpu.wait_indirect_dma semaphore(%arg15 : memref<!tpu.dma_semaphore, #tpu.memory_space<semaphore_mem>>) src(%dma_wait3A_58 : memref<20000x128xf32, #tpu.memory_space<hbm>>) dst(%arg11 : memref<128x128xf32, #tpu.memory_space<vmem>>)
    %dma_wait3A_59 = arith.constant 79 : i32
    %dma_wait3A_60 = arith.constant 0 : i32
    %dma_wait3A_61 = tpu.memref_slice %arg7[%dma_wait3A_59, %dma_wait3A_60] : memref<80x128xi32, #tpu.memory_space<vmem>> -> memref<1x128xi32, #tpu.memory_space<vmem>>
    %dma_wait3A_62 = tpu.memref_squeeze %dma_wait3A_61 : memref<1x128xi32, #tpu.memory_space<vmem>> -> memref<128xi32, #tpu.memory_space<vmem>>
    %dma_wait3A_63 = arith.constant 0 : i32
    %dma_wait3A_64 = arith.constant 0 : i32
    %dma_wait3A_65 = tpu.memref_slice %arg2[%dma_wait3A_63, %dma_wait3A_64] : memref<20000x128xf32, #tpu.memory_space<hbm>> -> memref<20000x128xf32, #tpu.memory_space<hbm>>
    tpu.wait_indirect_dma semaphore(%arg15 : memref<!tpu.dma_semaphore, #tpu.memory_space<semaphore_mem>>) src(%dma_wait3A_65 : memref<20000x128xf32, #tpu.memory_space<hbm>>) dst(%arg12 : memref<128x128xf32, #tpu.memory_space<vmem>>)
    %run_scoped3A_66 = arith.constant 78 : i32
    "tpu.region"() ({
      %run_scoped3A_162 = tpu.sem_alloc : memref<!tpu.dma_semaphore, #tpu.memory_space<semaphore_mem>>
      %dma_start3A_163 = arith.constant 0 : i32
      %dma_start3A_164 = tpu.memref_slice %arg8[%run_scoped3A_66, %dma_start3A_163] : memref<80x128xi32, #tpu.memory_space<vmem>> -> memref<1x128xi32, #tpu.memory_space<vmem>>
      %dma_start3A_165 = tpu.memref_squeeze %dma_start3A_164 : memref<1x128xi32, #tpu.memory_space<vmem>> -> memref<128xi32, #tpu.memory_space<vmem>>
      %dma_start3A_166 = arith.constant 0 : i32
      %dma_start3A_167 = arith.constant 0 : i32
      %dma_start3A_168 = tpu.memref_slice %arg13[%dma_start3A_166, %dma_start3A_167] : memref<5024x128xf32, #tpu.memory_space<vmem_shared>> -> memref<5024x128xf32, #tpu.memory_space<vmem_shared>>
      tpu.enqueue_indirect_dma source(%arg11 : memref<128x128xf32, #tpu.memory_space<vmem>>) target(%dma_start3A_168 : memref<5024x128xf32, #tpu.memory_space<vmem_shared>>) offsets(%dma_start3A_165 : memref<128xi32, #tpu.memory_space<vmem>>) semaphore(%run_scoped3A_162 : memref<!tpu.dma_semaphore, #tpu.memory_space<semaphore_mem>>) {add = true}
      %dma_wait3A_169 = arith.constant 0 : i32
      %dma_wait3A_170 = tpu.memref_slice %arg8[%run_scoped3A_66, %dma_wait3A_169] : memref<80x128xi32, #tpu.memory_space<vmem>> -> memref<1x128xi32, #tpu.memory_space<vmem>>
      %dma_wait3A_171 = tpu.memref_squeeze %dma_wait3A_170 : memref<1x128xi32, #tpu.memory_space<vmem>> -> memref<128xi32, #tpu.memory_space<vmem>>
      %dma_wait3A_172 = arith.constant 0 : i32
      %dma_wait3A_173 = arith.constant 0 : i32
      %dma_wait3A_174 = tpu.memref_slice %arg13[%dma_wait3A_172, %dma_wait3A_173] : memref<5024x128xf32, #tpu.memory_space<vmem_shared>> -> memref<5024x128xf32, #tpu.memory_space<vmem_shared>>
      tpu.wait_indirect_dma semaphore(%run_scoped3A_162 : memref<!tpu.dma_semaphore, #tpu.memory_space<semaphore_mem>>) src(%arg11 : memref<128x128xf32, #tpu.memory_space<vmem>>) dst(%dma_wait3A_174 : memref<5024x128xf32, #tpu.memory_space<vmem_shared>>)
      tpu.yield
    }) : () -> ()
    %run_scoped3A_67 = arith.constant 79 : i32
    "tpu.region"() ({
      %run_scoped3A_162 = tpu.sem_alloc : memref<!tpu.dma_semaphore, #tpu.memory_space<semaphore_mem>>
      %dma_start3A_163 = arith.constant 0 : i32
      %dma_start3A_164 = tpu.memref_slice %arg8[%run_scoped3A_67, %dma_start3A_163] : memref<80x128xi32, #tpu.memory_space<vmem>> -> memref<1x128xi32, #tpu.memory_space<vmem>>
      %dma_start3A_165 = tpu.memref_squeeze %dma_start3A_164 : memref<1x128xi32, #tpu.memory_space<vmem>> -> memref<128xi32, #tpu.memory_space<vmem>>
      %dma_start3A_166 = arith.constant 0 : i32
      %dma_start3A_167 = arith.constant 0 : i32
      %dma_start3A_168 = tpu.memref_slice %arg13[%dma_start3A_166, %dma_start3A_167] : memref<5024x128xf32, #tpu.memory_space<vmem_shared>> -> memref<5024x128xf32, #tpu.memory_space<vmem_shared>>
      tpu.enqueue_indirect_dma source(%arg12 : memref<128x128xf32, #tpu.memory_space<vmem>>) target(%dma_start3A_168 : memref<5024x128xf32, #tpu.memory_space<vmem_shared>>) offsets(%dma_start3A_165 : memref<128xi32, #tpu.memory_space<vmem>>) semaphore(%run_scoped3A_162 : memref<!tpu.dma_semaphore, #tpu.memory_space<semaphore_mem>>) {add = true}
      %dma_wait3A_169 = arith.constant 0 : i32
      %dma_wait3A_170 = tpu.memref_slice %arg8[%run_scoped3A_67, %dma_wait3A_169] : memref<80x128xi32, #tpu.memory_space<vmem>> -> memref<1x128xi32, #tpu.memory_space<vmem>>
      %dma_wait3A_171 = tpu.memref_squeeze %dma_wait3A_170 : memref<1x128xi32, #tpu.memory_space<vmem>> -> memref<128xi32, #tpu.memory_space<vmem>>
      %dma_wait3A_172 = arith.constant 0 : i32
      %dma_wait3A_173 = arith.constant 0 : i32
      %dma_wait3A_174 = tpu.memref_slice %arg13[%dma_wait3A_172, %dma_wait3A_173] : memref<5024x128xf32, #tpu.memory_space<vmem_shared>> -> memref<5024x128xf32, #tpu.memory_space<vmem_shared>>
      tpu.wait_indirect_dma semaphore(%run_scoped3A_162 : memref<!tpu.dma_semaphore, #tpu.memory_space<semaphore_mem>>) src(%arg12 : memref<128x128xf32, #tpu.memory_space<vmem>>) dst(%dma_wait3A_174 : memref<5024x128xf32, #tpu.memory_space<vmem_shared>>)
      tpu.yield
    }) : () -> ()
    %barrier3A_68 = arith.constant 0 : index
    tpu.barrier barrier_id(%barrier3A_68)
    %mul3A_69 = arith.constant 314 : i32
    %mul3A_70 = arith.muli %arg1, %mul3A_69 : i32
    %mul3A_71 = arith.constant 2 : i32
    %mul3A_72 = arith.muli %arg0, %mul3A_71 : i32
    %add3A_73 = arith.constant 0 : i32
    %add3A_74 = arith.addi %mul3A_72, %add3A_73 : i32
    %mul3A_75 = arith.constant 16 : i32
    %mul3A_76 = arith.muli %add3A_74, %mul3A_75 : i32
    %add3A_77 = arith.addi %mul3A_76, %arg1 : i32
    "tpu.region"() ({
      %run_scoped3A_162 = tpu.sem_alloc : memref<!tpu.dma_semaphore, #tpu.memory_space<semaphore_mem>>
      %dma_start3A_163 = arith.constant 0 : i32
      %dma_start3A_164 = arith.constant 0 : i32
      %dma_start3A_165 = tpu.memref_slice %arg6[%add3A_77, %dma_start3A_163, %dma_start3A_164] : memref<64x314x128xf32, #tpu.memory_space<hbm>> -> memref<1x314x128xf32, #tpu.memory_space<hbm>>
      %dma_start3A_166 = tpu.memref_squeeze %dma_start3A_165 : memref<1x314x128xf32, #tpu.memory_space<hbm>> -> memref<314x128xf32, #tpu.memory_space<hbm>>
      %dma_start3A_167 = arith.constant 0 : i32
      %dma_start3A_168 = tpu.memref_slice %arg13[%mul3A_70, %dma_start3A_167] : memref<5024x128xf32, #tpu.memory_space<vmem_shared>> -> memref<314x128xf32, #tpu.memory_space<vmem_shared>>
      tpu.enqueue_dma source(%dma_start3A_168 : memref<314x128xf32, #tpu.memory_space<vmem_shared>>) target(%dma_start3A_166 : memref<314x128xf32, #tpu.memory_space<hbm>>) target_semaphore(%run_scoped3A_162 : memref<!tpu.dma_semaphore, #tpu.memory_space<semaphore_mem>>)
      %dma_wait3A_169 = arith.constant 0 : i32
      %dma_wait3A_170 = arith.constant 0 : i32
      %dma_wait3A_171 = tpu.memref_slice %arg6[%add3A_77, %dma_wait3A_169, %dma_wait3A_170] : memref<64x314x128xf32, #tpu.memory_space<hbm>> -> memref<1x314x128xf32, #tpu.memory_space<hbm>>
      %dma_wait3A_172 = tpu.memref_squeeze %dma_wait3A_171 : memref<1x314x128xf32, #tpu.memory_space<hbm>> -> memref<314x128xf32, #tpu.memory_space<hbm>>
      %dma_wait3A_173 = arith.constant 0 : i32
      %dma_wait3A_174 = tpu.memref_slice %arg13[%mul3A_70, %dma_wait3A_173] : memref<5024x128xf32, #tpu.memory_space<vmem_shared>> -> memref<314x128xf32, #tpu.memory_space<vmem_shared>>
      tpu.wait_dma2 semaphore(%run_scoped3A_162 : memref<!tpu.dma_semaphore, #tpu.memory_space<semaphore_mem>>) src(%dma_wait3A_174 : memref<314x128xf32, #tpu.memory_space<vmem_shared>>) dst(%dma_wait3A_172 : memref<314x128xf32, #tpu.memory_space<hbm>>)
      tpu.yield
    }) : () -> ()
    %barrier3A_78 = arith.constant 0 : index
    tpu.barrier barrier_id(%barrier3A_78)
    %add3A_79 = arith.constant 16 : i32
    %add3A_80 = arith.addi %add3A_79, %arg1 : i32
    "tpu.region"() ({
      %run_scoped3A_162 = tpu.sem_alloc : memref<!tpu.dma_semaphore, #tpu.memory_space<semaphore_mem>>
      %dma_start3A_163 = arith.constant 0 : i32
      %dma_start3A_164 = arith.constant 0 : i32
      %dma_start3A_165 = tpu.memref_slice %arg4[%add3A_80, %dma_start3A_163, %dma_start3A_164] : memref<32x80x128xi32, #tpu.memory_space<hbm>> -> memref<1x80x128xi32, #tpu.memory_space<hbm>>
      %dma_start3A_166 = tpu.memref_squeeze %dma_start3A_165 : memref<1x80x128xi32, #tpu.memory_space<hbm>> -> memref<80x128xi32, #tpu.memory_space<hbm>>
      %dma_start3A_167 = arith.constant 0 : i32
      %dma_start3A_168 = arith.constant 0 : i32
      %dma_start3A_169 = tpu.memref_slice %arg4[%add3A_80, %dma_start3A_167, %dma_start3A_168] : memref<32x80x128xi32, #tpu.memory_space<hbm>> -> memref<1x80x128xi32, #tpu.memory_space<hbm>>
      %dma_start3A_170 = tpu.memref_squeeze %dma_start3A_169 : memref<1x80x128xi32, #tpu.memory_space<hbm>> -> memref<80x128xi32, #tpu.memory_space<hbm>>
      tpu.enqueue_dma source(%dma_start3A_170 : memref<80x128xi32, #tpu.memory_space<hbm>>) target(%arg8 : memref<80x128xi32, #tpu.memory_space<vmem>>) target_semaphore(%run_scoped3A_162 : memref<!tpu.dma_semaphore, #tpu.memory_space<semaphore_mem>>)
      %dma_wait3A_171 = arith.constant 0 : i32
      %dma_wait3A_172 = arith.constant 0 : i32
      %dma_wait3A_173 = tpu.memref_slice %arg4[%add3A_80, %dma_wait3A_171, %dma_wait3A_172] : memref<32x80x128xi32, #tpu.memory_space<hbm>> -> memref<1x80x128xi32, #tpu.memory_space<hbm>>
      %dma_wait3A_174 = tpu.memref_squeeze %dma_wait3A_173 : memref<1x80x128xi32, #tpu.memory_space<hbm>> -> memref<80x128xi32, #tpu.memory_space<hbm>>
      %dma_wait3A_175 = arith.constant 0 : i32
      %dma_wait3A_176 = arith.constant 0 : i32
      %dma_wait3A_177 = tpu.memref_slice %arg4[%add3A_80, %dma_wait3A_175, %dma_wait3A_176] : memref<32x80x128xi32, #tpu.memory_space<hbm>> -> memref<1x80x128xi32, #tpu.memory_space<hbm>>
      %dma_wait3A_178 = tpu.memref_squeeze %dma_wait3A_177 : memref<1x80x128xi32, #tpu.memory_space<hbm>> -> memref<80x128xi32, #tpu.memory_space<hbm>>
      tpu.wait_dma2 semaphore(%run_scoped3A_162 : memref<!tpu.dma_semaphore, #tpu.memory_space<semaphore_mem>>) src(%dma_wait3A_178 : memref<80x128xi32, #tpu.memory_space<hbm>>) dst(%arg8 : memref<80x128xi32, #tpu.memory_space<vmem>>)
      tpu.yield
    }) : () -> ()
    %mul3A_81 = arith.constant 314 : i32
    %mul3A_82 = arith.muli %arg1, %mul3A_81 : i32
    "tpu.region"() ({
      %run_scoped3A_162 = tpu.sem_alloc : memref<!tpu.dma_semaphore, #tpu.memory_space<semaphore_mem>>
      %dma_start3A_163 = arith.constant 0 : i32
      %dma_start3A_164 = tpu.memref_slice %arg13[%mul3A_82, %dma_start3A_163] : memref<5024x128xf32, #tpu.memory_space<vmem_shared>> -> memref<314x128xf32, #tpu.memory_space<vmem_shared>>
      %dma_start3A_165 = arith.constant 0 : i32
      %dma_start3A_166 = arith.constant 0 : i32
      %dma_start3A_167 = tpu.memref_slice %arg5[%arg1, %dma_start3A_165, %dma_start3A_166] : memref<16x314x128xf32, #tpu.memory_space<hbm>> -> memref<1x314x128xf32, #tpu.memory_space<hbm>>
      %dma_start3A_168 = tpu.memref_squeeze %dma_start3A_167 : memref<1x314x128xf32, #tpu.memory_space<hbm>> -> memref<314x128xf32, #tpu.memory_space<hbm>>
      tpu.enqueue_dma source(%dma_start3A_168 : memref<314x128xf32, #tpu.memory_space<hbm>>) target(%dma_start3A_164 : memref<314x128xf32, #tpu.memory_space<vmem_shared>>) target_semaphore(%run_scoped3A_162 : memref<!tpu.dma_semaphore, #tpu.memory_space<semaphore_mem>>)
      %dma_wait3A_169 = arith.constant 0 : i32
      %dma_wait3A_170 = tpu.memref_slice %arg13[%mul3A_82, %dma_wait3A_169] : memref<5024x128xf32, #tpu.memory_space<vmem_shared>> -> memref<314x128xf32, #tpu.memory_space<vmem_shared>>
      %dma_wait3A_171 = arith.constant 0 : i32
      %dma_wait3A_172 = arith.constant 0 : i32
      %dma_wait3A_173 = tpu.memref_slice %arg5[%arg1, %dma_wait3A_171, %dma_wait3A_172] : memref<16x314x128xf32, #tpu.memory_space<hbm>> -> memref<1x314x128xf32, #tpu.memory_space<hbm>>
      %dma_wait3A_174 = tpu.memref_squeeze %dma_wait3A_173 : memref<1x314x128xf32, #tpu.memory_space<hbm>> -> memref<314x128xf32, #tpu.memory_space<hbm>>
      tpu.wait_dma2 semaphore(%run_scoped3A_162 : memref<!tpu.dma_semaphore, #tpu.memory_space<semaphore_mem>>) src(%dma_wait3A_174 : memref<314x128xf32, #tpu.memory_space<hbm>>) dst(%dma_wait3A_170 : memref<314x128xf32, #tpu.memory_space<vmem_shared>>)
      tpu.yield
    }) : () -> ()
    %barrier3A_83 = arith.constant 0 : index
    tpu.barrier barrier_id(%barrier3A_83)
    %dma_start3A_84 = arith.constant 0 : i32
    %dma_start3A_85 = arith.constant 0 : i32
    %dma_start3A_86 = tpu.memref_slice %arg7[%dma_start3A_84, %dma_start3A_85] : memref<80x128xi32, #tpu.memory_space<vmem>> -> memref<1x128xi32, #tpu.memory_space<vmem>>
    %dma_start3A_87 = tpu.memref_squeeze %dma_start3A_86 : memref<1x128xi32, #tpu.memory_space<vmem>> -> memref<128xi32, #tpu.memory_space<vmem>>
    %dma_start3A_88 = arith.constant 0 : i32
    %dma_start3A_89 = arith.constant 0 : i32
    %dma_start3A_90 = tpu.memref_slice %arg2[%dma_start3A_88, %dma_start3A_89] : memref<20000x128xf32, #tpu.memory_space<hbm>> -> memref<20000x128xf32, #tpu.memory_space<hbm>>
    tpu.enqueue_indirect_dma source(%dma_start3A_90 : memref<20000x128xf32, #tpu.memory_space<hbm>>) target(%arg9 : memref<128x128xf32, #tpu.memory_space<vmem>>) offsets(%dma_start3A_87 : memref<128xi32, #tpu.memory_space<vmem>>) semaphore(%arg14 : memref<!tpu.dma_semaphore, #tpu.memory_space<semaphore_mem>>)
    %dma_start3A_91 = arith.constant 1 : i32
    %dma_start3A_92 = arith.constant 0 : i32
    %dma_start3A_93 = tpu.memref_slice %arg7[%dma_start3A_91, %dma_start3A_92] : memref<80x128xi32, #tpu.memory_space<vmem>> -> memref<1x128xi32, #tpu.memory_space<vmem>>
    %dma_start3A_94 = tpu.memref_squeeze %dma_start3A_93 : memref<1x128xi32, #tpu.memory_space<vmem>> -> memref<128xi32, #tpu.memory_space<vmem>>
    %dma_start3A_95 = arith.constant 0 : i32
    %dma_start3A_96 = arith.constant 0 : i32
    %dma_start3A_97 = tpu.memref_slice %arg2[%dma_start3A_95, %dma_start3A_96] : memref<20000x128xf32, #tpu.memory_space<hbm>> -> memref<20000x128xf32, #tpu.memory_space<hbm>>
    tpu.enqueue_indirect_dma source(%dma_start3A_97 : memref<20000x128xf32, #tpu.memory_space<hbm>>) target(%arg10 : memref<128x128xf32, #tpu.memory_space<vmem>>) offsets(%dma_start3A_94 : memref<128xi32, #tpu.memory_space<vmem>>) semaphore(%arg14 : memref<!tpu.dma_semaphore, #tpu.memory_space<semaphore_mem>>)
    %scan3A_98 = arith.constant 0 : i32
    %scan3A_99 = arith.constant 0 : i32
    %scan3A_100 = arith.constant 19 : i32
    %scan3A_101 = arith.addi %scan3A_99, %scan3A_100 : i32
    %scan3A_102 = arith.constant 1 : i32
    %scan3A_103 = scf.for %scan3A_162 = %scan3A_99 to %scan3A_101 step %scan3A_102 iter_args(%scan3A_163 = %scan3A_98) -> (i32)  : i32 {
      %mul3A_164 = arith.constant 2 : i32
      %mul3A_165 = arith.muli %mul3A_164, %scan3A_162 : i32
      %add3A_166 = arith.constant 1 : i32
      %add3A_167 = arith.addi %mul3A_165, %add3A_166 : i32
      %mul3A_168 = arith.constant 2 : i32
      %mul3A_169 = arith.muli %add3A_167, %mul3A_168 : i32
      %add3A_170 = arith.constant 0 : i32
      %add3A_171 = arith.addi %mul3A_169, %add3A_170 : i32
      %dma_start3A_172 = arith.constant 0 : i32
      %dma_start3A_173 = tpu.memref_slice %arg7[%add3A_171, %dma_start3A_172] : memref<80x128xi32, #tpu.memory_space<vmem>> -> memref<1x128xi32, #tpu.memory_space<vmem>>
      %dma_start3A_174 = tpu.memref_squeeze %dma_start3A_173 : memref<1x128xi32, #tpu.memory_space<vmem>> -> memref<128xi32, #tpu.memory_space<vmem>>
      %dma_start3A_175 = arith.constant 0 : i32
      %dma_start3A_176 = arith.constant 0 : i32
      %dma_start3A_177 = tpu.memref_slice %arg2[%dma_start3A_175, %dma_start3A_176] : memref<20000x128xf32, #tpu.memory_space<hbm>> -> memref<20000x128xf32, #tpu.memory_space<hbm>>
      tpu.enqueue_indirect_dma source(%dma_start3A_177 : memref<20000x128xf32, #tpu.memory_space<hbm>>) target(%arg11 : memref<128x128xf32, #tpu.memory_space<vmem>>) offsets(%dma_start3A_174 : memref<128xi32, #tpu.memory_space<vmem>>) semaphore(%arg15 : memref<!tpu.dma_semaphore, #tpu.memory_space<semaphore_mem>>)
      %mul3A_178 = arith.constant 2 : i32
      %mul3A_179 = arith.muli %add3A_167, %mul3A_178 : i32
      %add3A_180 = arith.constant 1 : i32
      %add3A_181 = arith.addi %mul3A_179, %add3A_180 : i32
      %dma_start3A_182 = arith.constant 0 : i32
      %dma_start3A_183 = tpu.memref_slice %arg7[%add3A_181, %dma_start3A_182] : memref<80x128xi32, #tpu.memory_space<vmem>> -> memref<1x128xi32, #tpu.memory_space<vmem>>
      %dma_start3A_184 = tpu.memref_squeeze %dma_start3A_183 : memref<1x128xi32, #tpu.memory_space<vmem>> -> memref<128xi32, #tpu.memory_space<vmem>>
      %dma_start3A_185 = arith.constant 0 : i32
      %dma_start3A_186 = arith.constant 0 : i32
      %dma_start3A_187 = tpu.memref_slice %arg2[%dma_start3A_185, %dma_start3A_186] : memref<20000x128xf32, #tpu.memory_space<hbm>> -> memref<20000x128xf32, #tpu.memory_space<hbm>>
      tpu.enqueue_indirect_dma source(%dma_start3A_187 : memref<20000x128xf32, #tpu.memory_space<hbm>>) target(%arg12 : memref<128x128xf32, #tpu.memory_space<vmem>>) offsets(%dma_start3A_184 : memref<128xi32, #tpu.memory_space<vmem>>) semaphore(%arg15 : memref<!tpu.dma_semaphore, #tpu.memory_space<semaphore_mem>>)
      %mul3A_188 = arith.constant 2 : i32
      %mul3A_189 = arith.muli %mul3A_165, %mul3A_188 : i32
      %add3A_190 = arith.constant 0 : i32
      %add3A_191 = arith.addi %mul3A_189, %add3A_190 : i32
      %dma_wait3A_192 = arith.constant 0 : i32
      %dma_wait3A_193 = tpu.memref_slice %arg7[%add3A_191, %dma_wait3A_192] : memref<80x128xi32, #tpu.memory_space<vmem>> -> memref<1x128xi32, #tpu.memory_space<vmem>>
      %dma_wait3A_194 = tpu.memref_squeeze %dma_wait3A_193 : memref<1x128xi32, #tpu.memory_space<vmem>> -> memref<128xi32, #tpu.memory_space<vmem>>
      %dma_wait3A_195 = arith.constant 0 : i32
      %dma_wait3A_196 = arith.constant 0 : i32
      %dma_wait3A_197 = tpu.memref_slice %arg2[%dma_wait3A_195, %dma_wait3A_196] : memref<20000x128xf32, #tpu.memory_space<hbm>> -> memref<20000x128xf32, #tpu.memory_space<hbm>>
      tpu.wait_indirect_dma semaphore(%arg14 : memref<!tpu.dma_semaphore, #tpu.memory_space<semaphore_mem>>) src(%dma_wait3A_197 : memref<20000x128xf32, #tpu.memory_space<hbm>>) dst(%arg9 : memref<128x128xf32, #tpu.memory_space<vmem>>)
      %mul3A_198 = arith.constant 2 : i32
      %mul3A_199 = arith.muli %mul3A_165, %mul3A_198 : i32
      %add3A_200 = arith.constant 1 : i32
      %add3A_201 = arith.addi %mul3A_199, %add3A_200 : i32
      %dma_wait3A_202 = arith.constant 0 : i32
      %dma_wait3A_203 = tpu.memref_slice %arg7[%add3A_201, %dma_wait3A_202] : memref<80x128xi32, #tpu.memory_space<vmem>> -> memref<1x128xi32, #tpu.memory_space<vmem>>
      %dma_wait3A_204 = tpu.memref_squeeze %dma_wait3A_203 : memref<1x128xi32, #tpu.memory_space<vmem>> -> memref<128xi32, #tpu.memory_space<vmem>>
      %dma_wait3A_205 = arith.constant 0 : i32
      %dma_wait3A_206 = arith.constant 0 : i32
      %dma_wait3A_207 = tpu.memref_slice %arg2[%dma_wait3A_205, %dma_wait3A_206] : memref<20000x128xf32, #tpu.memory_space<hbm>> -> memref<20000x128xf32, #tpu.memory_space<hbm>>
      tpu.wait_indirect_dma semaphore(%arg14 : memref<!tpu.dma_semaphore, #tpu.memory_space<semaphore_mem>>) src(%dma_wait3A_207 : memref<20000x128xf32, #tpu.memory_space<hbm>>) dst(%arg10 : memref<128x128xf32, #tpu.memory_space<vmem>>)
      %mul3A_208 = arith.constant 2 : i32
      %mul3A_209 = arith.muli %mul3A_165, %mul3A_208 : i32
      %add3A_210 = arith.constant 0 : i32
      %add3A_211 = arith.addi %mul3A_209, %add3A_210 : i32
      "tpu.region"() ({
        %run_scoped3A_269 = tpu.sem_alloc : memref<!tpu.dma_semaphore, #tpu.memory_space<semaphore_mem>>
        %dma_start3A_270 = arith.constant 0 : i32
        %dma_start3A_271 = tpu.memref_slice %arg8[%add3A_211, %dma_start3A_270] : memref<80x128xi32, #tpu.memory_space<vmem>> -> memref<1x128xi32, #tpu.memory_space<vmem>>
        %dma_start3A_272 = tpu.memref_squeeze %dma_start3A_271 : memref<1x128xi32, #tpu.memory_space<vmem>> -> memref<128xi32, #tpu.memory_space<vmem>>
        %dma_start3A_273 = arith.constant 0 : i32
        %dma_start3A_274 = arith.constant 0 : i32
        %dma_start3A_275 = tpu.memref_slice %arg13[%dma_start3A_273, %dma_start3A_274] : memref<5024x128xf32, #tpu.memory_space<vmem_shared>> -> memref<5024x128xf32, #tpu.memory_space<vmem_shared>>
        tpu.enqueue_indirect_dma source(%arg9 : memref<128x128xf32, #tpu.memory_space<vmem>>) target(%dma_start3A_275 : memref<5024x128xf32, #tpu.memory_space<vmem_shared>>) offsets(%dma_start3A_272 : memref<128xi32, #tpu.memory_space<vmem>>) semaphore(%run_scoped3A_269 : memref<!tpu.dma_semaphore, #tpu.memory_space<semaphore_mem>>) {add = true}
        %dma_wait3A_276 = arith.constant 0 : i32
        %dma_wait3A_277 = tpu.memref_slice %arg8[%add3A_211, %dma_wait3A_276] : memref<80x128xi32, #tpu.memory_space<vmem>> -> memref<1x128xi32, #tpu.memory_space<vmem>>
        %dma_wait3A_278 = tpu.memref_squeeze %dma_wait3A_277 : memref<1x128xi32, #tpu.memory_space<vmem>> -> memref<128xi32, #tpu.memory_space<vmem>>
        %dma_wait3A_279 = arith.constant 0 : i32
        %dma_wait3A_280 = arith.constant 0 : i32
        %dma_wait3A_281 = tpu.memref_slice %arg13[%dma_wait3A_279, %dma_wait3A_280] : memref<5024x128xf32, #tpu.memory_space<vmem_shared>> -> memref<5024x128xf32, #tpu.memory_space<vmem_shared>>
        tpu.wait_indirect_dma semaphore(%run_scoped3A_269 : memref<!tpu.dma_semaphore, #tpu.memory_space<semaphore_mem>>) src(%arg9 : memref<128x128xf32, #tpu.memory_space<vmem>>) dst(%dma_wait3A_281 : memref<5024x128xf32, #tpu.memory_space<vmem_shared>>)
        tpu.yield
      }) : () -> ()
      %mul3A_212 = arith.constant 2 : i32
      %mul3A_213 = arith.muli %mul3A_165, %mul3A_212 : i32
      %add3A_214 = arith.constant 1 : i32
      %add3A_215 = arith.addi %mul3A_213, %add3A_214 : i32
      "tpu.region"() ({
        %run_scoped3A_269 = tpu.sem_alloc : memref<!tpu.dma_semaphore, #tpu.memory_space<semaphore_mem>>
        %dma_start3A_270 = arith.constant 0 : i32
        %dma_start3A_271 = tpu.memref_slice %arg8[%add3A_215, %dma_start3A_270] : memref<80x128xi32, #tpu.memory_space<vmem>> -> memref<1x128xi32, #tpu.memory_space<vmem>>
        %dma_start3A_272 = tpu.memref_squeeze %dma_start3A_271 : memref<1x128xi32, #tpu.memory_space<vmem>> -> memref<128xi32, #tpu.memory_space<vmem>>
        %dma_start3A_273 = arith.constant 0 : i32
        %dma_start3A_274 = arith.constant 0 : i32
        %dma_start3A_275 = tpu.memref_slice %arg13[%dma_start3A_273, %dma_start3A_274] : memref<5024x128xf32, #tpu.memory_space<vmem_shared>> -> memref<5024x128xf32, #tpu.memory_space<vmem_shared>>
        tpu.enqueue_indirect_dma source(%arg10 : memref<128x128xf32, #tpu.memory_space<vmem>>) target(%dma_start3A_275 : memref<5024x128xf32, #tpu.memory_space<vmem_shared>>) offsets(%dma_start3A_272 : memref<128xi32, #tpu.memory_space<vmem>>) semaphore(%run_scoped3A_269 : memref<!tpu.dma_semaphore, #tpu.memory_space<semaphore_mem>>) {add = true}
        %dma_wait3A_276 = arith.constant 0 : i32
        %dma_wait3A_277 = tpu.memref_slice %arg8[%add3A_215, %dma_wait3A_276] : memref<80x128xi32, #tpu.memory_space<vmem>> -> memref<1x128xi32, #tpu.memory_space<vmem>>
        %dma_wait3A_278 = tpu.memref_squeeze %dma_wait3A_277 : memref<1x128xi32, #tpu.memory_space<vmem>> -> memref<128xi32, #tpu.memory_space<vmem>>
        %dma_wait3A_279 = arith.constant 0 : i32
        %dma_wait3A_280 = arith.constant 0 : i32
        %dma_wait3A_281 = tpu.memref_slice %arg13[%dma_wait3A_279, %dma_wait3A_280] : memref<5024x128xf32, #tpu.memory_space<vmem_shared>> -> memref<5024x128xf32, #tpu.memory_space<vmem_shared>>
        tpu.wait_indirect_dma semaphore(%run_scoped3A_269 : memref<!tpu.dma_semaphore, #tpu.memory_space<semaphore_mem>>) src(%arg10 : memref<128x128xf32, #tpu.memory_space<vmem>>) dst(%dma_wait3A_281 : memref<5024x128xf32, #tpu.memory_space<vmem_shared>>)
        tpu.yield
      }) : () -> ()
      %add3A_216 = arith.constant 2 : i32
      %add3A_217 = arith.addi %mul3A_165, %add3A_216 : i32
      %mul3A_218 = arith.constant 2 : i32
      %mul3A_219 = arith.muli %add3A_217, %mul3A_218 : i32
      %add3A_220 = arith.constant 0 : i32
      %add3A_221 = arith.addi %mul3A_219, %add3A_220 : i32
      %dma_start3A_222 = arith.constant 0 : i32
      %dma_start3A_223 = tpu.memref_slice %arg7[%add3A_221, %dma_start3A_222] : memref<80x128xi32, #tpu.memory_space<vmem>> -> memref<1x128xi32, #tpu.memory_space<vmem>>
      %dma_start3A_224 = tpu.memref_squeeze %dma_start3A_223 : memref<1x128xi32, #tpu.memory_space<vmem>> -> memref<128xi32, #tpu.memory_space<vmem>>
      %dma_start3A_225 = arith.constant 0 : i32
      %dma_start3A_226 = arith.constant 0 : i32
      %dma_start3A_227 = tpu.memref_slice %arg2[%dma_start3A_225, %dma_start3A_226] : memref<20000x128xf32, #tpu.memory_space<hbm>> -> memref<20000x128xf32, #tpu.memory_space<hbm>>
      tpu.enqueue_indirect_dma source(%dma_start3A_227 : memref<20000x128xf32, #tpu.memory_space<hbm>>) target(%arg9 : memref<128x128xf32, #tpu.memory_space<vmem>>) offsets(%dma_start3A_224 : memref<128xi32, #tpu.memory_space<vmem>>) semaphore(%arg14 : memref<!tpu.dma_semaphore, #tpu.memory_space<semaphore_mem>>)
      %mul3A_228 = arith.constant 2 : i32
      %mul3A_229 = arith.muli %add3A_217, %mul3A_228 : i32
      %add3A_230 = arith.constant 1 : i32
      %add3A_231 = arith.addi %mul3A_229, %add3A_230 : i32
      %dma_start3A_232 = arith.constant 0 : i32
      %dma_start3A_233 = tpu.memref_slice %arg7[%add3A_231, %dma_start3A_232] : memref<80x128xi32, #tpu.memory_space<vmem>> -> memref<1x128xi32, #tpu.memory_space<vmem>>
      %dma_start3A_234 = tpu.memref_squeeze %dma_start3A_233 : memref<1x128xi32, #tpu.memory_space<vmem>> -> memref<128xi32, #tpu.memory_space<vmem>>
      %dma_start3A_235 = arith.constant 0 : i32
      %dma_start3A_236 = arith.constant 0 : i32
      %dma_start3A_237 = tpu.memref_slice %arg2[%dma_start3A_235, %dma_start3A_236] : memref<20000x128xf32, #tpu.memory_space<hbm>> -> memref<20000x128xf32, #tpu.memory_space<hbm>>
      tpu.enqueue_indirect_dma source(%dma_start3A_237 : memref<20000x128xf32, #tpu.memory_space<hbm>>) target(%arg10 : memref<128x128xf32, #tpu.memory_space<vmem>>) offsets(%dma_start3A_234 : memref<128xi32, #tpu.memory_space<vmem>>) semaphore(%arg14 : memref<!tpu.dma_semaphore, #tpu.memory_space<semaphore_mem>>)
      %add3A_238 = arith.constant 1 : i32
      %add3A_239 = arith.addi %mul3A_165, %add3A_238 : i32
      %mul3A_240 = arith.constant 2 : i32
      %mul3A_241 = arith.muli %add3A_239, %mul3A_240 : i32
      %add3A_242 = arith.constant 0 : i32
      %add3A_243 = arith.addi %mul3A_241, %add3A_242 : i32
      %dma_wait3A_244 = arith.constant 0 : i32
      %dma_wait3A_245 = tpu.memref_slice %arg7[%add3A_243, %dma_wait3A_244] : memref<80x128xi32, #tpu.memory_space<vmem>> -> memref<1x128xi32, #tpu.memory_space<vmem>>
      %dma_wait3A_246 = tpu.memref_squeeze %dma_wait3A_245 : memref<1x128xi32, #tpu.memory_space<vmem>> -> memref<128xi32, #tpu.memory_space<vmem>>
      %dma_wait3A_247 = arith.constant 0 : i32
      %dma_wait3A_248 = arith.constant 0 : i32
      %dma_wait3A_249 = tpu.memref_slice %arg2[%dma_wait3A_247, %dma_wait3A_248] : memref<20000x128xf32, #tpu.memory_space<hbm>> -> memref<20000x128xf32, #tpu.memory_space<hbm>>
      tpu.wait_indirect_dma semaphore(%arg15 : memref<!tpu.dma_semaphore, #tpu.memory_space<semaphore_mem>>) src(%dma_wait3A_249 : memref<20000x128xf32, #tpu.memory_space<hbm>>) dst(%arg11 : memref<128x128xf32, #tpu.memory_space<vmem>>)
      %mul3A_250 = arith.constant 2 : i32
      %mul3A_251 = arith.muli %add3A_239, %mul3A_250 : i32
      %add3A_252 = arith.constant 1 : i32
      %add3A_253 = arith.addi %mul3A_251, %add3A_252 : i32
      %dma_wait3A_254 = arith.constant 0 : i32
      %dma_wait3A_255 = tpu.memref_slice %arg7[%add3A_253, %dma_wait3A_254] : memref<80x128xi32, #tpu.memory_space<vmem>> -> memref<1x128xi32, #tpu.memory_space<vmem>>
      %dma_wait3A_256 = tpu.memref_squeeze %dma_wait3A_255 : memref<1x128xi32, #tpu.memory_space<vmem>> -> memref<128xi32, #tpu.memory_space<vmem>>
      %dma_wait3A_257 = arith.constant 0 : i32
      %dma_wait3A_258 = arith.constant 0 : i32
      %dma_wait3A_259 = tpu.memref_slice %arg2[%dma_wait3A_257, %dma_wait3A_258] : memref<20000x128xf32, #tpu.memory_space<hbm>> -> memref<20000x128xf32, #tpu.memory_space<hbm>>
      tpu.wait_indirect_dma semaphore(%arg15 : memref<!tpu.dma_semaphore, #tpu.memory_space<semaphore_mem>>) src(%dma_wait3A_259 : memref<20000x128xf32, #tpu.memory_space<hbm>>) dst(%arg12 : memref<128x128xf32, #tpu.memory_space<vmem>>)
      %mul3A_260 = arith.constant 2 : i32
      %mul3A_261 = arith.muli %add3A_239, %mul3A_260 : i32
      %add3A_262 = arith.constant 0 : i32
      %add3A_263 = arith.addi %mul3A_261, %add3A_262 : i32
      "tpu.region"() ({
        %run_scoped3A_269 = tpu.sem_alloc : memref<!tpu.dma_semaphore, #tpu.memory_space<semaphore_mem>>
        %dma_start3A_270 = arith.constant 0 : i32
        %dma_start3A_271 = tpu.memref_slice %arg8[%add3A_263, %dma_start3A_270] : memref<80x128xi32, #tpu.memory_space<vmem>> -> memref<1x128xi32, #tpu.memory_space<vmem>>
        %dma_start3A_272 = tpu.memref_squeeze %dma_start3A_271 : memref<1x128xi32, #tpu.memory_space<vmem>> -> memref<128xi32, #tpu.memory_space<vmem>>
        %dma_start3A_273 = arith.constant 0 : i32
        %dma_start3A_274 = arith.constant 0 : i32
        %dma_start3A_275 = tpu.memref_slice %arg13[%dma_start3A_273, %dma_start3A_274] : memref<5024x128xf32, #tpu.memory_space<vmem_shared>> -> memref<5024x128xf32, #tpu.memory_space<vmem_shared>>
        tpu.enqueue_indirect_dma source(%arg11 : memref<128x128xf32, #tpu.memory_space<vmem>>) target(%dma_start3A_275 : memref<5024x128xf32, #tpu.memory_space<vmem_shared>>) offsets(%dma_start3A_272 : memref<128xi32, #tpu.memory_space<vmem>>) semaphore(%run_scoped3A_269 : memref<!tpu.dma_semaphore, #tpu.memory_space<semaphore_mem>>) {add = true}
        %dma_wait3A_276 = arith.constant 0 : i32
        %dma_wait3A_277 = tpu.memref_slice %arg8[%add3A_263, %dma_wait3A_276] : memref<80x128xi32, #tpu.memory_space<vmem>> -> memref<1x128xi32, #tpu.memory_space<vmem>>
        %dma_wait3A_278 = tpu.memref_squeeze %dma_wait3A_277 : memref<1x128xi32, #tpu.memory_space<vmem>> -> memref<128xi32, #tpu.memory_space<vmem>>
        %dma_wait3A_279 = arith.constant 0 : i32
        %dma_wait3A_280 = arith.constant 0 : i32
        %dma_wait3A_281 = tpu.memref_slice %arg13[%dma_wait3A_279, %dma_wait3A_280] : memref<5024x128xf32, #tpu.memory_space<vmem_shared>> -> memref<5024x128xf32, #tpu.memory_space<vmem_shared>>
        tpu.wait_indirect_dma semaphore(%run_scoped3A_269 : memref<!tpu.dma_semaphore, #tpu.memory_space<semaphore_mem>>) src(%arg11 : memref<128x128xf32, #tpu.memory_space<vmem>>) dst(%dma_wait3A_281 : memref<5024x128xf32, #tpu.memory_space<vmem_shared>>)
        tpu.yield
      }) : () -> ()
      %mul3A_264 = arith.constant 2 : i32
      %mul3A_265 = arith.muli %add3A_239, %mul3A_264 : i32
      %add3A_266 = arith.constant 1 : i32
      %add3A_267 = arith.addi %mul3A_265, %add3A_266 : i32
      "tpu.region"() ({
        %run_scoped3A_269 = tpu.sem_alloc : memref<!tpu.dma_semaphore, #tpu.memory_space<semaphore_mem>>
        %dma_start3A_270 = arith.constant 0 : i32
        %dma_start3A_271 = tpu.memref_slice %arg8[%add3A_267, %dma_start3A_270] : memref<80x128xi32, #tpu.memory_space<vmem>> -> memref<1x128xi32, #tpu.memory_space<vmem>>
        %dma_start3A_272 = tpu.memref_squeeze %dma_start3A_271 : memref<1x128xi32, #tpu.memory_space<vmem>> -> memref<128xi32, #tpu.memory_space<vmem>>
        %dma_start3A_273 = arith.constant 0 : i32
        %dma_start3A_274 = arith.constant 0 : i32
        %dma_start3A_275 = tpu.memref_slice %arg13[%dma_start3A_273, %dma_start3A_274] : memref<5024x128xf32, #tpu.memory_space<vmem_shared>> -> memref<5024x128xf32, #tpu.memory_space<vmem_shared>>
        tpu.enqueue_indirect_dma source(%arg12 : memref<128x128xf32, #tpu.memory_space<vmem>>) target(%dma_start3A_275 : memref<5024x128xf32, #tpu.memory_space<vmem_shared>>) offsets(%dma_start3A_272 : memref<128xi32, #tpu.memory_space<vmem>>) semaphore(%run_scoped3A_269 : memref<!tpu.dma_semaphore, #tpu.memory_space<semaphore_mem>>) {add = true}
        %dma_wait3A_276 = arith.constant 0 : i32
        %dma_wait3A_277 = tpu.memref_slice %arg8[%add3A_267, %dma_wait3A_276] : memref<80x128xi32, #tpu.memory_space<vmem>> -> memref<1x128xi32, #tpu.memory_space<vmem>>
        %dma_wait3A_278 = tpu.memref_squeeze %dma_wait3A_277 : memref<1x128xi32, #tpu.memory_space<vmem>> -> memref<128xi32, #tpu.memory_space<vmem>>
        %dma_wait3A_279 = arith.constant 0 : i32
        %dma_wait3A_280 = arith.constant 0 : i32
        %dma_wait3A_281 = tpu.memref_slice %arg13[%dma_wait3A_279, %dma_wait3A_280] : memref<5024x128xf32, #tpu.memory_space<vmem_shared>> -> memref<5024x128xf32, #tpu.memory_space<vmem_shared>>
        tpu.wait_indirect_dma semaphore(%run_scoped3A_269 : memref<!tpu.dma_semaphore, #tpu.memory_space<semaphore_mem>>) src(%arg12 : memref<128x128xf32, #tpu.memory_space<vmem>>) dst(%dma_wait3A_281 : memref<5024x128xf32, #tpu.memory_space<vmem_shared>>)
        tpu.yield
      }) : () -> ()
      %scan3A_268 = arith.constant 0 : i32
      scf.yield %scan3A_268 : i32
    }
    %scan3A_104 = arith.constant 19 : i32
    %dma_start3A_105 = arith.constant 78 : i32
    %dma_start3A_106 = arith.constant 0 : i32
    %dma_start3A_107 = tpu.memref_slice %arg7[%dma_start3A_105, %dma_start3A_106] : memref<80x128xi32, #tpu.memory_space<vmem>> -> memref<1x128xi32, #tpu.memory_space<vmem>>
    %dma_start3A_108 = tpu.memref_squeeze %dma_start3A_107 : memref<1x128xi32, #tpu.memory_space<vmem>> -> memref<128xi32, #tpu.memory_space<vmem>>
    %dma_start3A_109 = arith.constant 0 : i32
    %dma_start3A_110 = arith.constant 0 : i32
    %dma_start3A_111 = tpu.memref_slice %arg2[%dma_start3A_109, %dma_start3A_110] : memref<20000x128xf32, #tpu.memory_space<hbm>> -> memref<20000x128xf32, #tpu.memory_space<hbm>>
    tpu.enqueue_indirect_dma source(%dma_start3A_111 : memref<20000x128xf32, #tpu.memory_space<hbm>>) target(%arg11 : memref<128x128xf32, #tpu.memory_space<vmem>>) offsets(%dma_start3A_108 : memref<128xi32, #tpu.memory_space<vmem>>) semaphore(%arg15 : memref<!tpu.dma_semaphore, #tpu.memory_space<semaphore_mem>>)
    %dma_start3A_112 = arith.constant 79 : i32
    %dma_start3A_113 = arith.constant 0 : i32
    %dma_start3A_114 = tpu.memref_slice %arg7[%dma_start3A_112, %dma_start3A_113] : memref<80x128xi32, #tpu.memory_space<vmem>> -> memref<1x128xi32, #tpu.memory_space<vmem>>
    %dma_start3A_115 = tpu.memref_squeeze %dma_start3A_114 : memref<1x128xi32, #tpu.memory_space<vmem>> -> memref<128xi32, #tpu.memory_space<vmem>>
    %dma_start3A_116 = arith.constant 0 : i32
    %dma_start3A_117 = arith.constant 0 : i32
    %dma_start3A_118 = tpu.memref_slice %arg2[%dma_start3A_116, %dma_start3A_117] : memref<20000x128xf32, #tpu.memory_space<hbm>> -> memref<20000x128xf32, #tpu.memory_space<hbm>>
    tpu.enqueue_indirect_dma source(%dma_start3A_118 : memref<20000x128xf32, #tpu.memory_space<hbm>>) target(%arg12 : memref<128x128xf32, #tpu.memory_space<vmem>>) offsets(%dma_start3A_115 : memref<128xi32, #tpu.memory_space<vmem>>) semaphore(%arg15 : memref<!tpu.dma_semaphore, #tpu.memory_space<semaphore_mem>>)
    %dma_wait3A_119 = arith.constant 76 : i32
    %dma_wait3A_120 = arith.constant 0 : i32
    %dma_wait3A_121 = tpu.memref_slice %arg7[%dma_wait3A_119, %dma_wait3A_120] : memref<80x128xi32, #tpu.memory_space<vmem>> -> memref<1x128xi32, #tpu.memory_space<vmem>>
    %dma_wait3A_122 = tpu.memref_squeeze %dma_wait3A_121 : memref<1x128xi32, #tpu.memory_space<vmem>> -> memref<128xi32, #tpu.memory_space<vmem>>
    %dma_wait3A_123 = arith.constant 0 : i32
    %dma_wait3A_124 = arith.constant 0 : i32
    %dma_wait3A_125 = tpu.memref_slice %arg2[%dma_wait3A_123, %dma_wait3A_124] : memref<20000x128xf32, #tpu.memory_space<hbm>> -> memref<20000x128xf32, #tpu.memory_space<hbm>>
    tpu.wait_indirect_dma semaphore(%arg14 : memref<!tpu.dma_semaphore, #tpu.memory_space<semaphore_mem>>) src(%dma_wait3A_125 : memref<20000x128xf32, #tpu.memory_space<hbm>>) dst(%arg9 : memref<128x128xf32, #tpu.memory_space<vmem>>)
    %dma_wait3A_126 = arith.constant 77 : i32
    %dma_wait3A_127 = arith.constant 0 : i32
    %dma_wait3A_128 = tpu.memref_slice %arg7[%dma_wait3A_126, %dma_wait3A_127] : memref<80x128xi32, #tpu.memory_space<vmem>> -> memref<1x128xi32, #tpu.memory_space<vmem>>
    %dma_wait3A_129 = tpu.memref_squeeze %dma_wait3A_128 : memref<1x128xi32, #tpu.memory_space<vmem>> -> memref<128xi32, #tpu.memory_space<vmem>>
    %dma_wait3A_130 = arith.constant 0 : i32
    %dma_wait3A_131 = arith.constant 0 : i32
    %dma_wait3A_132 = tpu.memref_slice %arg2[%dma_wait3A_130, %dma_wait3A_131] : memref<20000x128xf32, #tpu.memory_space<hbm>> -> memref<20000x128xf32, #tpu.memory_space<hbm>>
    tpu.wait_indirect_dma semaphore(%arg14 : memref<!tpu.dma_semaphore, #tpu.memory_space<semaphore_mem>>) src(%dma_wait3A_132 : memref<20000x128xf32, #tpu.memory_space<hbm>>) dst(%arg10 : memref<128x128xf32, #tpu.memory_space<vmem>>)
    %run_scoped3A_133 = arith.constant 76 : i32
    "tpu.region"() ({
      %run_scoped3A_162 = tpu.sem_alloc : memref<!tpu.dma_semaphore, #tpu.memory_space<semaphore_mem>>
      %dma_start3A_163 = arith.constant 0 : i32
      %dma_start3A_164 = tpu.memref_slice %arg8[%run_scoped3A_133, %dma_start3A_163] : memref<80x128xi32, #tpu.memory_space<vmem>> -> memref<1x128xi32, #tpu.memory_space<vmem>>
      %dma_start3A_165 = tpu.memref_squeeze %dma_start3A_164 : memref<1x128xi32, #tpu.memory_space<vmem>> -> memref<128xi32, #tpu.memory_space<vmem>>
      %dma_start3A_166 = arith.constant 0 : i32
      %dma_start3A_167 = arith.constant 0 : i32
      %dma_start3A_168 = tpu.memref_slice %arg13[%dma_start3A_166, %dma_start3A_167] : memref<5024x128xf32, #tpu.memory_space<vmem_shared>> -> memref<5024x128xf32, #tpu.memory_space<vmem_shared>>
      tpu.enqueue_indirect_dma source(%arg9 : memref<128x128xf32, #tpu.memory_space<vmem>>) target(%dma_start3A_168 : memref<5024x128xf32, #tpu.memory_space<vmem_shared>>) offsets(%dma_start3A_165 : memref<128xi32, #tpu.memory_space<vmem>>) semaphore(%run_scoped3A_162 : memref<!tpu.dma_semaphore, #tpu.memory_space<semaphore_mem>>) {add = true}
      %dma_wait3A_169 = arith.constant 0 : i32
      %dma_wait3A_170 = tpu.memref_slice %arg8[%run_scoped3A_133, %dma_wait3A_169] : memref<80x128xi32, #tpu.memory_space<vmem>> -> memref<1x128xi32, #tpu.memory_space<vmem>>
      %dma_wait3A_171 = tpu.memref_squeeze %dma_wait3A_170 : memref<1x128xi32, #tpu.memory_space<vmem>> -> memref<128xi32, #tpu.memory_space<vmem>>
      %dma_wait3A_172 = arith.constant 0 : i32
      %dma_wait3A_173 = arith.constant 0 : i32
      %dma_wait3A_174 = tpu.memref_slice %arg13[%dma_wait3A_172, %dma_wait3A_173] : memref<5024x128xf32, #tpu.memory_space<vmem_shared>> -> memref<5024x128xf32, #tpu.memory_space<vmem_shared>>
      tpu.wait_indirect_dma semaphore(%run_scoped3A_162 : memref<!tpu.dma_semaphore, #tpu.memory_space<semaphore_mem>>) src(%arg9 : memref<128x128xf32, #tpu.memory_space<vmem>>) dst(%dma_wait3A_174 : memref<5024x128xf32, #tpu.memory_space<vmem_shared>>)
      tpu.yield
    }) : () -> ()
    %run_scoped3A_134 = arith.constant 77 : i32
    "tpu.region"() ({
      %run_scoped3A_162 = tpu.sem_alloc : memref<!tpu.dma_semaphore, #tpu.memory_space<semaphore_mem>>
      %dma_start3A_163 = arith.constant 0 : i32
      %dma_start3A_164 = tpu.memref_slice %arg8[%run_scoped3A_134, %dma_start3A_163] : memref<80x128xi32, #tpu.memory_space<vmem>> -> memref<1x128xi32, #tpu.memory_space<vmem>>
      %dma_start3A_165 = tpu.memref_squeeze %dma_start3A_164 : memref<1x128xi32, #tpu.memory_space<vmem>> -> memref<128xi32, #tpu.memory_space<vmem>>
      %dma_start3A_166 = arith.constant 0 : i32
      %dma_start3A_167 = arith.constant 0 : i32
      %dma_start3A_168 = tpu.memref_slice %arg13[%dma_start3A_166, %dma_start3A_167] : memref<5024x128xf32, #tpu.memory_space<vmem_shared>> -> memref<5024x128xf32, #tpu.memory_space<vmem_shared>>
      tpu.enqueue_indirect_dma source(%arg10 : memref<128x128xf32, #tpu.memory_space<vmem>>) target(%dma_start3A_168 : memref<5024x128xf32, #tpu.memory_space<vmem_shared>>) offsets(%dma_start3A_165 : memref<128xi32, #tpu.memory_space<vmem>>) semaphore(%run_scoped3A_162 : memref<!tpu.dma_semaphore, #tpu.memory_space<semaphore_mem>>) {add = true}
      %dma_wait3A_169 = arith.constant 0 : i32
      %dma_wait3A_170 = tpu.memref_slice %arg8[%run_scoped3A_134, %dma_wait3A_169] : memref<80x128xi32, #tpu.memory_space<vmem>> -> memref<1x128xi32, #tpu.memory_space<vmem>>
      %dma_wait3A_171 = tpu.memref_squeeze %dma_wait3A_170 : memref<1x128xi32, #tpu.memory_space<vmem>> -> memref<128xi32, #tpu.memory_space<vmem>>
      %dma_wait3A_172 = arith.constant 0 : i32
      %dma_wait3A_173 = arith.constant 0 : i32
      %dma_wait3A_174 = tpu.memref_slice %arg13[%dma_wait3A_172, %dma_wait3A_173] : memref<5024x128xf32, #tpu.memory_space<vmem_shared>> -> memref<5024x128xf32, #tpu.memory_space<vmem_shared>>
      tpu.wait_indirect_dma semaphore(%run_scoped3A_162 : memref<!tpu.dma_semaphore, #tpu.memory_space<semaphore_mem>>) src(%arg10 : memref<128x128xf32, #tpu.memory_space<vmem>>) dst(%dma_wait3A_174 : memref<5024x128xf32, #tpu.memory_space<vmem_shared>>)
      tpu.yield
    }) : () -> ()
    %dma_wait3A_135 = arith.constant 78 : i32
    %dma_wait3A_136 = arith.constant 0 : i32
    %dma_wait3A_137 = tpu.memref_slice %arg7[%dma_wait3A_135, %dma_wait3A_136] : memref<80x128xi32, #tpu.memory_space<vmem>> -> memref<1x128xi32, #tpu.memory_space<vmem>>
    %dma_wait3A_138 = tpu.memref_squeeze %dma_wait3A_137 : memref<1x128xi32, #tpu.memory_space<vmem>> -> memref<128xi32, #tpu.memory_space<vmem>>
    %dma_wait3A_139 = arith.constant 0 : i32
    %dma_wait3A_140 = arith.constant 0 : i32
    %dma_wait3A_141 = tpu.memref_slice %arg2[%dma_wait3A_139, %dma_wait3A_140] : memref<20000x128xf32, #tpu.memory_space<hbm>> -> memref<20000x128xf32, #tpu.memory_space<hbm>>
    tpu.wait_indirect_dma semaphore(%arg15 : memref<!tpu.dma_semaphore, #tpu.memory_space<semaphore_mem>>) src(%dma_wait3A_141 : memref<20000x128xf32, #tpu.memory_space<hbm>>) dst(%arg11 : memref<128x128xf32, #tpu.memory_space<vmem>>)
    %dma_wait3A_142 = arith.constant 79 : i32
    %dma_wait3A_143 = arith.constant 0 : i32
    %dma_wait3A_144 = tpu.memref_slice %arg7[%dma_wait3A_142, %dma_wait3A_143] : memref<80x128xi32, #tpu.memory_space<vmem>> -> memref<1x128xi32, #tpu.memory_space<vmem>>
    %dma_wait3A_145 = tpu.memref_squeeze %dma_wait3A_144 : memref<1x128xi32, #tpu.memory_space<vmem>> -> memref<128xi32, #tpu.memory_space<vmem>>
    %dma_wait3A_146 = arith.constant 0 : i32
    %dma_wait3A_147 = arith.constant 0 : i32
    %dma_wait3A_148 = tpu.memref_slice %arg2[%dma_wait3A_146, %dma_wait3A_147] : memref<20000x128xf32, #tpu.memory_space<hbm>> -> memref<20000x128xf32, #tpu.memory_space<hbm>>
    tpu.wait_indirect_dma semaphore(%arg15 : memref<!tpu.dma_semaphore, #tpu.memory_space<semaphore_mem>>) src(%dma_wait3A_148 : memref<20000x128xf32, #tpu.memory_space<hbm>>) dst(%arg12 : memref<128x128xf32, #tpu.memory_space<vmem>>)
    %run_scoped3A_149 = arith.constant 78 : i32
    "tpu.region"() ({
      %run_scoped3A_162 = tpu.sem_alloc : memref<!tpu.dma_semaphore, #tpu.memory_space<semaphore_mem>>
      %dma_start3A_163 = arith.constant 0 : i32
      %dma_start3A_164 = tpu.memref_slice %arg8[%run_scoped3A_149, %dma_start3A_163] : memref<80x128xi32, #tpu.memory_space<vmem>> -> memref<1x128xi32, #tpu.memory_space<vmem>>
      %dma_start3A_165 = tpu.memref_squeeze %dma_start3A_164 : memref<1x128xi32, #tpu.memory_space<vmem>> -> memref<128xi32, #tpu.memory_space<vmem>>
      %dma_start3A_166 = arith.constant 0 : i32
      %dma_start3A_167 = arith.constant 0 : i32
      %dma_start3A_168 = tpu.memref_slice %arg13[%dma_start3A_166, %dma_start3A_167] : memref<5024x128xf32, #tpu.memory_space<vmem_shared>> -> memref<5024x128xf32, #tpu.memory_space<vmem_shared>>
      tpu.enqueue_indirect_dma source(%arg11 : memref<128x128xf32, #tpu.memory_space<vmem>>) target(%dma_start3A_168 : memref<5024x128xf32, #tpu.memory_space<vmem_shared>>) offsets(%dma_start3A_165 : memref<128xi32, #tpu.memory_space<vmem>>) semaphore(%run_scoped3A_162 : memref<!tpu.dma_semaphore, #tpu.memory_space<semaphore_mem>>) {add = true}
      %dma_wait3A_169 = arith.constant 0 : i32
      %dma_wait3A_170 = tpu.memref_slice %arg8[%run_scoped3A_149, %dma_wait3A_169] : memref<80x128xi32, #tpu.memory_space<vmem>> -> memref<1x128xi32, #tpu.memory_space<vmem>>
      %dma_wait3A_171 = tpu.memref_squeeze %dma_wait3A_170 : memref<1x128xi32, #tpu.memory_space<vmem>> -> memref<128xi32, #tpu.memory_space<vmem>>
      %dma_wait3A_172 = arith.constant 0 : i32
      %dma_wait3A_173 = arith.constant 0 : i32
      %dma_wait3A_174 = tpu.memref_slice %arg13[%dma_wait3A_172, %dma_wait3A_173] : memref<5024x128xf32, #tpu.memory_space<vmem_shared>> -> memref<5024x128xf32, #tpu.memory_space<vmem_shared>>
      tpu.wait_indirect_dma semaphore(%run_scoped3A_162 : memref<!tpu.dma_semaphore, #tpu.memory_space<semaphore_mem>>) src(%arg11 : memref<128x128xf32, #tpu.memory_space<vmem>>) dst(%dma_wait3A_174 : memref<5024x128xf32, #tpu.memory_space<vmem_shared>>)
      tpu.yield
    }) : () -> ()
    %run_scoped3A_150 = arith.constant 79 : i32
    "tpu.region"() ({
      %run_scoped3A_162 = tpu.sem_alloc : memref<!tpu.dma_semaphore, #tpu.memory_space<semaphore_mem>>
      %dma_start3A_163 = arith.constant 0 : i32
      %dma_start3A_164 = tpu.memref_slice %arg8[%run_scoped3A_150, %dma_start3A_163] : memref<80x128xi32, #tpu.memory_space<vmem>> -> memref<1x128xi32, #tpu.memory_space<vmem>>
      %dma_start3A_165 = tpu.memref_squeeze %dma_start3A_164 : memref<1x128xi32, #tpu.memory_space<vmem>> -> memref<128xi32, #tpu.memory_space<vmem>>
      %dma_start3A_166 = arith.constant 0 : i32
      %dma_start3A_167 = arith.constant 0 : i32
      %dma_start3A_168 = tpu.memref_slice %arg13[%dma_start3A_166, %dma_start3A_167] : memref<5024x128xf32, #tpu.memory_space<vmem_shared>> -> memref<5024x128xf32, #tpu.memory_space<vmem_shared>>
      tpu.enqueue_indirect_dma source(%arg12 : memref<128x128xf32, #tpu.memory_space<vmem>>) target(%dma_start3A_168 : memref<5024x128xf32, #tpu.memory_space<vmem_shared>>) offsets(%dma_start3A_165 : memref<128xi32, #tpu.memory_space<vmem>>) semaphore(%run_scoped3A_162 : memref<!tpu.dma_semaphore, #tpu.memory_space<semaphore_mem>>) {add = true}
      %dma_wait3A_169 = arith.constant 0 : i32
      %dma_wait3A_170 = tpu.memref_slice %arg8[%run_scoped3A_150, %dma_wait3A_169] : memref<80x128xi32, #tpu.memory_space<vmem>> -> memref<1x128xi32, #tpu.memory_space<vmem>>
      %dma_wait3A_171 = tpu.memref_squeeze %dma_wait3A_170 : memref<1x128xi32, #tpu.memory_space<vmem>> -> memref<128xi32, #tpu.memory_space<vmem>>
      %dma_wait3A_172 = arith.constant 0 : i32
      %dma_wait3A_173 = arith.constant 0 : i32
      %dma_wait3A_174 = tpu.memref_slice %arg13[%dma_wait3A_172, %dma_wait3A_173] : memref<5024x128xf32, #tpu.memory_space<vmem_shared>> -> memref<5024x128xf32, #tpu.memory_space<vmem_shared>>
      tpu.wait_indirect_dma semaphore(%run_scoped3A_162 : memref<!tpu.dma_semaphore, #tpu.memory_space<semaphore_mem>>) src(%arg12 : memref<128x128xf32, #tpu.memory_space<vmem>>) dst(%dma_wait3A_174 : memref<5024x128xf32, #tpu.memory_space<vmem_shared>>)
      tpu.yield
    }) : () -> ()
    %barrier3A_151 = arith.constant 0 : index
    tpu.barrier barrier_id(%barrier3A_151)
    %mul3A_152 = arith.constant 314 : i32
    %mul3A_153 = arith.muli %arg1, %mul3A_152 : i32
    %mul3A_154 = arith.constant 2 : i32
    %mul3A_155 = arith.muli %arg0, %mul3A_154 : i32
    %add3A_156 = arith.constant 1 : i32
    %add3A_157 = arith.addi %mul3A_155, %add3A_156 : i32
    %mul3A_158 = arith.constant 16 : i32
    %mul3A_159 = arith.muli %add3A_157, %mul3A_158 : i32
    %add3A_160 = arith.addi %mul3A_159, %arg1 : i32
    "tpu.region"() ({
      %run_scoped3A_162 = tpu.sem_alloc : memref<!tpu.dma_semaphore, #tpu.memory_space<semaphore_mem>>
      %dma_start3A_163 = arith.constant 0 : i32
      %dma_start3A_164 = arith.constant 0 : i32
      %dma_start3A_165 = tpu.memref_slice %arg6[%add3A_160, %dma_start3A_163, %dma_start3A_164] : memref<64x314x128xf32, #tpu.memory_space<hbm>> -> memref<1x314x128xf32, #tpu.memory_space<hbm>>
      %dma_start3A_166 = tpu.memref_squeeze %dma_start3A_165 : memref<1x314x128xf32, #tpu.memory_space<hbm>> -> memref<314x128xf32, #tpu.memory_space<hbm>>
      %dma_start3A_167 = arith.constant 0 : i32
      %dma_start3A_168 = tpu.memref_slice %arg13[%mul3A_153, %dma_start3A_167] : memref<5024x128xf32, #tpu.memory_space<vmem_shared>> -> memref<314x128xf32, #tpu.memory_space<vmem_shared>>
      tpu.enqueue_dma source(%dma_start3A_168 : memref<314x128xf32, #tpu.memory_space<vmem_shared>>) target(%dma_start3A_166 : memref<314x128xf32, #tpu.memory_space<hbm>>) target_semaphore(%run_scoped3A_162 : memref<!tpu.dma_semaphore, #tpu.memory_space<semaphore_mem>>)
      %dma_wait3A_169 = arith.constant 0 : i32
      %dma_wait3A_170 = arith.constant 0 : i32
      %dma_wait3A_171 = tpu.memref_slice %arg6[%add3A_160, %dma_wait3A_169, %dma_wait3A_170] : memref<64x314x128xf32, #tpu.memory_space<hbm>> -> memref<1x314x128xf32, #tpu.memory_space<hbm>>
      %dma_wait3A_172 = tpu.memref_squeeze %dma_wait3A_171 : memref<1x314x128xf32, #tpu.memory_space<hbm>> -> memref<314x128xf32, #tpu.memory_space<hbm>>
      %dma_wait3A_173 = arith.constant 0 : i32
      %dma_wait3A_174 = tpu.memref_slice %arg13[%mul3A_153, %dma_wait3A_173] : memref<5024x128xf32, #tpu.memory_space<vmem_shared>> -> memref<314x128xf32, #tpu.memory_space<vmem_shared>>
      tpu.wait_dma2 semaphore(%run_scoped3A_162 : memref<!tpu.dma_semaphore, #tpu.memory_space<semaphore_mem>>) src(%dma_wait3A_174 : memref<314x128xf32, #tpu.memory_space<vmem_shared>>) dst(%dma_wait3A_172 : memref<314x128xf32, #tpu.memory_space<hbm>>)
      tpu.yield
    }) : () -> ()
    %barrier3A_161 = arith.constant 0 : index
    tpu.barrier barrier_id(%barrier3A_161)
    return
  }
}

module attributes {stable_mosaic.version = 14 : i64} {
  func.func @_tcnorm_body(%arg0: memref<32000xf32, #tpu.memory_space<vmem>>, %arg1: memref<10000x1xf32, #tpu.memory_space<vmem>>, %arg2: memref<10000x1xf32, #tpu.memory_space<vmem>>) attributes {dimension_semantics = [], scalar_prefetch = 0 : i64, scratch_operands = 0 : i64, tpu.core_type = #tpu.core_type<tc>} {
    %get3A = arith.constant 0 : index
    %get3A_0 = vector.load %arg0[%get3A] : memref<32000xf32, #tpu.memory_space<vmem>>, vector<32000xf32>
    %jit3A = arith.constant 1.000000e+00 : f32
    %max3A = vector.broadcast %jit3A : f32 to vector<32000xf32>
    %max3A_1 = arith.maximumf %max3A, %get3A_0 : vector<32000xf32>
    %rsqrt3A = math.rsqrt %max3A_1 : vector<32000xf32>
    %slice3A = vector.extract_strided_slice %rsqrt3A {offsets = [0], sizes = [10000], strides = [1]} : vector<32000xf32> to vector<10000xf32>
    %reshape3A = vector.shape_cast %slice3A : vector<10000xf32> to vector<10000x1xf32>
    %swap3A = arith.constant 0 : index
    %swap3A_2 = arith.constant 0 : index
    %swap3A_3 = vector.load %arg1[%swap3A, %swap3A_2] : memref<10000x1xf32, #tpu.memory_space<vmem>>, vector<10000x1xf32>
    tpu.vector_store %arg1[%swap3A, %swap3A_2], %reshape3A {strides = array<i32>} : memref<10000x1xf32, #tpu.memory_space<vmem>>, vector<10000x1xf32>,
    %slice3A_4 = vector.extract_strided_slice %rsqrt3A {offsets = [16000], sizes = [10000], strides = [1]} : vector<32000xf32> to vector<10000xf32>
    %reshape3A_5 = vector.shape_cast %slice3A_4 : vector<10000xf32> to vector<10000x1xf32>
    %swap3A_6 = arith.constant 0 : index
    %swap3A_7 = arith.constant 0 : index
    %swap3A_8 = vector.load %arg2[%swap3A_6, %swap3A_7] : memref<10000x1xf32, #tpu.memory_space<vmem>>, vector<10000x1xf32>
    tpu.vector_store %arg2[%swap3A_6, %swap3A_7], %reshape3A_5 {strides = array<i32>} : memref<10000x1xf32, #tpu.memory_space<vmem>>, vector<10000x1xf32>,
    return
  }
}

module attributes {stable_mosaic.version = 14 : i64} {
  func.func @_tc1_body(%arg0: i32, %arg1: i32, %arg2: memref<1000x1xf32, #tpu.memory_space<vmem>>, %arg3: memref<1000x256xf32, #tpu.memory_space<vmem>>, %arg4: memref<256x128xf32, #tpu.memory_space<vmem>>, %arg5: memref<1000x128xf32, #tpu.memory_space<vmem>>) attributes {dimension_semantics = [#tpu.dimension_semantics<arbitrary>, #tpu.dimension_semantics<arbitrary>], iteration_bounds = array<i64: 2, 10>, scalar_prefetch = 0 : i64, scratch_operands = 0 : i64, tpu.core_type = #tpu.core_type<tc>, window_params = [{transform_indices = @transform_0, window_bounds = array<i64: 1000, 1>}, {transform_indices = @transform_1, window_bounds = array<i64: 1000, 256>}, {transform_indices = @transform_2, window_bounds = array<i64: 256, 128>}, {transform_indices = @transform_3, window_bounds = array<i64: 1000, 128>}]} {
    %get3A = arith.constant 0 : index
    %get3A_0 = arith.constant 0 : index
    %get3A_1 = vector.load %arg3[%get3A, %get3A_0] : memref<1000x256xf32, #tpu.memory_space<vmem>>, vector<1000x256xf32>
    %get3A_2 = arith.constant 0 : index
    %get3A_3 = arith.constant 0 : index
    %get3A_4 = vector.load %arg2[%get3A_2, %get3A_3] : memref<1000x1xf32, #tpu.memory_space<vmem>>, vector<1000x1xf32>
    %mul3A = vector.broadcast %get3A_4 : vector<1000x1xf32> to vector<1000x256xf32>
    %mul3A_5 = arith.mulf %get3A_1, %mul3A : vector<1000x256xf32>
    %get3A_6 = arith.constant 0 : index
    %get3A_7 = arith.constant 0 : index
    %get3A_8 = vector.load %arg4[%get3A_6, %get3A_7] : memref<256x128xf32, #tpu.memory_space<vmem>>, vector<256x128xf32>
    %dot_general3A = arith.constant dense<0.000000e+00> : vector<1000x128xf32>
    %dot_general3A_9 = tpu.matmul %mul3A_5, %get3A_8, %dot_general3A {dimension_numbers = #tpu.dot_dimension_numbers<[1], [0], [0], [1], [0, 0, 1, 1], [], []>, precision = #tpu.contract_precision<fp32>, transpose_lhs_hint = false} : vector<1000x256xf32>, vector<256x128xf32>, vector<1000x128xf32> -> vector<1000x128xf32>
    %swap3A = arith.constant 0 : index
    %swap3A_10 = arith.constant 0 : index
    %swap3A_11 = vector.load %arg5[%swap3A, %swap3A_10] : memref<1000x128xf32, #tpu.memory_space<vmem>>, vector<1000x128xf32>
    tpu.vector_store %arg5[%swap3A, %swap3A_10], %dot_general3A_9 {strides = array<i32>} : memref<1000x128xf32, #tpu.memory_space<vmem>>, vector<1000x128xf32>,
    return
  }
  func.func @transform_0(%arg0: i32, %arg1: i32) -> (i32, i32) {
    %c0_i32 = arith.constant 0 : i32
    %c0_i32_0 = arith.constant 0 : i32
    return %arg1, %c0_i32 : i32, i32
  }
  func.func @transform_1(%arg0: i32, %arg1: i32) -> (i32, i32) {
    %c0_i32 = arith.constant 0 : i32
    %c0_i32_0 = arith.constant 0 : i32
    return %arg1, %c0_i32 : i32, i32
  }
  func.func @transform_2(%arg0: i32, %arg1: i32) -> (i32, i32) {
    %c0_i32 = arith.constant 0 : i32
    %c0_i32_0 = arith.constant 0 : i32
    return %c0_i32, %arg0 : i32, i32
  }
  func.func @transform_3(%arg0: i32, %arg1: i32) -> (i32, i32) {
    %mul3A = arith.constant 10 : i32
    %mul3A_0 = arith.muli %arg0, %mul3A : i32
    %add3A = arith.addi %mul3A_0, %arg1 : i32
    %c0_i32 = arith.constant 0 : i32
    %c0_i32_1 = arith.constant 0 : i32
    return %add3A, %c0_i32 : i32, i32
  }
}

module attributes {stable_mosaic.version = 14 : i64} {
  func.func @_tcmid_body(%arg0: i32, %arg1: i32, %arg2: memref<1x1000x128xf32, #tpu.memory_space<vmem>>, %arg3: memref<1x1000x128xf32, #tpu.memory_space<vmem>>, %arg4: memref<1000x1xf32, #tpu.memory_space<vmem>>, %arg5: memref<1000x1xf32, #tpu.memory_space<vmem>>, %arg6: memref<256xf32, #tpu.memory_space<vmem>>, %arg7: memref<256x128xf32, #tpu.memory_space<vmem>>, %arg8: memref<1000x128xf32, #tpu.memory_space<vmem>>) attributes {dimension_semantics = [#tpu.dimension_semantics<arbitrary>, #tpu.dimension_semantics<arbitrary>], iteration_bounds = array<i64: 2, 10>, scalar_prefetch = 0 : i64, scratch_operands = 0 : i64, tpu.core_type = #tpu.core_type<tc>, window_params = [{transform_indices = @transform_0, window_bounds = array<i64: 1, 1000, 128>}, {transform_indices = @transform_1, window_bounds = array<i64: 1, 1000, 128>}, {transform_indices = @transform_2, window_bounds = array<i64: 1000, 1>}, {transform_indices = @transform_3, window_bounds = array<i64: 1000, 1>}, {pipeline_mode = #tpu.pipeline_mode<synchronous>, transform_indices = @transform_4, window_bounds = array<i64: 256>}, {transform_indices = @transform_5, window_bounds = array<i64: 256, 128>}, {transform_indices = @transform_6, window_bounds = array<i64: 1000, 128>}]} {
    %get3A = arith.constant 0 : index
    %get3A_0 = arith.constant 0 : index
    %get3A_1 = arith.constant 0 : index
    %get3A_2 = vector.load %arg2[%get3A, %get3A_0, %get3A_1] : memref<1x1000x128xf32, #tpu.memory_space<vmem>>, vector<1x1000x128xf32>
    %get3A_3 = vector.shape_cast %get3A_2 : vector<1x1000x128xf32> to vector<1000x128xf32>
    %get3A_4 = arith.constant 0 : index
    %get3A_5 = arith.constant 0 : index
    %get3A_6 = arith.constant 0 : index
    %get3A_7 = vector.load %arg3[%get3A_4, %get3A_5, %get3A_6] : memref<1x1000x128xf32, #tpu.memory_space<vmem>>, vector<1x1000x128xf32>
    %get3A_8 = vector.shape_cast %get3A_7 : vector<1x1000x128xf32> to vector<1000x128xf32>
    %concatenate3A = tpu.concatenate %get3A_3, %get3A_8 in 1 : vector<1000x128xf32>, vector<1000x128xf32> -> vector<1000x256xf32>
    %get3A_9 = arith.constant 0 : index
    %get3A_10 = arith.constant 0 : index
    %get3A_11 = vector.load %arg5[%get3A_9, %get3A_10] : memref<1000x1xf32, #tpu.memory_space<vmem>>, vector<1000x1xf32>
    %mul3A = vector.broadcast %get3A_11 : vector<1000x1xf32> to vector<1000x256xf32>
    %mul3A_12 = arith.mulf %concatenate3A, %mul3A : vector<1000x256xf32>
    %get3A_13 = arith.constant 0 : index
    %get3A_14 = vector.load %arg6[%get3A_13] : memref<256xf32, #tpu.memory_space<vmem>>, vector<256xf32>
    %broadcast_in_dim3A = vector.shape_cast %get3A_14 : vector<256xf32> to vector<1x256xf32>
    %add3A = vector.broadcast %broadcast_in_dim3A : vector<1x256xf32> to vector<1000x256xf32>
    %add3A_15 = arith.addf %mul3A_12, %add3A : vector<1000x256xf32>
    %max3A = arith.constant 0.000000e+00 : f32
    %max3A_16 = vector.broadcast %max3A : f32 to vector<1000x256xf32>
    %max3A_17 = arith.maximumf %add3A_15, %max3A_16 : vector<1000x256xf32>
    %get3A_18 = arith.constant 0 : index
    %get3A_19 = arith.constant 0 : index
    %get3A_20 = vector.load %arg4[%get3A_18, %get3A_19] : memref<1000x1xf32, #tpu.memory_space<vmem>>, vector<1000x1xf32>
    %mul3A_21 = vector.broadcast %get3A_20 : vector<1000x1xf32> to vector<1000x256xf32>
    %mul3A_22 = arith.mulf %max3A_17, %mul3A_21 : vector<1000x256xf32>
    %get3A_23 = arith.constant 0 : index
    %get3A_24 = arith.constant 0 : index
    %get3A_25 = vector.load %arg7[%get3A_23, %get3A_24] : memref<256x128xf32, #tpu.memory_space<vmem>>, vector<256x128xf32>
    %dot_general3A = arith.constant dense<0.000000e+00> : vector<1000x128xf32>
    %dot_general3A_26 = tpu.matmul %mul3A_22, %get3A_25, %dot_general3A {dimension_numbers = #tpu.dot_dimension_numbers<[1], [0], [0], [1], [0, 0, 1, 1], [], []>, precision = #tpu.contract_precision<fp32>, transpose_lhs_hint = false} : vector<1000x256xf32>, vector<256x128xf32>, vector<1000x128xf32> -> vector<1000x128xf32>
    %swap3A = arith.constant 0 : index
    %swap3A_27 = arith.constant 0 : index
    %swap3A_28 = vector.load %arg8[%swap3A, %swap3A_27] : memref<1000x128xf32, #tpu.memory_space<vmem>>, vector<1000x128xf32>
    tpu.vector_store %arg8[%swap3A, %swap3A_27], %dot_general3A_26 {strides = array<i32>} : memref<1000x128xf32, #tpu.memory_space<vmem>>, vector<1000x128xf32>,
    return
  }
  func.func @transform_0(%arg0: i32, %arg1: i32) -> (i32, i32, i32) {
    %c0_i32 = arith.constant 0 : i32
    %c0_i32_0 = arith.constant 0 : i32
    %c0_i32_1 = arith.constant 0 : i32
    return %c0_i32, %arg1, %c0_i32_0 : i32, i32, i32
  }
  func.func @transform_1(%arg0: i32, %arg1: i32) -> (i32, i32, i32) {
    %c1_i32 = arith.constant 1 : i32
    %c0_i32 = arith.constant 0 : i32
    %c0_i32_0 = arith.constant 0 : i32
    return %c1_i32, %arg1, %c0_i32 : i32, i32, i32
  }
  func.func @transform_2(%arg0: i32, %arg1: i32) -> (i32, i32) {
    %c0_i32 = arith.constant 0 : i32
    %c0_i32_0 = arith.constant 0 : i32
    return %arg1, %c0_i32 : i32, i32
  }
  func.func @transform_3(%arg0: i32, %arg1: i32) -> (i32, i32) {
    %c0_i32 = arith.constant 0 : i32
    %c0_i32_0 = arith.constant 0 : i32
    return %arg1, %c0_i32 : i32, i32
  }
  func.func @transform_4(%arg0: i32, %arg1: i32) -> i32 {
    %c0_i32 = arith.constant 0 : i32
    %c0_i32_0 = arith.constant 0 : i32
    return %c0_i32 : i32
  }
  func.func @transform_5(%arg0: i32, %arg1: i32) -> (i32, i32) {
    %c0_i32 = arith.constant 0 : i32
    %c0_i32_0 = arith.constant 0 : i32
    return %c0_i32, %arg0 : i32, i32
  }
  func.func @transform_6(%arg0: i32, %arg1: i32) -> (i32, i32) {
    %mul3A = arith.constant 10 : i32
    %mul3A_0 = arith.muli %arg0, %mul3A : i32
    %add3A = arith.addi %mul3A_0, %arg1 : i32
    %c0_i32 = arith.constant 0 : i32
    %c0_i32_1 = arith.constant 0 : i32
    return %add3A, %c0_i32 : i32, i32
  }
}

module attributes {stable_mosaic.version = 14 : i64} {
  func.func @_tcfin_body(%arg0: i32, %arg1: memref<1x1000x128xf32, #tpu.memory_space<vmem>>, %arg2: memref<1x1000x128xf32, #tpu.memory_space<vmem>>, %arg3: memref<1000x1xf32, #tpu.memory_space<vmem>>, %arg4: memref<256xf32, #tpu.memory_space<vmem>>, %arg5: memref<1000x256xf32, #tpu.memory_space<vmem>>) attributes {dimension_semantics = [#tpu.dimension_semantics<arbitrary>], iteration_bounds = array<i64: 10>, scalar_prefetch = 0 : i64, scratch_operands = 0 : i64, tpu.core_type = #tpu.core_type<tc>, window_params = [{transform_indices = @transform_0, window_bounds = array<i64: 1, 1000, 128>}, {transform_indices = @transform_1, window_bounds = array<i64: 1, 1000, 128>}, {transform_indices = @transform_2, window_bounds = array<i64: 1000, 1>}, {pipeline_mode = #tpu.pipeline_mode<synchronous>, transform_indices = @transform_3, window_bounds = array<i64: 256>}, {transform_indices = @transform_4, window_bounds = array<i64: 1000, 256>}]} {
    %get3A = arith.constant 0 : index
    %get3A_0 = arith.constant 0 : index
    %get3A_1 = arith.constant 0 : index
    %get3A_2 = vector.load %arg1[%get3A, %get3A_0, %get3A_1] : memref<1x1000x128xf32, #tpu.memory_space<vmem>>, vector<1x1000x128xf32>
    %get3A_3 = vector.shape_cast %get3A_2 : vector<1x1000x128xf32> to vector<1000x128xf32>
    %get3A_4 = arith.constant 0 : index
    %get3A_5 = arith.constant 0 : index
    %get3A_6 = arith.constant 0 : index
    %get3A_7 = vector.load %arg2[%get3A_4, %get3A_5, %get3A_6] : memref<1x1000x128xf32, #tpu.memory_space<vmem>>, vector<1x1000x128xf32>
    %get3A_8 = vector.shape_cast %get3A_7 : vector<1x1000x128xf32> to vector<1000x128xf32>
    %concatenate3A = tpu.concatenate %get3A_3, %get3A_8 in 1 : vector<1000x128xf32>, vector<1000x128xf32> -> vector<1000x256xf32>
    %get3A_9 = arith.constant 0 : index
    %get3A_10 = arith.constant 0 : index
    %get3A_11 = vector.load %arg3[%get3A_9, %get3A_10] : memref<1000x1xf32, #tpu.memory_space<vmem>>, vector<1000x1xf32>
    %mul3A = vector.broadcast %get3A_11 : vector<1000x1xf32> to vector<1000x256xf32>
    %mul3A_12 = arith.mulf %concatenate3A, %mul3A : vector<1000x256xf32>
    %get3A_13 = arith.constant 0 : index
    %get3A_14 = vector.load %arg4[%get3A_13] : memref<256xf32, #tpu.memory_space<vmem>>, vector<256xf32>
    %broadcast_in_dim3A = vector.shape_cast %get3A_14 : vector<256xf32> to vector<1x256xf32>
    %add3A = vector.broadcast %broadcast_in_dim3A : vector<1x256xf32> to vector<1000x256xf32>
    %add3A_15 = arith.addf %mul3A_12, %add3A : vector<1000x256xf32>
    %max3A = arith.constant 0.000000e+00 : f32
    %max3A_16 = vector.broadcast %max3A : f32 to vector<1000x256xf32>
    %max3A_17 = arith.maximumf %add3A_15, %max3A_16 : vector<1000x256xf32>
    %swap3A = arith.constant 0 : index
    %swap3A_18 = arith.constant 0 : index
    %swap3A_19 = vector.load %arg5[%swap3A, %swap3A_18] : memref<1000x256xf32, #tpu.memory_space<vmem>>, vector<1000x256xf32>
    tpu.vector_store %arg5[%swap3A, %swap3A_18], %max3A_17 {strides = array<i32>} : memref<1000x256xf32, #tpu.memory_space<vmem>>, vector<1000x256xf32>,
    return
  }
  func.func @transform_0(%arg0: i32) -> (i32, i32, i32) {
    %c0_i32 = arith.constant 0 : i32
    %c0_i32_0 = arith.constant 0 : i32
    %c0_i32_1 = arith.constant 0 : i32
    return %c0_i32, %arg0, %c0_i32_0 : i32, i32, i32
  }
  func.func @transform_1(%arg0: i32) -> (i32, i32, i32) {
    %c1_i32 = arith.constant 1 : i32
    %c0_i32 = arith.constant 0 : i32
    %c0_i32_0 = arith.constant 0 : i32
    return %c1_i32, %arg0, %c0_i32 : i32, i32, i32
  }
  func.func @transform_2(%arg0: i32) -> (i32, i32) {
    %c0_i32 = arith.constant 0 : i32
    %c0_i32_0 = arith.constant 0 : i32
    return %arg0, %c0_i32 : i32, i32
  }
  func.func @transform_3(%arg0: i32) -> i32 {
    %c0_i32 = arith.constant 0 : i32
    %c0_i32_0 = arith.constant 0 : i32
    return %c0_i32 : i32
  }
  func.func @transform_4(%arg0: i32) -> (i32, i32) {
    %c0_i32 = arith.constant 0 : i32
    %c0_i32_0 = arith.constant 0 : i32
    return %arg0, %c0_i32 : i32, i32
  }
}

</mosaic_0001>

<sc_bundles>
// kernel: kernel.11.cloned.1.call-start
scs
__scs_entry_jumppad:
0x0: {  	(pc) =	sbr.rel $0x88, $3  }
0x1: {  	(tag) =	ssettag $0x0;
	lr =	simm.s32 $0x1  }
0x2: {  	[smem:$0x3F99] =	sst lr;
	_ =	strace $0xD0000000  }
0x3: {  	_ = 	snop  }
0x4: {  	_ = 	snop  }
0x5: {  	_ = 	snop  }
0x6: {  	_ = 	snop  }
0x7: {  	_ = 	snop  }
__scs_overlays_trampoline_lowered:
0x8: {  	[smem:$0x3FA8] =	sst s0  }
0x9: {  	[smem:$0x3FA9] =	sst s1  }
0xa: {  	[smem:$0x3FAA] =	sst s2  }
0xb: {  	[smem:$0x3FAB] =	sst s3  }
0xc: {  	[smem:$0x3FAC] =	sst s4  }
0xd: {  	[smem:$0x3FAD] =	sst s5  }
0xe: {  	[smem:$0x3FAE] =	sst s6  }
0xf: {  	[smem:$0x3FAF] =	sst s7  }
0x10: {  	[smem:$0x3FB0] =	sst s8  }
0x11: {  	[smem:$0x3FB1] =	sst s9;
	s0 =	simm.s32 @!p0 $0x0  }
0x12: {  	s1 =	sld [smem:$0x3F97];
	s0 =	simm.s32 @p0 $0x1  }
0x13: {  	[smem:$0x3FB2] =	sst s0;
	s0 =	simm.s32 @!p1 $0x0  }
0x14: {  	s2 =	sld [smem:$0x3F96];
	s0 =	simm.s32 @p1 $0x1  }
0x15: {  	[smem:$0x3FB3] =	sst s0;
	s0 =	simm.s32 @!p2 $0x0  }
0x16: {  	s3 =	sld [smem:$0x3FDB];
	s0 =	simm.s32 @p2 $0x1  }
0x17: {  	s4 =	simm.s32 $0x1BF5;
	[smem:$0x3FB5] =	sst s0  }
0x18: {  	s0 =	sld [smem:$0x3F98];
	_ =	swait.ge [sflag:s4], $0x0  }
0x19: {  	s7 =	sld [smem:$0x3F99]  }
0x1a: {  	s8 =	sadd.s32 $0xFFFFE003, lr  }
0x1b: {  	s9 =	sadd.s32 $0xFFFFFEF7, lr;
	s5 =	simm.s32 $0xFFFFFFFF;
	p2 =	slt.u32 s8, $0xFFFFF086  }
0x1c: {  	p1 =	slt.u32 s9, $0xF7A;
	s5 =	simm.s32 @!p2 $0x0  }
0x1d: {  	s5 =	simm.s32 @p1 $0x1;
	p0 =	seq.s32 s7, s2  }
0x1e: {  	s7 =	smul.u32 @!p0 $0xF7A, s2;
	p2 =	seq.s32 @!p0 s5, $0x0  }
0x1f: {  	s9 =	smul.u32 $0xF7A, s1;
	s8 =	simm.s32 @!p0 $0x1BF5;
	p2 =	por !p2, p0  }
0x20: {  	[sflag:s8] =	ssyncset.s32 @!p0 $0xFFFFF086;
	s6 =	sadd.s32 @!p0 s3, s7;
	s7 =	simm.s32 @!p0 $0x108  }
0x21: {  	s3 =	sadd.s32 s3, s9;
	s6 =	sadd.s32 @!p0 $0x88, s6;
	s7 =	simm.s32 @p2 $0x1082  }
0x22: {  	[simem:s7], [sflag:s8] =	dma.local @!p0 [hbm:s6], $0xF7A  }
0x23: {  	s9 =	sor.u32 $0xD0000000, s2;
	s6 =	simm.s32 $0x108;
	_ =	swait.ge @!p0 [sflag:s8], $0x0  }
0x24: {  	s3 =	sadd.s32 $0x88, s3;
	s6 =	simm.s32 @!p1 $0x1082;
	[sflag:s4] =	ssyncset.s32 $0xFFFFF086  }
0x25: {  	[simem:s6], [sflag:s4] =	dma.local [hbm:s3], $0xF7A  }
0x26: {  	[smem:$0x3F99] =	sst s1;
	(tag) =	ssettag s2;
	_ =	strace s9  }
0x27: {  	s1 =	sld [smem:$0x3FA9]  }
0x28: {  	s2 =	sld [smem:$0x3FAA]  }
0x29: {  	s4 =	sld [smem:$0x3FAC]  }
0x2a: {  	p0 =	seq.s32 s5, $0x0;
	s5 =	sld [smem:$0x3FAD]  }
0x2b: {  	s6 =	sld [smem:$0x3FAE]  }
0x2c: {  	s7 =	sld [smem:$0x3FAF]  }
0x2d: {  	s3 =	simm.s32 $0x108;
	s8 =	sld [smem:$0x3FB0]  }
0x2e: {  	s3 =	simm.s32 @!p0 $0x1082;
	s9 =	sld [smem:$0x3FB1]  }
0x2f: {  	lr =	sadd.s32 s0, s3;
	s0 =	sld [smem:$0x3FA8]  }
0x30: {  	s3 =	sld [smem:$0x3FAB]  }
0x31: {  	[smem:$0x3FB4] =	sst s10  }
0x32: {  	s10 =	sld [smem:$0x3FB2];
	_ =	sdelay $0x3  }
0x33: {  	p0 =	seq.s32 s10, $0x1;
	s10 =	sld [smem:$0x3FB4];
	_ =	sdelay $0x3  }
0x34: {  	[smem:$0x3FB4] =	sst s10  }
0x35: {  	s10 =	sld [smem:$0x3FB3];
	_ =	sdelay $0x3  }
0x36: {  	p1 =	seq.s32 s10, $0x1;
	s10 =	sld [smem:$0x3FB4];
	_ =	sdelay $0x3  }
0x37: {  	[smem:$0x3FB4] =	sst s10  }
0x38: {  	s10 =	sld [smem:$0x3FB5]  }
0x39: {  	_ = 	snop;
	(pc) =	sbr.ind lr, $3  }
0x3a: {  	_ = 	snop  }
0x3b: {  	_ = 	snop  }
0x3c: {  	p2 =	seq.s32 s10, $0x1;
	s10 =	sld [smem:$0x3FB4]  }
0x3d: {  	_ =	shalt  }
0x3e: {  	_ =	shalt  }
0x3f: {  	_ =	shalt  }
0x40: {  	_ =	shalt  }
0x41: {  	_ =	shalt  }
0x42: {  	_ =	shalt  }
0x43: {  	_ =	shalt  }
0x44: {  	_ =	shalt  }
0x45: {  	_ =	shalt  }
0x46: {  	_ =	shalt  }
0x47: {  	_ =	shalt  }
0x48: {  	_ =	shalt  }
0x49: {  	_ =	shalt  }
0x4a: {  	_ =	shalt  }
0x4b: {  	_ =	shalt  }
0x4c: {  	_ =	shalt  }
0x4d: {  	_ =	shalt  }
0x4e: {  	_ =	shalt  }
0x4f: {  	_ =	shalt  }
0x50: {  	_ =	shalt  }
0x51: {  	_ =	shalt  }
0x52: {  	_ =	shalt  }
0x53: {  	_ =	shalt  }
0x54: {  	_ =	shalt  }
0x55: {  	_ =	shalt  }
0x56: {  	_ =	shalt  }
0x57: {  	_ =	shalt  }
0x58: {  	_ =	shalt  }
0x59: {  	_ =	shalt  }
0x5a: {  	_ =	shalt  }
0x5b: {  	_ =	shalt  }
0x5c: {  	_ =	shalt  }
0x5d: {  	_ =	shalt  }
0x5e: {  	_ =	shalt  }
0x5f: {  	_ =	shalt  }
0x60: {  	_ =	shalt  }
0x61: {  	_ =	shalt  }
0x62: {  	_ =	shalt  }
0x63: {  	_ =	shalt  }
0x64: {  	_ =	shalt  }
0x65: {  	_ =	shalt  }
0x66: {  	_ =	shalt  }
0x67: {  	_ =	shalt  }
0x68: {  	_ =	shalt  }
0x69: {  	_ =	shalt  }
0x6a: {  	_ =	shalt  }
0x6b: {  	_ =	shalt  }
0x6c: {  	_ =	shalt  }
0x6d: {  	_ =	shalt  }
0x6e: {  	_ =	shalt  }
0x6f: {  	_ =	shalt  }
0x70: {  	_ =	shalt  }
0x71: {  	_ =	shalt  }
0x72: {  	_ =	shalt  }
0x73: {  	_ =	shalt  }
0x74: {  	_ =	shalt  }
0x75: {  	_ =	shalt  }
0x76: {  	_ =	shalt  }
0x77: {  	_ =	shalt  }
0x78: {  	_ =	shalt  }
0x79: {  	_ =	shalt  }
0x7a: {  	_ =	shalt  }
0x7b: {  	_ =	shalt  }
0x7c: {  	_ =	shalt  }
0x7d: {  	_ =	shalt  }
0x7e: {  	_ =	shalt  }
0x7f: {  	_ =	shalt  }
0x80: {  	_ =	shalt  }
0x81: {  	_ =	shalt  }
0x82: {  	_ =	shalt  }
0x83: {  	_ =	shalt  }
0x84: {  	_ =	shalt  }
0x85: {  	_ =	shalt  }
0x86: {  	_ =	shalt  }
0x87: {  	_ =	shalt  }
.Lfunc_end0:
.L_simem_size_0:
called_computation_lowered:
.L_overlay_start_0:
0x88: {  	s2 =	sld [smem:$0x3FD9]  }
0x89: {  	s3 =	sld [smem:$0x3FFE];
	_ =	sdelay $0x1  }
0x8a: {  	s1 =	srdreg.scid  }
0x8b: {  	s0 =	sand.u32 $0x1, s1  }
0x8c: {  	s17 =	sshll.u32 s0, $0xA;
	s2 =	sadd.s32 s3, s2  }
0x8d: {  	s2 =	sadd.s32 s2, s17  }
0x8e: {  	[smem:$0x3FC0] =	sst s2  }
0x8f: {  	_ = 	snop  }
0x90: {  	s2 =	sld [smem:$0x3FD0];
	(tm) =	ssettm $0x1  }
0x91: {  	s18 =	sld [smem:$0x3FFB];
	_ =	sdelay $0x3  }
0x92: {  	_ =	strace s18  }
0x93: {  	s3 =	sld [smem:$0x3FFC];
	_ =	sdelay $0x3  }
0x94: {  	_ =	strace s3  }
0x95: {  	s3 =	sld [smem:$0x3FFD];
	_ =	sdelay $0x3  }
0x96: {  	_ =	strace s3  }
0x97: {  	_ =	strace $0x8FFFFFFF  }
0x98: {  	s19 =	sld [smem:$0x3FDB];
	_ =	sdelay $0x1  }
0x99: {  	s4 =	simm.s32 $_scs_section_size  }
0x9a: {  	s5 =	simm.s32 $_size__tile_overlayer_lowered;
	s6 =	simm.s32 $_tile_overlayer_lowered  }
0x9b: {  	s22 =	simm.s32 $0x1BFF;
	s21 =	sshll.u32 s6, $0x1;
	s3 =	sadd.s32 s4, s19  }
0x9c: {  	s7 =	simm.s32 $0x0;
	s20 =	sshll.u32 s5, $0x1;
	s5 =	sadd.s32 s21, s3  }
0x9d: {  	[timem:s7], [sflag:s22] =	dma.local [hbm:s5], s20  }
0x9e: {  	_ =	swait.ge [sflag:s22], s20  }
0x9f: {  	s4 =	ssub.s32 $0x0, s20;
	[sflag:s22] =	ssyncset.done $0x0  }
0xa0: {  	[sflag:s22] =	ssyncadd.s32 s4;
	_ =	sdelay $0x1  }
0xa1: {  	s23 =	simm.s32 $0x1B8B  }
0xa2: {  	_ =	swait.ge [sflag:s23], $0x1  }
0xa3: {  	[sflag:s23] =	ssyncset.done $0x0  }
0xa4: {  	s25 =	simm.s32 $0x1B8E;
	s24 =	sld [smem:$0x3FFE];
	[sflag:s23] =	ssyncadd.s32 $0xFFFFFFFF  }
0xa5: {  	s26 =	simm.s32 $execute0_lowered;
	[smem:$0x3FD2] =	sst s25  }
0xa6: {  	s5 =	sshll.u32 s26, $0x1;
	_ =	strace $0x80000046;
	[dreg:$0x1] =	wrdreg $0xFFFFFFFF  }
0xa7: {  	s28 =	simm.s32 $_size_execute0_lowered;
	s3 =	sadd.s32 s3, s5;
	[dreg:$0x0] =	wrdreg $0x0  }
0xa8: {  	s5 =	sshll.u32 s28, $0x1;
	[dreg:$0x2] =	wrdreg s3  }
0xa9: {  	[dreg:$0x3] =	wrdreg s5  }
0xaa: {  	[dreg:$0x4] =	wrdreg $0xC0  }
0xab: {  	_ =	task [dreg:s7], $0x5FFFF  }
0xac: {  	[dreg:$0x1] =	wrdreg $0xFFFFFFFF  }
0xad: {  	[dreg:$0x0] =	wrdreg $0x60  }
0xae: {  	[dreg:$0x2] =	wrdreg s2  }
0xaf: {  	[dreg:$0x3] =	wrdreg s24  }
0xb0: {  	[dreg:$0x4] =	wrdreg $0x2C800  }
0xb1: {  	[dreg:$0x5] =	wrdreg $0x9  }
0xb2: {  	_ =	task.clear_ibuf [dreg:s7], $0x6FFFF;
	_ =	strace $0x90000046  }
0xb3: {  	s29 =	simm.s32 $0x9;
	_ =	strace $0x80000048  }
0xb4: {  	_ =	swait.ge [sflag:s29], $0x1  }
0xb5: {  	[sflag:s29] =	ssyncadd.s32 $0xFFFFFFFF  }
0xb6: {  	_ =	strace $0x90000048  }
0xb7: {  	_ =	sfence  }
0xb8: {  	s30 =	sld [smem:$0x0];
	_ =	sdelay $0x2  }
0xb9: {  	s31 =	sshll.u32 s1, $0xD;
	s1 =	sshrl.u32 s1, $0x2  }
0xba: {  	s3 =	sand.u32 $0x4000, s31;
	s1 =	sadd.s32 s1, s30  }
0xbb: {  	s0 =	sor.u32 s3, s0;
	s1 =	sshll.u32 s1, $0x11  }
0xbc: {  	s0 =	sor.u32 s1, s0  }
0xbd: {  	s0 =	sadd.s32 $0x8F2B, s0  }
0xbe: {  	[sflag:s0] =	ssyncadd.remote.s32 $0x1  }
0xbf: {  	_ =	sfence.sel $0xFFFF  }
0xc0: {  	[dreg:$0x0] =	wrdreg $0xFFFFFFFF;
	(pc) =	sbr.abs _section_cstart, $3  }
0xc1: {  	[dreg:$0x1] =	wrdreg $0xFFFFFFFF  }
0xc2: {  	_ =	task.clear_ibuf [dreg:s7], $0x2FFFF;
	_ =	strace $0x9FFFFFFF  }
0xc3: {  	(tm) =	ssettm $0x7FFFFFFF  }
tec
execute0_lowered:
.L_overlay_start_1:
0x0: {  	(tag) =	ssettag $0x1  }
0x1: {  	s5 =	rddreg [dreg:$0x0]  }
0x2: {  	s6 =	rddreg [dreg:$0x1]  }
0x3: {  	s2 =	rddreg [dreg:$0x2]  }
0x4: {  	s0 =	rddreg [dreg:$0x3]  }
0x5: {  	s3 =	simm.s32 $0x0;
	s1 =	stileid.u32;
	s4 =	srdreg.scid  }
0x6: {  	s13 =	simm.s32 $0x80;
	s14 =	simm.s32 $0x0;
	[smem:$0x7FF] =	sst s3  }
0x7: {  	s7 =	smul.u32 $0x3E8, s1;
	s8 =	sand.u32 $0x1, s4;
	s4 =	sadd.s32 $0x2000, s6  }
0x8: {  	_ =	strace $0x80000047;
	s9 =	smul.u32 $0x3E80, s8;
	s10 =	sshll.u32 s8, $0x4  }
0x9: {  	s8 =	ssub.s32 $0x2, s8;
	s11 =	sshrl.u32 s7, $0x3;
	s10 =	sor.u32 s1, s10  }
0xa: {  	s12 =	sshrl.u32 s8, $0x1;
	s9 =	sadd.s32 s7, s9;
	s10 =	smul.u32 $0x500, s10  }
0xb: {  	s11 =	sadd.s32 s11, s6;
	s12 =	ssub.s32 s8, s12;
	s9 =	sshrl.u32 s9, $0x3  }
0xc: {  	s7 =	sadd.s32 s7, s2;
	s9 =	sadd.s32 s9, s6;
	s5 =	sadd.s32 s5, s10  }
0xd: {  	s6 =	sadd.s32 $0x2200, s11;
	s10 =	simm.s32 $0x1;
	s11 =	simm.s32 $0x2800  }
0xe: {  	s8 =	sadd.s32 $0x2A00, s9;
	s9 =	smax.u32 s12, $0x1;
	s12 =	simm.s32 $0x2880  }
.LBB2_1:
0xf: {  	[tilespmem:s3], [sflag:$0x1] =	stream.linear.gather [hbm4b:s5+s3], $0x2800, $0x38;
	[tilespmem:$0x3068] =	vst v63  }
0x10: {  	_ =	swait.ge [sflag:s10], $0x2800  }
0x11: {  	[sflag:s10] =	ssyncset.done $0x0  }
0x12: {  	[sflag:s10] =	ssyncadd.s32 $0xFFFFD800  }
0x13: {  	[tilespmem:s11], [sflag:$0x1] =	stream.linear.gather [hbm4b:s4+s3], $0x80, $0x38;
	[tilespmem:$0x3068] =	vst v63  }
0x14: {  	_ =	swait.ge [sflag:s10], $0x80  }
0x15: {  	[sflag:s10] =	ssyncset.done $0x0  }
0x16: {  	[sflag:s10] =	ssyncadd.s32 $0xFFFFFF80  }
0x17: {  	[tilespmem:s12], [sflag:$0x1] =	stream.linear.gather [hbm4b:s6+s3], $0x3E8, $0x38;
	[tilespmem:$0x3068] =	vst v63  }
0x18: {  	_ =	swait.ge [sflag:s10], $0x3E8  }
0x19: {  	[sflag:s10] =	ssyncset.done $0x0  }
0x1a: {  	[sflag:s10] =	ssyncadd.s32 $0xFFFFFC18  }
0x1b: {  	[spmem:s7] =	stream.linear.scatter [tilespmem:s12], [sflag:$0x1], $0x3E8, $0x38;
	[tilespmem:$0x3068] =	vst v63  }
0x1c: {  	_ =	swait.ge [sflag:s10], $0x3E8  }
0x1d: {  	[sflag:s10] =	ssyncset.done $0x0  }
0x1e: {  	[sflag:s10] =	ssyncadd.s32 $0xFFFFFC18  }
0x1f: {  	s15 =	simm.s32 $0x0;
	[bflag:$0x0] =	sbarrier.arrive $0xFFFF  }
0x20: {  	[spmem:s2] =	stream.indirect.scatter.add.f32 [tilespmem:s11], [sflag:$0x1], $0x1, s15, s13, $0xb8;
	[tilespmem:$0x3068] =	vst v63  }
0x21: {  	_ =	swait.ge [sflag:s10], $0x80  }
0x22: {  	s15 =	simm.s32 $0x200;
	[sflag:s10] =	ssyncset.done $0x0  }
.LBB2_2:
0x23: {  	s16 =	sshra.s32 s15, $0x2;
	[sflag:s10] =	ssyncadd.s32 $0xFFFFFF80;
	p0 =	sne.s32 s15, $0x9E00  }
0x24: {  	[spmem:s2] =	stream.indirect.scatter.add.f32 [tilespmem:s11], [sflag:$0x1], $0x1, s16, s13, $0xb8;
	[tilespmem:$0x3068] =	vst v63  }
.Ltmp0:
0x25: {  	_ = 	snop;
	(pc) =	sbr.rel @p0 .LBB2_2-.Ltmp0, $4  }
0x26: {  	_ = 	snop  }
0x27: {  	s15 =	sadd.s32 $0x200, s15  }
0x28: {  	_ =	swait.ge [sflag:s10], $0x80  }
0x29: {  	[sflag:s10] =	ssyncset.done $0x0  }
0x2a: {  	[sflag:s10] =	ssyncadd.s32 $0xFFFFFF80  }
0x2b: {  	[bflag:$0x0] =	sbarrier.arrive $0xFFFF  }
0x2c: {  	[tilespmem:s12], [sflag:$0x1] =	stream.linear.gather [spmem:s7], $0x3E8, $0x38;
	[tilespmem:$0x3068] =	vst v63  }
0x2d: {  	s14 =	sadd.s32 $0x1, s14;
	_ =	swait.ge [sflag:s10], $0x3E8  }
0x2e: {  	p0 =	sne.s32 s14, s9;
	[sflag:s10] =	ssyncset.done $0x0  }
.Ltmp1:
0x2f: {  	[sflag:s10] =	ssyncadd.s32 $0xFFFFFC18;
	(pc) =	sbr.rel @p0 .LBB2_1-.Ltmp1, $4  }
0x30: {  	[hbm4b:s8+s3] =	stream.linear.scatter [tilespmem:s12], [sflag:$0x1], $0x3E8, $0x38;
	[tilespmem:$0x3068] =	vst v63  }
0x31: {  	_ =	swait.ge [sflag:s10], $0x3E8  }
0x32: {  	[sflag:s10] =	ssyncset.done $0x0  }
0x33: {  	[sflag:s10] =	ssyncadd.s32 $0xFFFFFC18  }
0x34: {  	_ =	sfence.sel $0x180000  }
0x35: {  	[bflag:$0x0] =	sbarrier.arrive $0xFFFF  }
0x36: {  	p0 =	sne.s32 s1, $0x0;
	_ =	strace $0x90000047  }
0x37: {  	s0 =	sadd.s32 @!p0 $0x100000, s0;
	[bflag:$0x2] =	sbarrier.arrive $0xFFFF  }
0x38: {  	[sflag:s0] =	ssyncadd.tile.s32 @!p0 $0x1;
	_ =	shalt  }
.Lfunc_end2:
_tile_overlayer_lowered:
.L_overlay_start_2:
0x39: {  	(tag) =	ssettag $0x2  }
0x3a: {  	s0 =	rddreg [dreg:$0x0];
	s2 =	stileid.u32  }
0x3b: {  	s1 =	rddreg [dreg:$0x1];
	p0 =	sne.s32 s2, $0x0  }
0x3c: {  	s3 =	rddreg [dreg:$0x2];
	[bflag:$0x3] =	sbarrier.arrive $0xFFFF;
	s2 =	simm.s32 @!p0 $0x1C01  }
0x3d: {  	[timem:s3], [sflag:s2] =	dma.local @!p0 [hbm:s0], s1  }
0x3e: {  	s0 =	simm.s32 @!p0 $0x1  }
0x3f: {  	_ =	swait.ge @!p0 [sflag:s0], s1  }
0x40: {  	s1 =	ssub.s32 @!p0 $0x0, s1;
	[sflag:s0] =	ssyncset.done @!p0 $0x0  }
0x41: {  	[sflag:s0] =	ssyncadd.s32 @!p0 s1  }
0x42: {  	[bflag:$0x3] =	sbarrier.arrive $0xFFFF  }
0x43: {  	_ =	shalt  }

// kernel: kernel.14.cloned.1.call-start
scs
__scs_entry_jumppad:
0x0: {  	(pc) =	sbr.rel $0x88, $3  }
0x1: {  	(tag) =	ssettag $0x0;
	lr =	simm.s32 $0x1  }
0x2: {  	[smem:$0x3F99] =	sst lr;
	_ =	strace $0xD0000000  }
0x3: {  	_ = 	snop  }
0x4: {  	_ = 	snop  }
0x5: {  	_ = 	snop  }
0x6: {  	_ = 	snop  }
0x7: {  	_ = 	snop  }
__scs_overlays_trampoline_lowered:
0x8: {  	[smem:$0x3FA8] =	sst s0  }
0x9: {  	[smem:$0x3FA9] =	sst s1  }
0xa: {  	[smem:$0x3FAA] =	sst s2  }
0xb: {  	[smem:$0x3FAB] =	sst s3  }
0xc: {  	[smem:$0x3FAC] =	sst s4  }
0xd: {  	[smem:$0x3FAD] =	sst s5  }
0xe: {  	[smem:$0x3FAE] =	sst s6  }
0xf: {  	[smem:$0x3FAF] =	sst s7  }
0x10: {  	[smem:$0x3FB0] =	sst s8  }
0x11: {  	[smem:$0x3FB1] =	sst s9;
	s0 =	simm.s32 @!p0 $0x0  }
0x12: {  	s1 =	sld [smem:$0x3F97];
	s0 =	simm.s32 @p0 $0x1  }
0x13: {  	[smem:$0x3FB2] =	sst s0;
	s0 =	simm.s32 @!p1 $0x0  }
0x14: {  	s2 =	sld [smem:$0x3F96];
	s0 =	simm.s32 @p1 $0x1  }
0x15: {  	[smem:$0x3FB3] =	sst s0;
	s0 =	simm.s32 @!p2 $0x0  }
0x16: {  	s3 =	sld [smem:$0x3FDB];
	s0 =	simm.s32 @p2 $0x1  }
0x17: {  	s4 =	simm.s32 $0x1BF5;
	[smem:$0x3FB5] =	sst s0  }
0x18: {  	s0 =	sld [smem:$0x3F98];
	_ =	swait.ge [sflag:s4], $0x0  }
0x19: {  	s7 =	sld [smem:$0x3F99]  }
0x1a: {  	s8 =	sadd.s32 $0xFFFFE003, lr  }
0x1b: {  	s9 =	sadd.s32 $0xFFFFFEF7, lr;
	s5 =	simm.s32 $0xFFFFFFFF;
	p2 =	slt.u32 s8, $0xFFFFF086  }
0x1c: {  	p1 =	slt.u32 s9, $0xF7A;
	s5 =	simm.s32 @!p2 $0x0  }
0x1d: {  	s5 =	simm.s32 @p1 $0x1;
	p0 =	seq.s32 s7, s2  }
0x1e: {  	s7 =	smul.u32 @!p0 $0xF7A, s2;
	p2 =	seq.s32 @!p0 s5, $0x0  }
0x1f: {  	s9 =	smul.u32 $0xF7A, s1;
	s8 =	simm.s32 @!p0 $0x1BF5;
	p2 =	por !p2, p0  }
0x20: {  	[sflag:s8] =	ssyncset.s32 @!p0 $0xFFFFF086;
	s6 =	sadd.s32 @!p0 s3, s7;
	s7 =	simm.s32 @!p0 $0x108  }
0x21: {  	s3 =	sadd.s32 s3, s9;
	s6 =	sadd.s32 @!p0 $0x88, s6;
	s7 =	simm.s32 @p2 $0x1082  }
0x22: {  	[simem:s7], [sflag:s8] =	dma.local @!p0 [hbm:s6], $0xF7A  }
0x23: {  	s9 =	sor.u32 $0xD0000000, s2;
	s6 =	simm.s32 $0x108;
	_ =	swait.ge @!p0 [sflag:s8], $0x0  }
0x24: {  	s3 =	sadd.s32 $0x88, s3;
	s6 =	simm.s32 @!p1 $0x1082;
	[sflag:s4] =	ssyncset.s32 $0xFFFFF086  }
0x25: {  	[simem:s6], [sflag:s4] =	dma.local [hbm:s3], $0xF7A  }
0x26: {  	[smem:$0x3F99] =	sst s1;
	(tag) =	ssettag s2;
	_ =	strace s9  }
0x27: {  	s1 =	sld [smem:$0x3FA9]  }
0x28: {  	s2 =	sld [smem:$0x3FAA]  }
0x29: {  	s4 =	sld [smem:$0x3FAC]  }
0x2a: {  	p0 =	seq.s32 s5, $0x0;
	s5 =	sld [smem:$0x3FAD]  }
0x2b: {  	s6 =	sld [smem:$0x3FAE]  }
0x2c: {  	s7 =	sld [smem:$0x3FAF]  }
0x2d: {  	s3 =	simm.s32 $0x108;
	s8 =	sld [smem:$0x3FB0]  }
0x2e: {  	s3 =	simm.s32 @!p0 $0x1082;
	s9 =	sld [smem:$0x3FB1]  }
0x2f: {  	lr =	sadd.s32 s0, s3;
	s0 =	sld [smem:$0x3FA8]  }
0x30: {  	s3 =	sld [smem:$0x3FAB]  }
0x31: {  	[smem:$0x3FB4] =	sst s10  }
0x32: {  	s10 =	sld [smem:$0x3FB2];
	_ =	sdelay $0x3  }
0x33: {  	p0 =	seq.s32 s10, $0x1;
	s10 =	sld [smem:$0x3FB4];
	_ =	sdelay $0x3  }
0x34: {  	[smem:$0x3FB4] =	sst s10  }
0x35: {  	s10 =	sld [smem:$0x3FB3];
	_ =	sdelay $0x3  }
0x36: {  	p1 =	seq.s32 s10, $0x1;
	s10 =	sld [smem:$0x3FB4];
	_ =	sdelay $0x3  }
0x37: {  	[smem:$0x3FB4] =	sst s10  }
0x38: {  	s10 =	sld [smem:$0x3FB5]  }
0x39: {  	_ = 	snop;
	(pc) =	sbr.ind lr, $3  }
0x3a: {  	_ = 	snop  }
0x3b: {  	_ = 	snop  }
0x3c: {  	p2 =	seq.s32 s10, $0x1;
	s10 =	sld [smem:$0x3FB4]  }
0x3d: {  	_ =	shalt  }
0x3e: {  	_ =	shalt  }
0x3f: {  	_ =	shalt  }
0x40: {  	_ =	shalt  }
0x41: {  	_ =	shalt  }
0x42: {  	_ =	shalt  }
0x43: {  	_ =	shalt  }
0x44: {  	_ =	shalt  }
0x45: {  	_ =	shalt  }
0x46: {  	_ =	shalt  }
0x47: {  	_ =	shalt  }
0x48: {  	_ =	shalt  }
0x49: {  	_ =	shalt  }
0x4a: {  	_ =	shalt  }
0x4b: {  	_ =	shalt  }
0x4c: {  	_ =	shalt  }
0x4d: {  	_ =	shalt  }
0x4e: {  	_ =	shalt  }
0x4f: {  	_ =	shalt  }
0x50: {  	_ =	shalt  }
0x51: {  	_ =	shalt  }
0x52: {  	_ =	shalt  }
0x53: {  	_ =	shalt  }
0x54: {  	_ =	shalt  }
0x55: {  	_ =	shalt  }
0x56: {  	_ =	shalt  }
0x57: {  	_ =	shalt  }
0x58: {  	_ =	shalt  }
0x59: {  	_ =	shalt  }
0x5a: {  	_ =	shalt  }
0x5b: {  	_ =	shalt  }
0x5c: {  	_ =	shalt  }
0x5d: {  	_ =	shalt  }
0x5e: {  	_ =	shalt  }
0x5f: {  	_ =	shalt  }
0x60: {  	_ =	shalt  }
0x61: {  	_ =	shalt  }
0x62: {  	_ =	shalt  }
0x63: {  	_ =	shalt  }
0x64: {  	_ =	shalt  }
0x65: {  	_ =	shalt  }
0x66: {  	_ =	shalt  }
0x67: {  	_ =	shalt  }
0x68: {  	_ =	shalt  }
0x69: {  	_ =	shalt  }
0x6a: {  	_ =	shalt  }
0x6b: {  	_ =	shalt  }
0x6c: {  	_ =	shalt  }
0x6d: {  	_ =	shalt  }
0x6e: {  	_ =	shalt  }
0x6f: {  	_ =	shalt  }
0x70: {  	_ =	shalt  }
0x71: {  	_ =	shalt  }
0x72: {  	_ =	shalt  }
0x73: {  	_ =	shalt  }
0x74: {  	_ =	shalt  }
0x75: {  	_ =	shalt  }
0x76: {  	_ =	shalt  }
0x77: {  	_ =	shalt  }
0x78: {  	_ =	shalt  }
0x79: {  	_ =	shalt  }
0x7a: {  	_ =	shalt  }
0x7b: {  	_ =	shalt  }
0x7c: {  	_ =	shalt  }
0x7d: {  	_ =	shalt  }
0x7e: {  	_ =	shalt  }
0x7f: {  	_ =	shalt  }
0x80: {  	_ =	shalt  }
0x81: {  	_ =	shalt  }
0x82: {  	_ =	shalt  }
0x83: {  	_ =	shalt  }
0x84: {  	_ =	shalt  }
0x85: {  	_ =	shalt  }
0x86: {  	_ =	shalt  }
0x87: {  	_ =	shalt  }
.Lfunc_end0:
.L_simem_size_0:
called_computation.1_lowered:
.L_overlay_start_0:
0x88: {  	s2 =	sld [smem:$0x3FD9]  }
0x89: {  	s3 =	sld [smem:$0x3FFE];
	_ =	sdelay $0x1  }
0x8a: {  	s1 =	srdreg.scid  }
0x8b: {  	s0 =	sand.u32 $0x1, s1  }
0x8c: {  	s17 =	sshll.u32 s0, $0xA;
	s2 =	sadd.s32 s3, s2  }
0x8d: {  	s2 =	sadd.s32 s2, s17  }
0x8e: {  	[smem:$0x3FC0] =	sst s2  }
0x8f: {  	_ = 	snop  }
0x90: {  	s2 =	sld [smem:$0x3FD0];
	(tm) =	ssettm $0x1  }
0x91: {  	s18 =	sld [smem:$0x3FFB];
	_ =	sdelay $0x3  }
0x92: {  	_ =	strace s18  }
0x93: {  	s3 =	sld [smem:$0x3FFC];
	_ =	sdelay $0x3  }
0x94: {  	_ =	strace s3  }
0x95: {  	s3 =	sld [smem:$0x3FFD];
	_ =	sdelay $0x3  }
0x96: {  	_ =	strace s3  }
0x97: {  	_ =	strace $0x8FFFFFFF  }
0x98: {  	s19 =	sld [smem:$0x3FDB];
	_ =	sdelay $0x1  }
0x99: {  	s4 =	simm.s32 $_scs_section_size  }
0x9a: {  	s5 =	simm.s32 $_size__tile_overlayer_lowered;
	s6 =	simm.s32 $_tile_overlayer_lowered  }
0x9b: {  	s22 =	simm.s32 $0x1BFF;
	s21 =	sshll.u32 s6, $0x1;
	s3 =	sadd.s32 s4, s19  }
0x9c: {  	s7 =	simm.s32 $0x0;
	s20 =	sshll.u32 s5, $0x1;
	s5 =	sadd.s32 s21, s3  }
0x9d: {  	[timem:s7], [sflag:s22] =	dma.local [hbm:s5], s20  }
0x9e: {  	_ =	swait.ge [sflag:s22], s20  }
0x9f: {  	s4 =	ssub.s32 $0x0, s20;
	[sflag:s22] =	ssyncset.done $0x0  }
0xa0: {  	[sflag:s22] =	ssyncadd.s32 s4;
	_ =	sdelay $0x1  }
0xa1: {  	s23 =	simm.s32 $0x1B8B  }
0xa2: {  	_ =	swait.ge [sflag:s23], $0x1  }
0xa3: {  	[sflag:s23] =	ssyncset.done $0x0  }
0xa4: {  	s25 =	simm.s32 $0x1B8E;
	s24 =	sld [smem:$0x3FFE];
	[sflag:s23] =	ssyncadd.s32 $0xFFFFFFFF  }
0xa5: {  	s26 =	simm.s32 $execute0_lowered;
	[smem:$0x3FD2] =	sst s25  }
0xa6: {  	s5 =	sshll.u32 s26, $0x1;
	_ =	strace $0x80000049;
	[dreg:$0x1] =	wrdreg $0xFFFFFFFF  }
0xa7: {  	s28 =	simm.s32 $_size_execute0_lowered;
	s3 =	sadd.s32 s3, s5;
	[dreg:$0x0] =	wrdreg $0x0  }
0xa8: {  	s5 =	sshll.u32 s28, $0x1;
	[dreg:$0x2] =	wrdreg s3  }
0xa9: {  	[dreg:$0x3] =	wrdreg s5  }
0xaa: {  	[dreg:$0x4] =	wrdreg $0xC0  }
0xab: {  	_ =	task [dreg:s7], $0x5FFFF  }
0xac: {  	[dreg:$0x1] =	wrdreg $0xFFFFFFFF  }
0xad: {  	[dreg:$0x0] =	wrdreg $0x60  }
0xae: {  	[dreg:$0x2] =	wrdreg s2  }
0xaf: {  	[dreg:$0x3] =	wrdreg s24  }
0xb0: {  	[dreg:$0x4] =	wrdreg $0x150000  }
0xb1: {  	[dreg:$0x5] =	wrdreg $0x9  }
0xb2: {  	_ =	task.clear_ibuf [dreg:s7], $0x6FFFF;
	_ =	strace $0x90000049  }
0xb3: {  	s29 =	simm.s32 $0x9;
	_ =	strace $0x8000004B  }
0xb4: {  	_ =	swait.ge [sflag:s29], $0x1  }
0xb5: {  	[sflag:s29] =	ssyncadd.s32 $0xFFFFFFFF  }
0xb6: {  	_ =	strace $0x9000004B  }
0xb7: {  	_ =	sfence  }
0xb8: {  	s30 =	sld [smem:$0x0];
	_ =	sdelay $0x2  }
0xb9: {  	s31 =	sshll.u32 s1, $0xD;
	s1 =	sshrl.u32 s1, $0x2  }
0xba: {  	s3 =	sand.u32 $0x4000, s31;
	s1 =	sadd.s32 s1, s30  }
0xbb: {  	s0 =	sor.u32 s3, s0;
	s1 =	sshll.u32 s1, $0x11  }
0xbc: {  	s0 =	sor.u32 s1, s0  }
0xbd: {  	s0 =	sadd.s32 $0x8F2B, s0  }
0xbe: {  	[sflag:s0] =	ssyncadd.remote.s32 $0x1  }
0xbf: {  	_ =	sfence.sel $0xFFFF  }
0xc0: {  	[dreg:$0x0] =	wrdreg $0xFFFFFFFF;
	(pc) =	sbr.abs _section_cstart, $3  }
0xc1: {  	[dreg:$0x1] =	wrdreg $0xFFFFFFFF  }
0xc2: {  	_ =	task.clear_ibuf [dreg:s7], $0x2FFFF;
	_ =	strace $0x9FFFFFFF  }
0xc3: {  	(tm) =	ssettm $0x7FFFFFFF  }
tec
execute0_lowered:
.L_overlay_start_1:
0x0: {  	(tag) =	ssettag $0x1  }
0x1: {  	s0 =	rddreg [dreg:$0x0]  }
0x2: {  	s2 =	rddreg [dreg:$0x1]  }
0x3: {  	s1 =	srdreg.scid;
	s3 =	rddreg [dreg:$0x2]  }
0x4: {  	s12 =	stileid.u32;
	s13 =	simm.s32 $0x2800;
	s16 =	simm.s32 $0x80  }
0x5: {  	s17 =	simm.s32 $0x5000;
	s18 =	simm.s32 $0x9000;
	s19 =	simm.s32 $0xD000  }
0x6: {  	s20 =	simm.s32 $0x11000;
	s21 =	simm.s32 $0x1;
	s22 =	simm.s32 $0x2  }
0x7: {  	s23 =	simm.s32 $0x2700;
	s28 =	simm.s32 $0x4F00;
	s7 =	smul.u32 $0x1400, s12  }
0x8: {  	s29 =	simm.s32 $0x4F80;
	s30 =	simm.s32 $0x0;
	s9 =	smul.u32 $0x27400, s12  }
0x9: {  	s1 =	sand.u32 $0x1, s1;
	s8 =	sadd.s32 $0xDA00, s2;
	s11 =	smul.u32 $0x2800, s12  }
0xa: {  	s24 =	smul.u32 $0x500, s12;
	s31 =	sshll.u32 s12, $0x6;
	s4 =	sshll.u32 s1, $0x4  }
0xb: {  	s6 =	sshll.u32 s1, $0x5;
	s1 =	ssub.s32 $0x2, s1;
	s14 =	sor.u32 $0x1C03, s31  }
0xc: {  	s5 =	sor.u32 s12, s4;
	s4 =	simm.s32 $0x0;
	s6 =	sor.u32 s12, s6  }
0xd: {  	s7 =	sadd.s32 s7, s2;
	s10 =	sshrl.u32 s1, $0x1;
	s25 =	sshrl.u32 s9, $0x2  }
0xe: {  	s26 =	sshrl.u32 s11, $0x3;
	s12 =	simm.s32 $0x3;
	s5 =	smul.u32 $0x500, s5  }
0xf: {  	[smem:$0x7FF] =	sst s4;
	s6 =	smul.u32 $0x1400, s6;
	s1 =	ssub.s32 s1, s10  }
0x10: {  	s9 =	sadd.s32 s8, s26;
	s7 =	sadd.s32 $0x17A00, s7;
	s26 =	simm.s32 $0x4E80  }
0x11: {  	_ =	strace $0x8000004A;
	s9 =	sadd.s32 $0x5000, s9;
	s11 =	smax.u32 s1, $0x1  }
0x12: {  	s5 =	sadd.s32 s5, s2;
	s2 =	sadd.s32 s6, s2;
	s6 =	sadd.s32 s8, s24  }
0x13: {  	s24 =	simm.s32 $0x2780;
	s5 =	sadd.s32 $0x3A00, s5;
	[dreg:$0x5] =	wrdreg s6  }
0x14: {  	s8 =	sadd.s32 $0x2BA00, s2;
	[dreg:$0x4] =	wrdreg s5;
	s5 =	sadd.s32 s25, s3  }
0x15: {  	s10 =	sadd.s32 $0x3FA00, s2;
	s25 =	simm.s32 $0x4E00;
	s15 =	sshrl.u32 s5, $0x3  }
.LBB2_1:
0x16: {  	s1 =	rddreg [dreg:$0x4]  }
0x17: {  	[tilespmem:s4], [sflag:$0x3] =	stream.linear.gather [hbm4b:s1+s4], $0x2800, $0x38;
	[tilespmem:$0x1ED00] =	vst v63  }
0x18: {  	_ =	swait.ge [sflag:s12], $0x2800  }
0x19: {  	[sflag:s12] =	ssyncset.done $0x0  }
0x1a: {  	s2 =	rddreg [dreg:$0x5];
	[sflag:s12] =	ssyncadd.s32 $0xFFFFD800  }
0x1b: {  	[tilespmem:s13], [sflag:$0x3] =	stream.linear.gather [hbm4b:s2+s4], $0x2800, $0x38;
	[tilespmem:$0x1ED00] =	vst v63  }
0x1c: {  	_ =	swait.ge [sflag:s12], $0x2800  }
0x1d: {  	[sflag:s12] =	ssyncset.done $0x0  }
0x1e: {  	[sflag:s12] =	ssyncadd.s32 $0xFFFFD800  }
0x1f: {  	[spmem:s15], [sflag:s14] =	dma.local [hbm:s7], $0x13A0  }
0x20: {  	_ =	swait.ge [sflag:s12], $0x13A0  }
0x21: {  	[sflag:s12] =	ssyncset.done $0x0  }
0x22: {  	[sflag:s12] =	ssyncadd.s32 $0xFFFFEC60  }
0x23: {  	[bflag:$0x0] =	sbarrier.arrive $0xFFFF  }
0x24: {  	[tilespmem:s17], [sflag:$0x1] =	stream.indirect.gather [hbm4b:s0+s16], $0x80, s4, s16, $0xb8;
	[tilespmem:$0x1ED00] =	vst v63  }
0x25: {  	_ = 	snop  }
0x26: {  	[tilespmem:s18], [sflag:$0x1] =	stream.indirect.gather [hbm4b:s0+s16], $0x80, s16, s16, $0xb8;
	[tilespmem:$0x1ED00] =	vst v63  }
0x27: {  	s5 =	simm.s32 $0x100  }
0x28: {  	[tilespmem:s19], [sflag:$0x2] =	stream.indirect.gather [hbm4b:s0+s16], $0x80, s5, s16, $0xb8;
	[tilespmem:$0x1ED00] =	vst v63  }
0x29: {  	s6 =	simm.s32 $0x180  }
0x2a: {  	[tilespmem:s20], [sflag:$0x2] =	stream.indirect.gather [hbm4b:s0+s16], $0x80, s6, s16, $0xb8;
	[tilespmem:$0x1ED00] =	vst v63  }
0x2b: {  	_ =	swait.ge [sflag:s21], $0x4000  }
0x2c: {  	[sflag:s21] =	ssyncset.done $0x0  }
0x2d: {  	[sflag:s21] =	ssyncadd.s32 $0xFFFFC000  }
0x2e: {  	_ =	swait.ge [sflag:s21], $0x4000  }
0x2f: {  	[sflag:s21] =	ssyncset.done $0x0  }
0x30: {  	s2 =	simm.s32 $0x2800;
	[sflag:s21] =	ssyncadd.s32 $0xFFFFC000  }
0x31: {  	[spmem:s3] =	stream.indirect.scatter.add.f32 [tilespmem:s17], [sflag:$0x3], $0x80, s2, s16, $0xb8;
	[tilespmem:$0x1ED00] =	vst v63  }
0x32: {  	_ =	swait.ge [sflag:s12], $0x4000  }
0x33: {  	[sflag:s12] =	ssyncset.done $0x0  }
0x34: {  	s5 =	simm.s32 $0x2880;
	[sflag:s12] =	ssyncadd.s32 $0xFFFFC000  }
0x35: {  	[spmem:s3] =	stream.indirect.scatter.add.f32 [tilespmem:s18], [sflag:$0x3], $0x80, s5, s16, $0xb8;
	[tilespmem:$0x1ED00] =	vst v63  }
0x36: {  	_ =	swait.ge [sflag:s12], $0x4000  }
0x37: {  	[sflag:s12] =	ssyncset.done $0x0  }
0x38: {  	s6 =	simm.s32 $0x200;
	[sflag:s12] =	ssyncadd.s32 $0xFFFFC000  }
0x39: {  	[tilespmem:s17], [sflag:$0x1] =	stream.indirect.gather [hbm4b:s0+s16], $0x80, s6, s16, $0xb8;
	[tilespmem:$0x1ED00] =	vst v63  }
0x3a: {  	s2 =	simm.s32 $0x280  }
0x3b: {  	[tilespmem:s18], [sflag:$0x1] =	stream.indirect.gather [hbm4b:s0+s16], $0x80, s2, s16, $0xb8;
	[tilespmem:$0x1ED00] =	vst v63  }
0x3c: {  	_ =	swait.ge [sflag:s22], $0x4000  }
0x3d: {  	[sflag:s22] =	ssyncset.done $0x0  }
0x3e: {  	[sflag:s22] =	ssyncadd.s32 $0xFFFFC000  }
0x3f: {  	_ =	swait.ge [sflag:s22], $0x4000  }
0x40: {  	[sflag:s22] =	ssyncset.done $0x0  }
0x41: {  	s5 =	simm.s32 $0x2900;
	[sflag:s22] =	ssyncadd.s32 $0xFFFFC000  }
0x42: {  	[spmem:s3] =	stream.indirect.scatter.add.f32 [tilespmem:s19], [sflag:$0x3], $0x80, s5, s16, $0xb8;
	[tilespmem:$0x1ED00] =	vst v63  }
0x43: {  	_ =	swait.ge [sflag:s12], $0x4000  }
0x44: {  	[sflag:s12] =	ssyncset.done $0x0  }
0x45: {  	s6 =	simm.s32 $0x2980;
	[sflag:s12] =	ssyncadd.s32 $0xFFFFC000  }
0x46: {  	[spmem:s3] =	stream.indirect.scatter.add.f32 [tilespmem:s20], [sflag:$0x3], $0x80, s6, s16, $0xb8;
	[tilespmem:$0x1ED00] =	vst v63  }
0x47: {  	_ =	swait.ge [sflag:s12], $0x4000  }
0x48: {  	s31 =	simm.s32 $0x200;
	s1 =	simm.s32 $0x1000;
	[sflag:s12] =	ssyncset.done $0x0  }
.LBB2_2:
0x49: {  	s6 =	sadd.s32 $0x100, s31  }
0x4a: {  	[sflag:s12] =	ssyncadd.s32 $0xFFFFC000;
	s2 =	smov.u32 s1;
	s5 =	sadd.s32 $0x800, s1  }
0x4b: {  	[tilespmem:s19], [sflag:$0x2] =	stream.indirect.gather [hbm4b:s0+s16], $0x80, s6, s16, $0xb8;
	[tilespmem:$0x1ED00] =	vst v63  }
0x4c: {  	p0 =	sne.s32 s1, $0x9000;
	s1 =	sadd.s32 $0x180, s31  }
0x4d: {  	[tilespmem:s20], [sflag:$0x2] =	stream.indirect.gather [hbm4b:s0+s16], $0x80, s1, s16, $0xb8;
	[tilespmem:$0x1ED00] =	vst v63  }
0x4e: {  	_ =	swait.ge [sflag:s21], $0x4000  }
0x4f: {  	[sflag:s21] =	ssyncset.done $0x0  }
0x50: {  	[sflag:s21] =	ssyncadd.s32 $0xFFFFC000  }
0x51: {  	_ =	swait.ge [sflag:s21], $0x4000  }
0x52: {  	[sflag:s21] =	ssyncset.done $0x0  }
0x53: {  	s1 =	sadd.s32 $0x2800, s31;
	[sflag:s21] =	ssyncadd.s32 $0xFFFFC000  }
0x54: {  	[spmem:s3] =	stream.indirect.scatter.add.f32 [tilespmem:s17], [sflag:$0x3], $0x80, s1, s16, $0xb8;
	[tilespmem:$0x1ED00] =	vst v63  }
0x55: {  	_ =	swait.ge [sflag:s12], $0x4000  }
0x56: {  	[sflag:s12] =	ssyncset.done $0x0  }
0x57: {  	s1 =	sadd.s32 $0x2880, s31;
	[sflag:s12] =	ssyncadd.s32 $0xFFFFC000  }
0x58: {  	[spmem:s3] =	stream.indirect.scatter.add.f32 [tilespmem:s18], [sflag:$0x3], $0x80, s1, s16, $0xb8;
	[tilespmem:$0x1ED00] =	vst v63  }
0x59: {  	_ =	swait.ge [sflag:s12], $0x4000  }
0x5a: {  	[sflag:s12] =	ssyncset.done $0x0  }
0x5b: {  	s1 =	sadd.s32 $0x200, s31;
	[sflag:s12] =	ssyncadd.s32 $0xFFFFC000  }
0x5c: {  	[tilespmem:s17], [sflag:$0x1] =	stream.indirect.gather [hbm4b:s0+s16], $0x80, s1, s16, $0xb8;
	[tilespmem:$0x1ED00] =	vst v63  }
0x5d: {  	s1 =	sadd.s32 $0x280, s31  }
0x5e: {  	[tilespmem:s18], [sflag:$0x1] =	stream.indirect.gather [hbm4b:s0+s16], $0x80, s1, s16, $0xb8;
	[tilespmem:$0x1ED00] =	vst v63  }
0x5f: {  	_ =	swait.ge [sflag:s22], $0x4000  }
0x60: {  	[sflag:s22] =	ssyncset.done $0x0  }
0x61: {  	[sflag:s22] =	ssyncadd.s32 $0xFFFFC000  }
0x62: {  	_ =	swait.ge [sflag:s22], $0x4000  }
0x63: {  	[sflag:s22] =	ssyncset.done $0x0  }
0x64: {  	s1 =	sadd.s32 $0x2900, s31;
	[sflag:s22] =	ssyncadd.s32 $0xFFFFC000  }
0x65: {  	[spmem:s3] =	stream.indirect.scatter.add.f32 [tilespmem:s19], [sflag:$0x3], $0x80, s1, s16, $0xb8;
	[tilespmem:$0x1ED00] =	vst v63  }
0x66: {  	_ =	swait.ge [sflag:s12], $0x4000  }
.Ltmp0:
0x67: {  	[sflag:s12] =	ssyncset.done $0x0;
	(pc) =	sbr.rel @p0 .LBB2_2-.Ltmp0, $4  }
0x68: {  	s1 =	sadd.s32 $0x2980, s31;
	[sflag:s12] =	ssyncadd.s32 $0xFFFFC000  }
0x69: {  	[spmem:s3] =	stream.indirect.scatter.add.f32 [tilespmem:s20], [sflag:$0x3], $0x80, s1, s16, $0xb8;
	[tilespmem:$0x1ED00] =	vst v63  }
0x6a: {  	_ =	swait.ge [sflag:s12], $0x4000  }
0x6b: {  	s31 =	sshra.s32 s2, $0x2;
	s1 =	smov.u32 s5;
	[sflag:s12] =	ssyncset.done $0x0  }
0x6c: {  	s1 =	sadd.s32 $0x100, s31;
	[sflag:s12] =	ssyncadd.s32 $0xFFFFC000  }
0x6d: {  	[tilespmem:s19], [sflag:$0x2] =	stream.indirect.gather [hbm4b:s0+s16], $0x80, s1, s16, $0xb8;
	[tilespmem:$0x1ED00] =	vst v63  }
0x6e: {  	s6 =	sadd.s32 $0x180, s31  }
0x6f: {  	[tilespmem:s20], [sflag:$0x2] =	stream.indirect.gather [hbm4b:s0+s16], $0x80, s6, s16, $0xb8;
	[tilespmem:$0x1ED00] =	vst v63  }
0x70: {  	_ =	swait.ge [sflag:s21], $0x4000  }
0x71: {  	[sflag:s21] =	ssyncset.done $0x0  }
0x72: {  	[sflag:s21] =	ssyncadd.s32 $0xFFFFC000  }
0x73: {  	_ =	swait.ge [sflag:s21], $0x4000  }
0x74: {  	[sflag:s21] =	ssyncset.done $0x0  }
0x75: {  	s2 =	sadd.s32 $0x2800, s31;
	[sflag:s21] =	ssyncadd.s32 $0xFFFFC000  }
0x76: {  	[spmem:s3] =	stream.indirect.scatter.add.f32 [tilespmem:s17], [sflag:$0x3], $0x80, s2, s16, $0xb8;
	[tilespmem:$0x1ED00] =	vst v63  }
0x77: {  	_ =	swait.ge [sflag:s12], $0x4000  }
0x78: {  	[sflag:s12] =	ssyncset.done $0x0  }
0x79: {  	s5 =	sadd.s32 $0x2880, s31;
	[sflag:s12] =	ssyncadd.s32 $0xFFFFC000  }
0x7a: {  	[spmem:s3] =	stream.indirect.scatter.add.f32 [tilespmem:s18], [sflag:$0x3], $0x80, s5, s16, $0xb8;
	[tilespmem:$0x1ED00] =	vst v63  }
0x7b: {  	_ =	swait.ge [sflag:s12], $0x4000  }
0x7c: {  	[sflag:s12] =	ssyncset.done $0x0  }
0x7d: {  	s6 =	sadd.s32 $0x200, s31;
	[sflag:s12] =	ssyncadd.s32 $0xFFFFC000  }
0x7e: {  	[tilespmem:s17], [sflag:$0x1] =	stream.indirect.gather [hbm4b:s0+s16], $0x80, s6, s16, $0xb8;
	[tilespmem:$0x1ED00] =	vst v63  }
0x7f: {  	s2 =	sadd.s32 $0x280, s31  }
0x80: {  	[tilespmem:s18], [sflag:$0x1] =	stream.indirect.gather [hbm4b:s0+s16], $0x80, s2, s16, $0xb8;
	[tilespmem:$0x1ED00] =	vst v63  }
0x81: {  	_ =	swait.ge [sflag:s22], $0x4000  }
0x82: {  	[sflag:s22] =	ssyncset.done $0x0  }
0x83: {  	[sflag:s22] =	ssyncadd.s32 $0xFFFFC000  }
0x84: {  	_ =	swait.ge [sflag:s22], $0x4000  }
0x85: {  	[sflag:s22] =	ssyncset.done $0x0  }
0x86: {  	s5 =	sadd.s32 $0x2900, s31;
	[sflag:s22] =	ssyncadd.s32 $0xFFFFC000  }
0x87: {  	[spmem:s3] =	stream.indirect.scatter.add.f32 [tilespmem:s19], [sflag:$0x3], $0x80, s5, s16, $0xb8;
	[tilespmem:$0x1ED00] =	vst v63  }
0x88: {  	_ =	swait.ge [sflag:s12], $0x4000  }
0x89: {  	[sflag:s12] =	ssyncset.done $0x0  }
0x8a: {  	s6 =	sadd.s32 $0x2980, s31;
	[sflag:s12] =	ssyncadd.s32 $0xFFFFC000  }
0x8b: {  	[spmem:s3] =	stream.indirect.scatter.add.f32 [tilespmem:s20], [sflag:$0x3], $0x80, s6, s16, $0xb8;
	[tilespmem:$0x1ED00] =	vst v63  }
0x8c: {  	_ =	swait.ge [sflag:s12], $0x4000  }
0x8d: {  	[sflag:s12] =	ssyncset.done $0x0  }
0x8e: {  	[sflag:s12] =	ssyncadd.s32 $0xFFFFC000  }
0x8f: {  	[tilespmem:s19], [sflag:$0x2] =	stream.indirect.gather [hbm4b:s0+s16], $0x80, s23, s16, $0xb8;
	[tilespmem:$0x1ED00] =	vst v63  }
0x90: {  	_ = 	snop  }
0x91: {  	[tilespmem:s20], [sflag:$0x2] =	stream.indirect.gather [hbm4b:s0+s16], $0x80, s24, s16, $0xb8;
	[tilespmem:$0x1ED00] =	vst v63  }
0x92: {  	_ =	swait.ge [sflag:s21], $0x4000  }
0x93: {  	[sflag:s21] =	ssyncset.done $0x0  }
0x94: {  	[sflag:s21] =	ssyncadd.s32 $0xFFFFC000  }
0x95: {  	_ =	swait.ge [sflag:s21], $0x4000  }
0x96: {  	[sflag:s21] =	ssyncset.done $0x0  }
0x97: {  	[sflag:s21] =	ssyncadd.s32 $0xFFFFC000  }
0x98: {  	[spmem:s3] =	stream.indirect.scatter.add.f32 [tilespmem:s17], [sflag:$0x3], $0x80, s25, s16, $0xb8;
	[tilespmem:$0x1ED00] =	vst v63  }
0x99: {  	_ =	swait.ge [sflag:s12], $0x4000  }
0x9a: {  	[sflag:s12] =	ssyncset.done $0x0  }
0x9b: {  	[sflag:s12] =	ssyncadd.s32 $0xFFFFC000  }
0x9c: {  	[spmem:s3] =	stream.indirect.scatter.add.f32 [tilespmem:s18], [sflag:$0x3], $0x80, s26, s16, $0xb8;
	[tilespmem:$0x1ED00] =	vst v63  }
0x9d: {  	_ =	swait.ge [sflag:s12], $0x4000  }
0x9e: {  	[sflag:s12] =	ssyncset.done $0x0  }
0x9f: {  	[sflag:s12] =	ssyncadd.s32 $0xFFFFC000  }
0xa0: {  	_ =	swait.ge [sflag:s22], $0x4000  }
0xa1: {  	[sflag:s22] =	ssyncset.done $0x0  }
0xa2: {  	[sflag:s22] =	ssyncadd.s32 $0xFFFFC000  }
0xa3: {  	_ =	swait.ge [sflag:s22], $0x4000  }
0xa4: {  	[sflag:s22] =	ssyncset.done $0x0  }
0xa5: {  	[sflag:s22] =	ssyncadd.s32 $0xFFFFC000  }
0xa6: {  	[spmem:s3] =	stream.indirect.scatter.add.f32 [tilespmem:s19], [sflag:$0x3], $0x80, s28, s16, $0xb8;
	[tilespmem:$0x1ED00] =	vst v63  }
0xa7: {  	_ =	swait.ge [sflag:s12], $0x4000  }
0xa8: {  	[sflag:s12] =	ssyncset.done $0x0  }
0xa9: {  	[sflag:s12] =	ssyncadd.s32 $0xFFFFC000  }
0xaa: {  	[spmem:s3] =	stream.indirect.scatter.add.f32 [tilespmem:s20], [sflag:$0x3], $0x80, s29, s16, $0xb8;
	[tilespmem:$0x1ED00] =	vst v63  }
0xab: {  	_ =	swait.ge [sflag:s12], $0x4000  }
0xac: {  	[sflag:s12] =	ssyncset.done $0x0  }
0xad: {  	[sflag:s12] =	ssyncadd.s32 $0xFFFFC000  }
0xae: {  	[bflag:$0x0] =	sbarrier.arrive $0xFFFF  }
0xaf: {  	[hbm:s8], [sflag:s14] =	dma.local [spmem:s15], $0x13A0  }
0xb0: {  	_ =	swait.ge [sflag:s12], $0x13A0  }
0xb1: {  	[sflag:s12] =	ssyncset.done $0x0  }
0xb2: {  	[sflag:s12] =	ssyncadd.s32 $0xFFFFEC60  }
0xb3: {  	s2 =	simm.s32 $0x0;
	[bflag:$0x0] =	sbarrier.arrive $0xFFFF  }
0xb4: {  	[tilespmem:s13], [sflag:$0x3] =	stream.linear.gather [hbm4b:s9+s2], $0x2800, $0x38;
	[tilespmem:$0x1ED00] =	vst v63  }
0xb5: {  	_ =	swait.ge [sflag:s12], $0x2800  }
0xb6: {  	[sflag:s12] =	ssyncset.done $0x0  }
0xb7: {  	[sflag:s12] =	ssyncadd.s32 $0xFFFFD800  }
0xb8: {  	[spmem:s15], [sflag:s14] =	dma.local [hbm:s7], $0x13A0  }
0xb9: {  	_ =	swait.ge [sflag:s12], $0x13A0  }
0xba: {  	[sflag:s12] =	ssyncset.done $0x0  }
0xbb: {  	[sflag:s12] =	ssyncadd.s32 $0xFFFFEC60  }
0xbc: {  	[bflag:$0x0] =	sbarrier.arrive $0xFFFF  }
0xbd: {  	[tilespmem:s17], [sflag:$0x1] =	stream.indirect.gather [hbm4b:s0+s16], $0x80, s2, s16, $0xb8;
	[tilespmem:$0x1ED00] =	vst v63  }
0xbe: {  	_ = 	snop  }
0xbf: {  	[tilespmem:s18], [sflag:$0x1] =	stream.indirect.gather [hbm4b:s0+s16], $0x80, s16, s16, $0xb8;
	[tilespmem:$0x1ED00] =	vst v63  }
0xc0: {  	s5 =	simm.s32 $0x100  }
0xc1: {  	[tilespmem:s19], [sflag:$0x2] =	stream.indirect.gather [hbm4b:s0+s16], $0x80, s5, s16, $0xb8;
	[tilespmem:$0x1ED00] =	vst v63  }
0xc2: {  	s6 =	simm.s32 $0x180  }
0xc3: {  	[tilespmem:s20], [sflag:$0x2] =	stream.indirect.gather [hbm4b:s0+s16], $0x80, s6, s16, $0xb8;
	[tilespmem:$0x1ED00] =	vst v63  }
0xc4: {  	_ =	swait.ge [sflag:s21], $0x4000  }
0xc5: {  	[sflag:s21] =	ssyncset.done $0x0  }
0xc6: {  	[sflag:s21] =	ssyncadd.s32 $0xFFFFC000  }
0xc7: {  	_ =	swait.ge [sflag:s21], $0x4000  }
0xc8: {  	[sflag:s21] =	ssyncset.done $0x0  }
0xc9: {  	s2 =	simm.s32 $0x2800;
	[sflag:s21] =	ssyncadd.s32 $0xFFFFC000  }
0xca: {  	[spmem:s3] =	stream.indirect.scatter.add.f32 [tilespmem:s17], [sflag:$0x3], $0x80, s2, s16, $0xb8;
	[tilespmem:$0x1ED00] =	vst v63  }
0xcb: {  	_ =	swait.ge [sflag:s12], $0x4000  }
0xcc: {  	[sflag:s12] =	ssyncset.done $0x0  }
0xcd: {  	s5 =	simm.s32 $0x2880;
	[sflag:s12] =	ssyncadd.s32 $0xFFFFC000  }
0xce: {  	[spmem:s3] =	stream.indirect.scatter.add.f32 [tilespmem:s18], [sflag:$0x3], $0x80, s5, s16, $0xb8;
	[tilespmem:$0x1ED00] =	vst v63  }
0xcf: {  	_ =	swait.ge [sflag:s12], $0x4000  }
0xd0: {  	[sflag:s12] =	ssyncset.done $0x0  }
0xd1: {  	s6 =	simm.s32 $0x200;
	[sflag:s12] =	ssyncadd.s32 $0xFFFFC000  }
0xd2: {  	[tilespmem:s17], [sflag:$0x1] =	stream.indirect.gather [hbm4b:s0+s16], $0x80, s6, s16, $0xb8;
	[tilespmem:$0x1ED00] =	vst v63  }
0xd3: {  	s2 =	simm.s32 $0x280  }
0xd4: {  	[tilespmem:s18], [sflag:$0x1] =	stream.indirect.gather [hbm4b:s0+s16], $0x80, s2, s16, $0xb8;
	[tilespmem:$0x1ED00] =	vst v63  }
0xd5: {  	_ =	swait.ge [sflag:s22], $0x4000  }
0xd6: {  	[sflag:s22] =	ssyncset.done $0x0  }
0xd7: {  	[sflag:s22] =	ssyncadd.s32 $0xFFFFC000  }
0xd8: {  	_ =	swait.ge [sflag:s22], $0x4000  }
0xd9: {  	[sflag:s22] =	ssyncset.done $0x0  }
0xda: {  	s5 =	simm.s32 $0x2900;
	[sflag:s22] =	ssyncadd.s32 $0xFFFFC000  }
0xdb: {  	[spmem:s3] =	stream.indirect.scatter.add.f32 [tilespmem:s19], [sflag:$0x3], $0x80, s5, s16, $0xb8;
	[tilespmem:$0x1ED00] =	vst v63  }
0xdc: {  	_ =	swait.ge [sflag:s12], $0x4000  }
0xdd: {  	[sflag:s12] =	ssyncset.done $0x0  }
0xde: {  	s6 =	simm.s32 $0x2980;
	[sflag:s12] =	ssyncadd.s32 $0xFFFFC000  }
0xdf: {  	[spmem:s3] =	stream.indirect.scatter.add.f32 [tilespmem:s20], [sflag:$0x3], $0x80, s6, s16, $0xb8;
	[tilespmem:$0x1ED00] =	vst v63  }
0xe0: {  	_ =	swait.ge [sflag:s12], $0x4000  }
0xe1: {  	s31 =	simm.s32 $0x200;
	s5 =	simm.s32 $0x1000;
	[sflag:s12] =	ssyncset.done $0x0  }
.LBB2_4:
0xe2: {  	s6 =	sadd.s32 $0x100, s31  }
0xe3: {  	[sflag:s12] =	ssyncadd.s32 $0xFFFFC000;
	s2 =	smov.u32 s5;
	s1 =	sadd.s32 $0x800, s5  }
0xe4: {  	[tilespmem:s19], [sflag:$0x2] =	stream.indirect.gather [hbm4b:s0+s16], $0x80, s6, s16, $0xb8;
	[tilespmem:$0x1ED00] =	vst v63  }
0xe5: {  	p0 =	sne.s32 s5, $0x9000;
	s5 =	sadd.s32 $0x180, s31  }
0xe6: {  	[tilespmem:s20], [sflag:$0x2] =	stream.indirect.gather [hbm4b:s0+s16], $0x80, s5, s16, $0xb8;
	[tilespmem:$0x1ED00] =	vst v63  }
0xe7: {  	_ =	swait.ge [sflag:s21], $0x4000  }
0xe8: {  	[sflag:s21] =	ssyncset.done $0x0  }
0xe9: {  	[sflag:s21] =	ssyncadd.s32 $0xFFFFC000  }
0xea: {  	_ =	swait.ge [sflag:s21], $0x4000  }
0xeb: {  	[sflag:s21] =	ssyncset.done $0x0  }
0xec: {  	s5 =	sadd.s32 $0x2800, s31;
	[sflag:s21] =	ssyncadd.s32 $0xFFFFC000  }
0xed: {  	[spmem:s3] =	stream.indirect.scatter.add.f32 [tilespmem:s17], [sflag:$0x3], $0x80, s5, s16, $0xb8;
	[tilespmem:$0x1ED00] =	vst v63  }
0xee: {  	_ =	swait.ge [sflag:s12], $0x4000  }
0xef: {  	[sflag:s12] =	ssyncset.done $0x0  }
0xf0: {  	s5 =	sadd.s32 $0x2880, s31;
	[sflag:s12] =	ssyncadd.s32 $0xFFFFC000  }
0xf1: {  	[spmem:s3] =	stream.indirect.scatter.add.f32 [tilespmem:s18], [sflag:$0x3], $0x80, s5, s16, $0xb8;
	[tilespmem:$0x1ED00] =	vst v63  }
0xf2: {  	_ =	swait.ge [sflag:s12], $0x4000  }
0xf3: {  	[sflag:s12] =	ssyncset.done $0x0  }
0xf4: {  	s5 =	sadd.s32 $0x200, s31;
	[sflag:s12] =	ssyncadd.s32 $0xFFFFC000  }
0xf5: {  	[tilespmem:s17], [sflag:$0x1] =	stream.indirect.gather [hbm4b:s0+s16], $0x80, s5, s16, $0xb8;
	[tilespmem:$0x1ED00] =	vst v63  }
0xf6: {  	s5 =	sadd.s32 $0x280, s31  }
0xf7: {  	[tilespmem:s18], [sflag:$0x1] =	stream.indirect.gather [hbm4b:s0+s16], $0x80, s5, s16, $0xb8;
	[tilespmem:$0x1ED00] =	vst v63  }
0xf8: {  	_ =	swait.ge [sflag:s22], $0x4000  }
0xf9: {  	[sflag:s22] =	ssyncset.done $0x0  }
0xfa: {  	[sflag:s22] =	ssyncadd.s32 $0xFFFFC000  }
0xfb: {  	_ =	swait.ge [sflag:s22], $0x4000  }
0xfc: {  	[sflag:s22] =	ssyncset.done $0x0  }
0xfd: {  	s5 =	sadd.s32 $0x2900, s31;
	[sflag:s22] =	ssyncadd.s32 $0xFFFFC000  }
0xfe: {  	[spmem:s3] =	stream.indirect.scatter.add.f32 [tilespmem:s19], [sflag:$0x3], $0x80, s5, s16, $0xb8;
	[tilespmem:$0x1ED00] =	vst v63  }
0xff: {  	_ =	swait.ge [sflag:s12], $0x4000  }
.Ltmp1:
0x100: {  	[sflag:s12] =	ssyncset.done $0x0;
	(pc) =	sbr.rel @p0 .LBB2_4-.Ltmp1, $4  }
0x101: {  	s5 =	sadd.s32 $0x2980, s31;
	[sflag:s12] =	ssyncadd.s32 $0xFFFFC000  }
0x102: {  	[spmem:s3] =	stream.indirect.scatter.add.f32 [tilespmem:s20], [sflag:$0x3], $0x80, s5, s16, $0xb8;
	[tilespmem:$0x1ED00] =	vst v63  }
0x103: {  	_ =	swait.ge [sflag:s12], $0x4000  }
0x104: {  	s31 =	sshra.s32 s2, $0x2;
	s5 =	smov.u32 s1;
	[sflag:s12] =	ssyncset.done $0x0  }
0x105: {  	s1 =	sadd.s32 $0x100, s31;
	[sflag:s12] =	ssyncadd.s32 $0xFFFFC000  }
0x106: {  	[tilespmem:s19], [sflag:$0x2] =	stream.indirect.gather [hbm4b:s0+s16], $0x80, s1, s16, $0xb8;
	[tilespmem:$0x1ED00] =	vst v63  }
0x107: {  	s2 =	sadd.s32 $0x180, s31  }
0x108: {  	[tilespmem:s20], [sflag:$0x2] =	stream.indirect.gather [hbm4b:s0+s16], $0x80, s2, s16, $0xb8;
	[tilespmem:$0x1ED00] =	vst v63  }
0x109: {  	_ =	swait.ge [sflag:s21], $0x4000  }
0x10a: {  	[sflag:s21] =	ssyncset.done $0x0  }
0x10b: {  	[sflag:s21] =	ssyncadd.s32 $0xFFFFC000  }
0x10c: {  	_ =	swait.ge [sflag:s21], $0x4000  }
0x10d: {  	[sflag:s21] =	ssyncset.done $0x0  }
0x10e: {  	s5 =	sadd.s32 $0x2800, s31;
	[sflag:s21] =	ssyncadd.s32 $0xFFFFC000  }
0x10f: {  	[spmem:s3] =	stream.indirect.scatter.add.f32 [tilespmem:s17], [sflag:$0x3], $0x80, s5, s16, $0xb8;
	[tilespmem:$0x1ED00] =	vst v63  }
0x110: {  	_ =	swait.ge [sflag:s12], $0x4000  }
0x111: {  	[sflag:s12] =	ssyncset.done $0x0  }
0x112: {  	s6 =	sadd.s32 $0x2880, s31;
	[sflag:s12] =	ssyncadd.s32 $0xFFFFC000  }
0x113: {  	[spmem:s3] =	stream.indirect.scatter.add.f32 [tilespmem:s18], [sflag:$0x3], $0x80, s6, s16, $0xb8;
	[tilespmem:$0x1ED00] =	vst v63  }
0x114: {  	_ =	swait.ge [sflag:s12], $0x4000  }
0x115: {  	[sflag:s12] =	ssyncset.done $0x0  }
0x116: {  	s2 =	sadd.s32 $0x200, s31;
	[sflag:s12] =	ssyncadd.s32 $0xFFFFC000  }
0x117: {  	[tilespmem:s17], [sflag:$0x1] =	stream.indirect.gather [hbm4b:s0+s16], $0x80, s2, s16, $0xb8;
	[tilespmem:$0x1ED00] =	vst v63  }
0x118: {  	s5 =	sadd.s32 $0x280, s31  }
0x119: {  	[tilespmem:s18], [sflag:$0x1] =	stream.indirect.gather [hbm4b:s0+s16], $0x80, s5, s16, $0xb8;
	[tilespmem:$0x1ED00] =	vst v63  }
0x11a: {  	_ =	swait.ge [sflag:s22], $0x4000  }
0x11b: {  	[sflag:s22] =	ssyncset.done $0x0  }
0x11c: {  	[sflag:s22] =	ssyncadd.s32 $0xFFFFC000  }
0x11d: {  	_ =	swait.ge [sflag:s22], $0x4000  }
0x11e: {  	[sflag:s22] =	ssyncset.done $0x0  }
0x11f: {  	s6 =	sadd.s32 $0x2900, s31;
	[sflag:s22] =	ssyncadd.s32 $0xFFFFC000  }
0x120: {  	[spmem:s3] =	stream.indirect.scatter.add.f32 [tilespmem:s19], [sflag:$0x3], $0x80, s6, s16, $0xb8;
	[tilespmem:$0x1ED00] =	vst v63  }
0x121: {  	_ =	swait.ge [sflag:s12], $0x4000  }
0x122: {  	[sflag:s12] =	ssyncset.done $0x0  }
0x123: {  	s31 =	sadd.s32 $0x2980, s31;
	[sflag:s12] =	ssyncadd.s32 $0xFFFFC000  }
0x124: {  	[spmem:s3] =	stream.indirect.scatter.add.f32 [tilespmem:s20], [sflag:$0x3], $0x80, s31, s16, $0xb8;
	[tilespmem:$0x1ED00] =	vst v63  }
0x125: {  	_ =	swait.ge [sflag:s12], $0x4000  }
0x126: {  	[sflag:s12] =	ssyncset.done $0x0  }
0x127: {  	[sflag:s12] =	ssyncadd.s32 $0xFFFFC000  }
0x128: {  	[tilespmem:s19], [sflag:$0x2] =	stream.indirect.gather [hbm4b:s0+s16], $0x80, s23, s16, $0xb8;
	[tilespmem:$0x1ED00] =	vst v63  }
0x129: {  	_ = 	snop  }
0x12a: {  	[tilespmem:s20], [sflag:$0x2] =	stream.indirect.gather [hbm4b:s0+s16], $0x80, s24, s16, $0xb8;
	[tilespmem:$0x1ED00] =	vst v63  }
0x12b: {  	_ =	swait.ge [sflag:s21], $0x4000  }
0x12c: {  	[sflag:s21] =	ssyncset.done $0x0  }
0x12d: {  	[sflag:s21] =	ssyncadd.s32 $0xFFFFC000  }
0x12e: {  	_ =	swait.ge [sflag:s21], $0x4000  }
0x12f: {  	[sflag:s21] =	ssyncset.done $0x0  }
0x130: {  	[sflag:s21] =	ssyncadd.s32 $0xFFFFC000  }
0x131: {  	[spmem:s3] =	stream.indirect.scatter.add.f32 [tilespmem:s17], [sflag:$0x3], $0x80, s25, s16, $0xb8;
	[tilespmem:$0x1ED00] =	vst v63  }
0x132: {  	_ =	swait.ge [sflag:s12], $0x4000  }
0x133: {  	[sflag:s12] =	ssyncset.done $0x0  }
0x134: {  	[sflag:s12] =	ssyncadd.s32 $0xFFFFC000  }
0x135: {  	[spmem:s3] =	stream.indirect.scatter.add.f32 [tilespmem:s18], [sflag:$0x3], $0x80, s26, s16, $0xb8;
	[tilespmem:$0x1ED00] =	vst v63  }
0x136: {  	_ =	swait.ge [sflag:s12], $0x4000  }
0x137: {  	[sflag:s12] =	ssyncset.done $0x0  }
0x138: {  	[sflag:s12] =	ssyncadd.s32 $0xFFFFC000  }
0x139: {  	_ =	swait.ge [sflag:s22], $0x4000  }
0x13a: {  	[sflag:s22] =	ssyncset.done $0x0  }
0x13b: {  	[sflag:s22] =	ssyncadd.s32 $0xFFFFC000  }
0x13c: {  	_ =	swait.ge [sflag:s22], $0x4000  }
0x13d: {  	[sflag:s22] =	ssyncset.done $0x0  }
0x13e: {  	[sflag:s22] =	ssyncadd.s32 $0xFFFFC000  }
0x13f: {  	[spmem:s3] =	stream.indirect.scatter.add.f32 [tilespmem:s19], [sflag:$0x3], $0x80, s28, s16, $0xb8;
	[tilespmem:$0x1ED00] =	vst v63  }
0x140: {  	_ =	swait.ge [sflag:s12], $0x4000  }
0x141: {  	[sflag:s12] =	ssyncset.done $0x0  }
0x142: {  	[sflag:s12] =	ssyncadd.s32 $0xFFFFC000  }
0x143: {  	[spmem:s3] =	stream.indirect.scatter.add.f32 [tilespmem:s20], [sflag:$0x3], $0x80, s29, s16, $0xb8;
	[tilespmem:$0x1ED00] =	vst v63  }
0x144: {  	_ =	swait.ge [sflag:s12], $0x4000  }
0x145: {  	[sflag:s12] =	ssyncset.done $0x0  }
0x146: {  	s30 =	sadd.s32 $0x1, s30;
	[sflag:s12] =	ssyncadd.s32 $0xFFFFC000  }
0x147: {  	p0 =	sne.s32 s30, s11;
	[bflag:$0x0] =	sbarrier.arrive $0xFFFF  }
0x148: {  	[hbm:s10], [sflag:s14] =	dma.local [spmem:s15], $0x13A0  }
.Ltmp2:
0x149: {  	_ =	swait.ge [sflag:s12], $0x13A0;
	(pc) =	sbr.rel @p0 .LBB2_1-.Ltmp2, $3  }
0x14a: {  	[sflag:s12] =	ssyncset.done $0x0  }
0x14b: {  	[sflag:s12] =	ssyncadd.s32 $0xFFFFEC60  }
0x14c: {  	[bflag:$0x0] =	sbarrier.arrive $0xFFFF;
	_ =	sdelay $0x1  }
0x14d: {  	_ =	sfence.sel $0x180000  }
0x14e: {  	[bflag:$0x0] =	sbarrier.arrive $0xFFFF  }
0x14f: {  	_ =	strace $0x9000004A  }
0x150: {  	s0 =	stileid.u32;
	[bflag:$0x2] =	sbarrier.arrive $0xFFFF  }
0x151: {  	p0 =	sne.s32 s0, $0x0;
	s0 =	rddreg [dreg:$0x3]  }
0x152: {  	s0 =	sadd.s32 @!p0 $0x100000, s0  }
0x153: {  	[sflag:s0] =	ssyncadd.tile.s32 @!p0 $0x1;
	_ =	shalt  }
.Lfunc_end2:
_tile_overlayer_lowered:
.L_overlay_start_2:
0x154: {  	(tag) =	ssettag $0x2  }
0x155: {  	s0 =	rddreg [dreg:$0x0];
	s2 =	stileid.u32  }
0x156: {  	s1 =	rddreg [dreg:$0x1];
	p0 =	sne.s32 s2, $0x0  }
0x157: {  	s3 =	rddreg [dreg:$0x2];
	[bflag:$0x3] =	sbarrier.arrive $0xFFFF;
	s2 =	simm.s32 @!p0 $0x1C03  }
0x158: {  	[timem:s3], [sflag:s2] =	dma.local @!p0 [hbm:s0], s1  }
0x159: {  	s0 =	simm.s32 @!p0 $0x3  }
0x15a: {  	_ =	swait.ge @!p0 [sflag:s0], s1  }
0x15b: {  	s1 =	ssub.s32 @!p0 $0x0, s1;
	[sflag:s0] =	ssyncset.done @!p0 $0x0  }
0x15c: {  	[sflag:s0] =	ssyncadd.s32 @!p0 s1  }
0x15d: {  	[bflag:$0x3] =	sbarrier.arrive $0xFFFF  }
0x15e: {  	_ =	shalt  }

// kernel: kernel.17.cloned.1.call-start
scs
__scs_entry_jumppad:
0x0: {  	(pc) =	sbr.rel $0x88, $3  }
0x1: {  	(tag) =	ssettag $0x0;
	lr =	simm.s32 $0x1  }
0x2: {  	[smem:$0x3F99] =	sst lr;
	_ =	strace $0xD0000000  }
0x3: {  	_ = 	snop  }
0x4: {  	_ = 	snop  }
0x5: {  	_ = 	snop  }
0x6: {  	_ = 	snop  }
0x7: {  	_ = 	snop  }
__scs_overlays_trampoline_lowered:
0x8: {  	[smem:$0x3FA8] =	sst s0  }
0x9: {  	[smem:$0x3FA9] =	sst s1  }
0xa: {  	[smem:$0x3FAA] =	sst s2  }
0xb: {  	[smem:$0x3FAB] =	sst s3  }
0xc: {  	[smem:$0x3FAC] =	sst s4  }
0xd: {  	[smem:$0x3FAD] =	sst s5  }
0xe: {  	[smem:$0x3FAE] =	sst s6  }
0xf: {  	[smem:$0x3FAF] =	sst s7  }
0x10: {  	[smem:$0x3FB0] =	sst s8  }
0x11: {  	[smem:$0x3FB1] =	sst s9;
	s0 =	simm.s32 @!p0 $0x0  }
0x12: {  	s1 =	sld [smem:$0x3F97];
	s0 =	simm.s32 @p0 $0x1  }
0x13: {  	[smem:$0x3FB2] =	sst s0;
	s0 =	simm.s32 @!p1 $0x0  }
0x14: {  	s2 =	sld [smem:$0x3F96];
	s0 =	simm.s32 @p1 $0x1  }
0x15: {  	[smem:$0x3FB3] =	sst s0;
	s0 =	simm.s32 @!p2 $0x0  }
0x16: {  	s3 =	sld [smem:$0x3FDB];
	s0 =	simm.s32 @p2 $0x1  }
0x17: {  	s4 =	simm.s32 $0x1BF5;
	[smem:$0x3FB5] =	sst s0  }
0x18: {  	s0 =	sld [smem:$0x3F98];
	_ =	swait.ge [sflag:s4], $0x0  }
0x19: {  	s7 =	sld [smem:$0x3F99]  }
0x1a: {  	s8 =	sadd.s32 $0xFFFFE003, lr  }
0x1b: {  	s9 =	sadd.s32 $0xFFFFFEF7, lr;
	s5 =	simm.s32 $0xFFFFFFFF;
	p2 =	slt.u32 s8, $0xFFFFF086  }
0x1c: {  	p1 =	slt.u32 s9, $0xF7A;
	s5 =	simm.s32 @!p2 $0x0  }
0x1d: {  	s5 =	simm.s32 @p1 $0x1;
	p0 =	seq.s32 s7, s2  }
0x1e: {  	s7 =	smul.u32 @!p0 $0xF7A, s2;
	p2 =	seq.s32 @!p0 s5, $0x0  }
0x1f: {  	s9 =	smul.u32 $0xF7A, s1;
	s8 =	simm.s32 @!p0 $0x1BF5;
	p2 =	por !p2, p0  }
0x20: {  	[sflag:s8] =	ssyncset.s32 @!p0 $0xFFFFF086;
	s6 =	sadd.s32 @!p0 s3, s7;
	s7 =	simm.s32 @!p0 $0x108  }
0x21: {  	s3 =	sadd.s32 s3, s9;
	s6 =	sadd.s32 @!p0 $0x88, s6;
	s7 =	simm.s32 @p2 $0x1082  }
0x22: {  	[simem:s7], [sflag:s8] =	dma.local @!p0 [hbm:s6], $0xF7A  }
0x23: {  	s9 =	sor.u32 $0xD0000000, s2;
	s6 =	simm.s32 $0x108;
	_ =	swait.ge @!p0 [sflag:s8], $0x0  }
0x24: {  	s3 =	sadd.s32 $0x88, s3;
	s6 =	simm.s32 @!p1 $0x1082;
	[sflag:s4] =	ssyncset.s32 $0xFFFFF086  }
0x25: {  	[simem:s6], [sflag:s4] =	dma.local [hbm:s3], $0xF7A  }
0x26: {  	[smem:$0x3F99] =	sst s1;
	(tag) =	ssettag s2;
	_ =	strace s9  }
0x27: {  	s1 =	sld [smem:$0x3FA9]  }
0x28: {  	s2 =	sld [smem:$0x3FAA]  }
0x29: {  	s4 =	sld [smem:$0x3FAC]  }
0x2a: {  	p0 =	seq.s32 s5, $0x0;
	s5 =	sld [smem:$0x3FAD]  }
0x2b: {  	s6 =	sld [smem:$0x3FAE]  }
0x2c: {  	s7 =	sld [smem:$0x3FAF]  }
0x2d: {  	s3 =	simm.s32 $0x108;
	s8 =	sld [smem:$0x3FB0]  }
0x2e: {  	s3 =	simm.s32 @!p0 $0x1082;
	s9 =	sld [smem:$0x3FB1]  }
0x2f: {  	lr =	sadd.s32 s0, s3;
	s0 =	sld [smem:$0x3FA8]  }
0x30: {  	s3 =	sld [smem:$0x3FAB]  }
0x31: {  	[smem:$0x3FB4] =	sst s10  }
0x32: {  	s10 =	sld [smem:$0x3FB2];
	_ =	sdelay $0x3  }
0x33: {  	p0 =	seq.s32 s10, $0x1;
	s10 =	sld [smem:$0x3FB4];
	_ =	sdelay $0x3  }
0x34: {  	[smem:$0x3FB4] =	sst s10  }
0x35: {  	s10 =	sld [smem:$0x3FB3];
	_ =	sdelay $0x3  }
0x36: {  	p1 =	seq.s32 s10, $0x1;
	s10 =	sld [smem:$0x3FB4];
	_ =	sdelay $0x3  }
0x37: {  	[smem:$0x3FB4] =	sst s10  }
0x38: {  	s10 =	sld [smem:$0x3FB5]  }
0x39: {  	_ = 	snop;
	(pc) =	sbr.ind lr, $3  }
0x3a: {  	_ = 	snop  }
0x3b: {  	_ = 	snop  }
0x3c: {  	p2 =	seq.s32 s10, $0x1;
	s10 =	sld [smem:$0x3FB4]  }
0x3d: {  	_ =	shalt  }
0x3e: {  	_ =	shalt  }
0x3f: {  	_ =	shalt  }
0x40: {  	_ =	shalt  }
0x41: {  	_ =	shalt  }
0x42: {  	_ =	shalt  }
0x43: {  	_ =	shalt  }
0x44: {  	_ =	shalt  }
0x45: {  	_ =	shalt  }
0x46: {  	_ =	shalt  }
0x47: {  	_ =	shalt  }
0x48: {  	_ =	shalt  }
0x49: {  	_ =	shalt  }
0x4a: {  	_ =	shalt  }
0x4b: {  	_ =	shalt  }
0x4c: {  	_ =	shalt  }
0x4d: {  	_ =	shalt  }
0x4e: {  	_ =	shalt  }
0x4f: {  	_ =	shalt  }
0x50: {  	_ =	shalt  }
0x51: {  	_ =	shalt  }
0x52: {  	_ =	shalt  }
0x53: {  	_ =	shalt  }
0x54: {  	_ =	shalt  }
0x55: {  	_ =	shalt  }
0x56: {  	_ =	shalt  }
0x57: {  	_ =	shalt  }
0x58: {  	_ =	shalt  }
0x59: {  	_ =	shalt  }
0x5a: {  	_ =	shalt  }
0x5b: {  	_ =	shalt  }
0x5c: {  	_ =	shalt  }
0x5d: {  	_ =	shalt  }
0x5e: {  	_ =	shalt  }
0x5f: {  	_ =	shalt  }
0x60: {  	_ =	shalt  }
0x61: {  	_ =	shalt  }
0x62: {  	_ =	shalt  }
0x63: {  	_ =	shalt  }
0x64: {  	_ =	shalt  }
0x65: {  	_ =	shalt  }
0x66: {  	_ =	shalt  }
0x67: {  	_ =	shalt  }
0x68: {  	_ =	shalt  }
0x69: {  	_ =	shalt  }
0x6a: {  	_ =	shalt  }
0x6b: {  	_ =	shalt  }
0x6c: {  	_ =	shalt  }
0x6d: {  	_ =	shalt  }
0x6e: {  	_ =	shalt  }
0x6f: {  	_ =	shalt  }
0x70: {  	_ =	shalt  }
0x71: {  	_ =	shalt  }
0x72: {  	_ =	shalt  }
0x73: {  	_ =	shalt  }
0x74: {  	_ =	shalt  }
0x75: {  	_ =	shalt  }
0x76: {  	_ =	shalt  }
0x77: {  	_ =	shalt  }
0x78: {  	_ =	shalt  }
0x79: {  	_ =	shalt  }
0x7a: {  	_ =	shalt  }
0x7b: {  	_ =	shalt  }
0x7c: {  	_ =	shalt  }
0x7d: {  	_ =	shalt  }
0x7e: {  	_ =	shalt  }
0x7f: {  	_ =	shalt  }
0x80: {  	_ =	shalt  }
0x81: {  	_ =	shalt  }
0x82: {  	_ =	shalt  }
0x83: {  	_ =	shalt  }
0x84: {  	_ =	shalt  }
0x85: {  	_ =	shalt  }
0x86: {  	_ =	shalt  }
0x87: {  	_ =	shalt  }
.Lfunc_end0:
.L_simem_size_0:
called_computation.2_lowered:
.L_overlay_start_0:
0x88: {  	s2 =	sld [smem:$0x3FD9]  }
0x89: {  	s3 =	sld [smem:$0x3FFE];
	_ =	sdelay $0x1  }
0x8a: {  	s1 =	srdreg.scid  }
0x8b: {  	s0 =	sand.u32 $0x1, s1  }
0x8c: {  	s17 =	sshll.u32 s0, $0xA;
	s2 =	sadd.s32 s3, s2  }
0x8d: {  	s2 =	sadd.s32 s2, s17  }
0x8e: {  	[smem:$0x3FC0] =	sst s2  }
0x8f: {  	_ = 	snop  }
0x90: {  	s2 =	sld [smem:$0x3FD0];
	(tm) =	ssettm $0x1  }
0x91: {  	s18 =	sld [smem:$0x3FFB];
	_ =	sdelay $0x3  }
0x92: {  	_ =	strace s18  }
0x93: {  	s3 =	sld [smem:$0x3FFC];
	_ =	sdelay $0x3  }
0x94: {  	_ =	strace s3  }
0x95: {  	s3 =	sld [smem:$0x3FFD];
	_ =	sdelay $0x3  }
0x96: {  	_ =	strace s3  }
0x97: {  	_ =	strace $0x8FFFFFFF  }
0x98: {  	s19 =	sld [smem:$0x3FDB];
	_ =	sdelay $0x1  }
0x99: {  	s4 =	simm.s32 $_scs_section_size  }
0x9a: {  	s5 =	simm.s32 $_size__tile_overlayer_lowered;
	s6 =	simm.s32 $_tile_overlayer_lowered  }
0x9b: {  	s22 =	simm.s32 $0x1BFF;
	s21 =	sshll.u32 s6, $0x1;
	s3 =	sadd.s32 s4, s19  }
0x9c: {  	s7 =	simm.s32 $0x0;
	s20 =	sshll.u32 s5, $0x1;
	s5 =	sadd.s32 s21, s3  }
0x9d: {  	[timem:s7], [sflag:s22] =	dma.local [hbm:s5], s20  }
0x9e: {  	_ =	swait.ge [sflag:s22], s20  }
0x9f: {  	s4 =	ssub.s32 $0x0, s20;
	[sflag:s22] =	ssyncset.done $0x0  }
0xa0: {  	[sflag:s22] =	ssyncadd.s32 s4;
	_ =	sdelay $0x1  }
0xa1: {  	s23 =	simm.s32 $0x1B8B  }
0xa2: {  	_ =	swait.ge [sflag:s23], $0x1  }
0xa3: {  	[sflag:s23] =	ssyncset.done $0x0  }
0xa4: {  	s25 =	simm.s32 $0x1B8E;
	s24 =	sld [smem:$0x3FFE];
	[sflag:s23] =	ssyncadd.s32 $0xFFFFFFFF  }
0xa5: {  	s26 =	simm.s32 $execute0_lowered;
	[smem:$0x3FD2] =	sst s25  }
0xa6: {  	s5 =	sshll.u32 s26, $0x1;
	_ =	strace $0x8000004C;
	[dreg:$0x1] =	wrdreg $0xFFFFFFFF  }
0xa7: {  	s28 =	simm.s32 $_size_execute0_lowered;
	s3 =	sadd.s32 s3, s5;
	[dreg:$0x0] =	wrdreg $0x0  }
0xa8: {  	s5 =	sshll.u32 s28, $0x1;
	[dreg:$0x2] =	wrdreg s3  }
0xa9: {  	[dreg:$0x3] =	wrdreg s5  }
0xaa: {  	[dreg:$0x4] =	wrdreg $0xC0  }
0xab: {  	_ =	task [dreg:s7], $0x5FFFF  }
0xac: {  	[dreg:$0x1] =	wrdreg $0xFFFFFFFF  }
0xad: {  	[dreg:$0x0] =	wrdreg $0x60  }
0xae: {  	[dreg:$0x2] =	wrdreg s2  }
0xaf: {  	[dreg:$0x3] =	wrdreg s24  }
0xb0: {  	[dreg:$0x4] =	wrdreg $0x150000  }
0xb1: {  	[dreg:$0x5] =	wrdreg $0x9  }
0xb2: {  	_ =	task.clear_ibuf [dreg:s7], $0x6FFFF;
	_ =	strace $0x9000004C  }
0xb3: {  	s29 =	simm.s32 $0x9;
	_ =	strace $0x8000004E  }
0xb4: {  	_ =	swait.ge [sflag:s29], $0x1  }
0xb5: {  	[sflag:s29] =	ssyncadd.s32 $0xFFFFFFFF  }
0xb6: {  	_ =	strace $0x9000004E  }
0xb7: {  	_ =	sfence  }
0xb8: {  	s30 =	sld [smem:$0x0];
	_ =	sdelay $0x2  }
0xb9: {  	s31 =	sshll.u32 s1, $0xD;
	s1 =	sshrl.u32 s1, $0x2  }
0xba: {  	s3 =	sand.u32 $0x4000, s31;
	s1 =	sadd.s32 s1, s30  }
0xbb: {  	s0 =	sor.u32 s3, s0;
	s1 =	sshll.u32 s1, $0x11  }
0xbc: {  	s0 =	sor.u32 s1, s0  }
0xbd: {  	s0 =	sadd.s32 $0x8F2B, s0  }
0xbe: {  	[sflag:s0] =	ssyncadd.remote.s32 $0x1  }
0xbf: {  	_ =	sfence.sel $0xFFFF  }
0xc0: {  	[dreg:$0x0] =	wrdreg $0xFFFFFFFF;
	(pc) =	sbr.abs _section_cstart, $3  }
0xc1: {  	[dreg:$0x1] =	wrdreg $0xFFFFFFFF  }
0xc2: {  	_ =	task.clear_ibuf [dreg:s7], $0x2FFFF;
	_ =	strace $0x9FFFFFFF  }
0xc3: {  	(tm) =	ssettm $0x7FFFFFFF  }
tec
execute0_lowered:
.L_overlay_start_1:
0x0: {  	(tag) =	ssettag $0x1  }
0x1: {  	s0 =	rddreg [dreg:$0x0]  }
0x2: {  	s2 =	rddreg [dreg:$0x1]  }
0x3: {  	s1 =	srdreg.scid;
	s3 =	rddreg [dreg:$0x2]  }
0x4: {  	s12 =	stileid.u32;
	s13 =	simm.s32 $0x2800;
	s16 =	simm.s32 $0x80  }
0x5: {  	s17 =	simm.s32 $0x5000;
	s18 =	simm.s32 $0x9000;
	s19 =	simm.s32 $0xD000  }
0x6: {  	s20 =	simm.s32 $0x11000;
	s21 =	simm.s32 $0x1;
	s22 =	simm.s32 $0x2  }
0x7: {  	s23 =	simm.s32 $0x2700;
	s28 =	simm.s32 $0x4F00;
	s7 =	smul.u32 $0x1400, s12  }
0x8: {  	s29 =	simm.s32 $0x4F80;
	s30 =	simm.s32 $0x0;
	s9 =	smul.u32 $0x27400, s12  }
0x9: {  	s1 =	sand.u32 $0x1, s1;
	s8 =	sadd.s32 $0xDA00, s2;
	s11 =	smul.u32 $0x2800, s12  }
0xa: {  	s24 =	smul.u32 $0x500, s12;
	s31 =	sshll.u32 s12, $0x6;
	s4 =	sshll.u32 s1, $0x4  }
0xb: {  	s6 =	sshll.u32 s1, $0x5;
	s1 =	ssub.s32 $0x2, s1;
	s14 =	sor.u32 $0x1C03, s31  }
0xc: {  	s5 =	sor.u32 s12, s4;
	s4 =	simm.s32 $0x0;
	s6 =	sor.u32 s12, s6  }
0xd: {  	s7 =	sadd.s32 s7, s2;
	s10 =	sshrl.u32 s1, $0x1;
	s25 =	sshrl.u32 s9, $0x2  }
0xe: {  	s26 =	sshrl.u32 s11, $0x3;
	s12 =	simm.s32 $0x3;
	s5 =	smul.u32 $0x500, s5  }
0xf: {  	[smem:$0x7FF] =	sst s4;
	s6 =	smul.u32 $0x1400, s6;
	s1 =	ssub.s32 s1, s10  }
0x10: {  	s9 =	sadd.s32 s8, s26;
	s7 =	sadd.s32 $0x17A00, s7;
	s26 =	simm.s32 $0x4E80  }
0x11: {  	_ =	strace $0x8000004D;
	s9 =	sadd.s32 $0x5000, s9;
	s11 =	smax.u32 s1, $0x1  }
0x12: {  	s5 =	sadd.s32 s5, s2;
	s2 =	sadd.s32 s6, s2;
	s6 =	sadd.s32 s8, s24  }
0x13: {  	s24 =	simm.s32 $0x2780;
	s5 =	sadd.s32 $0x3A00, s5;
	[dreg:$0x5] =	wrdreg s6  }
0x14: {  	s8 =	sadd.s32 $0x2BA00, s2;
	[dreg:$0x4] =	wrdreg s5;
	s5 =	sadd.s32 s25, s3  }
0x15: {  	s10 =	sadd.s32 $0x3FA00, s2;
	s25 =	simm.s32 $0x4E00;
	s15 =	sshrl.u32 s5, $0x3  }
.LBB2_1:
0x16: {  	s1 =	rddreg [dreg:$0x4]  }
0x17: {  	[tilespmem:s4], [sflag:$0x3] =	stream.linear.gather [hbm4b:s1+s4], $0x2800, $0x38;
	[tilespmem:$0x1ED00] =	vst v63  }
0x18: {  	_ =	swait.ge [sflag:s12], $0x2800  }
0x19: {  	[sflag:s12] =	ssyncset.done $0x0  }
0x1a: {  	s2 =	rddreg [dreg:$0x5];
	[sflag:s12] =	ssyncadd.s32 $0xFFFFD800  }
0x1b: {  	[tilespmem:s13], [sflag:$0x3] =	stream.linear.gather [hbm4b:s2+s4], $0x2800, $0x38;
	[tilespmem:$0x1ED00] =	vst v63  }
0x1c: {  	_ =	swait.ge [sflag:s12], $0x2800  }
0x1d: {  	[sflag:s12] =	ssyncset.done $0x0  }
0x1e: {  	[sflag:s12] =	ssyncadd.s32 $0xFFFFD800  }
0x1f: {  	[spmem:s15], [sflag:s14] =	dma.local [hbm:s7], $0x13A0  }
0x20: {  	_ =	swait.ge [sflag:s12], $0x13A0  }
0x21: {  	[sflag:s12] =	ssyncset.done $0x0  }
0x22: {  	[sflag:s12] =	ssyncadd.s32 $0xFFFFEC60  }
0x23: {  	[bflag:$0x0] =	sbarrier.arrive $0xFFFF  }
0x24: {  	[tilespmem:s17], [sflag:$0x1] =	stream.indirect.gather [hbm4b:s0+s16], $0x80, s4, s16, $0xb8;
	[tilespmem:$0x1ED00] =	vst v63  }
0x25: {  	_ = 	snop  }
0x26: {  	[tilespmem:s18], [sflag:$0x1] =	stream.indirect.gather [hbm4b:s0+s16], $0x80, s16, s16, $0xb8;
	[tilespmem:$0x1ED00] =	vst v63  }
0x27: {  	s5 =	simm.s32 $0x100  }
0x28: {  	[tilespmem:s19], [sflag:$0x2] =	stream.indirect.gather [hbm4b:s0+s16], $0x80, s5, s16, $0xb8;
	[tilespmem:$0x1ED00] =	vst v63  }
0x29: {  	s6 =	simm.s32 $0x180  }
0x2a: {  	[tilespmem:s20], [sflag:$0x2] =	stream.indirect.gather [hbm4b:s0+s16], $0x80, s6, s16, $0xb8;
	[tilespmem:$0x1ED00] =	vst v63  }
0x2b: {  	_ =	swait.ge [sflag:s21], $0x4000  }
0x2c: {  	[sflag:s21] =	ssyncset.done $0x0  }
0x2d: {  	[sflag:s21] =	ssyncadd.s32 $0xFFFFC000  }
0x2e: {  	_ =	swait.ge [sflag:s21], $0x4000  }
0x2f: {  	[sflag:s21] =	ssyncset.done $0x0  }
0x30: {  	s2 =	simm.s32 $0x2800;
	[sflag:s21] =	ssyncadd.s32 $0xFFFFC000  }
0x31: {  	[spmem:s3] =	stream.indirect.scatter.add.f32 [tilespmem:s17], [sflag:$0x3], $0x80, s2, s16, $0xb8;
	[tilespmem:$0x1ED00] =	vst v63  }
0x32: {  	_ =	swait.ge [sflag:s12], $0x4000  }
0x33: {  	[sflag:s12] =	ssyncset.done $0x0  }
0x34: {  	s5 =	simm.s32 $0x2880;
	[sflag:s12] =	ssyncadd.s32 $0xFFFFC000  }
0x35: {  	[spmem:s3] =	stream.indirect.scatter.add.f32 [tilespmem:s18], [sflag:$0x3], $0x80, s5, s16, $0xb8;
	[tilespmem:$0x1ED00] =	vst v63  }
0x36: {  	_ =	swait.ge [sflag:s12], $0x4000  }
0x37: {  	[sflag:s12] =	ssyncset.done $0x0  }
0x38: {  	s6 =	simm.s32 $0x200;
	[sflag:s12] =	ssyncadd.s32 $0xFFFFC000  }
0x39: {  	[tilespmem:s17], [sflag:$0x1] =	stream.indirect.gather [hbm4b:s0+s16], $0x80, s6, s16, $0xb8;
	[tilespmem:$0x1ED00] =	vst v63  }
0x3a: {  	s2 =	simm.s32 $0x280  }
0x3b: {  	[tilespmem:s18], [sflag:$0x1] =	stream.indirect.gather [hbm4b:s0+s16], $0x80, s2, s16, $0xb8;
	[tilespmem:$0x1ED00] =	vst v63  }
0x3c: {  	_ =	swait.ge [sflag:s22], $0x4000  }
0x3d: {  	[sflag:s22] =	ssyncset.done $0x0  }
0x3e: {  	[sflag:s22] =	ssyncadd.s32 $0xFFFFC000  }
0x3f: {  	_ =	swait.ge [sflag:s22], $0x4000  }
0x40: {  	[sflag:s22] =	ssyncset.done $0x0  }
0x41: {  	s5 =	simm.s32 $0x2900;
	[sflag:s22] =	ssyncadd.s32 $0xFFFFC000  }
0x42: {  	[spmem:s3] =	stream.indirect.scatter.add.f32 [tilespmem:s19], [sflag:$0x3], $0x80, s5, s16, $0xb8;
	[tilespmem:$0x1ED00] =	vst v63  }
0x43: {  	_ =	swait.ge [sflag:s12], $0x4000  }
0x44: {  	[sflag:s12] =	ssyncset.done $0x0  }
0x45: {  	s6 =	simm.s32 $0x2980;
	[sflag:s12] =	ssyncadd.s32 $0xFFFFC000  }
0x46: {  	[spmem:s3] =	stream.indirect.scatter.add.f32 [tilespmem:s20], [sflag:$0x3], $0x80, s6, s16, $0xb8;
	[tilespmem:$0x1ED00] =	vst v63  }
0x47: {  	_ =	swait.ge [sflag:s12], $0x4000  }
0x48: {  	s31 =	simm.s32 $0x200;
	s1 =	simm.s32 $0x1000;
	[sflag:s12] =	ssyncset.done $0x0  }
.LBB2_2:
0x49: {  	s6 =	sadd.s32 $0x100, s31  }
0x4a: {  	[sflag:s12] =	ssyncadd.s32 $0xFFFFC000;
	s2 =	smov.u32 s1;
	s5 =	sadd.s32 $0x800, s1  }
0x4b: {  	[tilespmem:s19], [sflag:$0x2] =	stream.indirect.gather [hbm4b:s0+s16], $0x80, s6, s16, $0xb8;
	[tilespmem:$0x1ED00] =	vst v63  }
0x4c: {  	p0 =	sne.s32 s1, $0x9000;
	s1 =	sadd.s32 $0x180, s31  }
0x4d: {  	[tilespmem:s20], [sflag:$0x2] =	stream.indirect.gather [hbm4b:s0+s16], $0x80, s1, s16, $0xb8;
	[tilespmem:$0x1ED00] =	vst v63  }
0x4e: {  	_ =	swait.ge [sflag:s21], $0x4000  }
0x4f: {  	[sflag:s21] =	ssyncset.done $0x0  }
0x50: {  	[sflag:s21] =	ssyncadd.s32 $0xFFFFC000  }
0x51: {  	_ =	swait.ge [sflag:s21], $0x4000  }
0x52: {  	[sflag:s21] =	ssyncset.done $0x0  }
0x53: {  	s1 =	sadd.s32 $0x2800, s31;
	[sflag:s21] =	ssyncadd.s32 $0xFFFFC000  }
0x54: {  	[spmem:s3] =	stream.indirect.scatter.add.f32 [tilespmem:s17], [sflag:$0x3], $0x80, s1, s16, $0xb8;
	[tilespmem:$0x1ED00] =	vst v63  }
0x55: {  	_ =	swait.ge [sflag:s12], $0x4000  }
0x56: {  	[sflag:s12] =	ssyncset.done $0x0  }
0x57: {  	s1 =	sadd.s32 $0x2880, s31;
	[sflag:s12] =	ssyncadd.s32 $0xFFFFC000  }
0x58: {  	[spmem:s3] =	stream.indirect.scatter.add.f32 [tilespmem:s18], [sflag:$0x3], $0x80, s1, s16, $0xb8;
	[tilespmem:$0x1ED00] =	vst v63  }
0x59: {  	_ =	swait.ge [sflag:s12], $0x4000  }
0x5a: {  	[sflag:s12] =	ssyncset.done $0x0  }
0x5b: {  	s1 =	sadd.s32 $0x200, s31;
	[sflag:s12] =	ssyncadd.s32 $0xFFFFC000  }
0x5c: {  	[tilespmem:s17], [sflag:$0x1] =	stream.indirect.gather [hbm4b:s0+s16], $0x80, s1, s16, $0xb8;
	[tilespmem:$0x1ED00] =	vst v63  }
0x5d: {  	s1 =	sadd.s32 $0x280, s31  }
0x5e: {  	[tilespmem:s18], [sflag:$0x1] =	stream.indirect.gather [hbm4b:s0+s16], $0x80, s1, s16, $0xb8;
	[tilespmem:$0x1ED00] =	vst v63  }
0x5f: {  	_ =	swait.ge [sflag:s22], $0x4000  }
0x60: {  	[sflag:s22] =	ssyncset.done $0x0  }
0x61: {  	[sflag:s22] =	ssyncadd.s32 $0xFFFFC000  }
0x62: {  	_ =	swait.ge [sflag:s22], $0x4000  }
0x63: {  	[sflag:s22] =	ssyncset.done $0x0  }
0x64: {  	s1 =	sadd.s32 $0x2900, s31;
	[sflag:s22] =	ssyncadd.s32 $0xFFFFC000  }
0x65: {  	[spmem:s3] =	stream.indirect.scatter.add.f32 [tilespmem:s19], [sflag:$0x3], $0x80, s1, s16, $0xb8;
	[tilespmem:$0x1ED00] =	vst v63  }
0x66: {  	_ =	swait.ge [sflag:s12], $0x4000  }
.Ltmp0:
0x67: {  	[sflag:s12] =	ssyncset.done $0x0;
	(pc) =	sbr.rel @p0 .LBB2_2-.Ltmp0, $4  }
0x68: {  	s1 =	sadd.s32 $0x2980, s31;
	[sflag:s12] =	ssyncadd.s32 $0xFFFFC000  }
0x69: {  	[spmem:s3] =	stream.indirect.scatter.add.f32 [tilespmem:s20], [sflag:$0x3], $0x80, s1, s16, $0xb8;
	[tilespmem:$0x1ED00] =	vst v63  }
0x6a: {  	_ =	swait.ge [sflag:s12], $0x4000  }
0x6b: {  	s31 =	sshra.s32 s2, $0x2;
	s1 =	smov.u32 s5;
	[sflag:s12] =	ssyncset.done $0x0  }
0x6c: {  	s1 =	sadd.s32 $0x100, s31;
	[sflag:s12] =	ssyncadd.s32 $0xFFFFC000  }
0x6d: {  	[tilespmem:s19], [sflag:$0x2] =	stream.indirect.gather [hbm4b:s0+s16], $0x80, s1, s16, $0xb8;
	[tilespmem:$0x1ED00] =	vst v63  }
0x6e: {  	s6 =	sadd.s32 $0x180, s31  }
0x6f: {  	[tilespmem:s20], [sflag:$0x2] =	stream.indirect.gather [hbm4b:s0+s16], $0x80, s6, s16, $0xb8;
	[tilespmem:$0x1ED00] =	vst v63  }
0x70: {  	_ =	swait.ge [sflag:s21], $0x4000  }
0x71: {  	[sflag:s21] =	ssyncset.done $0x0  }
0x72: {  	[sflag:s21] =	ssyncadd.s32 $0xFFFFC000  }
0x73: {  	_ =	swait.ge [sflag:s21], $0x4000  }
0x74: {  	[sflag:s21] =	ssyncset.done $0x0  }
0x75: {  	s2 =	sadd.s32 $0x2800, s31;
	[sflag:s21] =	ssyncadd.s32 $0xFFFFC000  }
0x76: {  	[spmem:s3] =	stream.indirect.scatter.add.f32 [tilespmem:s17], [sflag:$0x3], $0x80, s2, s16, $0xb8;
	[tilespmem:$0x1ED00] =	vst v63  }
0x77: {  	_ =	swait.ge [sflag:s12], $0x4000  }
0x78: {  	[sflag:s12] =	ssyncset.done $0x0  }
0x79: {  	s5 =	sadd.s32 $0x2880, s31;
	[sflag:s12] =	ssyncadd.s32 $0xFFFFC000  }
0x7a: {  	[spmem:s3] =	stream.indirect.scatter.add.f32 [tilespmem:s18], [sflag:$0x3], $0x80, s5, s16, $0xb8;
	[tilespmem:$0x1ED00] =	vst v63  }
0x7b: {  	_ =	swait.ge [sflag:s12], $0x4000  }
0x7c: {  	[sflag:s12] =	ssyncset.done $0x0  }
0x7d: {  	s6 =	sadd.s32 $0x200, s31;
	[sflag:s12] =	ssyncadd.s32 $0xFFFFC000  }
0x7e: {  	[tilespmem:s17], [sflag:$0x1] =	stream.indirect.gather [hbm4b:s0+s16], $0x80, s6, s16, $0xb8;
	[tilespmem:$0x1ED00] =	vst v63  }
0x7f: {  	s2 =	sadd.s32 $0x280, s31  }
0x80: {  	[tilespmem:s18], [sflag:$0x1] =	stream.indirect.gather [hbm4b:s0+s16], $0x80, s2, s16, $0xb8;
	[tilespmem:$0x1ED00] =	vst v63  }
0x81: {  	_ =	swait.ge [sflag:s22], $0x4000  }
0x82: {  	[sflag:s22] =	ssyncset.done $0x0  }
0x83: {  	[sflag:s22] =	ssyncadd.s32 $0xFFFFC000  }
0x84: {  	_ =	swait.ge [sflag:s22], $0x4000  }
0x85: {  	[sflag:s22] =	ssyncset.done $0x0  }
0x86: {  	s5 =	sadd.s32 $0x2900, s31;
	[sflag:s22] =	ssyncadd.s32 $0xFFFFC000  }
0x87: {  	[spmem:s3] =	stream.indirect.scatter.add.f32 [tilespmem:s19], [sflag:$0x3], $0x80, s5, s16, $0xb8;
	[tilespmem:$0x1ED00] =	vst v63  }
0x88: {  	_ =	swait.ge [sflag:s12], $0x4000  }
0x89: {  	[sflag:s12] =	ssyncset.done $0x0  }
0x8a: {  	s6 =	sadd.s32 $0x2980, s31;
	[sflag:s12] =	ssyncadd.s32 $0xFFFFC000  }
0x8b: {  	[spmem:s3] =	stream.indirect.scatter.add.f32 [tilespmem:s20], [sflag:$0x3], $0x80, s6, s16, $0xb8;
	[tilespmem:$0x1ED00] =	vst v63  }
0x8c: {  	_ =	swait.ge [sflag:s12], $0x4000  }
0x8d: {  	[sflag:s12] =	ssyncset.done $0x0  }
0x8e: {  	[sflag:s12] =	ssyncadd.s32 $0xFFFFC000  }
0x8f: {  	[tilespmem:s19], [sflag:$0x2] =	stream.indirect.gather [hbm4b:s0+s16], $0x80, s23, s16, $0xb8;
	[tilespmem:$0x1ED00] =	vst v63  }
0x90: {  	_ = 	snop  }
0x91: {  	[tilespmem:s20], [sflag:$0x2] =	stream.indirect.gather [hbm4b:s0+s16], $0x80, s24, s16, $0xb8;
	[tilespmem:$0x1ED00] =	vst v63  }
0x92: {  	_ =	swait.ge [sflag:s21], $0x4000  }
0x93: {  	[sflag:s21] =	ssyncset.done $0x0  }
0x94: {  	[sflag:s21] =	ssyncadd.s32 $0xFFFFC000  }
0x95: {  	_ =	swait.ge [sflag:s21], $0x4000  }
0x96: {  	[sflag:s21] =	ssyncset.done $0x0  }
0x97: {  	[sflag:s21] =	ssyncadd.s32 $0xFFFFC000  }
0x98: {  	[spmem:s3] =	stream.indirect.scatter.add.f32 [tilespmem:s17], [sflag:$0x3], $0x80, s25, s16, $0xb8;
	[tilespmem:$0x1ED00] =	vst v63  }
0x99: {  	_ =	swait.ge [sflag:s12], $0x4000  }
0x9a: {  	[sflag:s12] =	ssyncset.done $0x0  }
0x9b: {  	[sflag:s12] =	ssyncadd.s32 $0xFFFFC000  }
0x9c: {  	[spmem:s3] =	stream.indirect.scatter.add.f32 [tilespmem:s18], [sflag:$0x3], $0x80, s26, s16, $0xb8;
	[tilespmem:$0x1ED00] =	vst v63  }
0x9d: {  	_ =	swait.ge [sflag:s12], $0x4000  }
0x9e: {  	[sflag:s12] =	ssyncset.done $0x0  }
0x9f: {  	[sflag:s12] =	ssyncadd.s32 $0xFFFFC000  }
0xa0: {  	_ =	swait.ge [sflag:s22], $0x4000  }
0xa1: {  	[sflag:s22] =	ssyncset.done $0x0  }
0xa2: {  	[sflag:s22] =	ssyncadd.s32 $0xFFFFC000  }
0xa3: {  	_ =	swait.ge [sflag:s22], $0x4000  }
0xa4: {  	[sflag:s22] =	ssyncset.done $0x0  }
0xa5: {  	[sflag:s22] =	ssyncadd.s32 $0xFFFFC000  }
0xa6: {  	[spmem:s3] =	stream.indirect.scatter.add.f32 [tilespmem:s19], [sflag:$0x3], $0x80, s28, s16, $0xb8;
	[tilespmem:$0x1ED00] =	vst v63  }
0xa7: {  	_ =	swait.ge [sflag:s12], $0x4000  }
0xa8: {  	[sflag:s12] =	ssyncset.done $0x0  }
0xa9: {  	[sflag:s12] =	ssyncadd.s32 $0xFFFFC000  }
0xaa: {  	[spmem:s3] =	stream.indirect.scatter.add.f32 [tilespmem:s20], [sflag:$0x3], $0x80, s29, s16, $0xb8;
	[tilespmem:$0x1ED00] =	vst v63  }
0xab: {  	_ =	swait.ge [sflag:s12], $0x4000  }
0xac: {  	[sflag:s12] =	ssyncset.done $0x0  }
0xad: {  	[sflag:s12] =	ssyncadd.s32 $0xFFFFC000  }
0xae: {  	[bflag:$0x0] =	sbarrier.arrive $0xFFFF  }
0xaf: {  	[hbm:s8], [sflag:s14] =	dma.local [spmem:s15], $0x13A0  }
0xb0: {  	_ =	swait.ge [sflag:s12], $0x13A0  }
0xb1: {  	[sflag:s12] =	ssyncset.done $0x0  }
0xb2: {  	[sflag:s12] =	ssyncadd.s32 $0xFFFFEC60  }
0xb3: {  	s2 =	simm.s32 $0x0;
	[bflag:$0x0] =	sbarrier.arrive $0xFFFF  }
0xb4: {  	[tilespmem:s13], [sflag:$0x3] =	stream.linear.gather [hbm4b:s9+s2], $0x2800, $0x38;
	[tilespmem:$0x1ED00] =	vst v63  }
0xb5: {  	_ =	swait.ge [sflag:s12], $0x2800  }
0xb6: {  	[sflag:s12] =	ssyncset.done $0x0  }
0xb7: {  	[sflag:s12] =	ssyncadd.s32 $0xFFFFD800  }
0xb8: {  	[spmem:s15], [sflag:s14] =	dma.local [hbm:s7], $0x13A0  }
0xb9: {  	_ =	swait.ge [sflag:s12], $0x13A0  }
0xba: {  	[sflag:s12] =	ssyncset.done $0x0  }
0xbb: {  	[sflag:s12] =	ssyncadd.s32 $0xFFFFEC60  }
0xbc: {  	[bflag:$0x0] =	sbarrier.arrive $0xFFFF  }
0xbd: {  	[tilespmem:s17], [sflag:$0x1] =	stream.indirect.gather [hbm4b:s0+s16], $0x80, s2, s16, $0xb8;
	[tilespmem:$0x1ED00] =	vst v63  }
0xbe: {  	_ = 	snop  }
0xbf: {  	[tilespmem:s18], [sflag:$0x1] =	stream.indirect.gather [hbm4b:s0+s16], $0x80, s16, s16, $0xb8;
	[tilespmem:$0x1ED00] =	vst v63  }
0xc0: {  	s5 =	simm.s32 $0x100  }
0xc1: {  	[tilespmem:s19], [sflag:$0x2] =	stream.indirect.gather [hbm4b:s0+s16], $0x80, s5, s16, $0xb8;
	[tilespmem:$0x1ED00] =	vst v63  }
0xc2: {  	s6 =	simm.s32 $0x180  }
0xc3: {  	[tilespmem:s20], [sflag:$0x2] =	stream.indirect.gather [hbm4b:s0+s16], $0x80, s6, s16, $0xb8;
	[tilespmem:$0x1ED00] =	vst v63  }
0xc4: {  	_ =	swait.ge [sflag:s21], $0x4000  }
0xc5: {  	[sflag:s21] =	ssyncset.done $0x0  }
0xc6: {  	[sflag:s21] =	ssyncadd.s32 $0xFFFFC000  }
0xc7: {  	_ =	swait.ge [sflag:s21], $0x4000  }
0xc8: {  	[sflag:s21] =	ssyncset.done $0x0  }
0xc9: {  	s2 =	simm.s32 $0x2800;
	[sflag:s21] =	ssyncadd.s32 $0xFFFFC000  }
0xca: {  	[spmem:s3] =	stream.indirect.scatter.add.f32 [tilespmem:s17], [sflag:$0x3], $0x80, s2, s16, $0xb8;
	[tilespmem:$0x1ED00] =	vst v63  }
0xcb: {  	_ =	swait.ge [sflag:s12], $0x4000  }
0xcc: {  	[sflag:s12] =	ssyncset.done $0x0  }
0xcd: {  	s5 =	simm.s32 $0x2880;
	[sflag:s12] =	ssyncadd.s32 $0xFFFFC000  }
0xce: {  	[spmem:s3] =	stream.indirect.scatter.add.f32 [tilespmem:s18], [sflag:$0x3], $0x80, s5, s16, $0xb8;
	[tilespmem:$0x1ED00] =	vst v63  }
0xcf: {  	_ =	swait.ge [sflag:s12], $0x4000  }
0xd0: {  	[sflag:s12] =	ssyncset.done $0x0  }
0xd1: {  	s6 =	simm.s32 $0x200;
	[sflag:s12] =	ssyncadd.s32 $0xFFFFC000  }
0xd2: {  	[tilespmem:s17], [sflag:$0x1] =	stream.indirect.gather [hbm4b:s0+s16], $0x80, s6, s16, $0xb8;
	[tilespmem:$0x1ED00] =	vst v63  }
0xd3: {  	s2 =	simm.s32 $0x280  }
0xd4: {  	[tilespmem:s18], [sflag:$0x1] =	stream.indirect.gather [hbm4b:s0+s16], $0x80, s2, s16, $0xb8;
	[tilespmem:$0x1ED00] =	vst v63  }
0xd5: {  	_ =	swait.ge [sflag:s22], $0x4000  }
0xd6: {  	[sflag:s22] =	ssyncset.done $0x0  }
0xd7: {  	[sflag:s22] =	ssyncadd.s32 $0xFFFFC000  }
0xd8: {  	_ =	swait.ge [sflag:s22], $0x4000  }
0xd9: {  	[sflag:s22] =	ssyncset.done $0x0  }
0xda: {  	s5 =	simm.s32 $0x2900;
	[sflag:s22] =	ssyncadd.s32 $0xFFFFC000  }
0xdb: {  	[spmem:s3] =	stream.indirect.scatter.add.f32 [tilespmem:s19], [sflag:$0x3], $0x80, s5, s16, $0xb8;
	[tilespmem:$0x1ED00] =	vst v63  }
0xdc: {  	_ =	swait.ge [sflag:s12], $0x4000  }
0xdd: {  	[sflag:s12] =	ssyncset.done $0x0  }
0xde: {  	s6 =	simm.s32 $0x2980;
	[sflag:s12] =	ssyncadd.s32 $0xFFFFC000  }
0xdf: {  	[spmem:s3] =	stream.indirect.scatter.add.f32 [tilespmem:s20], [sflag:$0x3], $0x80, s6, s16, $0xb8;
	[tilespmem:$0x1ED00] =	vst v63  }
0xe0: {  	_ =	swait.ge [sflag:s12], $0x4000  }
0xe1: {  	s31 =	simm.s32 $0x200;
	s5 =	simm.s32 $0x1000;
	[sflag:s12] =	ssyncset.done $0x0  }
.LBB2_4:
0xe2: {  	s6 =	sadd.s32 $0x100, s31  }
0xe3: {  	[sflag:s12] =	ssyncadd.s32 $0xFFFFC000;
	s2 =	smov.u32 s5;
	s1 =	sadd.s32 $0x800, s5  }
0xe4: {  	[tilespmem:s19], [sflag:$0x2] =	stream.indirect.gather [hbm4b:s0+s16], $0x80, s6, s16, $0xb8;
	[tilespmem:$0x1ED00] =	vst v63  }
0xe5: {  	p0 =	sne.s32 s5, $0x9000;
	s5 =	sadd.s32 $0x180, s31  }
0xe6: {  	[tilespmem:s20], [sflag:$0x2] =	stream.indirect.gather [hbm4b:s0+s16], $0x80, s5, s16, $0xb8;
	[tilespmem:$0x1ED00] =	vst v63  }
0xe7: {  	_ =	swait.ge [sflag:s21], $0x4000  }
0xe8: {  	[sflag:s21] =	ssyncset.done $0x0  }
0xe9: {  	[sflag:s21] =	ssyncadd.s32 $0xFFFFC000  }
0xea: {  	_ =	swait.ge [sflag:s21], $0x4000  }
0xeb: {  	[sflag:s21] =	ssyncset.done $0x0  }
0xec: {  	s5 =	sadd.s32 $0x2800, s31;
	[sflag:s21] =	ssyncadd.s32 $0xFFFFC000  }
0xed: {  	[spmem:s3] =	stream.indirect.scatter.add.f32 [tilespmem:s17], [sflag:$0x3], $0x80, s5, s16, $0xb8;
	[tilespmem:$0x1ED00] =	vst v63  }
0xee: {  	_ =	swait.ge [sflag:s12], $0x4000  }
0xef: {  	[sflag:s12] =	ssyncset.done $0x0  }
0xf0: {  	s5 =	sadd.s32 $0x2880, s31;
	[sflag:s12] =	ssyncadd.s32 $0xFFFFC000  }
0xf1: {  	[spmem:s3] =	stream.indirect.scatter.add.f32 [tilespmem:s18], [sflag:$0x3], $0x80, s5, s16, $0xb8;
	[tilespmem:$0x1ED00] =	vst v63  }
0xf2: {  	_ =	swait.ge [sflag:s12], $0x4000  }
0xf3: {  	[sflag:s12] =	ssyncset.done $0x0  }
0xf4: {  	s5 =	sadd.s32 $0x200, s31;
	[sflag:s12] =	ssyncadd.s32 $0xFFFFC000  }
0xf5: {  	[tilespmem:s17], [sflag:$0x1] =	stream.indirect.gather [hbm4b:s0+s16], $0x80, s5, s16, $0xb8;
	[tilespmem:$0x1ED00] =	vst v63  }
0xf6: {  	s5 =	sadd.s32 $0x280, s31  }
0xf7: {  	[tilespmem:s18], [sflag:$0x1] =	stream.indirect.gather [hbm4b:s0+s16], $0x80, s5, s16, $0xb8;
	[tilespmem:$0x1ED00] =	vst v63  }
0xf8: {  	_ =	swait.ge [sflag:s22], $0x4000  }
0xf9: {  	[sflag:s22] =	ssyncset.done $0x0  }
0xfa: {  	[sflag:s22] =	ssyncadd.s32 $0xFFFFC000  }
0xfb: {  	_ =	swait.ge [sflag:s22], $0x4000  }
0xfc: {  	[sflag:s22] =	ssyncset.done $0x0  }
0xfd: {  	s5 =	sadd.s32 $0x2900, s31;
	[sflag:s22] =	ssyncadd.s32 $0xFFFFC000  }
0xfe: {  	[spmem:s3] =	stream.indirect.scatter.add.f32 [tilespmem:s19], [sflag:$0x3], $0x80, s5, s16, $0xb8;
	[tilespmem:$0x1ED00] =	vst v63  }
0xff: {  	_ =	swait.ge [sflag:s12], $0x4000  }
.Ltmp1:
0x100: {  	[sflag:s12] =	ssyncset.done $0x0;
	(pc) =	sbr.rel @p0 .LBB2_4-.Ltmp1, $4  }
0x101: {  	s5 =	sadd.s32 $0x2980, s31;
	[sflag:s12] =	ssyncadd.s32 $0xFFFFC000  }
0x102: {  	[spmem:s3] =	stream.indirect.scatter.add.f32 [tilespmem:s20], [sflag:$0x3], $0x80, s5, s16, $0xb8;
	[tilespmem:$0x1ED00] =	vst v63  }
0x103: {  	_ =	swait.ge [sflag:s12], $0x4000  }
0x104: {  	s31 =	sshra.s32 s2, $0x2;
	s5 =	smov.u32 s1;
	[sflag:s12] =	ssyncset.done $0x0  }
0x105: {  	s1 =	sadd.s32 $0x100, s31;
	[sflag:s12] =	ssyncadd.s32 $0xFFFFC000  }
0x106: {  	[tilespmem:s19], [sflag:$0x2] =	stream.indirect.gather [hbm4b:s0+s16], $0x80, s1, s16, $0xb8;
	[tilespmem:$0x1ED00] =	vst v63  }
0x107: {  	s2 =	sadd.s32 $0x180, s31  }
0x108: {  	[tilespmem:s20], [sflag:$0x2] =	stream.indirect.gather [hbm4b:s0+s16], $0x80, s2, s16, $0xb8;
	[tilespmem:$0x1ED00] =	vst v63  }
0x109: {  	_ =	swait.ge [sflag:s21], $0x4000  }
0x10a: {  	[sflag:s21] =	ssyncset.done $0x0  }
0x10b: {  	[sflag:s21] =	ssyncadd.s32 $0xFFFFC000  }
0x10c: {  	_ =	swait.ge [sflag:s21], $0x4000  }
0x10d: {  	[sflag:s21] =	ssyncset.done $0x0  }
0x10e: {  	s5 =	sadd.s32 $0x2800, s31;
	[sflag:s21] =	ssyncadd.s32 $0xFFFFC000  }
0x10f: {  	[spmem:s3] =	stream.indirect.scatter.add.f32 [tilespmem:s17], [sflag:$0x3], $0x80, s5, s16, $0xb8;
	[tilespmem:$0x1ED00] =	vst v63  }
0x110: {  	_ =	swait.ge [sflag:s12], $0x4000  }
0x111: {  	[sflag:s12] =	ssyncset.done $0x0  }
0x112: {  	s6 =	sadd.s32 $0x2880, s31;
	[sflag:s12] =	ssyncadd.s32 $0xFFFFC000  }
0x113: {  	[spmem:s3] =	stream.indirect.scatter.add.f32 [tilespmem:s18], [sflag:$0x3], $0x80, s6, s16, $0xb8;
	[tilespmem:$0x1ED00] =	vst v63  }
0x114: {  	_ =	swait.ge [sflag:s12], $0x4000  }
0x115: {  	[sflag:s12] =	ssyncset.done $0x0  }
0x116: {  	s2 =	sadd.s32 $0x200, s31;
	[sflag:s12] =	ssyncadd.s32 $0xFFFFC000  }
0x117: {  	[tilespmem:s17], [sflag:$0x1] =	stream.indirect.gather [hbm4b:s0+s16], $0x80, s2, s16, $0xb8;
	[tilespmem:$0x1ED00] =	vst v63  }
0x118: {  	s5 =	sadd.s32 $0x280, s31  }
0x119: {  	[tilespmem:s18], [sflag:$0x1] =	stream.indirect.gather [hbm4b:s0+s16], $0x80, s5, s16, $0xb8;
	[tilespmem:$0x1ED00] =	vst v63  }
0x11a: {  	_ =	swait.ge [sflag:s22], $0x4000  }
0x11b: {  	[sflag:s22] =	ssyncset.done $0x0  }
0x11c: {  	[sflag:s22] =	ssyncadd.s32 $0xFFFFC000  }
0x11d: {  	_ =	swait.ge [sflag:s22], $0x4000  }
0x11e: {  	[sflag:s22] =	ssyncset.done $0x0  }
0x11f: {  	s6 =	sadd.s32 $0x2900, s31;
	[sflag:s22] =	ssyncadd.s32 $0xFFFFC000  }
0x120: {  	[spmem:s3] =	stream.indirect.scatter.add.f32 [tilespmem:s19], [sflag:$0x3], $0x80, s6, s16, $0xb8;
	[tilespmem:$0x1ED00] =	vst v63  }
0x121: {  	_ =	swait.ge [sflag:s12], $0x4000  }
0x122: {  	[sflag:s12] =	ssyncset.done $0x0  }
0x123: {  	s31 =	sadd.s32 $0x2980, s31;
	[sflag:s12] =	ssyncadd.s32 $0xFFFFC000  }
0x124: {  	[spmem:s3] =	stream.indirect.scatter.add.f32 [tilespmem:s20], [sflag:$0x3], $0x80, s31, s16, $0xb8;
	[tilespmem:$0x1ED00] =	vst v63  }
0x125: {  	_ =	swait.ge [sflag:s12], $0x4000  }
0x126: {  	[sflag:s12] =	ssyncset.done $0x0  }
0x127: {  	[sflag:s12] =	ssyncadd.s32 $0xFFFFC000  }
0x128: {  	[tilespmem:s19], [sflag:$0x2] =	stream.indirect.gather [hbm4b:s0+s16], $0x80, s23, s16, $0xb8;
	[tilespmem:$0x1ED00] =	vst v63  }
0x129: {  	_ = 	snop  }
0x12a: {  	[tilespmem:s20], [sflag:$0x2] =	stream.indirect.gather [hbm4b:s0+s16], $0x80, s24, s16, $0xb8;
	[tilespmem:$0x1ED00] =	vst v63  }
0x12b: {  	_ =	swait.ge [sflag:s21], $0x4000  }
0x12c: {  	[sflag:s21] =	ssyncset.done $0x0  }
0x12d: {  	[sflag:s21] =	ssyncadd.s32 $0xFFFFC000  }
0x12e: {  	_ =	swait.ge [sflag:s21], $0x4000  }
0x12f: {  	[sflag:s21] =	ssyncset.done $0x0  }
0x130: {  	[sflag:s21] =	ssyncadd.s32 $0xFFFFC000  }
0x131: {  	[spmem:s3] =	stream.indirect.scatter.add.f32 [tilespmem:s17], [sflag:$0x3], $0x80, s25, s16, $0xb8;
	[tilespmem:$0x1ED00] =	vst v63  }
0x132: {  	_ =	swait.ge [sflag:s12], $0x4000  }
0x133: {  	[sflag:s12] =	ssyncset.done $0x0  }
0x134: {  	[sflag:s12] =	ssyncadd.s32 $0xFFFFC000  }
0x135: {  	[spmem:s3] =	stream.indirect.scatter.add.f32 [tilespmem:s18], [sflag:$0x3], $0x80, s26, s16, $0xb8;
	[tilespmem:$0x1ED00] =	vst v63  }
0x136: {  	_ =	swait.ge [sflag:s12], $0x4000  }
0x137: {  	[sflag:s12] =	ssyncset.done $0x0  }
0x138: {  	[sflag:s12] =	ssyncadd.s32 $0xFFFFC000  }
0x139: {  	_ =	swait.ge [sflag:s22], $0x4000  }
0x13a: {  	[sflag:s22] =	ssyncset.done $0x0  }
0x13b: {  	[sflag:s22] =	ssyncadd.s32 $0xFFFFC000  }
0x13c: {  	_ =	swait.ge [sflag:s22], $0x4000  }
0x13d: {  	[sflag:s22] =	ssyncset.done $0x0  }
0x13e: {  	[sflag:s22] =	ssyncadd.s32 $0xFFFFC000  }
0x13f: {  	[spmem:s3] =	stream.indirect.scatter.add.f32 [tilespmem:s19], [sflag:$0x3], $0x80, s28, s16, $0xb8;
	[tilespmem:$0x1ED00] =	vst v63  }
0x140: {  	_ =	swait.ge [sflag:s12], $0x4000  }
0x141: {  	[sflag:s12] =	ssyncset.done $0x0  }
0x142: {  	[sflag:s12] =	ssyncadd.s32 $0xFFFFC000  }
0x143: {  	[spmem:s3] =	stream.indirect.scatter.add.f32 [tilespmem:s20], [sflag:$0x3], $0x80, s29, s16, $0xb8;
	[tilespmem:$0x1ED00] =	vst v63  }
0x144: {  	_ =	swait.ge [sflag:s12], $0x4000  }
0x145: {  	[sflag:s12] =	ssyncset.done $0x0  }
0x146: {  	s30 =	sadd.s32 $0x1, s30;
	[sflag:s12] =	ssyncadd.s32 $0xFFFFC000  }
0x147: {  	p0 =	sne.s32 s30, s11;
	[bflag:$0x0] =	sbarrier.arrive $0xFFFF  }
0x148: {  	[hbm:s10], [sflag:s14] =	dma.local [spmem:s15], $0x13A0  }
.Ltmp2:
0x149: {  	_ =	swait.ge [sflag:s12], $0x13A0;
	(pc) =	sbr.rel @p0 .LBB2_1-.Ltmp2, $3  }
0x14a: {  	[sflag:s12] =	ssyncset.done $0x0  }
0x14b: {  	[sflag:s12] =	ssyncadd.s32 $0xFFFFEC60  }
0x14c: {  	[bflag:$0x0] =	sbarrier.arrive $0xFFFF;
	_ =	sdelay $0x1  }
0x14d: {  	_ =	sfence.sel $0x180000  }
0x14e: {  	[bflag:$0x0] =	sbarrier.arrive $0xFFFF  }
0x14f: {  	_ =	strace $0x9000004D  }
0x150: {  	s0 =	stileid.u32;
	[bflag:$0x2] =	sbarrier.arrive $0xFFFF  }
0x151: {  	p0 =	sne.s32 s0, $0x0;
	s0 =	rddreg [dreg:$0x3]  }
0x152: {  	s0 =	sadd.s32 @!p0 $0x100000, s0  }
0x153: {  	[sflag:s0] =	ssyncadd.tile.s32 @!p0 $0x1;
	_ =	shalt  }
.Lfunc_end2:
_tile_overlayer_lowered:
.L_overlay_start_2:
0x154: {  	(tag) =	ssettag $0x2  }
0x155: {  	s0 =	rddreg [dreg:$0x0];
	s2 =	stileid.u32  }
0x156: {  	s1 =	rddreg [dreg:$0x1];
	p0 =	sne.s32 s2, $0x0  }
0x157: {  	s3 =	rddreg [dreg:$0x2];
	[bflag:$0x3] =	sbarrier.arrive $0xFFFF;
	s2 =	simm.s32 @!p0 $0x1C03  }
0x158: {  	[timem:s3], [sflag:s2] =	dma.local @!p0 [hbm:s0], s1  }
0x159: {  	s0 =	simm.s32 @!p0 $0x3  }
0x15a: {  	_ =	swait.ge @!p0 [sflag:s0], s1  }
0x15b: {  	s1 =	ssub.s32 @!p0 $0x0, s1;
	[sflag:s0] =	ssyncset.done @!p0 $0x0  }
0x15c: {  	[sflag:s0] =	ssyncadd.s32 @!p0 s1  }
0x15d: {  	[bflag:$0x3] =	sbarrier.arrive $0xFFFF  }
0x15e: {  	_ =	shalt  }

// kernel: kernel.20.cloned.1.call-start
scs
__scs_entry_jumppad:
0x0: {  	(pc) =	sbr.rel $0x88, $3  }
0x1: {  	(tag) =	ssettag $0x0;
	lr =	simm.s32 $0x1  }
0x2: {  	[smem:$0x3F99] =	sst lr;
	_ =	strace $0xD0000000  }
0x3: {  	_ = 	snop  }
0x4: {  	_ = 	snop  }
0x5: {  	_ = 	snop  }
0x6: {  	_ = 	snop  }
0x7: {  	_ = 	snop  }
__scs_overlays_trampoline_lowered:
0x8: {  	[smem:$0x3FA8] =	sst s0  }
0x9: {  	[smem:$0x3FA9] =	sst s1  }
0xa: {  	[smem:$0x3FAA] =	sst s2  }
0xb: {  	[smem:$0x3FAB] =	sst s3  }
0xc: {  	[smem:$0x3FAC] =	sst s4  }
0xd: {  	[smem:$0x3FAD] =	sst s5  }
0xe: {  	[smem:$0x3FAE] =	sst s6  }
0xf: {  	[smem:$0x3FAF] =	sst s7  }
0x10: {  	[smem:$0x3FB0] =	sst s8  }
0x11: {  	[smem:$0x3FB1] =	sst s9;
	s0 =	simm.s32 @!p0 $0x0  }
0x12: {  	s1 =	sld [smem:$0x3F97];
	s0 =	simm.s32 @p0 $0x1  }
0x13: {  	[smem:$0x3FB2] =	sst s0;
	s0 =	simm.s32 @!p1 $0x0  }
0x14: {  	s2 =	sld [smem:$0x3F96];
	s0 =	simm.s32 @p1 $0x1  }
0x15: {  	[smem:$0x3FB3] =	sst s0;
	s0 =	simm.s32 @!p2 $0x0  }
0x16: {  	s3 =	sld [smem:$0x3FDB];
	s0 =	simm.s32 @p2 $0x1  }
0x17: {  	s4 =	simm.s32 $0x1BF5;
	[smem:$0x3FB5] =	sst s0  }
0x18: {  	s0 =	sld [smem:$0x3F98];
	_ =	swait.ge [sflag:s4], $0x0  }
0x19: {  	s7 =	sld [smem:$0x3F99]  }
0x1a: {  	s8 =	sadd.s32 $0xFFFFE003, lr  }
0x1b: {  	s9 =	sadd.s32 $0xFFFFFEF7, lr;
	s5 =	simm.s32 $0xFFFFFFFF;
	p2 =	slt.u32 s8, $0xFFFFF086  }
0x1c: {  	p1 =	slt.u32 s9, $0xF7A;
	s5 =	simm.s32 @!p2 $0x0  }
0x1d: {  	s5 =	simm.s32 @p1 $0x1;
	p0 =	seq.s32 s7, s2  }
0x1e: {  	s7 =	smul.u32 @!p0 $0xF7A, s2;
	p2 =	seq.s32 @!p0 s5, $0x0  }
0x1f: {  	s9 =	smul.u32 $0xF7A, s1;
	s8 =	simm.s32 @!p0 $0x1BF5;
	p2 =	por !p2, p0  }
0x20: {  	[sflag:s8] =	ssyncset.s32 @!p0 $0xFFFFF086;
	s6 =	sadd.s32 @!p0 s3, s7;
	s7 =	simm.s32 @!p0 $0x108  }
0x21: {  	s3 =	sadd.s32 s3, s9;
	s6 =	sadd.s32 @!p0 $0x88, s6;
	s7 =	simm.s32 @p2 $0x1082  }
0x22: {  	[simem:s7], [sflag:s8] =	dma.local @!p0 [hbm:s6], $0xF7A  }
0x23: {  	s9 =	sor.u32 $0xD0000000, s2;
	s6 =	simm.s32 $0x108;
	_ =	swait.ge @!p0 [sflag:s8], $0x0  }
0x24: {  	s3 =	sadd.s32 $0x88, s3;
	s6 =	simm.s32 @!p1 $0x1082;
	[sflag:s4] =	ssyncset.s32 $0xFFFFF086  }
0x25: {  	[simem:s6], [sflag:s4] =	dma.local [hbm:s3], $0xF7A  }
0x26: {  	[smem:$0x3F99] =	sst s1;
	(tag) =	ssettag s2;
	_ =	strace s9  }
0x27: {  	s1 =	sld [smem:$0x3FA9]  }
0x28: {  	s2 =	sld [smem:$0x3FAA]  }
0x29: {  	s4 =	sld [smem:$0x3FAC]  }
0x2a: {  	p0 =	seq.s32 s5, $0x0;
	s5 =	sld [smem:$0x3FAD]  }
0x2b: {  	s6 =	sld [smem:$0x3FAE]  }
0x2c: {  	s7 =	sld [smem:$0x3FAF]  }
0x2d: {  	s3 =	simm.s32 $0x108;
	s8 =	sld [smem:$0x3FB0]  }
0x2e: {  	s3 =	simm.s32 @!p0 $0x1082;
	s9 =	sld [smem:$0x3FB1]  }
0x2f: {  	lr =	sadd.s32 s0, s3;
	s0 =	sld [smem:$0x3FA8]  }
0x30: {  	s3 =	sld [smem:$0x3FAB]  }
0x31: {  	[smem:$0x3FB4] =	sst s10  }
0x32: {  	s10 =	sld [smem:$0x3FB2];
	_ =	sdelay $0x3  }
0x33: {  	p0 =	seq.s32 s10, $0x1;
	s10 =	sld [smem:$0x3FB4];
	_ =	sdelay $0x3  }
0x34: {  	[smem:$0x3FB4] =	sst s10  }
0x35: {  	s10 =	sld [smem:$0x3FB3];
	_ =	sdelay $0x3  }
0x36: {  	p1 =	seq.s32 s10, $0x1;
	s10 =	sld [smem:$0x3FB4];
	_ =	sdelay $0x3  }
0x37: {  	[smem:$0x3FB4] =	sst s10  }
0x38: {  	s10 =	sld [smem:$0x3FB5]  }
0x39: {  	_ = 	snop;
	(pc) =	sbr.ind lr, $3  }
0x3a: {  	_ = 	snop  }
0x3b: {  	_ = 	snop  }
0x3c: {  	p2 =	seq.s32 s10, $0x1;
	s10 =	sld [smem:$0x3FB4]  }
0x3d: {  	_ =	shalt  }
0x3e: {  	_ =	shalt  }
0x3f: {  	_ =	shalt  }
0x40: {  	_ =	shalt  }
0x41: {  	_ =	shalt  }
0x42: {  	_ =	shalt  }
0x43: {  	_ =	shalt  }
0x44: {  	_ =	shalt  }
0x45: {  	_ =	shalt  }
0x46: {  	_ =	shalt  }
0x47: {  	_ =	shalt  }
0x48: {  	_ =	shalt  }
0x49: {  	_ =	shalt  }
0x4a: {  	_ =	shalt  }
0x4b: {  	_ =	shalt  }
0x4c: {  	_ =	shalt  }
0x4d: {  	_ =	shalt  }
0x4e: {  	_ =	shalt  }
0x4f: {  	_ =	shalt  }
0x50: {  	_ =	shalt  }
0x51: {  	_ =	shalt  }
0x52: {  	_ =	shalt  }
0x53: {  	_ =	shalt  }
0x54: {  	_ =	shalt  }
0x55: {  	_ =	shalt  }
0x56: {  	_ =	shalt  }
0x57: {  	_ =	shalt  }
0x58: {  	_ =	shalt  }
0x59: {  	_ =	shalt  }
0x5a: {  	_ =	shalt  }
0x5b: {  	_ =	shalt  }
0x5c: {  	_ =	shalt  }
0x5d: {  	_ =	shalt  }
0x5e: {  	_ =	shalt  }
0x5f: {  	_ =	shalt  }
0x60: {  	_ =	shalt  }
0x61: {  	_ =	shalt  }
0x62: {  	_ =	shalt  }
0x63: {  	_ =	shalt  }
0x64: {  	_ =	shalt  }
0x65: {  	_ =	shalt  }
0x66: {  	_ =	shalt  }
0x67: {  	_ =	shalt  }
0x68: {  	_ =	shalt  }
0x69: {  	_ =	shalt  }
0x6a: {  	_ =	shalt  }
0x6b: {  	_ =	shalt  }
0x6c: {  	_ =	shalt  }
0x6d: {  	_ =	shalt  }
0x6e: {  	_ =	shalt  }
0x6f: {  	_ =	shalt  }
0x70: {  	_ =	shalt  }
0x71: {  	_ =	shalt  }
0x72: {  	_ =	shalt  }
0x73: {  	_ =	shalt  }
0x74: {  	_ =	shalt  }
0x75: {  	_ =	shalt  }
0x76: {  	_ =	shalt  }
0x77: {  	_ =	shalt  }
0x78: {  	_ =	shalt  }
0x79: {  	_ =	shalt  }
0x7a: {  	_ =	shalt  }
0x7b: {  	_ =	shalt  }
0x7c: {  	_ =	shalt  }
0x7d: {  	_ =	shalt  }
0x7e: {  	_ =	shalt  }
0x7f: {  	_ =	shalt  }
0x80: {  	_ =	shalt  }
0x81: {  	_ =	shalt  }
0x82: {  	_ =	shalt  }
0x83: {  	_ =	shalt  }
0x84: {  	_ =	shalt  }
0x85: {  	_ =	shalt  }
0x86: {  	_ =	shalt  }
0x87: {  	_ =	shalt  }
.Lfunc_end0:
.L_simem_size_0:
called_computation.3_lowered:
.L_overlay_start_0:
0x88: {  	s2 =	sld [smem:$0x3FD9]  }
0x89: {  	s3 =	sld [smem:$0x3FFE];
	_ =	sdelay $0x1  }
0x8a: {  	s1 =	srdreg.scid  }
0x8b: {  	s0 =	sand.u32 $0x1, s1  }
0x8c: {  	s17 =	sshll.u32 s0, $0xA;
	s2 =	sadd.s32 s3, s2  }
0x8d: {  	s2 =	sadd.s32 s2, s17  }
0x8e: {  	[smem:$0x3FC0] =	sst s2  }
0x8f: {  	_ = 	snop  }
0x90: {  	s2 =	sld [smem:$0x3FD0];
	(tm) =	ssettm $0x1  }
0x91: {  	s18 =	sld [smem:$0x3FFB];
	_ =	sdelay $0x3  }
0x92: {  	_ =	strace s18  }
0x93: {  	s3 =	sld [smem:$0x3FFC];
	_ =	sdelay $0x3  }
0x94: {  	_ =	strace s3  }
0x95: {  	s3 =	sld [smem:$0x3FFD];
	_ =	sdelay $0x3  }
0x96: {  	_ =	strace s3  }
0x97: {  	_ =	strace $0x8FFFFFFF  }
0x98: {  	s19 =	sld [smem:$0x3FDB];
	_ =	sdelay $0x1  }
0x99: {  	s4 =	simm.s32 $_scs_section_size  }
0x9a: {  	s5 =	simm.s32 $_size__tile_overlayer_lowered;
	s6 =	simm.s32 $_tile_overlayer_lowered  }
0x9b: {  	s22 =	simm.s32 $0x1BFF;
	s21 =	sshll.u32 s6, $0x1;
	s3 =	sadd.s32 s4, s19  }
0x9c: {  	s7 =	simm.s32 $0x0;
	s20 =	sshll.u32 s5, $0x1;
	s5 =	sadd.s32 s21, s3  }
0x9d: {  	[timem:s7], [sflag:s22] =	dma.local [hbm:s5], s20  }
0x9e: {  	_ =	swait.ge [sflag:s22], s20  }
0x9f: {  	s4 =	ssub.s32 $0x0, s20;
	[sflag:s22] =	ssyncset.done $0x0  }
0xa0: {  	[sflag:s22] =	ssyncadd.s32 s4;
	_ =	sdelay $0x1  }
0xa1: {  	s23 =	simm.s32 $0x1B8B  }
0xa2: {  	_ =	swait.ge [sflag:s23], $0x1  }
0xa3: {  	[sflag:s23] =	ssyncset.done $0x0  }
0xa4: {  	s25 =	simm.s32 $0x1B8E;
	s24 =	sld [smem:$0x3FFE];
	[sflag:s23] =	ssyncadd.s32 $0xFFFFFFFF  }
0xa5: {  	s26 =	simm.s32 $execute0_lowered;
	[smem:$0x3FD2] =	sst s25  }
0xa6: {  	s5 =	sshll.u32 s26, $0x1;
	_ =	strace $0x8000004F;
	[dreg:$0x1] =	wrdreg $0xFFFFFFFF  }
0xa7: {  	s28 =	simm.s32 $_size_execute0_lowered;
	s3 =	sadd.s32 s3, s5;
	[dreg:$0x0] =	wrdreg $0x0  }
0xa8: {  	s5 =	sshll.u32 s28, $0x1;
	[dreg:$0x2] =	wrdreg s3  }
0xa9: {  	[dreg:$0x3] =	wrdreg s5  }
0xaa: {  	[dreg:$0x4] =	wrdreg $0xC0  }
0xab: {  	_ =	task [dreg:s7], $0x5FFFF  }
0xac: {  	[dreg:$0x1] =	wrdreg $0xFFFFFFFF  }
0xad: {  	[dreg:$0x0] =	wrdreg $0x60  }
0xae: {  	[dreg:$0x2] =	wrdreg s2  }
0xaf: {  	[dreg:$0x3] =	wrdreg s24  }
0xb0: {  	[dreg:$0x4] =	wrdreg $0x150000  }
0xb1: {  	[dreg:$0x5] =	wrdreg $0x9  }
0xb2: {  	_ =	task.clear_ibuf [dreg:s7], $0x6FFFF;
	_ =	strace $0x9000004F  }
0xb3: {  	s29 =	simm.s32 $0x9;
	_ =	strace $0x80000051  }
0xb4: {  	_ =	swait.ge [sflag:s29], $0x1  }
0xb5: {  	[sflag:s29] =	ssyncadd.s32 $0xFFFFFFFF  }
0xb6: {  	_ =	strace $0x90000051  }
0xb7: {  	_ =	sfence  }
0xb8: {  	s30 =	sld [smem:$0x0];
	_ =	sdelay $0x2  }
0xb9: {  	s31 =	sshll.u32 s1, $0xD;
	s1 =	sshrl.u32 s1, $0x2  }
0xba: {  	s3 =	sand.u32 $0x4000, s31;
	s1 =	sadd.s32 s1, s30  }
0xbb: {  	s0 =	sor.u32 s3, s0;
	s1 =	sshll.u32 s1, $0x11  }
0xbc: {  	s0 =	sor.u32 s1, s0  }
0xbd: {  	s0 =	sadd.s32 $0x8F2B, s0  }
0xbe: {  	[sflag:s0] =	ssyncadd.remote.s32 $0x1  }
0xbf: {  	_ =	sfence.sel $0xFFFF  }
0xc0: {  	[dreg:$0x0] =	wrdreg $0xFFFFFFFF;
	(pc) =	sbr.abs _section_cstart, $3  }
0xc1: {  	[dreg:$0x1] =	wrdreg $0xFFFFFFFF  }
0xc2: {  	_ =	task.clear_ibuf [dreg:s7], $0x2FFFF;
	_ =	strace $0x9FFFFFFF  }
0xc3: {  	(tm) =	ssettm $0x7FFFFFFF  }
tec
execute0_lowered:
.L_overlay_start_1:
0x0: {  	(tag) =	ssettag $0x1  }
0x1: {  	s0 =	rddreg [dreg:$0x0]  }
0x2: {  	s2 =	rddreg [dreg:$0x1]  }
0x3: {  	s1 =	srdreg.scid;
	s3 =	rddreg [dreg:$0x2]  }
0x4: {  	s12 =	stileid.u32;
	s13 =	simm.s32 $0x2800;
	s16 =	simm.s32 $0x80  }
0x5: {  	s17 =	simm.s32 $0x5000;
	s18 =	simm.s32 $0x9000;
	s19 =	simm.s32 $0xD000  }
0x6: {  	s20 =	simm.s32 $0x11000;
	s21 =	simm.s32 $0x1;
	s22 =	simm.s32 $0x2  }
0x7: {  	s23 =	simm.s32 $0x2700;
	s28 =	simm.s32 $0x4F00;
	s7 =	smul.u32 $0x1400, s12  }
0x8: {  	s29 =	simm.s32 $0x4F80;
	s30 =	simm.s32 $0x0;
	s9 =	smul.u32 $0x27400, s12  }
0x9: {  	s1 =	sand.u32 $0x1, s1;
	s8 =	sadd.s32 $0xDA00, s2;
	s11 =	smul.u32 $0x2800, s12  }
0xa: {  	s24 =	smul.u32 $0x500, s12;
	s31 =	sshll.u32 s12, $0x6;
	s4 =	sshll.u32 s1, $0x4  }
0xb: {  	s6 =	sshll.u32 s1, $0x5;
	s1 =	ssub.s32 $0x2, s1;
	s14 =	sor.u32 $0x1C03, s31  }
0xc: {  	s5 =	sor.u32 s12, s4;
	s4 =	simm.s32 $0x0;
	s6 =	sor.u32 s12, s6  }
0xd: {  	s7 =	sadd.s32 s7, s2;
	s10 =	sshrl.u32 s1, $0x1;
	s25 =	sshrl.u32 s9, $0x2  }
0xe: {  	s26 =	sshrl.u32 s11, $0x3;
	s12 =	simm.s32 $0x3;
	s5 =	smul.u32 $0x500, s5  }
0xf: {  	[smem:$0x7FF] =	sst s4;
	s6 =	smul.u32 $0x1400, s6;
	s1 =	ssub.s32 s1, s10  }
0x10: {  	s9 =	sadd.s32 s8, s26;
	s7 =	sadd.s32 $0x17A00, s7;
	s26 =	simm.s32 $0x4E80  }
0x11: {  	_ =	strace $0x80000050;
	s9 =	sadd.s32 $0x5000, s9;
	s11 =	smax.u32 s1, $0x1  }
0x12: {  	s5 =	sadd.s32 s5, s2;
	s2 =	sadd.s32 s6, s2;
	s6 =	sadd.s32 s8, s24  }
0x13: {  	s24 =	simm.s32 $0x2780;
	s5 =	sadd.s32 $0x3A00, s5;
	[dreg:$0x5] =	wrdreg s6  }
0x14: {  	s8 =	sadd.s32 $0x2BA00, s2;
	[dreg:$0x4] =	wrdreg s5;
	s5 =	sadd.s32 s25, s3  }
0x15: {  	s10 =	sadd.s32 $0x3FA00, s2;
	s25 =	simm.s32 $0x4E00;
	s15 =	sshrl.u32 s5, $0x3  }
.LBB2_1:
0x16: {  	s1 =	rddreg [dreg:$0x4]  }
0x17: {  	[tilespmem:s4], [sflag:$0x3] =	stream.linear.gather [hbm4b:s1+s4], $0x2800, $0x38;
	[tilespmem:$0x1ED00] =	vst v63  }
0x18: {  	_ =	swait.ge [sflag:s12], $0x2800  }
0x19: {  	[sflag:s12] =	ssyncset.done $0x0  }
0x1a: {  	s2 =	rddreg [dreg:$0x5];
	[sflag:s12] =	ssyncadd.s32 $0xFFFFD800  }
0x1b: {  	[tilespmem:s13], [sflag:$0x3] =	stream.linear.gather [hbm4b:s2+s4], $0x2800, $0x38;
	[tilespmem:$0x1ED00] =	vst v63  }
0x1c: {  	_ =	swait.ge [sflag:s12], $0x2800  }
0x1d: {  	[sflag:s12] =	ssyncset.done $0x0  }
0x1e: {  	[sflag:s12] =	ssyncadd.s32 $0xFFFFD800  }
0x1f: {  	[spmem:s15], [sflag:s14] =	dma.local [hbm:s7], $0x13A0  }
0x20: {  	_ =	swait.ge [sflag:s12], $0x13A0  }
0x21: {  	[sflag:s12] =	ssyncset.done $0x0  }
0x22: {  	[sflag:s12] =	ssyncadd.s32 $0xFFFFEC60  }
0x23: {  	[bflag:$0x0] =	sbarrier.arrive $0xFFFF  }
0x24: {  	[tilespmem:s17], [sflag:$0x1] =	stream.indirect.gather [hbm4b:s0+s16], $0x80, s4, s16, $0xb8;
	[tilespmem:$0x1ED00] =	vst v63  }
0x25: {  	_ = 	snop  }
0x26: {  	[tilespmem:s18], [sflag:$0x1] =	stream.indirect.gather [hbm4b:s0+s16], $0x80, s16, s16, $0xb8;
	[tilespmem:$0x1ED00] =	vst v63  }
0x27: {  	s5 =	simm.s32 $0x100  }
0x28: {  	[tilespmem:s19], [sflag:$0x2] =	stream.indirect.gather [hbm4b:s0+s16], $0x80, s5, s16, $0xb8;
	[tilespmem:$0x1ED00] =	vst v63  }
0x29: {  	s6 =	simm.s32 $0x180  }
0x2a: {  	[tilespmem:s20], [sflag:$0x2] =	stream.indirect.gather [hbm4b:s0+s16], $0x80, s6, s16, $0xb8;
	[tilespmem:$0x1ED00] =	vst v63  }
0x2b: {  	_ =	swait.ge [sflag:s21], $0x4000  }
0x2c: {  	[sflag:s21] =	ssyncset.done $0x0  }
0x2d: {  	[sflag:s21] =	ssyncadd.s32 $0xFFFFC000  }
0x2e: {  	_ =	swait.ge [sflag:s21], $0x4000  }
0x2f: {  	[sflag:s21] =	ssyncset.done $0x0  }
0x30: {  	s2 =	simm.s32 $0x2800;
	[sflag:s21] =	ssyncadd.s32 $0xFFFFC000  }
0x31: {  	[spmem:s3] =	stream.indirect.scatter.add.f32 [tilespmem:s17], [sflag:$0x3], $0x80, s2, s16, $0xb8;
	[tilespmem:$0x1ED00] =	vst v63  }
0x32: {  	_ =	swait.ge [sflag:s12], $0x4000  }
0x33: {  	[sflag:s12] =	ssyncset.done $0x0  }
0x34: {  	s5 =	simm.s32 $0x2880;
	[sflag:s12] =	ssyncadd.s32 $0xFFFFC000  }
0x35: {  	[spmem:s3] =	stream.indirect.scatter.add.f32 [tilespmem:s18], [sflag:$0x3], $0x80, s5, s16, $0xb8;
	[tilespmem:$0x1ED00] =	vst v63  }
0x36: {  	_ =	swait.ge [sflag:s12], $0x4000  }
0x37: {  	[sflag:s12] =	ssyncset.done $0x0  }
0x38: {  	s6 =	simm.s32 $0x200;
	[sflag:s12] =	ssyncadd.s32 $0xFFFFC000  }
0x39: {  	[tilespmem:s17], [sflag:$0x1] =	stream.indirect.gather [hbm4b:s0+s16], $0x80, s6, s16, $0xb8;
	[tilespmem:$0x1ED00] =	vst v63  }
0x3a: {  	s2 =	simm.s32 $0x280  }
0x3b: {  	[tilespmem:s18], [sflag:$0x1] =	stream.indirect.gather [hbm4b:s0+s16], $0x80, s2, s16, $0xb8;
	[tilespmem:$0x1ED00] =	vst v63  }
0x3c: {  	_ =	swait.ge [sflag:s22], $0x4000  }
0x3d: {  	[sflag:s22] =	ssyncset.done $0x0  }
0x3e: {  	[sflag:s22] =	ssyncadd.s32 $0xFFFFC000  }
0x3f: {  	_ =	swait.ge [sflag:s22], $0x4000  }
0x40: {  	[sflag:s22] =	ssyncset.done $0x0  }
0x41: {  	s5 =	simm.s32 $0x2900;
	[sflag:s22] =	ssyncadd.s32 $0xFFFFC000  }
0x42: {  	[spmem:s3] =	stream.indirect.scatter.add.f32 [tilespmem:s19], [sflag:$0x3], $0x80, s5, s16, $0xb8;
	[tilespmem:$0x1ED00] =	vst v63  }
0x43: {  	_ =	swait.ge [sflag:s12], $0x4000  }
0x44: {  	[sflag:s12] =	ssyncset.done $0x0  }
0x45: {  	s6 =	simm.s32 $0x2980;
	[sflag:s12] =	ssyncadd.s32 $0xFFFFC000  }
0x46: {  	[spmem:s3] =	stream.indirect.scatter.add.f32 [tilespmem:s20], [sflag:$0x3], $0x80, s6, s16, $0xb8;
	[tilespmem:$0x1ED00] =	vst v63  }
0x47: {  	_ =	swait.ge [sflag:s12], $0x4000  }
0x48: {  	s31 =	simm.s32 $0x200;
	s1 =	simm.s32 $0x1000;
	[sflag:s12] =	ssyncset.done $0x0  }
.LBB2_2:
0x49: {  	s6 =	sadd.s32 $0x100, s31  }
0x4a: {  	[sflag:s12] =	ssyncadd.s32 $0xFFFFC000;
	s2 =	smov.u32 s1;
	s5 =	sadd.s32 $0x800, s1  }
0x4b: {  	[tilespmem:s19], [sflag:$0x2] =	stream.indirect.gather [hbm4b:s0+s16], $0x80, s6, s16, $0xb8;
	[tilespmem:$0x1ED00] =	vst v63  }
0x4c: {  	p0 =	sne.s32 s1, $0x9000;
	s1 =	sadd.s32 $0x180, s31  }
0x4d: {  	[tilespmem:s20], [sflag:$0x2] =	stream.indirect.gather [hbm4b:s0+s16], $0x80, s1, s16, $0xb8;
	[tilespmem:$0x1ED00] =	vst v63  }
0x4e: {  	_ =	swait.ge [sflag:s21], $0x4000  }
0x4f: {  	[sflag:s21] =	ssyncset.done $0x0  }
0x50: {  	[sflag:s21] =	ssyncadd.s32 $0xFFFFC000  }
0x51: {  	_ =	swait.ge [sflag:s21], $0x4000  }
0x52: {  	[sflag:s21] =	ssyncset.done $0x0  }
0x53: {  	s1 =	sadd.s32 $0x2800, s31;
	[sflag:s21] =	ssyncadd.s32 $0xFFFFC000  }
0x54: {  	[spmem:s3] =	stream.indirect.scatter.add.f32 [tilespmem:s17], [sflag:$0x3], $0x80, s1, s16, $0xb8;
	[tilespmem:$0x1ED00] =	vst v63  }
0x55: {  	_ =	swait.ge [sflag:s12], $0x4000  }
0x56: {  	[sflag:s12] =	ssyncset.done $0x0  }
0x57: {  	s1 =	sadd.s32 $0x2880, s31;
	[sflag:s12] =	ssyncadd.s32 $0xFFFFC000  }
0x58: {  	[spmem:s3] =	stream.indirect.scatter.add.f32 [tilespmem:s18], [sflag:$0x3], $0x80, s1, s16, $0xb8;
	[tilespmem:$0x1ED00] =	vst v63  }
0x59: {  	_ =	swait.ge [sflag:s12], $0x4000  }
0x5a: {  	[sflag:s12] =	ssyncset.done $0x0  }
0x5b: {  	s1 =	sadd.s32 $0x200, s31;
	[sflag:s12] =	ssyncadd.s32 $0xFFFFC000  }
0x5c: {  	[tilespmem:s17], [sflag:$0x1] =	stream.indirect.gather [hbm4b:s0+s16], $0x80, s1, s16, $0xb8;
	[tilespmem:$0x1ED00] =	vst v63  }
0x5d: {  	s1 =	sadd.s32 $0x280, s31  }
0x5e: {  	[tilespmem:s18], [sflag:$0x1] =	stream.indirect.gather [hbm4b:s0+s16], $0x80, s1, s16, $0xb8;
	[tilespmem:$0x1ED00] =	vst v63  }
0x5f: {  	_ =	swait.ge [sflag:s22], $0x4000  }
0x60: {  	[sflag:s22] =	ssyncset.done $0x0  }
0x61: {  	[sflag:s22] =	ssyncadd.s32 $0xFFFFC000  }
0x62: {  	_ =	swait.ge [sflag:s22], $0x4000  }
0x63: {  	[sflag:s22] =	ssyncset.done $0x0  }
0x64: {  	s1 =	sadd.s32 $0x2900, s31;
	[sflag:s22] =	ssyncadd.s32 $0xFFFFC000  }
0x65: {  	[spmem:s3] =	stream.indirect.scatter.add.f32 [tilespmem:s19], [sflag:$0x3], $0x80, s1, s16, $0xb8;
	[tilespmem:$0x1ED00] =	vst v63  }
0x66: {  	_ =	swait.ge [sflag:s12], $0x4000  }
.Ltmp0:
0x67: {  	[sflag:s12] =	ssyncset.done $0x0;
	(pc) =	sbr.rel @p0 .LBB2_2-.Ltmp0, $4  }
0x68: {  	s1 =	sadd.s32 $0x2980, s31;
	[sflag:s12] =	ssyncadd.s32 $0xFFFFC000  }
0x69: {  	[spmem:s3] =	stream.indirect.scatter.add.f32 [tilespmem:s20], [sflag:$0x3], $0x80, s1, s16, $0xb8;
	[tilespmem:$0x1ED00] =	vst v63  }
0x6a: {  	_ =	swait.ge [sflag:s12], $0x4000  }
0x6b: {  	s31 =	sshra.s32 s2, $0x2;
	s1 =	smov.u32 s5;
	[sflag:s12] =	ssyncset.done $0x0  }
0x6c: {  	s1 =	sadd.s32 $0x100, s31;
	[sflag:s12] =	ssyncadd.s32 $0xFFFFC000  }
0x6d: {  	[tilespmem:s19], [sflag:$0x2] =	stream.indirect.gather [hbm4b:s0+s16], $0x80, s1, s16, $0xb8;
	[tilespmem:$0x1ED00] =	vst v63  }
0x6e: {  	s6 =	sadd.s32 $0x180, s31  }
0x6f: {  	[tilespmem:s20], [sflag:$0x2] =	stream.indirect.gather [hbm4b:s0+s16], $0x80, s6, s16, $0xb8;
	[tilespmem:$0x1ED00] =	vst v63  }
0x70: {  	_ =	swait.ge [sflag:s21], $0x4000  }
0x71: {  	[sflag:s21] =	ssyncset.done $0x0  }
0x72: {  	[sflag:s21] =	ssyncadd.s32 $0xFFFFC000  }
0x73: {  	_ =	swait.ge [sflag:s21], $0x4000  }
0x74: {  	[sflag:s21] =	ssyncset.done $0x0  }
0x75: {  	s2 =	sadd.s32 $0x2800, s31;
	[sflag:s21] =	ssyncadd.s32 $0xFFFFC000  }
0x76: {  	[spmem:s3] =	stream.indirect.scatter.add.f32 [tilespmem:s17], [sflag:$0x3], $0x80, s2, s16, $0xb8;
	[tilespmem:$0x1ED00] =	vst v63  }
0x77: {  	_ =	swait.ge [sflag:s12], $0x4000  }
0x78: {  	[sflag:s12] =	ssyncset.done $0x0  }
0x79: {  	s5 =	sadd.s32 $0x2880, s31;
	[sflag:s12] =	ssyncadd.s32 $0xFFFFC000  }
0x7a: {  	[spmem:s3] =	stream.indirect.scatter.add.f32 [tilespmem:s18], [sflag:$0x3], $0x80, s5, s16, $0xb8;
	[tilespmem:$0x1ED00] =	vst v63  }
0x7b: {  	_ =	swait.ge [sflag:s12], $0x4000  }
0x7c: {  	[sflag:s12] =	ssyncset.done $0x0  }
0x7d: {  	s6 =	sadd.s32 $0x200, s31;
	[sflag:s12] =	ssyncadd.s32 $0xFFFFC000  }
0x7e: {  	[tilespmem:s17], [sflag:$0x1] =	stream.indirect.gather [hbm4b:s0+s16], $0x80, s6, s16, $0xb8;
	[tilespmem:$0x1ED00] =	vst v63  }
0x7f: {  	s2 =	sadd.s32 $0x280, s31  }
0x80: {  	[tilespmem:s18], [sflag:$0x1] =	stream.indirect.gather [hbm4b:s0+s16], $0x80, s2, s16, $0xb8;
	[tilespmem:$0x1ED00] =	vst v63  }
0x81: {  	_ =	swait.ge [sflag:s22], $0x4000  }
0x82: {  	[sflag:s22] =	ssyncset.done $0x0  }
0x83: {  	[sflag:s22] =	ssyncadd.s32 $0xFFFFC000  }
0x84: {  	_ =	swait.ge [sflag:s22], $0x4000  }
0x85: {  	[sflag:s22] =	ssyncset.done $0x0  }
0x86: {  	s5 =	sadd.s32 $0x2900, s31;
	[sflag:s22] =	ssyncadd.s32 $0xFFFFC000  }
0x87: {  	[spmem:s3] =	stream.indirect.scatter.add.f32 [tilespmem:s19], [sflag:$0x3], $0x80, s5, s16, $0xb8;
	[tilespmem:$0x1ED00] =	vst v63  }
0x88: {  	_ =	swait.ge [sflag:s12], $0x4000  }
0x89: {  	[sflag:s12] =	ssyncset.done $0x0  }
0x8a: {  	s6 =	sadd.s32 $0x2980, s31;
	[sflag:s12] =	ssyncadd.s32 $0xFFFFC000  }
0x8b: {  	[spmem:s3] =	stream.indirect.scatter.add.f32 [tilespmem:s20], [sflag:$0x3], $0x80, s6, s16, $0xb8;
	[tilespmem:$0x1ED00] =	vst v63  }
0x8c: {  	_ =	swait.ge [sflag:s12], $0x4000  }
0x8d: {  	[sflag:s12] =	ssyncset.done $0x0  }
0x8e: {  	[sflag:s12] =	ssyncadd.s32 $0xFFFFC000  }
0x8f: {  	[tilespmem:s19], [sflag:$0x2] =	stream.indirect.gather [hbm4b:s0+s16], $0x80, s23, s16, $0xb8;
	[tilespmem:$0x1ED00] =	vst v63  }
0x90: {  	_ = 	snop  }
0x91: {  	[tilespmem:s20], [sflag:$0x2] =	stream.indirect.gather [hbm4b:s0+s16], $0x80, s24, s16, $0xb8;
	[tilespmem:$0x1ED00] =	vst v63  }
0x92: {  	_ =	swait.ge [sflag:s21], $0x4000  }
0x93: {  	[sflag:s21] =	ssyncset.done $0x0  }
0x94: {  	[sflag:s21] =	ssyncadd.s32 $0xFFFFC000  }
0x95: {  	_ =	swait.ge [sflag:s21], $0x4000  }
0x96: {  	[sflag:s21] =	ssyncset.done $0x0  }
0x97: {  	[sflag:s21] =	ssyncadd.s32 $0xFFFFC000  }
0x98: {  	[spmem:s3] =	stream.indirect.scatter.add.f32 [tilespmem:s17], [sflag:$0x3], $0x80, s25, s16, $0xb8;
	[tilespmem:$0x1ED00] =	vst v63  }
0x99: {  	_ =	swait.ge [sflag:s12], $0x4000  }
0x9a: {  	[sflag:s12] =	ssyncset.done $0x0  }
0x9b: {  	[sflag:s12] =	ssyncadd.s32 $0xFFFFC000  }
0x9c: {  	[spmem:s3] =	stream.indirect.scatter.add.f32 [tilespmem:s18], [sflag:$0x3], $0x80, s26, s16, $0xb8;
	[tilespmem:$0x1ED00] =	vst v63  }
0x9d: {  	_ =	swait.ge [sflag:s12], $0x4000  }
0x9e: {  	[sflag:s12] =	ssyncset.done $0x0  }
0x9f: {  	[sflag:s12] =	ssyncadd.s32 $0xFFFFC000  }
0xa0: {  	_ =	swait.ge [sflag:s22], $0x4000  }
0xa1: {  	[sflag:s22] =	ssyncset.done $0x0  }
0xa2: {  	[sflag:s22] =	ssyncadd.s32 $0xFFFFC000  }
0xa3: {  	_ =	swait.ge [sflag:s22], $0x4000  }
0xa4: {  	[sflag:s22] =	ssyncset.done $0x0  }
0xa5: {  	[sflag:s22] =	ssyncadd.s32 $0xFFFFC000  }
0xa6: {  	[spmem:s3] =	stream.indirect.scatter.add.f32 [tilespmem:s19], [sflag:$0x3], $0x80, s28, s16, $0xb8;
	[tilespmem:$0x1ED00] =	vst v63  }
0xa7: {  	_ =	swait.ge [sflag:s12], $0x4000  }
0xa8: {  	[sflag:s12] =	ssyncset.done $0x0  }
0xa9: {  	[sflag:s12] =	ssyncadd.s32 $0xFFFFC000  }
0xaa: {  	[spmem:s3] =	stream.indirect.scatter.add.f32 [tilespmem:s20], [sflag:$0x3], $0x80, s29, s16, $0xb8;
	[tilespmem:$0x1ED00] =	vst v63  }
0xab: {  	_ =	swait.ge [sflag:s12], $0x4000  }
0xac: {  	[sflag:s12] =	ssyncset.done $0x0  }
0xad: {  	[sflag:s12] =	ssyncadd.s32 $0xFFFFC000  }
0xae: {  	[bflag:$0x0] =	sbarrier.arrive $0xFFFF  }
0xaf: {  	[hbm:s8], [sflag:s14] =	dma.local [spmem:s15], $0x13A0  }
0xb0: {  	_ =	swait.ge [sflag:s12], $0x13A0  }
0xb1: {  	[sflag:s12] =	ssyncset.done $0x0  }
0xb2: {  	[sflag:s12] =	ssyncadd.s32 $0xFFFFEC60  }
0xb3: {  	s2 =	simm.s32 $0x0;
	[bflag:$0x0] =	sbarrier.arrive $0xFFFF  }
0xb4: {  	[tilespmem:s13], [sflag:$0x3] =	stream.linear.gather [hbm4b:s9+s2], $0x2800, $0x38;
	[tilespmem:$0x1ED00] =	vst v63  }
0xb5: {  	_ =	swait.ge [sflag:s12], $0x2800  }
0xb6: {  	[sflag:s12] =	ssyncset.done $0x0  }
0xb7: {  	[sflag:s12] =	ssyncadd.s32 $0xFFFFD800  }
0xb8: {  	[spmem:s15], [sflag:s14] =	dma.local [hbm:s7], $0x13A0  }
0xb9: {  	_ =	swait.ge [sflag:s12], $0x13A0  }
0xba: {  	[sflag:s12] =	ssyncset.done $0x0  }
0xbb: {  	[sflag:s12] =	ssyncadd.s32 $0xFFFFEC60  }
0xbc: {  	[bflag:$0x0] =	sbarrier.arrive $0xFFFF  }
0xbd: {  	[tilespmem:s17], [sflag:$0x1] =	stream.indirect.gather [hbm4b:s0+s16], $0x80, s2, s16, $0xb8;
	[tilespmem:$0x1ED00] =	vst v63  }
0xbe: {  	_ = 	snop  }
0xbf: {  	[tilespmem:s18], [sflag:$0x1] =	stream.indirect.gather [hbm4b:s0+s16], $0x80, s16, s16, $0xb8;
	[tilespmem:$0x1ED00] =	vst v63  }
0xc0: {  	s5 =	simm.s32 $0x100  }
0xc1: {  	[tilespmem:s19], [sflag:$0x2] =	stream.indirect.gather [hbm4b:s0+s16], $0x80, s5, s16, $0xb8;
	[tilespmem:$0x1ED00] =	vst v63  }
0xc2: {  	s6 =	simm.s32 $0x180  }
0xc3: {  	[tilespmem:s20], [sflag:$0x2] =	stream.indirect.gather [hbm4b:s0+s16], $0x80, s6, s16, $0xb8;
	[tilespmem:$0x1ED00] =	vst v63  }
0xc4: {  	_ =	swait.ge [sflag:s21], $0x4000  }
0xc5: {  	[sflag:s21] =	ssyncset.done $0x0  }
0xc6: {  	[sflag:s21] =	ssyncadd.s32 $0xFFFFC000  }
0xc7: {  	_ =	swait.ge [sflag:s21], $0x4000  }
0xc8: {  	[sflag:s21] =	ssyncset.done $0x0  }
0xc9: {  	s2 =	simm.s32 $0x2800;
	[sflag:s21] =	ssyncadd.s32 $0xFFFFC000  }
0xca: {  	[spmem:s3] =	stream.indirect.scatter.add.f32 [tilespmem:s17], [sflag:$0x3], $0x80, s2, s16, $0xb8;
	[tilespmem:$0x1ED00] =	vst v63  }
0xcb: {  	_ =	swait.ge [sflag:s12], $0x4000  }
0xcc: {  	[sflag:s12] =	ssyncset.done $0x0  }
0xcd: {  	s5 =	simm.s32 $0x2880;
	[sflag:s12] =	ssyncadd.s32 $0xFFFFC000  }
0xce: {  	[spmem:s3] =	stream.indirect.scatter.add.f32 [tilespmem:s18], [sflag:$0x3], $0x80, s5, s16, $0xb8;
	[tilespmem:$0x1ED00] =	vst v63  }
0xcf: {  	_ =	swait.ge [sflag:s12], $0x4000  }
0xd0: {  	[sflag:s12] =	ssyncset.done $0x0  }
0xd1: {  	s6 =	simm.s32 $0x200;
	[sflag:s12] =	ssyncadd.s32 $0xFFFFC000  }
0xd2: {  	[tilespmem:s17], [sflag:$0x1] =	stream.indirect.gather [hbm4b:s0+s16], $0x80, s6, s16, $0xb8;
	[tilespmem:$0x1ED00] =	vst v63  }
0xd3: {  	s2 =	simm.s32 $0x280  }
0xd4: {  	[tilespmem:s18], [sflag:$0x1] =	stream.indirect.gather [hbm4b:s0+s16], $0x80, s2, s16, $0xb8;
	[tilespmem:$0x1ED00] =	vst v63  }
0xd5: {  	_ =	swait.ge [sflag:s22], $0x4000  }
0xd6: {  	[sflag:s22] =	ssyncset.done $0x0  }
0xd7: {  	[sflag:s22] =	ssyncadd.s32 $0xFFFFC000  }
0xd8: {  	_ =	swait.ge [sflag:s22], $0x4000  }
0xd9: {  	[sflag:s22] =	ssyncset.done $0x0  }
0xda: {  	s5 =	simm.s32 $0x2900;
	[sflag:s22] =	ssyncadd.s32 $0xFFFFC000  }
0xdb: {  	[spmem:s3] =	stream.indirect.scatter.add.f32 [tilespmem:s19], [sflag:$0x3], $0x80, s5, s16, $0xb8;
	[tilespmem:$0x1ED00] =	vst v63  }
0xdc: {  	_ =	swait.ge [sflag:s12], $0x4000  }
0xdd: {  	[sflag:s12] =	ssyncset.done $0x0  }
0xde: {  	s6 =	simm.s32 $0x2980;
	[sflag:s12] =	ssyncadd.s32 $0xFFFFC000  }
0xdf: {  	[spmem:s3] =	stream.indirect.scatter.add.f32 [tilespmem:s20], [sflag:$0x3], $0x80, s6, s16, $0xb8;
	[tilespmem:$0x1ED00] =	vst v63  }
0xe0: {  	_ =	swait.ge [sflag:s12], $0x4000  }
0xe1: {  	s31 =	simm.s32 $0x200;
	s5 =	simm.s32 $0x1000;
	[sflag:s12] =	ssyncset.done $0x0  }
.LBB2_4:
0xe2: {  	s6 =	sadd.s32 $0x100, s31  }
0xe3: {  	[sflag:s12] =	ssyncadd.s32 $0xFFFFC000;
	s2 =	smov.u32 s5;
	s1 =	sadd.s32 $0x800, s5  }
0xe4: {  	[tilespmem:s19], [sflag:$0x2] =	stream.indirect.gather [hbm4b:s0+s16], $0x80, s6, s16, $0xb8;
	[tilespmem:$0x1ED00] =	vst v63  }
0xe5: {  	p0 =	sne.s32 s5, $0x9000;
	s5 =	sadd.s32 $0x180, s31  }
0xe6: {  	[tilespmem:s20], [sflag:$0x2] =	stream.indirect.gather [hbm4b:s0+s16], $0x80, s5, s16, $0xb8;
	[tilespmem:$0x1ED00] =	vst v63  }
0xe7: {  	_ =	swait.ge [sflag:s21], $0x4000  }
0xe8: {  	[sflag:s21] =	ssyncset.done $0x0  }
0xe9: {  	[sflag:s21] =	ssyncadd.s32 $0xFFFFC000  }
0xea: {  	_ =	swait.ge [sflag:s21], $0x4000  }
0xeb: {  	[sflag:s21] =	ssyncset.done $0x0  }
0xec: {  	s5 =	sadd.s32 $0x2800, s31;
	[sflag:s21] =	ssyncadd.s32 $0xFFFFC000  }
0xed: {  	[spmem:s3] =	stream.indirect.scatter.add.f32 [tilespmem:s17], [sflag:$0x3], $0x80, s5, s16, $0xb8;
	[tilespmem:$0x1ED00] =	vst v63  }
0xee: {  	_ =	swait.ge [sflag:s12], $0x4000  }
0xef: {  	[sflag:s12] =	ssyncset.done $0x0  }
0xf0: {  	s5 =	sadd.s32 $0x2880, s31;
	[sflag:s12] =	ssyncadd.s32 $0xFFFFC000  }
0xf1: {  	[spmem:s3] =	stream.indirect.scatter.add.f32 [tilespmem:s18], [sflag:$0x3], $0x80, s5, s16, $0xb8;
	[tilespmem:$0x1ED00] =	vst v63  }
0xf2: {  	_ =	swait.ge [sflag:s12], $0x4000  }
0xf3: {  	[sflag:s12] =	ssyncset.done $0x0  }
0xf4: {  	s5 =	sadd.s32 $0x200, s31;
	[sflag:s12] =	ssyncadd.s32 $0xFFFFC000  }
0xf5: {  	[tilespmem:s17], [sflag:$0x1] =	stream.indirect.gather [hbm4b:s0+s16], $0x80, s5, s16, $0xb8;
	[tilespmem:$0x1ED00] =	vst v63  }
0xf6: {  	s5 =	sadd.s32 $0x280, s31  }
0xf7: {  	[tilespmem:s18], [sflag:$0x1] =	stream.indirect.gather [hbm4b:s0+s16], $0x80, s5, s16, $0xb8;
	[tilespmem:$0x1ED00] =	vst v63  }
0xf8: {  	_ =	swait.ge [sflag:s22], $0x4000  }
0xf9: {  	[sflag:s22] =	ssyncset.done $0x0  }
0xfa: {  	[sflag:s22] =	ssyncadd.s32 $0xFFFFC000  }
0xfb: {  	_ =	swait.ge [sflag:s22], $0x4000  }
0xfc: {  	[sflag:s22] =	ssyncset.done $0x0  }
0xfd: {  	s5 =	sadd.s32 $0x2900, s31;
	[sflag:s22] =	ssyncadd.s32 $0xFFFFC000  }
0xfe: {  	[spmem:s3] =	stream.indirect.scatter.add.f32 [tilespmem:s19], [sflag:$0x3], $0x80, s5, s16, $0xb8;
	[tilespmem:$0x1ED00] =	vst v63  }
0xff: {  	_ =	swait.ge [sflag:s12], $0x4000  }
.Ltmp1:
0x100: {  	[sflag:s12] =	ssyncset.done $0x0;
	(pc) =	sbr.rel @p0 .LBB2_4-.Ltmp1, $4  }
0x101: {  	s5 =	sadd.s32 $0x2980, s31;
	[sflag:s12] =	ssyncadd.s32 $0xFFFFC000  }
0x102: {  	[spmem:s3] =	stream.indirect.scatter.add.f32 [tilespmem:s20], [sflag:$0x3], $0x80, s5, s16, $0xb8;
	[tilespmem:$0x1ED00] =	vst v63  }
0x103: {  	_ =	swait.ge [sflag:s12], $0x4000  }
0x104: {  	s31 =	sshra.s32 s2, $0x2;
	s5 =	smov.u32 s1;
	[sflag:s12] =	ssyncset.done $0x0  }
0x105: {  	s1 =	sadd.s32 $0x100, s31;
	[sflag:s12] =	ssyncadd.s32 $0xFFFFC000  }
0x106: {  	[tilespmem:s19], [sflag:$0x2] =	stream.indirect.gather [hbm4b:s0+s16], $0x80, s1, s16, $0xb8;
	[tilespmem:$0x1ED00] =	vst v63  }
0x107: {  	s2 =	sadd.s32 $0x180, s31  }
0x108: {  	[tilespmem:s20], [sflag:$0x2] =	stream.indirect.gather [hbm4b:s0+s16], $0x80, s2, s16, $0xb8;
	[tilespmem:$0x1ED00] =	vst v63  }
0x109: {  	_ =	swait.ge [sflag:s21], $0x4000  }
0x10a: {  	[sflag:s21] =	ssyncset.done $0x0  }
0x10b: {  	[sflag:s21] =	ssyncadd.s32 $0xFFFFC000  }
0x10c: {  	_ =	swait.ge [sflag:s21], $0x4000  }
0x10d: {  	[sflag:s21] =	ssyncset.done $0x0  }
0x10e: {  	s5 =	sadd.s32 $0x2800, s31;
	[sflag:s21] =	ssyncadd.s32 $0xFFFFC000  }
0x10f: {  	[spmem:s3] =	stream.indirect.scatter.add.f32 [tilespmem:s17], [sflag:$0x3], $0x80, s5, s16, $0xb8;
	[tilespmem:$0x1ED00] =	vst v63  }
0x110: {  	_ =	swait.ge [sflag:s12], $0x4000  }
0x111: {  	[sflag:s12] =	ssyncset.done $0x0  }
0x112: {  	s6 =	sadd.s32 $0x2880, s31;
	[sflag:s12] =	ssyncadd.s32 $0xFFFFC000  }
0x113: {  	[spmem:s3] =	stream.indirect.scatter.add.f32 [tilespmem:s18], [sflag:$0x3], $0x80, s6, s16, $0xb8;
	[tilespmem:$0x1ED00] =	vst v63  }
0x114: {  	_ =	swait.ge [sflag:s12], $0x4000  }
0x115: {  	[sflag:s12] =	ssyncset.done $0x0  }
0x116: {  	s2 =	sadd.s32 $0x200, s31;
	[sflag:s12] =	ssyncadd.s32 $0xFFFFC000  }
0x117: {  	[tilespmem:s17], [sflag:$0x1] =	stream.indirect.gather [hbm4b:s0+s16], $0x80, s2, s16, $0xb8;
	[tilespmem:$0x1ED00] =	vst v63  }
0x118: {  	s5 =	sadd.s32 $0x280, s31  }
0x119: {  	[tilespmem:s18], [sflag:$0x1] =	stream.indirect.gather [hbm4b:s0+s16], $0x80, s5, s16, $0xb8;
	[tilespmem:$0x1ED00] =	vst v63  }
0x11a: {  	_ =	swait.ge [sflag:s22], $0x4000  }
0x11b: {  	[sflag:s22] =	ssyncset.done $0x0  }
0x11c: {  	[sflag:s22] =	ssyncadd.s32 $0xFFFFC000  }
0x11d: {  	_ =	swait.ge [sflag:s22], $0x4000  }
0x11e: {  	[sflag:s22] =	ssyncset.done $0x0  }
0x11f: {  	s6 =	sadd.s32 $0x2900, s31;
	[sflag:s22] =	ssyncadd.s32 $0xFFFFC000  }
0x120: {  	[spmem:s3] =	stream.indirect.scatter.add.f32 [tilespmem:s19], [sflag:$0x3], $0x80, s6, s16, $0xb8;
	[tilespmem:$0x1ED00] =	vst v63  }
0x121: {  	_ =	swait.ge [sflag:s12], $0x4000  }
0x122: {  	[sflag:s12] =	ssyncset.done $0x0  }
0x123: {  	s31 =	sadd.s32 $0x2980, s31;
	[sflag:s12] =	ssyncadd.s32 $0xFFFFC000  }
0x124: {  	[spmem:s3] =	stream.indirect.scatter.add.f32 [tilespmem:s20], [sflag:$0x3], $0x80, s31, s16, $0xb8;
	[tilespmem:$0x1ED00] =	vst v63  }
0x125: {  	_ =	swait.ge [sflag:s12], $0x4000  }
0x126: {  	[sflag:s12] =	ssyncset.done $0x0  }
0x127: {  	[sflag:s12] =	ssyncadd.s32 $0xFFFFC000  }
0x128: {  	[tilespmem:s19], [sflag:$0x2] =	stream.indirect.gather [hbm4b:s0+s16], $0x80, s23, s16, $0xb8;
	[tilespmem:$0x1ED00] =	vst v63  }
0x129: {  	_ = 	snop  }
0x12a: {  	[tilespmem:s20], [sflag:$0x2] =	stream.indirect.gather [hbm4b:s0+s16], $0x80, s24, s16, $0xb8;
	[tilespmem:$0x1ED00] =	vst v63  }
0x12b: {  	_ =	swait.ge [sflag:s21], $0x4000  }
0x12c: {  	[sflag:s21] =	ssyncset.done $0x0  }
0x12d: {  	[sflag:s21] =	ssyncadd.s32 $0xFFFFC000  }
0x12e: {  	_ =	swait.ge [sflag:s21], $0x4000  }
0x12f: {  	[sflag:s21] =	ssyncset.done $0x0  }
0x130: {  	[sflag:s21] =	ssyncadd.s32 $0xFFFFC000  }
0x131: {  	[spmem:s3] =	stream.indirect.scatter.add.f32 [tilespmem:s17], [sflag:$0x3], $0x80, s25, s16, $0xb8;
	[tilespmem:$0x1ED00] =	vst v63  }
0x132: {  	_ =	swait.ge [sflag:s12], $0x4000  }
0x133: {  	[sflag:s12] =	ssyncset.done $0x0  }
0x134: {  	[sflag:s12] =	ssyncadd.s32 $0xFFFFC000  }
0x135: {  	[spmem:s3] =	stream.indirect.scatter.add.f32 [tilespmem:s18], [sflag:$0x3], $0x80, s26, s16, $0xb8;
	[tilespmem:$0x1ED00] =	vst v63  }
0x136: {  	_ =	swait.ge [sflag:s12], $0x4000  }
0x137: {  	[sflag:s12] =	ssyncset.done $0x0  }
0x138: {  	[sflag:s12] =	ssyncadd.s32 $0xFFFFC000  }
0x139: {  	_ =	swait.ge [sflag:s22], $0x4000  }
0x13a: {  	[sflag:s22] =	ssyncset.done $0x0  }
0x13b: {  	[sflag:s22] =	ssyncadd.s32 $0xFFFFC000  }
0x13c: {  	_ =	swait.ge [sflag:s22], $0x4000  }
0x13d: {  	[sflag:s22] =	ssyncset.done $0x0  }
0x13e: {  	[sflag:s22] =	ssyncadd.s32 $0xFFFFC000  }
0x13f: {  	[spmem:s3] =	stream.indirect.scatter.add.f32 [tilespmem:s19], [sflag:$0x3], $0x80, s28, s16, $0xb8;
	[tilespmem:$0x1ED00] =	vst v63  }
0x140: {  	_ =	swait.ge [sflag:s12], $0x4000  }
0x141: {  	[sflag:s12] =	ssyncset.done $0x0  }
0x142: {  	[sflag:s12] =	ssyncadd.s32 $0xFFFFC000  }
0x143: {  	[spmem:s3] =	stream.indirect.scatter.add.f32 [tilespmem:s20], [sflag:$0x3], $0x80, s29, s16, $0xb8;
	[tilespmem:$0x1ED00] =	vst v63  }
0x144: {  	_ =	swait.ge [sflag:s12], $0x4000  }
0x145: {  	[sflag:s12] =	ssyncset.done $0x0  }
0x146: {  	s30 =	sadd.s32 $0x1, s30;
	[sflag:s12] =	ssyncadd.s32 $0xFFFFC000  }
0x147: {  	p0 =	sne.s32 s30, s11;
	[bflag:$0x0] =	sbarrier.arrive $0xFFFF  }
0x148: {  	[hbm:s10], [sflag:s14] =	dma.local [spmem:s15], $0x13A0  }
.Ltmp2:
0x149: {  	_ =	swait.ge [sflag:s12], $0x13A0;
	(pc) =	sbr.rel @p0 .LBB2_1-.Ltmp2, $3  }
0x14a: {  	[sflag:s12] =	ssyncset.done $0x0  }
0x14b: {  	[sflag:s12] =	ssyncadd.s32 $0xFFFFEC60  }
0x14c: {  	[bflag:$0x0] =	sbarrier.arrive $0xFFFF;
	_ =	sdelay $0x1  }
0x14d: {  	_ =	sfence.sel $0x180000  }
0x14e: {  	[bflag:$0x0] =	sbarrier.arrive $0xFFFF  }
0x14f: {  	_ =	strace $0x90000050  }
0x150: {  	s0 =	stileid.u32;
	[bflag:$0x2] =	sbarrier.arrive $0xFFFF  }
0x151: {  	p0 =	sne.s32 s0, $0x0;
	s0 =	rddreg [dreg:$0x3]  }
0x152: {  	s0 =	sadd.s32 @!p0 $0x100000, s0  }
0x153: {  	[sflag:s0] =	ssyncadd.tile.s32 @!p0 $0x1;
	_ =	shalt  }
.Lfunc_end2:
_tile_overlayer_lowered:
.L_overlay_start_2:
0x154: {  	(tag) =	ssettag $0x2  }
0x155: {  	s0 =	rddreg [dreg:$0x0];
	s2 =	stileid.u32  }
0x156: {  	s1 =	rddreg [dreg:$0x1];
	p0 =	sne.s32 s2, $0x0  }
0x157: {  	s3 =	rddreg [dreg:$0x2];
	[bflag:$0x3] =	sbarrier.arrive $0xFFFF;
	s2 =	simm.s32 @!p0 $0x1C03  }
0x158: {  	[timem:s3], [sflag:s2] =	dma.local @!p0 [hbm:s0], s1  }
0x159: {  	s0 =	simm.s32 @!p0 $0x3  }
0x15a: {  	_ =	swait.ge @!p0 [sflag:s0], s1  }
0x15b: {  	s1 =	ssub.s32 @!p0 $0x0, s1;
	[sflag:s0] =	ssyncset.done @!p0 $0x0  }
0x15c: {  	[sflag:s0] =	ssyncadd.s32 @!p0 s1  }
0x15d: {  	[bflag:$0x3] =	sbarrier.arrive $0xFFFF  }
0x15e: {  	_ =	shalt  }

</sc_bundles>
